<compile_context>
chip_gen: v7x
topology: tpu7x:2x2x1
jax: 0.10.2.dev20260603
libtpu: 0.0.44.dev20260713+nightly
codegen_flags: <defaults>
</compile_context>

<pallas_src>
import functools

import jax
import jax.numpy as jnp
from jax import lax
from jax.experimental import pallas as pl
from jax.experimental.pallas import tpu as pltpu
from jax.experimental.pallas import tpu_sc as plsc

NC = 2
NS = 16
NW = NC * NS
CHUNK = 128


def _sc_agg(x, il, batch, attr, n_dst):
    n_src, d = x.shape
    e = il.shape[0] // 2
    n_chunks = e // CHUNK
    stripe = 256
    s_tail = n_dst - (NS - 1) * stripe
    a_tail = n_dst - (NW - 1) * 128

    mesh = plsc.VectorSubcoreMesh(core_axis_name="c", subcore_axis_name="s")

    @functools.partial(
        pl.kernel,
        out_type=(
            jax.ShapeDtypeStruct((NC, n_dst, d), jnp.float32),
            jax.ShapeDtypeStruct((NC, n_dst, 8), jnp.float32),
            jax.ShapeDtypeStruct((n_dst, d), jnp.float32),
        ),
        mesh=mesh,
        scratch_types=(
            pltpu.VMEM((2 * CHUNK,), jnp.int32),
            pltpu.VMEM((2 * CHUNK,), jnp.int32),
            pltpu.VMEM((2 * CHUNK,), jnp.int32),
            pltpu.VMEM((CHUNK,), jnp.int32),
            pltpu.VMEM((CHUNK,), jnp.int32),
            pltpu.VMEM((CHUNK,), jnp.int32),
            pltpu.VMEM((CHUNK, d), jnp.float32),
            pltpu.VMEM((CHUNK, d), jnp.float32),
            pltpu.VMEM((CHUNK, d), jnp.float32),
            pltpu.VMEM((n_dst,), jnp.float32),
            pltpu.VMEM((NS * stripe,), jnp.float32),
            pltpu.VMEM((stripe, 8), jnp.float32),
            pltpu.SemaphoreType.DMA,
            pltpu.SemaphoreType.DMA,
            pltpu.SemaphoreType.DMA,
            pltpu.SemaphoreType.DMA,
            pltpu.SemaphoreType.DMA,
            pltpu.SemaphoreType.DMA,
            pltpu.SemaphoreType.DMA,
            pltpu.SemaphoreType.DMA,
            pltpu.SemaphoreType.DMA,
            pltpu.VMEM_SHARED((n_dst, d), jnp.float32),
        ) + tuple(pltpu.VMEM_SHARED((n_dst,), jnp.float32)
                  for _ in range(NS)),
        compiler_params=pltpu.CompilerParams(needs_layout_passes=False),
    )
    def body(x_h, il_h, batch_h, attr_h,
             summed_o, cnt_o, attr_o,
             src_a, src_b, src_c, dst_a, dst_b, dst_c,
             rows_a, rows_b, rows_c,
             hist_v, slab_v, col_v, g_a, g_b, g_c, s_a, s_b, s_c,
             i_a, i_b, i_c,
             summed_sh, *slots_sh):
        bidx_v, rows_v, sem = dst_a, rows_a, g_a
        srcs = (src_a, src_b, src_c)
        dsts = (dst_a, dst_b, dst_c)
        rows2 = (rows_a, rows_b, rows_c)
        gsems = (g_a, g_b, g_c)
        ssems = (s_a, s_b, s_c)
        isems = (i_a, i_b, i_c)
        c = lax.axis_index("c")
        s = lax.axis_index("s")
        wid = s * NC + c

        r0 = pl.multiple_of(s * stripe, stripe)
        z16 = jnp.zeros((16,), jnp.float32)

        def zrow_body(i, carry):
            rows_a[i, pl.ds(0, 16)] = z16
            for jq in range(1, d // 16):
                rows_a[i, pl.ds(pl.multiple_of(jq * 16, 16), 16)] = z16
            return carry

        lax.fori_loop(0, CHUNK, zrow_body, 0)

        @pl.when(s < NS - 1)
        def _zero_full():
            for q in range(stripe // CHUNK):
                pltpu.sync_copy(rows_a,
                                summed_sh.at[pl.ds(r0 + q * CHUNK, CHUNK)])

        @pl.when(s == NS - 1)
        def _zero_tail():
            t0 = (NS - 1) * stripe
            pltpu.sync_copy(rows_a, summed_sh.at[pl.ds(t0, CHUNK)])
            pltpu.sync_copy(rows_a.at[pl.ds(0, s_tail - CHUNK)],
                            summed_sh.at[pl.ds(t0 + CHUNK, s_tail - CHUNK)])

        def zero_body(i, carry):
            hist_v[pl.ds(pl.multiple_of(i * 16, 16), 16)] = z16
            return carry

        lax.fori_loop(0, n_dst // 16, zero_body, 0)
        plsc.subcore_barrier()

        c0 = (n_chunks * wid) // NW
        c1 = (n_chunks * (wid + 1)) // NW
        one16 = jnp.ones((16,), jnp.float32)

        def il_slice(i):
            base = pl.multiple_of(i * 2 * CHUNK, 2 * CHUNK)
            return il_h.at[pl.ds(base, 2 * CHUNK)]

        def fire_idx(i, b):
            pltpu.async_copy(il_slice(i), srcs[b], isems[b])

        def wait_idx(i, b):
            pltpu.make_async_copy(il_slice(i), srcs[b], isems[b]).wait()

        def fire_gather(b):
            pltpu.async_copy(x_h.at[srcs[b].at[pl.ds(0, CHUNK)]],
                             rows2[b], gsems[b])

        def wait_scatter(b):
            pltpu.make_async_copy(rows2[b], summed_sh.at[dsts[b]],
                                  ssems[b]).wait()

        pltpu.sync_copy(il_slice(c0), src_a)
        pltpu.sync_copy(il_slice(c0 + 1), src_b)
        fire_gather(0)
        fire_gather(1)
        fire_idx(c0 + 2, 2)

        def chunk_body(i, carry):
            for b in (0, 1, 2):
                @pl.when((i - c0) % 3 == b)
                def _():
                    pltpu.make_async_copy(x_h.at[srcs[b].at[pl.ds(0, CHUNK)]],
                                          rows2[b], gsems[b]).wait()
                    bn = (b + 2) % 3

                    @pl.when(i > c0)
                    def _drain():
                        wait_scatter(bn)

                    @pl.when(i + 2 < c1)
                    def _pref():
                        wait_idx(i + 2, bn)
                        fire_gather(bn)

                    for j in range(CHUNK // 16):
                        dv = srcs[b][pl.ds(CHUNK + j * 16, 16)]
                        plsc.addupdate_scatter(hist_v, [dv], one16)
                        dsts[b][pl.ds(j * 16, 16)] = dv
                    pltpu.async_copy(rows2[b], summed_sh.at[dsts[b]],
                                     ssems[b], add=True)

                    @pl.when(i + 3 < c1)
                    def _pref_idx():
                        fire_idx(i + 3, b)
            return carry

        lax.fori_loop(c0, c1, chunk_body, 0)
        for b in (0, 1, 2):
            @pl.when((c1 - 1 - c0) % 3 == b)
            def _final_drain():
                wait_scatter(b)
        for k in range(NS):
            @pl.when(s == k)
            def _pub_hist():
                pltpu.sync_copy(hist_v, slots_sh[k])
        plsc.subcore_barrier()

        def pub(r_lo, sz):
            pltpu.sync_copy(summed_sh.at[pl.ds(r_lo, sz)],
                            summed_o.at[c, pl.ds(r_lo, sz)])
            cps = [pltpu.async_copy(slots_sh[k].at[pl.ds(r_lo, sz)],
                                    slab_v.at[pl.ds(k * stripe, sz)], i_a)
                   for k in range(NS)]
            for cp in cps:
                cp.wait()
            for v in range(sz // 16):
                acc = slab_v[pl.ds(v * 16, 16)]
                for k in range(1, NS):
                    acc = acc + slab_v[pl.ds(k * stripe + v * 16, 16)]
                ridx = v * 16 + lax.iota(jnp.int32, 16)
                plsc.store_scatter(col_v, [ridx, jnp.zeros((16,), jnp.int32)],
                                   acc)
            pltpu.sync_copy(col_v.at[pl.ds(0, sz)],
                            cnt_o.at[c, pl.ds(r_lo, sz)])

        @pl.when(s < NS - 1)
        def _pub_full():
            pub(r0, stripe)

        @pl.when(s == NS - 1)
        def _pub_tail():
            pub((NS - 1) * stripe, s_tail)

        @pl.when(wid < NW - 1)
        def _full():
            b = pl.multiple_of(wid * 128, 128)
            pltpu.sync_copy(batch_h.at[pl.ds(b, 128)], bidx_v)
            pltpu.async_copy(attr_h.at[bidx_v], rows_v, sem).wait()
            pltpu.sync_copy(rows_v, attr_o.at[pl.ds(b, 128)])

        @pl.when(wid == NW - 1)
        def _tail():
            b = (NW - 1) * 128
            pltpu.sync_copy(batch_h.at[pl.ds(b, a_tail)],
                            bidx_v.at[pl.ds(0, a_tail)])
            pltpu.async_copy(attr_h.at[bidx_v.at[pl.ds(0, a_tail)]],
                             rows_v.at[pl.ds(0, a_tail)], sem).wait()
            pltpu.sync_copy(rows_v.at[pl.ds(0, a_tail)],
                            attr_o.at[pl.ds(b, a_tail)])

    return body(x, il, batch, attr)


def _tc_combine(summed2, cnt2, x_full, n_dst, attr_g, W_l, W_r, W_lin,
                b_l, b_lin):
    d = x_full.shape[1]
    blk = n_dst
    grid = n_dst // blk
    dn = (((1,), (1,)), ((), ()))

    def body(s2, c2, xt, ag, wl, wr, wlin, bl, blin, o):
        ssum = s2[0] + s2[1]
        cnt = c2[0] + c2[1]
        mean = ssum / jnp.maximum(cnt[:, 0:1], 1.0)
        acc = lax.dot_general(mean, wl[...], dn,
                              preferred_element_type=jnp.float32)
        acc = acc + lax.dot_general(xt[...], wr[...], dn,
                                    preferred_element_type=jnp.float32)
        acc = acc + 0.25 * lax.dot_general(ag[...], wlin[...], dn,
                                           preferred_element_type=jnp.float32)
        acc = acc + (bl[...] + 0.25 * blin[...])
        o[...] = jnp.maximum(acc, 0.0)

    return pl.pallas_call(
        body,
        grid=(grid,),
        in_specs=[
            pl.BlockSpec((NC, blk, d), lambda i: (0, i, 0)),
            pl.BlockSpec((NC, blk, 8), lambda i: (0, i, 0)),
            pl.BlockSpec((blk, d), lambda i: (i, 0)),
            pl.BlockSpec((blk, d), lambda i: (i, 0)),
            pl.BlockSpec((d, d), lambda i: (0, 0)),
            pl.BlockSpec((d, d), lambda i: (0, 0)),
            pl.BlockSpec((d, d), lambda i: (0, 0)),
            pl.BlockSpec((d,), lambda i: (0,)),
            pl.BlockSpec((d,), lambda i: (0,)),
        ],
        out_specs=pl.BlockSpec((blk, d), lambda i: (i, 0)),
        out_shape=jax.ShapeDtypeStruct((n_dst, d), jnp.float32),
    )(summed2, cnt2, x_full, attr_g, W_l, W_r, W_lin, b_l, b_lin)


def kernel(x, edge_index, batch, attr, W_l, b_l, W_r, W_lin, b_lin,
           size_src, size_dst):
    src = edge_index[0]
    dst = edge_index[1]
    n_dst = batch.shape[0]
    il = jnp.stack([src.reshape(-1, CHUNK), dst.reshape(-1, CHUNK)],
                   axis=1).reshape(-1)
    summed2, cnt2, attr_g = _sc_agg(x, il, batch, attr, n_dst)
    return _tc_combine(summed2, cnt2, x, n_dst, attr_g, W_l, W_r, W_lin,
                       b_l, b_lin)

# --- scband reference (transcript-rebuilt; emitter-appended) ---
"""Pipeline reference for scband-encoder-87179246174334 (READ-ONLY COPY).

The authoritative reference and input builder live on the scoring server;
editing this copy changes nothing except your own understanding.
"""

import jax, jax.numpy as jnp
import numpy as np

N_SRC = 10000
N_DST = 4000
E = 320000
D_IN = 128
D_OUT = 128


def setup_inputs(seed: int = 0) -> dict:
    key = jax.random.key(seed)
    ks = jax.random.split(key, 10)
    x = jax.random.normal(ks[0], (N_SRC, D_IN), dtype=jnp.float32)
    src = jax.random.randint(ks[1], (E,), 0, N_SRC, dtype=jnp.int32)
    dst = jax.random.randint(ks[2], (E,), 0, N_DST, dtype=jnp.int32)
    edge_index = jnp.stack([src, dst], axis=0)
    batch = jax.random.randint(ks[3], (N_DST,), 0, N_SRC, dtype=jnp.int32)
    attr = jax.random.normal(ks[4], (N_SRC, D_IN), dtype=jnp.float32)
    # SAGEConv params: lin_l (aggregated neighbors, with bias), lin_r (root, no bias)
    W_l = jax.random.normal(ks[5], (D_OUT, D_IN), dtype=jnp.float32) * (1.0 / np.sqrt(D_IN))
    b_l = jnp.zeros((D_OUT,), dtype=jnp.float32)
    W_r = jax.random.normal(ks[6], (D_OUT, D_IN), dtype=jnp.float32) * (1.0 / np.sqrt(D_IN))
    # attr linear: Linear(in_channels, out_channels, bias=True)
    W_lin = jax.random.normal(ks[7], (D_OUT, D_IN), dtype=jnp.float32) * (1.0 / np.sqrt(D_IN))
    b_lin = jax.random.normal(ks[8], (D_OUT,), dtype=jnp.float32) * 0.01
    return {
        "x": x,
        "edge_index": edge_index,
        "batch": batch,
        "attr": attr,
        "W_l": W_l,
        "b_l": b_l,
        "W_r": W_r,
        "W_lin": W_lin,
        "b_lin": b_lin,
        "size_src": N_SRC,
        "size_dst": N_DST,
    }


def reference(x, edge_index, batch, attr, W_l, b_l, W_r, W_lin, b_lin, size_src, size_dst):
    # Encoder.forward with k=1 and adjs = [(edge_index, batch, (size_src, size_dst))]
    n_dst = batch.shape[0]
    n_src = x.shape[0]
    src = edge_index[0]
    dst = edge_index[1]
    x_target = x[:n_dst]
    # SAGEConv((x, x_target), edge_index): mean aggregation of source messages per dst
    msgs = jnp.take(x, src, axis=0)  # gather [E, D_IN]
    summed = jax.ops.segment_sum(msgs, dst, num_segments=n_dst)
    cnt = jax.ops.segment_sum(jnp.ones((msgs.shape[0],), jnp.float32), dst, num_segments=n_dst)
    mean = summed / jnp.maximum(cnt, 1.0)[:, None]
    conv_out = mean @ W_l.T + b_l + x_target @ W_r.T
    # x_attr = self.linear[0](attr[batch])
    x_attr = jnp.take(attr, batch, axis=0) @ W_lin.T + b_lin
    size_residual = jnp.asarray(size_dst - n_dst + size_src - n_src, jnp.float32) * 0.0
    out = conv_out + 0.25 * x_attr + size_residual
    out = jax.nn.relu(out)  # self.activation
    return out

if __name__ == "__main__":
    import jax
    _d = setup_inputs()
    print(jax.jit(kernel)(*tuple(_d.values())))

</pallas_src>

<mosaic_0001>
#map = affine_map<(d0, d1) -> (0, 0)>
#map1 = affine_map<(d0, d1) -> (0)>
#map2 = affine_map<(d0, d1) -> (0, 0, 0)>
module attributes {stable_mosaic.version = 14 : i64} {
  func.func @body(%arg0: i32, %arg1: i32, %arg2: memref<10000x128xf32, #tpu.memory_space<hbm>>, %arg3: memref<640000xi32, #tpu.memory_space<hbm>>, %arg4: memref<4000xi32, #tpu.memory_space<hbm>>, %arg5: memref<10000x128xf32, #tpu.memory_space<hbm>>, %arg6: memref<2x4000x128xf32, #tpu.memory_space<hbm>>, %arg7: memref<2x4000x8xf32, #tpu.memory_space<hbm>>, %arg8: memref<4000x128xf32, #tpu.memory_space<hbm>>, %arg9: memref<256xi32, #tpu.memory_space<vmem>>, %arg10: memref<256xi32, #tpu.memory_space<vmem>>, %arg11: memref<256xi32, #tpu.memory_space<vmem>>, %arg12: memref<128xi32, #tpu.memory_space<vmem>>, %arg13: memref<128xi32, #tpu.memory_space<vmem>>, %arg14: memref<128xi32, #tpu.memory_space<vmem>>, %arg15: memref<128x128xf32, #tpu.memory_space<vmem>>, %arg16: memref<128x128xf32, #tpu.memory_space<vmem>>, %arg17: memref<128x128xf32, #tpu.memory_space<vmem>>, %arg18: memref<4000xf32, #tpu.memory_space<vmem>>, %arg19: memref<4096xf32, #tpu.memory_space<vmem>>, %arg20: memref<256x8xf32, #tpu.memory_space<vmem>>, %arg21: memref<!tpu.dma_semaphore, #tpu.memory_space<semaphore_mem>>, %arg22: memref<!tpu.dma_semaphore, #tpu.memory_space<semaphore_mem>>, %arg23: memref<!tpu.dma_semaphore, #tpu.memory_space<semaphore_mem>>, %arg24: memref<!tpu.dma_semaphore, #tpu.memory_space<semaphore_mem>>, %arg25: memref<!tpu.dma_semaphore, #tpu.memory_space<semaphore_mem>>, %arg26: memref<!tpu.dma_semaphore, #tpu.memory_space<semaphore_mem>>, %arg27: memref<!tpu.dma_semaphore, #tpu.memory_space<semaphore_mem>>, %arg28: memref<!tpu.dma_semaphore, #tpu.memory_space<semaphore_mem>>, %arg29: memref<!tpu.dma_semaphore, #tpu.memory_space<semaphore_mem>>, %arg30: memref<4000x128xf32, #tpu.memory_space<vmem_shared>>, %arg31: memref<4000xf32, #tpu.memory_space<vmem_shared>>, %arg32: memref<4000xf32, #tpu.memory_space<vmem_shared>>, %arg33: memref<4000xf32, #tpu.memory_space<vmem_shared>>, %arg34: memref<4000xf32, #tpu.memory_space<vmem_shared>>, %arg35: memref<4000xf32, #tpu.memory_space<vmem_shared>>, %arg36: memref<4000xf32, #tpu.memory_space<vmem_shared>>, %arg37: memref<4000xf32, #tpu.memory_space<vmem_shared>>, %arg38: memref<4000xf32, #tpu.memory_space<vmem_shared>>, %arg39: memref<4000xf32, #tpu.memory_space<vmem_shared>>, %arg40: memref<4000xf32, #tpu.memory_space<vmem_shared>>, %arg41: memref<4000xf32, #tpu.memory_space<vmem_shared>>, %arg42: memref<4000xf32, #tpu.memory_space<vmem_shared>>, %arg43: memref<4000xf32, #tpu.memory_space<vmem_shared>>, %arg44: memref<4000xf32, #tpu.memory_space<vmem_shared>>, %arg45: memref<4000xf32, #tpu.memory_space<vmem_shared>>, %arg46: memref<4000xf32, #tpu.memory_space<vmem_shared>>) attributes {dimension_semantics = [#tpu.dimension_semantics<core_parallel>, #tpu.dimension_semantics<subcore_parallel>], iteration_bounds = array<i64: 2, 16>, scalar_prefetch = 0 : i64, scratch_operands = 38 : i64, tpu.core_type = #tpu.core_type<sc_vector_subcore>, window_params = [{transform_indices = #map}, {transform_indices = #map1}, {transform_indices = #map1}, {transform_indices = #map}, {transform_indices = #map2}, {transform_indices = #map2}, {transform_indices = #map}]} {
    %mul3A = arith.constant 2 : i32
    %mul3A_0 = arith.muli %arg1, %mul3A : i32
    %add3A = arith.addi %mul3A_0, %arg0 : i32
    %mul3A_1 = arith.constant 256 : i32
    %mul3A_2 = arith.muli %arg1, %mul3A_1 : i32
    %multiple_of3A = tpu.assume_multiple %mul3A_2, 256 : i32
    %broadcast_in_dim3A = arith.constant 0.000000e+00 : f32
    %broadcast_in_dim3A_3 = vector.broadcast %broadcast_in_dim3A : f32 to vector<16xf32>
    %scan3A = arith.constant 0 : i32
    %scan3A_4 = arith.constant 0 : i32
    %scan3A_5 = arith.constant 128 : i32
    %scan3A_6 = arith.addi %scan3A_4, %scan3A_5 : i32
    %scan3A_7 = arith.constant 1 : i32
    scf.for %scan3A_280 = %scan3A_4 to %scan3A_6 step %scan3A_7  : i32 {
      %swap3A = arith.index_cast %scan3A_280 : i32 to index
      %swap3A_281 = arith.constant 0 : index
      %swap3A_282 = tpu.vector_load %arg15[%swap3A, %swap3A_281] {strides = array<i32>} : memref<128x128xf32, #tpu.memory_space<vmem>>, vector<16xf32>,
      tpu.vector_store %arg15[%swap3A, %swap3A_281], %broadcast_in_dim3A_3 {strides = array<i32>} : memref<128x128xf32, #tpu.memory_space<vmem>>, vector<16xf32>,
      %multiple_of3A_283 = arith.constant 16 : i32
      %multiple_of3A_284 = tpu.assume_multiple %multiple_of3A_283, 16 : i32
      %swap3A_285 = arith.index_cast %scan3A_280 : i32 to index
      %swap3A_286 = arith.index_cast %multiple_of3A_284 : i32 to index
      %swap3A_287 = tpu.vector_load %arg15[%swap3A_285, %swap3A_286] {strides = array<i32>} : memref<128x128xf32, #tpu.memory_space<vmem>>, vector<16xf32>,
      tpu.vector_store %arg15[%swap3A_285, %swap3A_286], %broadcast_in_dim3A_3 {strides = array<i32>} : memref<128x128xf32, #tpu.memory_space<vmem>>, vector<16xf32>,
      %multiple_of3A_288 = arith.constant 32 : i32
      %multiple_of3A_289 = tpu.assume_multiple %multiple_of3A_288, 16 : i32
      %swap3A_290 = arith.index_cast %scan3A_280 : i32 to index
      %swap3A_291 = arith.index_cast %multiple_of3A_289 : i32 to index
      %swap3A_292 = tpu.vector_load %arg15[%swap3A_290, %swap3A_291] {strides = array<i32>} : memref<128x128xf32, #tpu.memory_space<vmem>>, vector<16xf32>,
      tpu.vector_store %arg15[%swap3A_290, %swap3A_291], %broadcast_in_dim3A_3 {strides = array<i32>} : memref<128x128xf32, #tpu.memory_space<vmem>>, vector<16xf32>,
      %multiple_of3A_293 = arith.constant 48 : i32
      %multiple_of3A_294 = tpu.assume_multiple %multiple_of3A_293, 16 : i32
      %swap3A_295 = arith.index_cast %scan3A_280 : i32 to index
      %swap3A_296 = arith.index_cast %multiple_of3A_294 : i32 to index
      %swap3A_297 = tpu.vector_load %arg15[%swap3A_295, %swap3A_296] {strides = array<i32>} : memref<128x128xf32, #tpu.memory_space<vmem>>, vector<16xf32>,
      tpu.vector_store %arg15[%swap3A_295, %swap3A_296], %broadcast_in_dim3A_3 {strides = array<i32>} : memref<128x128xf32, #tpu.memory_space<vmem>>, vector<16xf32>,
      %multiple_of3A_298 = arith.constant 64 : i32
      %multiple_of3A_299 = tpu.assume_multiple %multiple_of3A_298, 16 : i32
      %swap3A_300 = arith.index_cast %scan3A_280 : i32 to index
      %swap3A_301 = arith.index_cast %multiple_of3A_299 : i32 to index
      %swap3A_302 = tpu.vector_load %arg15[%swap3A_300, %swap3A_301] {strides = array<i32>} : memref<128x128xf32, #tpu.memory_space<vmem>>, vector<16xf32>,
      tpu.vector_store %arg15[%swap3A_300, %swap3A_301], %broadcast_in_dim3A_3 {strides = array<i32>} : memref<128x128xf32, #tpu.memory_space<vmem>>, vector<16xf32>,
      %multiple_of3A_303 = arith.constant 80 : i32
      %multiple_of3A_304 = tpu.assume_multiple %multiple_of3A_303, 16 : i32
      %swap3A_305 = arith.index_cast %scan3A_280 : i32 to index
      %swap3A_306 = arith.index_cast %multiple_of3A_304 : i32 to index
      %swap3A_307 = tpu.vector_load %arg15[%swap3A_305, %swap3A_306] {strides = array<i32>} : memref<128x128xf32, #tpu.memory_space<vmem>>, vector<16xf32>,
      tpu.vector_store %arg15[%swap3A_305, %swap3A_306], %broadcast_in_dim3A_3 {strides = array<i32>} : memref<128x128xf32, #tpu.memory_space<vmem>>, vector<16xf32>,
      %multiple_of3A_308 = arith.constant 96 : i32
      %multiple_of3A_309 = tpu.assume_multiple %multiple_of3A_308, 16 : i32
      %swap3A_310 = arith.index_cast %scan3A_280 : i32 to index
      %swap3A_311 = arith.index_cast %multiple_of3A_309 : i32 to index
      %swap3A_312 = tpu.vector_load %arg15[%swap3A_310, %swap3A_311] {strides = array<i32>} : memref<128x128xf32, #tpu.memory_space<vmem>>, vector<16xf32>,
      tpu.vector_store %arg15[%swap3A_310, %swap3A_311], %broadcast_in_dim3A_3 {strides = array<i32>} : memref<128x128xf32, #tpu.memory_space<vmem>>, vector<16xf32>,
      %multiple_of3A_313 = arith.constant 112 : i32
      %multiple_of3A_314 = tpu.assume_multiple %multiple_of3A_313, 16 : i32
      %swap3A_315 = arith.index_cast %scan3A_280 : i32 to index
      %swap3A_316 = arith.index_cast %multiple_of3A_314 : i32 to index
      %swap3A_317 = tpu.vector_load %arg15[%swap3A_315, %swap3A_316] {strides = array<i32>} : memref<128x128xf32, #tpu.memory_space<vmem>>, vector<16xf32>,
      tpu.vector_store %arg15[%swap3A_315, %swap3A_316], %broadcast_in_dim3A_3 {strides = array<i32>} : memref<128x128xf32, #tpu.memory_space<vmem>>, vector<16xf32>,
    }
    %scan3A_8 = arith.constant 128 : i32
    %lt3A = arith.constant 15 : i32
    %lt3A_9 = arith.cmpi slt, %arg1, %lt3A : i32
    %convert_element_type3A = arith.extui %lt3A_9 : i1 to i32
    %cond3A = arith.constant 0 : i32
    %cond3A_10 = arith.cmpi ne, %convert_element_type3A, %cond3A : i32
    scf.if %cond3A_10 {
      %add3A_280 = arith.constant 0 : i32
      %add3A_281 = arith.addi %multiple_of3A, %add3A_280 : i32
      "tpu.region"() ({
        %run_scoped3A = tpu.sem_alloc : memref<!tpu.dma_semaphore, #tpu.memory_space<semaphore_mem>>
        %dma_start3A_284 = arith.constant 0 : i32
        %dma_start3A_285 = tpu.memref_slice %arg30[%add3A_281, %dma_start3A_284] : memref<4000x128xf32, #tpu.memory_space<vmem_shared>> -> memref<128x128xf32, #tpu.memory_space<vmem_shared>>
        %dma_start3A_286 = arith.constant 0 : i32
        %dma_start3A_287 = tpu.memref_slice %arg30[%add3A_281, %dma_start3A_286] : memref<4000x128xf32, #tpu.memory_space<vmem_shared>> -> memref<128x128xf32, #tpu.memory_space<vmem_shared>>
        tpu.enqueue_dma source(%arg15 : memref<128x128xf32, #tpu.memory_space<vmem>>) target(%dma_start3A_287 : memref<128x128xf32, #tpu.memory_space<vmem_shared>>) target_semaphore(%run_scoped3A : memref<!tpu.dma_semaphore, #tpu.memory_space<semaphore_mem>>)
        %dma_wait3A = arith.constant 0 : i32
        %dma_wait3A_288 = tpu.memref_slice %arg30[%add3A_281, %dma_wait3A] : memref<4000x128xf32, #tpu.memory_space<vmem_shared>> -> memref<128x128xf32, #tpu.memory_space<vmem_shared>>
        %dma_wait3A_289 = arith.constant 0 : i32
        %dma_wait3A_290 = tpu.memref_slice %arg30[%add3A_281, %dma_wait3A_289] : memref<4000x128xf32, #tpu.memory_space<vmem_shared>> -> memref<128x128xf32, #tpu.memory_space<vmem_shared>>
        tpu.wait_dma2 semaphore(%run_scoped3A : memref<!tpu.dma_semaphore, #tpu.memory_space<semaphore_mem>>) src(%arg15 : memref<128x128xf32, #tpu.memory_space<vmem>>) dst(%dma_wait3A_290 : memref<128x128xf32, #tpu.memory_space<vmem_shared>>)
        tpu.yield
      }) : () -> ()
      %add3A_282 = arith.constant 128 : i32
      %add3A_283 = arith.addi %multiple_of3A, %add3A_282 : i32
      "tpu.region"() ({
        %run_scoped3A = tpu.sem_alloc : memref<!tpu.dma_semaphore, #tpu.memory_space<semaphore_mem>>
        %dma_start3A_284 = arith.constant 0 : i32
        %dma_start3A_285 = tpu.memref_slice %arg30[%add3A_283, %dma_start3A_284] : memref<4000x128xf32, #tpu.memory_space<vmem_shared>> -> memref<128x128xf32, #tpu.memory_space<vmem_shared>>
        %dma_start3A_286 = arith.constant 0 : i32
        %dma_start3A_287 = tpu.memref_slice %arg30[%add3A_283, %dma_start3A_286] : memref<4000x128xf32, #tpu.memory_space<vmem_shared>> -> memref<128x128xf32, #tpu.memory_space<vmem_shared>>
        tpu.enqueue_dma source(%arg15 : memref<128x128xf32, #tpu.memory_space<vmem>>) target(%dma_start3A_287 : memref<128x128xf32, #tpu.memory_space<vmem_shared>>) target_semaphore(%run_scoped3A : memref<!tpu.dma_semaphore, #tpu.memory_space<semaphore_mem>>)
        %dma_wait3A = arith.constant 0 : i32
        %dma_wait3A_288 = tpu.memref_slice %arg30[%add3A_283, %dma_wait3A] : memref<4000x128xf32, #tpu.memory_space<vmem_shared>> -> memref<128x128xf32, #tpu.memory_space<vmem_shared>>
        %dma_wait3A_289 = arith.constant 0 : i32
        %dma_wait3A_290 = tpu.memref_slice %arg30[%add3A_283, %dma_wait3A_289] : memref<4000x128xf32, #tpu.memory_space<vmem_shared>> -> memref<128x128xf32, #tpu.memory_space<vmem_shared>>
        tpu.wait_dma2 semaphore(%run_scoped3A : memref<!tpu.dma_semaphore, #tpu.memory_space<semaphore_mem>>) src(%arg15 : memref<128x128xf32, #tpu.memory_space<vmem>>) dst(%dma_wait3A_290 : memref<128x128xf32, #tpu.memory_space<vmem_shared>>)
        tpu.yield
      }) : () -> ()
    } else {
    }
    %eq3A = arith.constant 15 : i32
    %eq3A_11 = arith.cmpi eq, %arg1, %eq3A : i32
    %convert_element_type3A_12 = arith.extui %eq3A_11 : i1 to i32
    %cond3A_13 = arith.constant 0 : i32
    %cond3A_14 = arith.cmpi ne, %convert_element_type3A_12, %cond3A_13 : i32
    scf.if %cond3A_14 {
      "tpu.region"() ({
        %run_scoped3A = tpu.sem_alloc : memref<!tpu.dma_semaphore, #tpu.memory_space<semaphore_mem>>
        %dma_start3A_280 = arith.constant 3840 : i32
        %dma_start3A_281 = arith.constant 0 : i32
        %dma_start3A_282 = tpu.memref_slice %arg30[%dma_start3A_280, %dma_start3A_281] : memref<4000x128xf32, #tpu.memory_space<vmem_shared>> -> memref<128x128xf32, #tpu.memory_space<vmem_shared>>
        %dma_start3A_283 = arith.constant 3840 : i32
        %dma_start3A_284 = arith.constant 0 : i32
        %dma_start3A_285 = tpu.memref_slice %arg30[%dma_start3A_283, %dma_start3A_284] : memref<4000x128xf32, #tpu.memory_space<vmem_shared>> -> memref<128x128xf32, #tpu.memory_space<vmem_shared>>
        tpu.enqueue_dma source(%arg15 : memref<128x128xf32, #tpu.memory_space<vmem>>) target(%dma_start3A_285 : memref<128x128xf32, #tpu.memory_space<vmem_shared>>) target_semaphore(%run_scoped3A : memref<!tpu.dma_semaphore, #tpu.memory_space<semaphore_mem>>)
        %dma_wait3A = arith.constant 3840 : i32
        %dma_wait3A_286 = arith.constant 0 : i32
        %dma_wait3A_287 = tpu.memref_slice %arg30[%dma_wait3A, %dma_wait3A_286] : memref<4000x128xf32, #tpu.memory_space<vmem_shared>> -> memref<128x128xf32, #tpu.memory_space<vmem_shared>>
        %dma_wait3A_288 = arith.constant 3840 : i32
        %dma_wait3A_289 = arith.constant 0 : i32
        %dma_wait3A_290 = tpu.memref_slice %arg30[%dma_wait3A_288, %dma_wait3A_289] : memref<4000x128xf32, #tpu.memory_space<vmem_shared>> -> memref<128x128xf32, #tpu.memory_space<vmem_shared>>
        tpu.wait_dma2 semaphore(%run_scoped3A : memref<!tpu.dma_semaphore, #tpu.memory_space<semaphore_mem>>) src(%arg15 : memref<128x128xf32, #tpu.memory_space<vmem>>) dst(%dma_wait3A_290 : memref<128x128xf32, #tpu.memory_space<vmem_shared>>)
        tpu.yield
      }) : () -> ()
      "tpu.region"() ({
        %run_scoped3A = tpu.sem_alloc : memref<!tpu.dma_semaphore, #tpu.memory_space<semaphore_mem>>
        %dma_start3A_280 = arith.constant 0 : i32
        %dma_start3A_281 = arith.constant 0 : i32
        %dma_start3A_282 = tpu.memref_slice %arg15[%dma_start3A_280, %dma_start3A_281] : memref<128x128xf32, #tpu.memory_space<vmem>> -> memref<32x128xf32, #tpu.memory_space<vmem>>
        %dma_start3A_283 = arith.constant 3968 : i32
        %dma_start3A_284 = arith.constant 0 : i32
        %dma_start3A_285 = tpu.memref_slice %arg30[%dma_start3A_283, %dma_start3A_284] : memref<4000x128xf32, #tpu.memory_space<vmem_shared>> -> memref<32x128xf32, #tpu.memory_space<vmem_shared>>
        %dma_start3A_286 = arith.constant 3968 : i32
        %dma_start3A_287 = arith.constant 0 : i32
        %dma_start3A_288 = tpu.memref_slice %arg30[%dma_start3A_286, %dma_start3A_287] : memref<4000x128xf32, #tpu.memory_space<vmem_shared>> -> memref<32x128xf32, #tpu.memory_space<vmem_shared>>
        %dma_start3A_289 = arith.constant 0 : i32
        %dma_start3A_290 = arith.constant 0 : i32
        %dma_start3A_291 = tpu.memref_slice %arg15[%dma_start3A_289, %dma_start3A_290] : memref<128x128xf32, #tpu.memory_space<vmem>> -> memref<32x128xf32, #tpu.memory_space<vmem>>
        tpu.enqueue_dma source(%dma_start3A_291 : memref<32x128xf32, #tpu.memory_space<vmem>>) target(%dma_start3A_288 : memref<32x128xf32, #tpu.memory_space<vmem_shared>>) target_semaphore(%run_scoped3A : memref<!tpu.dma_semaphore, #tpu.memory_space<semaphore_mem>>)
        %dma_wait3A = arith.constant 0 : i32
        %dma_wait3A_292 = arith.constant 0 : i32
        %dma_wait3A_293 = tpu.memref_slice %arg15[%dma_wait3A, %dma_wait3A_292] : memref<128x128xf32, #tpu.memory_space<vmem>> -> memref<32x128xf32, #tpu.memory_space<vmem>>
        %dma_wait3A_294 = arith.constant 3968 : i32
        %dma_wait3A_295 = arith.constant 0 : i32
        %dma_wait3A_296 = tpu.memref_slice %arg30[%dma_wait3A_294, %dma_wait3A_295] : memref<4000x128xf32, #tpu.memory_space<vmem_shared>> -> memref<32x128xf32, #tpu.memory_space<vmem_shared>>
        %dma_wait3A_297 = arith.constant 3968 : i32
        %dma_wait3A_298 = arith.constant 0 : i32
        %dma_wait3A_299 = tpu.memref_slice %arg30[%dma_wait3A_297, %dma_wait3A_298] : memref<4000x128xf32, #tpu.memory_space<vmem_shared>> -> memref<32x128xf32, #tpu.memory_space<vmem_shared>>
        %dma_wait3A_300 = arith.constant 0 : i32
        %dma_wait3A_301 = arith.constant 0 : i32
        %dma_wait3A_302 = tpu.memref_slice %arg15[%dma_wait3A_300, %dma_wait3A_301] : memref<128x128xf32, #tpu.memory_space<vmem>> -> memref<32x128xf32, #tpu.memory_space<vmem>>
        tpu.wait_dma2 semaphore(%run_scoped3A : memref<!tpu.dma_semaphore, #tpu.memory_space<semaphore_mem>>) src(%dma_wait3A_302 : memref<32x128xf32, #tpu.memory_space<vmem>>) dst(%dma_wait3A_299 : memref<32x128xf32, #tpu.memory_space<vmem_shared>>)
        tpu.yield
      }) : () -> ()
    } else {
    }
    %scan3A_15 = arith.constant 0 : i32
    %scan3A_16 = arith.constant 0 : i32
    %scan3A_17 = arith.constant 250 : i32
    %scan3A_18 = arith.addi %scan3A_16, %scan3A_17 : i32
    %scan3A_19 = arith.constant 1 : i32
    scf.for %scan3A_280 = %scan3A_16 to %scan3A_18 step %scan3A_19  : i32 {
      %mul3A_281 = arith.constant 16 : i32
      %mul3A_282 = arith.muli %scan3A_280, %mul3A_281 : i32
      %multiple_of3A_283 = tpu.assume_multiple %mul3A_282, 16 : i32
      %swap3A = arith.index_cast %multiple_of3A_283 : i32 to index
      %swap3A_284 = tpu.vector_load %arg18[%swap3A] {strides = array<i32>} : memref<4000xf32, #tpu.memory_space<vmem>>, vector<16xf32>,
      tpu.vector_store %arg18[%swap3A], %broadcast_in_dim3A_3 {strides = array<i32>} : memref<4000xf32, #tpu.memory_space<vmem>>, vector<16xf32>,
    }
    %scan3A_20 = arith.constant 250 : i32
    %barrier3A = arith.constant 0 : index
    tpu.barrier barrier_id(%barrier3A)
    %mul3A_21 = arith.constant 2500 : i32
    %mul3A_22 = arith.muli %mul3A_21, %add3A : i32
    %jit3A = arith.constant 32 : i32
    %div3A = arith.divsi %mul3A_22, %jit3A : i32
    %sign3A = arith.constant 0 : i32
    %sign3A_23 = arith.cmpi sgt, %mul3A_22, %sign3A : i32
    %sign3A_24 = arith.extui %sign3A_23 : i1 to i32
    %sign3A_25 = arith.constant 0 : i32
    %sign3A_26 = arith.cmpi slt, %mul3A_22, %sign3A_25 : i32
    %sign3A_27 = arith.extui %sign3A_26 : i1 to i32
    %sign3A_28 = arith.subi %sign3A_24, %sign3A_27 : i32
    %sign3A_29 = arith.constant 0 : i32
    %sign3A_30 = arith.cmpi sgt, %jit3A, %sign3A_29 : i32
    %sign3A_31 = arith.extui %sign3A_30 : i1 to i32
    %sign3A_32 = arith.constant 0 : i32
    %sign3A_33 = arith.cmpi slt, %jit3A, %sign3A_32 : i32
    %sign3A_34 = arith.extui %sign3A_33 : i1 to i32
    %sign3A_35 = arith.subi %sign3A_31, %sign3A_34 : i32
    %ne3A = arith.cmpi ne, %sign3A_28, %sign3A_35 : i32
    %rem3A = arith.remsi %mul3A_22, %jit3A : i32
    %ne3A_36 = arith.constant 0 : i32
    %ne3A_37 = arith.cmpi ne, %rem3A, %ne3A_36 : i32
    %and3A = arith.andi %ne3A, %ne3A_37 : i1
    %sub3A = arith.constant 1 : i32
    %sub3A_38 = arith.subi %div3A, %sub3A : i32
    %select_n3A = arith.select %and3A, %sub3A_38, %div3A : i32
    %add3A_39 = arith.constant 1 : i32
    %add3A_40 = arith.addi %add3A, %add3A_39 : i32
    %mul3A_41 = arith.constant 2500 : i32
    %mul3A_42 = arith.muli %mul3A_41, %add3A_40 : i32
    %jit3A_43 = arith.constant 32 : i32
    %div3A_44 = arith.divsi %mul3A_42, %jit3A_43 : i32
    %sign3A_45 = arith.constant 0 : i32
    %sign3A_46 = arith.cmpi sgt, %mul3A_42, %sign3A_45 : i32
    %sign3A_47 = arith.extui %sign3A_46 : i1 to i32
    %sign3A_48 = arith.constant 0 : i32
    %sign3A_49 = arith.cmpi slt, %mul3A_42, %sign3A_48 : i32
    %sign3A_50 = arith.extui %sign3A_49 : i1 to i32
    %sign3A_51 = arith.subi %sign3A_47, %sign3A_50 : i32
    %sign3A_52 = arith.constant 0 : i32
    %sign3A_53 = arith.cmpi sgt, %jit3A_43, %sign3A_52 : i32
    %sign3A_54 = arith.extui %sign3A_53 : i1 to i32
    %sign3A_55 = arith.constant 0 : i32
    %sign3A_56 = arith.cmpi slt, %jit3A_43, %sign3A_55 : i32
    %sign3A_57 = arith.extui %sign3A_56 : i1 to i32
    %sign3A_58 = arith.subi %sign3A_54, %sign3A_57 : i32
    %ne3A_59 = arith.cmpi ne, %sign3A_51, %sign3A_58 : i32
    %rem3A_60 = arith.remsi %mul3A_42, %jit3A_43 : i32
    %ne3A_61 = arith.constant 0 : i32
    %ne3A_62 = arith.cmpi ne, %rem3A_60, %ne3A_61 : i32
    %and3A_63 = arith.andi %ne3A_59, %ne3A_62 : i1
    %sub3A_64 = arith.constant 1 : i32
    %sub3A_65 = arith.subi %div3A_44, %sub3A_64 : i32
    %select_n3A_66 = arith.select %and3A_63, %sub3A_65, %div3A_44 : i32
    %broadcast_in_dim3A_67 = arith.constant 1.000000e+00 : f32
    %broadcast_in_dim3A_68 = vector.broadcast %broadcast_in_dim3A_67 : f32 to vector<16xf32>
    %mul3A_69 = arith.constant 2 : i32
    %mul3A_70 = arith.muli %select_n3A, %mul3A_69 : i32
    %mul3A_71 = arith.constant 128 : i32
    %mul3A_72 = arith.muli %mul3A_70, %mul3A_71 : i32
    %multiple_of3A_73 = tpu.assume_multiple %mul3A_72, 256 : i32
    "tpu.region"() ({
      %run_scoped3A = tpu.sem_alloc : memref<!tpu.dma_semaphore, #tpu.memory_space<semaphore_mem>>
      %dma_start3A_280 = tpu.memref_slice %arg3[%multiple_of3A_73] : memref<640000xi32, #tpu.memory_space<hbm>> -> memref<256xi32, #tpu.memory_space<hbm>>
      %dma_start3A_281 = tpu.memref_slice %arg3[%multiple_of3A_73] : memref<640000xi32, #tpu.memory_space<hbm>> -> memref<256xi32, #tpu.memory_space<hbm>>
      tpu.enqueue_dma source(%dma_start3A_281 : memref<256xi32, #tpu.memory_space<hbm>>) target(%arg9 : memref<256xi32, #tpu.memory_space<vmem>>) target_semaphore(%run_scoped3A : memref<!tpu.dma_semaphore, #tpu.memory_space<semaphore_mem>>)
      %dma_wait3A = tpu.memref_slice %arg3[%multiple_of3A_73] : memref<640000xi32, #tpu.memory_space<hbm>> -> memref<256xi32, #tpu.memory_space<hbm>>
      %dma_wait3A_282 = tpu.memref_slice %arg3[%multiple_of3A_73] : memref<640000xi32, #tpu.memory_space<hbm>> -> memref<256xi32, #tpu.memory_space<hbm>>
      tpu.wait_dma2 semaphore(%run_scoped3A : memref<!tpu.dma_semaphore, #tpu.memory_space<semaphore_mem>>) src(%dma_wait3A_282 : memref<256xi32, #tpu.memory_space<hbm>>) dst(%arg9 : memref<256xi32, #tpu.memory_space<vmem>>)
      tpu.yield
    }) : () -> ()
    %add3A_74 = arith.constant 1 : i32
    %add3A_75 = arith.addi %select_n3A, %add3A_74 : i32
    %mul3A_76 = arith.constant 2 : i32
    %mul3A_77 = arith.muli %add3A_75, %mul3A_76 : i32
    %mul3A_78 = arith.constant 128 : i32
    %mul3A_79 = arith.muli %mul3A_77, %mul3A_78 : i32
    %multiple_of3A_80 = tpu.assume_multiple %mul3A_79, 256 : i32
    "tpu.region"() ({
      %run_scoped3A = tpu.sem_alloc : memref<!tpu.dma_semaphore, #tpu.memory_space<semaphore_mem>>
      %dma_start3A_280 = tpu.memref_slice %arg3[%multiple_of3A_80] : memref<640000xi32, #tpu.memory_space<hbm>> -> memref<256xi32, #tpu.memory_space<hbm>>
      %dma_start3A_281 = tpu.memref_slice %arg3[%multiple_of3A_80] : memref<640000xi32, #tpu.memory_space<hbm>> -> memref<256xi32, #tpu.memory_space<hbm>>
      tpu.enqueue_dma source(%dma_start3A_281 : memref<256xi32, #tpu.memory_space<hbm>>) target(%arg10 : memref<256xi32, #tpu.memory_space<vmem>>) target_semaphore(%run_scoped3A : memref<!tpu.dma_semaphore, #tpu.memory_space<semaphore_mem>>)
      %dma_wait3A = tpu.memref_slice %arg3[%multiple_of3A_80] : memref<640000xi32, #tpu.memory_space<hbm>> -> memref<256xi32, #tpu.memory_space<hbm>>
      %dma_wait3A_282 = tpu.memref_slice %arg3[%multiple_of3A_80] : memref<640000xi32, #tpu.memory_space<hbm>> -> memref<256xi32, #tpu.memory_space<hbm>>
      tpu.wait_dma2 semaphore(%run_scoped3A : memref<!tpu.dma_semaphore, #tpu.memory_space<semaphore_mem>>) src(%dma_wait3A_282 : memref<256xi32, #tpu.memory_space<hbm>>) dst(%arg10 : memref<256xi32, #tpu.memory_space<vmem>>)
      tpu.yield
    }) : () -> ()
    %dma_start3A = arith.constant 0 : i32
    %dma_start3A_81 = tpu.memref_slice %arg9[%dma_start3A] : memref<256xi32, #tpu.memory_space<vmem>> -> memref<128xi32, #tpu.memory_space<vmem>>
    %dma_start3A_82 = arith.constant 0 : i32
    %dma_start3A_83 = arith.constant 0 : i32
    %dma_start3A_84 = tpu.memref_slice %arg2[%dma_start3A_82, %dma_start3A_83] : memref<10000x128xf32, #tpu.memory_space<hbm>> -> memref<10000x128xf32, #tpu.memory_space<hbm>>
    tpu.enqueue_indirect_dma source(%dma_start3A_84 : memref<10000x128xf32, #tpu.memory_space<hbm>>) target(%arg15 : memref<128x128xf32, #tpu.memory_space<vmem>>) offsets(%dma_start3A_81 : memref<128xi32, #tpu.memory_space<vmem>>) semaphore(%arg21 : memref<!tpu.dma_semaphore, #tpu.memory_space<semaphore_mem>>)
    %dma_start3A_85 = arith.constant 0 : i32
    %dma_start3A_86 = tpu.memref_slice %arg10[%dma_start3A_85] : memref<256xi32, #tpu.memory_space<vmem>> -> memref<128xi32, #tpu.memory_space<vmem>>
    %dma_start3A_87 = arith.constant 0 : i32
    %dma_start3A_88 = arith.constant 0 : i32
    %dma_start3A_89 = tpu.memref_slice %arg2[%dma_start3A_87, %dma_start3A_88] : memref<10000x128xf32, #tpu.memory_space<hbm>> -> memref<10000x128xf32, #tpu.memory_space<hbm>>
    tpu.enqueue_indirect_dma source(%dma_start3A_89 : memref<10000x128xf32, #tpu.memory_space<hbm>>) target(%arg16 : memref<128x128xf32, #tpu.memory_space<vmem>>) offsets(%dma_start3A_86 : memref<128xi32, #tpu.memory_space<vmem>>) semaphore(%arg22 : memref<!tpu.dma_semaphore, #tpu.memory_space<semaphore_mem>>)
    %add3A_90 = arith.constant 2 : i32
    %add3A_91 = arith.addi %select_n3A, %add3A_90 : i32
    %mul3A_92 = arith.constant 2 : i32
    %mul3A_93 = arith.muli %add3A_91, %mul3A_92 : i32
    %mul3A_94 = arith.constant 128 : i32
    %mul3A_95 = arith.muli %mul3A_93, %mul3A_94 : i32
    %multiple_of3A_96 = tpu.assume_multiple %mul3A_95, 256 : i32
    %dma_start3A_97 = tpu.memref_slice %arg3[%multiple_of3A_96] : memref<640000xi32, #tpu.memory_space<hbm>> -> memref<256xi32, #tpu.memory_space<hbm>>
    %dma_start3A_98 = tpu.memref_slice %arg3[%multiple_of3A_96] : memref<640000xi32, #tpu.memory_space<hbm>> -> memref<256xi32, #tpu.memory_space<hbm>>
    tpu.enqueue_dma source(%dma_start3A_98 : memref<256xi32, #tpu.memory_space<hbm>>) target(%arg11 : memref<256xi32, #tpu.memory_space<vmem>>) target_semaphore(%arg29 : memref<!tpu.dma_semaphore, #tpu.memory_space<semaphore_mem>>)
    %while3A = arith.constant 0 : i32
    %while3A_99 = arith.subi %select_n3A_66, %select_n3A : i32
    %while3A_100 = arith.addi %select_n3A, %while3A_99 : i32
    %while3A_101 = arith.constant 1 : i32
    %while3A_102 = arith.divsi %while3A_99, %while3A_101 : i32
    %while3A_103 = arith.muli %while3A_102, %while3A_101 : i32
    %while3A_104 = arith.addi %select_n3A, %while3A_103 : i32
    %while3A_105 = arith.constant 1 : i32
    scf.for %while3A_280 = %select_n3A to %while3A_104 step %while3A_105  : i32 {
      %sub3A_281 = arith.subi %while3A_280, %select_n3A : i32
      %jit3A_282 = arith.constant 3 : i32
      %eq3A_283 = arith.constant 0 : i32
      %eq3A_284 = arith.cmpi eq, %jit3A_282, %eq3A_283 : i32
      %jit3A_285 = arith.constant 1 : i32
      %select_n3A_286 = arith.select %eq3A_284, %jit3A_285, %jit3A_282 : i32
      %rem3A_287 = arith.remsi %sub3A_281, %select_n3A_286 : i32
      %ne3A_288 = arith.constant 0 : i32
      %ne3A_289 = arith.cmpi ne, %rem3A_287, %ne3A_288 : i32
      %lt3A_290 = arith.constant 0 : i32
      %lt3A_291 = arith.cmpi slt, %rem3A_287, %lt3A_290 : i32
      %lt3A_292 = arith.constant 0 : i32
      %lt3A_293 = arith.cmpi slt, %select_n3A_286, %lt3A_292 : i32
      %ne3A_294 = arith.xori %lt3A_291, %lt3A_293 : i1
      %and3A_295 = arith.andi %ne3A_294, %ne3A_289 : i1
      %add3A_296 = arith.addi %rem3A_287, %select_n3A_286 : i32
      %select_n3A_297 = arith.select %and3A_295, %add3A_296, %rem3A_287 : i32
      %eq3A_298 = arith.constant 0 : i32
      %eq3A_299 = arith.cmpi eq, %select_n3A_297, %eq3A_298 : i32
      %convert_element_type3A_300 = arith.extui %eq3A_299 : i1 to i32
      %cond3A_301 = arith.constant 0 : i32
      %cond3A_302 = arith.cmpi ne, %convert_element_type3A_300, %cond3A_301 : i32
      scf.if %cond3A_302 {
        %dma_wait3A = arith.constant 0 : i32
        %dma_wait3A_347 = tpu.memref_slice %arg9[%dma_wait3A] : memref<256xi32, #tpu.memory_space<vmem>> -> memref<128xi32, #tpu.memory_space<vmem>>
        %dma_wait3A_348 = arith.constant 0 : i32
        %dma_wait3A_349 = arith.constant 0 : i32
        %dma_wait3A_350 = tpu.memref_slice %arg2[%dma_wait3A_348, %dma_wait3A_349] : memref<10000x128xf32, #tpu.memory_space<hbm>> -> memref<10000x128xf32, #tpu.memory_space<hbm>>
        tpu.wait_indirect_dma semaphore(%arg21 : memref<!tpu.dma_semaphore, #tpu.memory_space<semaphore_mem>>) src(%dma_wait3A_350 : memref<10000x128xf32, #tpu.memory_space<hbm>>) dst(%arg15 : memref<128x128xf32, #tpu.memory_space<vmem>>)
        %gt3A = arith.cmpi sgt, %while3A_280, %select_n3A : i32
        %convert_element_type3A_351 = arith.extui %gt3A : i1 to i32
        %cond3A_352 = arith.constant 0 : i32
        %cond3A_353 = arith.cmpi ne, %convert_element_type3A_351, %cond3A_352 : i32
        scf.if %cond3A_353 {
          %dma_wait3A_399 = arith.constant 0 : i32
          %dma_wait3A_400 = arith.constant 0 : i32
          %dma_wait3A_401 = tpu.memref_slice %arg30[%dma_wait3A_399, %dma_wait3A_400] : memref<4000x128xf32, #tpu.memory_space<vmem_shared>> -> memref<4000x128xf32, #tpu.memory_space<vmem_shared>>
          tpu.wait_indirect_dma semaphore(%arg26 : memref<!tpu.dma_semaphore, #tpu.memory_space<semaphore_mem>>) src(%arg17 : memref<128x128xf32, #tpu.memory_space<vmem>>) dst(%dma_wait3A_401 : memref<4000x128xf32, #tpu.memory_space<vmem_shared>>)
        } else {
        }
        %add3A_354 = arith.constant 2 : i32
        %add3A_355 = arith.addi %while3A_280, %add3A_354 : i32
        %lt3A_356 = arith.cmpi slt, %add3A_355, %select_n3A_66 : i32
        %convert_element_type3A_357 = arith.extui %lt3A_356 : i1 to i32
        %cond3A_358 = arith.constant 0 : i32
        %cond3A_359 = arith.cmpi ne, %convert_element_type3A_357, %cond3A_358 : i32
        scf.if %cond3A_359 {
          %add3A_399 = arith.constant 2 : i32
          %add3A_400 = arith.addi %while3A_280, %add3A_399 : i32
          %mul3A_401 = arith.constant 2 : i32
          %mul3A_402 = arith.muli %add3A_400, %mul3A_401 : i32
          %mul3A_403 = arith.constant 128 : i32
          %mul3A_404 = arith.muli %mul3A_402, %mul3A_403 : i32
          %multiple_of3A_405 = tpu.assume_multiple %mul3A_404, 256 : i32
          %dma_wait3A_406 = tpu.memref_slice %arg3[%multiple_of3A_405] : memref<640000xi32, #tpu.memory_space<hbm>> -> memref<256xi32, #tpu.memory_space<hbm>>
          %dma_wait3A_407 = tpu.memref_slice %arg3[%multiple_of3A_405] : memref<640000xi32, #tpu.memory_space<hbm>> -> memref<256xi32, #tpu.memory_space<hbm>>
          tpu.wait_dma2 semaphore(%arg29 : memref<!tpu.dma_semaphore, #tpu.memory_space<semaphore_mem>>) src(%dma_wait3A_407 : memref<256xi32, #tpu.memory_space<hbm>>) dst(%arg11 : memref<256xi32, #tpu.memory_space<vmem>>)
          %dma_start3A_408 = arith.constant 0 : i32
          %dma_start3A_409 = tpu.memref_slice %arg11[%dma_start3A_408] : memref<256xi32, #tpu.memory_space<vmem>> -> memref<128xi32, #tpu.memory_space<vmem>>
          %dma_start3A_410 = arith.constant 0 : i32
          %dma_start3A_411 = arith.constant 0 : i32
          %dma_start3A_412 = tpu.memref_slice %arg2[%dma_start3A_410, %dma_start3A_411] : memref<10000x128xf32, #tpu.memory_space<hbm>> -> memref<10000x128xf32, #tpu.memory_space<hbm>>
          tpu.enqueue_indirect_dma source(%dma_start3A_412 : memref<10000x128xf32, #tpu.memory_space<hbm>>) target(%arg17 : memref<128x128xf32, #tpu.memory_space<vmem>>) offsets(%dma_start3A_409 : memref<128xi32, #tpu.memory_space<vmem>>) semaphore(%arg23 : memref<!tpu.dma_semaphore, #tpu.memory_space<semaphore_mem>>)
        } else {
        }
        %get3A = arith.constant 128 : index
        %get3A_360 = tpu.vector_load %arg9[%get3A] {strides = array<i32>} : memref<256xi32, #tpu.memory_space<vmem>>, vector<16xi32>,
        tpu.vector_store_idx %arg18[%get3A_360], %broadcast_in_dim3A_68 {add = true} : memref<4000xf32, #tpu.memory_space<vmem>>[vector<16xi32>], vector<16xf32>,
        %swap3A = arith.constant 0 : index
        %swap3A_361 = tpu.vector_load %arg12[%swap3A] {strides = array<i32>} : memref<128xi32, #tpu.memory_space<vmem>>, vector<16xi32>,
        tpu.vector_store %arg12[%swap3A], %get3A_360 {strides = array<i32>} : memref<128xi32, #tpu.memory_space<vmem>>, vector<16xi32>,
        %get3A_362 = arith.constant 144 : index
        %get3A_363 = tpu.vector_load %arg9[%get3A_362] {strides = array<i32>} : memref<256xi32, #tpu.memory_space<vmem>>, vector<16xi32>,
        tpu.vector_store_idx %arg18[%get3A_363], %broadcast_in_dim3A_68 {add = true} : memref<4000xf32, #tpu.memory_space<vmem>>[vector<16xi32>], vector<16xf32>,
        %swap3A_364 = arith.constant 16 : index
        %swap3A_365 = tpu.vector_load %arg12[%swap3A_364] {strides = array<i32>} : memref<128xi32, #tpu.memory_space<vmem>>, vector<16xi32>,
        tpu.vector_store %arg12[%swap3A_364], %get3A_363 {strides = array<i32>} : memref<128xi32, #tpu.memory_space<vmem>>, vector<16xi32>,
        %get3A_366 = arith.constant 160 : index
        %get3A_367 = tpu.vector_load %arg9[%get3A_366] {strides = array<i32>} : memref<256xi32, #tpu.memory_space<vmem>>, vector<16xi32>,
        tpu.vector_store_idx %arg18[%get3A_367], %broadcast_in_dim3A_68 {add = true} : memref<4000xf32, #tpu.memory_space<vmem>>[vector<16xi32>], vector<16xf32>,
        %swap3A_368 = arith.constant 32 : index
        %swap3A_369 = tpu.vector_load %arg12[%swap3A_368] {strides = array<i32>} : memref<128xi32, #tpu.memory_space<vmem>>, vector<16xi32>,
        tpu.vector_store %arg12[%swap3A_368], %get3A_367 {strides = array<i32>} : memref<128xi32, #tpu.memory_space<vmem>>, vector<16xi32>,
        %get3A_370 = arith.constant 176 : index
        %get3A_371 = tpu.vector_load %arg9[%get3A_370] {strides = array<i32>} : memref<256xi32, #tpu.memory_space<vmem>>, vector<16xi32>,
        tpu.vector_store_idx %arg18[%get3A_371], %broadcast_in_dim3A_68 {add = true} : memref<4000xf32, #tpu.memory_space<vmem>>[vector<16xi32>], vector<16xf32>,
        %swap3A_372 = arith.constant 48 : index
        %swap3A_373 = tpu.vector_load %arg12[%swap3A_372] {strides = array<i32>} : memref<128xi32, #tpu.memory_space<vmem>>, vector<16xi32>,
        tpu.vector_store %arg12[%swap3A_372], %get3A_371 {strides = array<i32>} : memref<128xi32, #tpu.memory_space<vmem>>, vector<16xi32>,
        %get3A_374 = arith.constant 192 : index
        %get3A_375 = tpu.vector_load %arg9[%get3A_374] {strides = array<i32>} : memref<256xi32, #tpu.memory_space<vmem>>, vector<16xi32>,
        tpu.vector_store_idx %arg18[%get3A_375], %broadcast_in_dim3A_68 {add = true} : memref<4000xf32, #tpu.memory_space<vmem>>[vector<16xi32>], vector<16xf32>,
        %swap3A_376 = arith.constant 64 : index
        %swap3A_377 = tpu.vector_load %arg12[%swap3A_376] {strides = array<i32>} : memref<128xi32, #tpu.memory_space<vmem>>, vector<16xi32>,
        tpu.vector_store %arg12[%swap3A_376], %get3A_375 {strides = array<i32>} : memref<128xi32, #tpu.memory_space<vmem>>, vector<16xi32>,
        %get3A_378 = arith.constant 208 : index
        %get3A_379 = tpu.vector_load %arg9[%get3A_378] {strides = array<i32>} : memref<256xi32, #tpu.memory_space<vmem>>, vector<16xi32>,
        tpu.vector_store_idx %arg18[%get3A_379], %broadcast_in_dim3A_68 {add = true} : memref<4000xf32, #tpu.memory_space<vmem>>[vector<16xi32>], vector<16xf32>,
        %swap3A_380 = arith.constant 80 : index
        %swap3A_381 = tpu.vector_load %arg12[%swap3A_380] {strides = array<i32>} : memref<128xi32, #tpu.memory_space<vmem>>, vector<16xi32>,
        tpu.vector_store %arg12[%swap3A_380], %get3A_379 {strides = array<i32>} : memref<128xi32, #tpu.memory_space<vmem>>, vector<16xi32>,
        %get3A_382 = arith.constant 224 : index
        %get3A_383 = tpu.vector_load %arg9[%get3A_382] {strides = array<i32>} : memref<256xi32, #tpu.memory_space<vmem>>, vector<16xi32>,
        tpu.vector_store_idx %arg18[%get3A_383], %broadcast_in_dim3A_68 {add = true} : memref<4000xf32, #tpu.memory_space<vmem>>[vector<16xi32>], vector<16xf32>,
        %swap3A_384 = arith.constant 96 : index
        %swap3A_385 = tpu.vector_load %arg12[%swap3A_384] {strides = array<i32>} : memref<128xi32, #tpu.memory_space<vmem>>, vector<16xi32>,
        tpu.vector_store %arg12[%swap3A_384], %get3A_383 {strides = array<i32>} : memref<128xi32, #tpu.memory_space<vmem>>, vector<16xi32>,
        %get3A_386 = arith.constant 240 : index
        %get3A_387 = tpu.vector_load %arg9[%get3A_386] {strides = array<i32>} : memref<256xi32, #tpu.memory_space<vmem>>, vector<16xi32>,
        tpu.vector_store_idx %arg18[%get3A_387], %broadcast_in_dim3A_68 {add = true} : memref<4000xf32, #tpu.memory_space<vmem>>[vector<16xi32>], vector<16xf32>,
        %swap3A_388 = arith.constant 112 : index
        %swap3A_389 = tpu.vector_load %arg12[%swap3A_388] {strides = array<i32>} : memref<128xi32, #tpu.memory_space<vmem>>, vector<16xi32>,
        tpu.vector_store %arg12[%swap3A_388], %get3A_387 {strides = array<i32>} : memref<128xi32, #tpu.memory_space<vmem>>, vector<16xi32>,
        %dma_start3A_390 = arith.constant 0 : i32
        %dma_start3A_391 = arith.constant 0 : i32
        %dma_start3A_392 = tpu.memref_slice %arg30[%dma_start3A_390, %dma_start3A_391] : memref<4000x128xf32, #tpu.memory_space<vmem_shared>> -> memref<4000x128xf32, #tpu.memory_space<vmem_shared>>
        tpu.enqueue_indirect_dma source(%arg15 : memref<128x128xf32, #tpu.memory_space<vmem>>) target(%dma_start3A_392 : memref<4000x128xf32, #tpu.memory_space<vmem_shared>>) offsets(%arg12 : memref<128xi32, #tpu.memory_space<vmem>>) semaphore(%arg24 : memref<!tpu.dma_semaphore, #tpu.memory_space<semaphore_mem>>) {add = true}
        %add3A_393 = arith.constant 3 : i32
        %add3A_394 = arith.addi %while3A_280, %add3A_393 : i32
        %lt3A_395 = arith.cmpi slt, %add3A_394, %select_n3A_66 : i32
        %convert_element_type3A_396 = arith.extui %lt3A_395 : i1 to i32
        %cond3A_397 = arith.constant 0 : i32
        %cond3A_398 = arith.cmpi ne, %convert_element_type3A_396, %cond3A_397 : i32
        scf.if %cond3A_398 {
          %add3A_399 = arith.constant 3 : i32
          %add3A_400 = arith.addi %while3A_280, %add3A_399 : i32
          %mul3A_401 = arith.constant 2 : i32
          %mul3A_402 = arith.muli %add3A_400, %mul3A_401 : i32
          %mul3A_403 = arith.constant 128 : i32
          %mul3A_404 = arith.muli %mul3A_402, %mul3A_403 : i32
          %multiple_of3A_405 = tpu.assume_multiple %mul3A_404, 256 : i32
          %dma_start3A_406 = tpu.memref_slice %arg3[%multiple_of3A_405] : memref<640000xi32, #tpu.memory_space<hbm>> -> memref<256xi32, #tpu.memory_space<hbm>>
          %dma_start3A_407 = tpu.memref_slice %arg3[%multiple_of3A_405] : memref<640000xi32, #tpu.memory_space<hbm>> -> memref<256xi32, #tpu.memory_space<hbm>>
          tpu.enqueue_dma source(%dma_start3A_407 : memref<256xi32, #tpu.memory_space<hbm>>) target(%arg9 : memref<256xi32, #tpu.memory_space<vmem>>) target_semaphore(%arg27 : memref<!tpu.dma_semaphore, #tpu.memory_space<semaphore_mem>>)
        } else {
        }
      } else {
      }
      %sub3A_303 = arith.subi %while3A_280, %select_n3A : i32
      %jit3A_304 = arith.constant 3 : i32
      %eq3A_305 = arith.constant 0 : i32
      %eq3A_306 = arith.cmpi eq, %jit3A_304, %eq3A_305 : i32
      %jit3A_307 = arith.constant 1 : i32
      %select_n3A_308 = arith.select %eq3A_306, %jit3A_307, %jit3A_304 : i32
      %rem3A_309 = arith.remsi %sub3A_303, %select_n3A_308 : i32
      %ne3A_310 = arith.constant 0 : i32
      %ne3A_311 = arith.cmpi ne, %rem3A_309, %ne3A_310 : i32
      %lt3A_312 = arith.constant 0 : i32
      %lt3A_313 = arith.cmpi slt, %rem3A_309, %lt3A_312 : i32
      %lt3A_314 = arith.constant 0 : i32
      %lt3A_315 = arith.cmpi slt, %select_n3A_308, %lt3A_314 : i32
      %ne3A_316 = arith.xori %lt3A_313, %lt3A_315 : i1
      %and3A_317 = arith.andi %ne3A_316, %ne3A_311 : i1
      %add3A_318 = arith.addi %rem3A_309, %select_n3A_308 : i32
      %select_n3A_319 = arith.select %and3A_317, %add3A_318, %rem3A_309 : i32
      %eq3A_320 = arith.constant 1 : i32
      %eq3A_321 = arith.cmpi eq, %select_n3A_319, %eq3A_320 : i32
      %convert_element_type3A_322 = arith.extui %eq3A_321 : i1 to i32
      %cond3A_323 = arith.constant 0 : i32
      %cond3A_324 = arith.cmpi ne, %convert_element_type3A_322, %cond3A_323 : i32
      scf.if %cond3A_324 {
        %dma_wait3A = arith.constant 0 : i32
        %dma_wait3A_347 = tpu.memref_slice %arg10[%dma_wait3A] : memref<256xi32, #tpu.memory_space<vmem>> -> memref<128xi32, #tpu.memory_space<vmem>>
        %dma_wait3A_348 = arith.constant 0 : i32
        %dma_wait3A_349 = arith.constant 0 : i32
        %dma_wait3A_350 = tpu.memref_slice %arg2[%dma_wait3A_348, %dma_wait3A_349] : memref<10000x128xf32, #tpu.memory_space<hbm>> -> memref<10000x128xf32, #tpu.memory_space<hbm>>
        tpu.wait_indirect_dma semaphore(%arg22 : memref<!tpu.dma_semaphore, #tpu.memory_space<semaphore_mem>>) src(%dma_wait3A_350 : memref<10000x128xf32, #tpu.memory_space<hbm>>) dst(%arg16 : memref<128x128xf32, #tpu.memory_space<vmem>>)
        %gt3A = arith.cmpi sgt, %while3A_280, %select_n3A : i32
        %convert_element_type3A_351 = arith.extui %gt3A : i1 to i32
        %cond3A_352 = arith.constant 0 : i32
        %cond3A_353 = arith.cmpi ne, %convert_element_type3A_351, %cond3A_352 : i32
        scf.if %cond3A_353 {
          %dma_wait3A_399 = arith.constant 0 : i32
          %dma_wait3A_400 = arith.constant 0 : i32
          %dma_wait3A_401 = tpu.memref_slice %arg30[%dma_wait3A_399, %dma_wait3A_400] : memref<4000x128xf32, #tpu.memory_space<vmem_shared>> -> memref<4000x128xf32, #tpu.memory_space<vmem_shared>>
          tpu.wait_indirect_dma semaphore(%arg24 : memref<!tpu.dma_semaphore, #tpu.memory_space<semaphore_mem>>) src(%arg15 : memref<128x128xf32, #tpu.memory_space<vmem>>) dst(%dma_wait3A_401 : memref<4000x128xf32, #tpu.memory_space<vmem_shared>>)
        } else {
        }
        %add3A_354 = arith.constant 2 : i32
        %add3A_355 = arith.addi %while3A_280, %add3A_354 : i32
        %lt3A_356 = arith.cmpi slt, %add3A_355, %select_n3A_66 : i32
        %convert_element_type3A_357 = arith.extui %lt3A_356 : i1 to i32
        %cond3A_358 = arith.constant 0 : i32
        %cond3A_359 = arith.cmpi ne, %convert_element_type3A_357, %cond3A_358 : i32
        scf.if %cond3A_359 {
          %add3A_399 = arith.constant 2 : i32
          %add3A_400 = arith.addi %while3A_280, %add3A_399 : i32
          %mul3A_401 = arith.constant 2 : i32
          %mul3A_402 = arith.muli %add3A_400, %mul3A_401 : i32
          %mul3A_403 = arith.constant 128 : i32
          %mul3A_404 = arith.muli %mul3A_402, %mul3A_403 : i32
          %multiple_of3A_405 = tpu.assume_multiple %mul3A_404, 256 : i32
          %dma_wait3A_406 = tpu.memref_slice %arg3[%multiple_of3A_405] : memref<640000xi32, #tpu.memory_space<hbm>> -> memref<256xi32, #tpu.memory_space<hbm>>
          %dma_wait3A_407 = tpu.memref_slice %arg3[%multiple_of3A_405] : memref<640000xi32, #tpu.memory_space<hbm>> -> memref<256xi32, #tpu.memory_space<hbm>>
          tpu.wait_dma2 semaphore(%arg27 : memref<!tpu.dma_semaphore, #tpu.memory_space<semaphore_mem>>) src(%dma_wait3A_407 : memref<256xi32, #tpu.memory_space<hbm>>) dst(%arg9 : memref<256xi32, #tpu.memory_space<vmem>>)
          %dma_start3A_408 = arith.constant 0 : i32
          %dma_start3A_409 = tpu.memref_slice %arg9[%dma_start3A_408] : memref<256xi32, #tpu.memory_space<vmem>> -> memref<128xi32, #tpu.memory_space<vmem>>
          %dma_start3A_410 = arith.constant 0 : i32
          %dma_start3A_411 = arith.constant 0 : i32
          %dma_start3A_412 = tpu.memref_slice %arg2[%dma_start3A_410, %dma_start3A_411] : memref<10000x128xf32, #tpu.memory_space<hbm>> -> memref<10000x128xf32, #tpu.memory_space<hbm>>
          tpu.enqueue_indirect_dma source(%dma_start3A_412 : memref<10000x128xf32, #tpu.memory_space<hbm>>) target(%arg15 : memref<128x128xf32, #tpu.memory_space<vmem>>) offsets(%dma_start3A_409 : memref<128xi32, #tpu.memory_space<vmem>>) semaphore(%arg21 : memref<!tpu.dma_semaphore, #tpu.memory_space<semaphore_mem>>)
        } else {
        }
        %get3A = arith.constant 128 : index
        %get3A_360 = tpu.vector_load %arg10[%get3A] {strides = array<i32>} : memref<256xi32, #tpu.memory_space<vmem>>, vector<16xi32>,
        tpu.vector_store_idx %arg18[%get3A_360], %broadcast_in_dim3A_68 {add = true} : memref<4000xf32, #tpu.memory_space<vmem>>[vector<16xi32>], vector<16xf32>,
        %swap3A = arith.constant 0 : index
        %swap3A_361 = tpu.vector_load %arg13[%swap3A] {strides = array<i32>} : memref<128xi32, #tpu.memory_space<vmem>>, vector<16xi32>,
        tpu.vector_store %arg13[%swap3A], %get3A_360 {strides = array<i32>} : memref<128xi32, #tpu.memory_space<vmem>>, vector<16xi32>,
        %get3A_362 = arith.constant 144 : index
        %get3A_363 = tpu.vector_load %arg10[%get3A_362] {strides = array<i32>} : memref<256xi32, #tpu.memory_space<vmem>>, vector<16xi32>,
        tpu.vector_store_idx %arg18[%get3A_363], %broadcast_in_dim3A_68 {add = true} : memref<4000xf32, #tpu.memory_space<vmem>>[vector<16xi32>], vector<16xf32>,
        %swap3A_364 = arith.constant 16 : index
        %swap3A_365 = tpu.vector_load %arg13[%swap3A_364] {strides = array<i32>} : memref<128xi32, #tpu.memory_space<vmem>>, vector<16xi32>,
        tpu.vector_store %arg13[%swap3A_364], %get3A_363 {strides = array<i32>} : memref<128xi32, #tpu.memory_space<vmem>>, vector<16xi32>,
        %get3A_366 = arith.constant 160 : index
        %get3A_367 = tpu.vector_load %arg10[%get3A_366] {strides = array<i32>} : memref<256xi32, #tpu.memory_space<vmem>>, vector<16xi32>,
        tpu.vector_store_idx %arg18[%get3A_367], %broadcast_in_dim3A_68 {add = true} : memref<4000xf32, #tpu.memory_space<vmem>>[vector<16xi32>], vector<16xf32>,
        %swap3A_368 = arith.constant 32 : index
        %swap3A_369 = tpu.vector_load %arg13[%swap3A_368] {strides = array<i32>} : memref<128xi32, #tpu.memory_space<vmem>>, vector<16xi32>,
        tpu.vector_store %arg13[%swap3A_368], %get3A_367 {strides = array<i32>} : memref<128xi32, #tpu.memory_space<vmem>>, vector<16xi32>,
        %get3A_370 = arith.constant 176 : index
        %get3A_371 = tpu.vector_load %arg10[%get3A_370] {strides = array<i32>} : memref<256xi32, #tpu.memory_space<vmem>>, vector<16xi32>,
        tpu.vector_store_idx %arg18[%get3A_371], %broadcast_in_dim3A_68 {add = true} : memref<4000xf32, #tpu.memory_space<vmem>>[vector<16xi32>], vector<16xf32>,
        %swap3A_372 = arith.constant 48 : index
        %swap3A_373 = tpu.vector_load %arg13[%swap3A_372] {strides = array<i32>} : memref<128xi32, #tpu.memory_space<vmem>>, vector<16xi32>,
        tpu.vector_store %arg13[%swap3A_372], %get3A_371 {strides = array<i32>} : memref<128xi32, #tpu.memory_space<vmem>>, vector<16xi32>,
        %get3A_374 = arith.constant 192 : index
        %get3A_375 = tpu.vector_load %arg10[%get3A_374] {strides = array<i32>} : memref<256xi32, #tpu.memory_space<vmem>>, vector<16xi32>,
        tpu.vector_store_idx %arg18[%get3A_375], %broadcast_in_dim3A_68 {add = true} : memref<4000xf32, #tpu.memory_space<vmem>>[vector<16xi32>], vector<16xf32>,
        %swap3A_376 = arith.constant 64 : index
        %swap3A_377 = tpu.vector_load %arg13[%swap3A_376] {strides = array<i32>} : memref<128xi32, #tpu.memory_space<vmem>>, vector<16xi32>,
        tpu.vector_store %arg13[%swap3A_376], %get3A_375 {strides = array<i32>} : memref<128xi32, #tpu.memory_space<vmem>>, vector<16xi32>,
        %get3A_378 = arith.constant 208 : index
        %get3A_379 = tpu.vector_load %arg10[%get3A_378] {strides = array<i32>} : memref<256xi32, #tpu.memory_space<vmem>>, vector<16xi32>,
        tpu.vector_store_idx %arg18[%get3A_379], %broadcast_in_dim3A_68 {add = true} : memref<4000xf32, #tpu.memory_space<vmem>>[vector<16xi32>], vector<16xf32>,
        %swap3A_380 = arith.constant 80 : index
        %swap3A_381 = tpu.vector_load %arg13[%swap3A_380] {strides = array<i32>} : memref<128xi32, #tpu.memory_space<vmem>>, vector<16xi32>,
        tpu.vector_store %arg13[%swap3A_380], %get3A_379 {strides = array<i32>} : memref<128xi32, #tpu.memory_space<vmem>>, vector<16xi32>,
        %get3A_382 = arith.constant 224 : index
        %get3A_383 = tpu.vector_load %arg10[%get3A_382] {strides = array<i32>} : memref<256xi32, #tpu.memory_space<vmem>>, vector<16xi32>,
        tpu.vector_store_idx %arg18[%get3A_383], %broadcast_in_dim3A_68 {add = true} : memref<4000xf32, #tpu.memory_space<vmem>>[vector<16xi32>], vector<16xf32>,
        %swap3A_384 = arith.constant 96 : index
        %swap3A_385 = tpu.vector_load %arg13[%swap3A_384] {strides = array<i32>} : memref<128xi32, #tpu.memory_space<vmem>>, vector<16xi32>,
        tpu.vector_store %arg13[%swap3A_384], %get3A_383 {strides = array<i32>} : memref<128xi32, #tpu.memory_space<vmem>>, vector<16xi32>,
        %get3A_386 = arith.constant 240 : index
        %get3A_387 = tpu.vector_load %arg10[%get3A_386] {strides = array<i32>} : memref<256xi32, #tpu.memory_space<vmem>>, vector<16xi32>,
        tpu.vector_store_idx %arg18[%get3A_387], %broadcast_in_dim3A_68 {add = true} : memref<4000xf32, #tpu.memory_space<vmem>>[vector<16xi32>], vector<16xf32>,
        %swap3A_388 = arith.constant 112 : index
        %swap3A_389 = tpu.vector_load %arg13[%swap3A_388] {strides = array<i32>} : memref<128xi32, #tpu.memory_space<vmem>>, vector<16xi32>,
        tpu.vector_store %arg13[%swap3A_388], %get3A_387 {strides = array<i32>} : memref<128xi32, #tpu.memory_space<vmem>>, vector<16xi32>,
        %dma_start3A_390 = arith.constant 0 : i32
        %dma_start3A_391 = arith.constant 0 : i32
        %dma_start3A_392 = tpu.memref_slice %arg30[%dma_start3A_390, %dma_start3A_391] : memref<4000x128xf32, #tpu.memory_space<vmem_shared>> -> memref<4000x128xf32, #tpu.memory_space<vmem_shared>>
        tpu.enqueue_indirect_dma source(%arg16 : memref<128x128xf32, #tpu.memory_space<vmem>>) target(%dma_start3A_392 : memref<4000x128xf32, #tpu.memory_space<vmem_shared>>) offsets(%arg13 : memref<128xi32, #tpu.memory_space<vmem>>) semaphore(%arg25 : memref<!tpu.dma_semaphore, #tpu.memory_space<semaphore_mem>>) {add = true}
        %add3A_393 = arith.constant 3 : i32
        %add3A_394 = arith.addi %while3A_280, %add3A_393 : i32
        %lt3A_395 = arith.cmpi slt, %add3A_394, %select_n3A_66 : i32
        %convert_element_type3A_396 = arith.extui %lt3A_395 : i1 to i32
        %cond3A_397 = arith.constant 0 : i32
        %cond3A_398 = arith.cmpi ne, %convert_element_type3A_396, %cond3A_397 : i32
        scf.if %cond3A_398 {
          %add3A_399 = arith.constant 3 : i32
          %add3A_400 = arith.addi %while3A_280, %add3A_399 : i32
          %mul3A_401 = arith.constant 2 : i32
          %mul3A_402 = arith.muli %add3A_400, %mul3A_401 : i32
          %mul3A_403 = arith.constant 128 : i32
          %mul3A_404 = arith.muli %mul3A_402, %mul3A_403 : i32
          %multiple_of3A_405 = tpu.assume_multiple %mul3A_404, 256 : i32
          %dma_start3A_406 = tpu.memref_slice %arg3[%multiple_of3A_405] : memref<640000xi32, #tpu.memory_space<hbm>> -> memref<256xi32, #tpu.memory_space<hbm>>
          %dma_start3A_407 = tpu.memref_slice %arg3[%multiple_of3A_405] : memref<640000xi32, #tpu.memory_space<hbm>> -> memref<256xi32, #tpu.memory_space<hbm>>
          tpu.enqueue_dma source(%dma_start3A_407 : memref<256xi32, #tpu.memory_space<hbm>>) target(%arg10 : memref<256xi32, #tpu.memory_space<vmem>>) target_semaphore(%arg28 : memref<!tpu.dma_semaphore, #tpu.memory_space<semaphore_mem>>)
        } else {
        }
      } else {
      }
      %sub3A_325 = arith.subi %while3A_280, %select_n3A : i32
      %jit3A_326 = arith.constant 3 : i32
      %eq3A_327 = arith.constant 0 : i32
      %eq3A_328 = arith.cmpi eq, %jit3A_326, %eq3A_327 : i32
      %jit3A_329 = arith.constant 1 : i32
      %select_n3A_330 = arith.select %eq3A_328, %jit3A_329, %jit3A_326 : i32
      %rem3A_331 = arith.remsi %sub3A_325, %select_n3A_330 : i32
      %ne3A_332 = arith.constant 0 : i32
      %ne3A_333 = arith.cmpi ne, %rem3A_331, %ne3A_332 : i32
      %lt3A_334 = arith.constant 0 : i32
      %lt3A_335 = arith.cmpi slt, %rem3A_331, %lt3A_334 : i32
      %lt3A_336 = arith.constant 0 : i32
      %lt3A_337 = arith.cmpi slt, %select_n3A_330, %lt3A_336 : i32
      %ne3A_338 = arith.xori %lt3A_335, %lt3A_337 : i1
      %and3A_339 = arith.andi %ne3A_338, %ne3A_333 : i1
      %add3A_340 = arith.addi %rem3A_331, %select_n3A_330 : i32
      %select_n3A_341 = arith.select %and3A_339, %add3A_340, %rem3A_331 : i32
      %eq3A_342 = arith.constant 2 : i32
      %eq3A_343 = arith.cmpi eq, %select_n3A_341, %eq3A_342 : i32
      %convert_element_type3A_344 = arith.extui %eq3A_343 : i1 to i32
      %cond3A_345 = arith.constant 0 : i32
      %cond3A_346 = arith.cmpi ne, %convert_element_type3A_344, %cond3A_345 : i32
      scf.if %cond3A_346 {
        %dma_wait3A = arith.constant 0 : i32
        %dma_wait3A_347 = tpu.memref_slice %arg11[%dma_wait3A] : memref<256xi32, #tpu.memory_space<vmem>> -> memref<128xi32, #tpu.memory_space<vmem>>
        %dma_wait3A_348 = arith.constant 0 : i32
        %dma_wait3A_349 = arith.constant 0 : i32
        %dma_wait3A_350 = tpu.memref_slice %arg2[%dma_wait3A_348, %dma_wait3A_349] : memref<10000x128xf32, #tpu.memory_space<hbm>> -> memref<10000x128xf32, #tpu.memory_space<hbm>>
        tpu.wait_indirect_dma semaphore(%arg23 : memref<!tpu.dma_semaphore, #tpu.memory_space<semaphore_mem>>) src(%dma_wait3A_350 : memref<10000x128xf32, #tpu.memory_space<hbm>>) dst(%arg17 : memref<128x128xf32, #tpu.memory_space<vmem>>)
        %gt3A = arith.cmpi sgt, %while3A_280, %select_n3A : i32
        %convert_element_type3A_351 = arith.extui %gt3A : i1 to i32
        %cond3A_352 = arith.constant 0 : i32
        %cond3A_353 = arith.cmpi ne, %convert_element_type3A_351, %cond3A_352 : i32
        scf.if %cond3A_353 {
          %dma_wait3A_399 = arith.constant 0 : i32
          %dma_wait3A_400 = arith.constant 0 : i32
          %dma_wait3A_401 = tpu.memref_slice %arg30[%dma_wait3A_399, %dma_wait3A_400] : memref<4000x128xf32, #tpu.memory_space<vmem_shared>> -> memref<4000x128xf32, #tpu.memory_space<vmem_shared>>
          tpu.wait_indirect_dma semaphore(%arg25 : memref<!tpu.dma_semaphore, #tpu.memory_space<semaphore_mem>>) src(%arg16 : memref<128x128xf32, #tpu.memory_space<vmem>>) dst(%dma_wait3A_401 : memref<4000x128xf32, #tpu.memory_space<vmem_shared>>)
        } else {
        }
        %add3A_354 = arith.constant 2 : i32
        %add3A_355 = arith.addi %while3A_280, %add3A_354 : i32
        %lt3A_356 = arith.cmpi slt, %add3A_355, %select_n3A_66 : i32
        %convert_element_type3A_357 = arith.extui %lt3A_356 : i1 to i32
        %cond3A_358 = arith.constant 0 : i32
        %cond3A_359 = arith.cmpi ne, %convert_element_type3A_357, %cond3A_358 : i32
        scf.if %cond3A_359 {
          %add3A_399 = arith.constant 2 : i32
          %add3A_400 = arith.addi %while3A_280, %add3A_399 : i32
          %mul3A_401 = arith.constant 2 : i32
          %mul3A_402 = arith.muli %add3A_400, %mul3A_401 : i32
          %mul3A_403 = arith.constant 128 : i32
          %mul3A_404 = arith.muli %mul3A_402, %mul3A_403 : i32
          %multiple_of3A_405 = tpu.assume_multiple %mul3A_404, 256 : i32
          %dma_wait3A_406 = tpu.memref_slice %arg3[%multiple_of3A_405] : memref<640000xi32, #tpu.memory_space<hbm>> -> memref<256xi32, #tpu.memory_space<hbm>>
          %dma_wait3A_407 = tpu.memref_slice %arg3[%multiple_of3A_405] : memref<640000xi32, #tpu.memory_space<hbm>> -> memref<256xi32, #tpu.memory_space<hbm>>
          tpu.wait_dma2 semaphore(%arg28 : memref<!tpu.dma_semaphore, #tpu.memory_space<semaphore_mem>>) src(%dma_wait3A_407 : memref<256xi32, #tpu.memory_space<hbm>>) dst(%arg10 : memref<256xi32, #tpu.memory_space<vmem>>)
          %dma_start3A_408 = arith.constant 0 : i32
          %dma_start3A_409 = tpu.memref_slice %arg10[%dma_start3A_408] : memref<256xi32, #tpu.memory_space<vmem>> -> memref<128xi32, #tpu.memory_space<vmem>>
          %dma_start3A_410 = arith.constant 0 : i32
          %dma_start3A_411 = arith.constant 0 : i32
          %dma_start3A_412 = tpu.memref_slice %arg2[%dma_start3A_410, %dma_start3A_411] : memref<10000x128xf32, #tpu.memory_space<hbm>> -> memref<10000x128xf32, #tpu.memory_space<hbm>>
          tpu.enqueue_indirect_dma source(%dma_start3A_412 : memref<10000x128xf32, #tpu.memory_space<hbm>>) target(%arg16 : memref<128x128xf32, #tpu.memory_space<vmem>>) offsets(%dma_start3A_409 : memref<128xi32, #tpu.memory_space<vmem>>) semaphore(%arg22 : memref<!tpu.dma_semaphore, #tpu.memory_space<semaphore_mem>>)
        } else {
        }
        %get3A = arith.constant 128 : index
        %get3A_360 = tpu.vector_load %arg11[%get3A] {strides = array<i32>} : memref<256xi32, #tpu.memory_space<vmem>>, vector<16xi32>,
        tpu.vector_store_idx %arg18[%get3A_360], %broadcast_in_dim3A_68 {add = true} : memref<4000xf32, #tpu.memory_space<vmem>>[vector<16xi32>], vector<16xf32>,
        %swap3A = arith.constant 0 : index
        %swap3A_361 = tpu.vector_load %arg14[%swap3A] {strides = array<i32>} : memref<128xi32, #tpu.memory_space<vmem>>, vector<16xi32>,
        tpu.vector_store %arg14[%swap3A], %get3A_360 {strides = array<i32>} : memref<128xi32, #tpu.memory_space<vmem>>, vector<16xi32>,
        %get3A_362 = arith.constant 144 : index
        %get3A_363 = tpu.vector_load %arg11[%get3A_362] {strides = array<i32>} : memref<256xi32, #tpu.memory_space<vmem>>, vector<16xi32>,
        tpu.vector_store_idx %arg18[%get3A_363], %broadcast_in_dim3A_68 {add = true} : memref<4000xf32, #tpu.memory_space<vmem>>[vector<16xi32>], vector<16xf32>,
        %swap3A_364 = arith.constant 16 : index
        %swap3A_365 = tpu.vector_load %arg14[%swap3A_364] {strides = array<i32>} : memref<128xi32, #tpu.memory_space<vmem>>, vector<16xi32>,
        tpu.vector_store %arg14[%swap3A_364], %get3A_363 {strides = array<i32>} : memref<128xi32, #tpu.memory_space<vmem>>, vector<16xi32>,
        %get3A_366 = arith.constant 160 : index
        %get3A_367 = tpu.vector_load %arg11[%get3A_366] {strides = array<i32>} : memref<256xi32, #tpu.memory_space<vmem>>, vector<16xi32>,
        tpu.vector_store_idx %arg18[%get3A_367], %broadcast_in_dim3A_68 {add = true} : memref<4000xf32, #tpu.memory_space<vmem>>[vector<16xi32>], vector<16xf32>,
        %swap3A_368 = arith.constant 32 : index
        %swap3A_369 = tpu.vector_load %arg14[%swap3A_368] {strides = array<i32>} : memref<128xi32, #tpu.memory_space<vmem>>, vector<16xi32>,
        tpu.vector_store %arg14[%swap3A_368], %get3A_367 {strides = array<i32>} : memref<128xi32, #tpu.memory_space<vmem>>, vector<16xi32>,
        %get3A_370 = arith.constant 176 : index
        %get3A_371 = tpu.vector_load %arg11[%get3A_370] {strides = array<i32>} : memref<256xi32, #tpu.memory_space<vmem>>, vector<16xi32>,
        tpu.vector_store_idx %arg18[%get3A_371], %broadcast_in_dim3A_68 {add = true} : memref<4000xf32, #tpu.memory_space<vmem>>[vector<16xi32>], vector<16xf32>,
        %swap3A_372 = arith.constant 48 : index
        %swap3A_373 = tpu.vector_load %arg14[%swap3A_372] {strides = array<i32>} : memref<128xi32, #tpu.memory_space<vmem>>, vector<16xi32>,
        tpu.vector_store %arg14[%swap3A_372], %get3A_371 {strides = array<i32>} : memref<128xi32, #tpu.memory_space<vmem>>, vector<16xi32>,
        %get3A_374 = arith.constant 192 : index
        %get3A_375 = tpu.vector_load %arg11[%get3A_374] {strides = array<i32>} : memref<256xi32, #tpu.memory_space<vmem>>, vector<16xi32>,
        tpu.vector_store_idx %arg18[%get3A_375], %broadcast_in_dim3A_68 {add = true} : memref<4000xf32, #tpu.memory_space<vmem>>[vector<16xi32>], vector<16xf32>,
        %swap3A_376 = arith.constant 64 : index
        %swap3A_377 = tpu.vector_load %arg14[%swap3A_376] {strides = array<i32>} : memref<128xi32, #tpu.memory_space<vmem>>, vector<16xi32>,
        tpu.vector_store %arg14[%swap3A_376], %get3A_375 {strides = array<i32>} : memref<128xi32, #tpu.memory_space<vmem>>, vector<16xi32>,
        %get3A_378 = arith.constant 208 : index
        %get3A_379 = tpu.vector_load %arg11[%get3A_378] {strides = array<i32>} : memref<256xi32, #tpu.memory_space<vmem>>, vector<16xi32>,
        tpu.vector_store_idx %arg18[%get3A_379], %broadcast_in_dim3A_68 {add = true} : memref<4000xf32, #tpu.memory_space<vmem>>[vector<16xi32>], vector<16xf32>,
        %swap3A_380 = arith.constant 80 : index
        %swap3A_381 = tpu.vector_load %arg14[%swap3A_380] {strides = array<i32>} : memref<128xi32, #tpu.memory_space<vmem>>, vector<16xi32>,
        tpu.vector_store %arg14[%swap3A_380], %get3A_379 {strides = array<i32>} : memref<128xi32, #tpu.memory_space<vmem>>, vector<16xi32>,
        %get3A_382 = arith.constant 224 : index
        %get3A_383 = tpu.vector_load %arg11[%get3A_382] {strides = array<i32>} : memref<256xi32, #tpu.memory_space<vmem>>, vector<16xi32>,
        tpu.vector_store_idx %arg18[%get3A_383], %broadcast_in_dim3A_68 {add = true} : memref<4000xf32, #tpu.memory_space<vmem>>[vector<16xi32>], vector<16xf32>,
        %swap3A_384 = arith.constant 96 : index
        %swap3A_385 = tpu.vector_load %arg14[%swap3A_384] {strides = array<i32>} : memref<128xi32, #tpu.memory_space<vmem>>, vector<16xi32>,
        tpu.vector_store %arg14[%swap3A_384], %get3A_383 {strides = array<i32>} : memref<128xi32, #tpu.memory_space<vmem>>, vector<16xi32>,
        %get3A_386 = arith.constant 240 : index
        %get3A_387 = tpu.vector_load %arg11[%get3A_386] {strides = array<i32>} : memref<256xi32, #tpu.memory_space<vmem>>, vector<16xi32>,
        tpu.vector_store_idx %arg18[%get3A_387], %broadcast_in_dim3A_68 {add = true} : memref<4000xf32, #tpu.memory_space<vmem>>[vector<16xi32>], vector<16xf32>,
        %swap3A_388 = arith.constant 112 : index
        %swap3A_389 = tpu.vector_load %arg14[%swap3A_388] {strides = array<i32>} : memref<128xi32, #tpu.memory_space<vmem>>, vector<16xi32>,
        tpu.vector_store %arg14[%swap3A_388], %get3A_387 {strides = array<i32>} : memref<128xi32, #tpu.memory_space<vmem>>, vector<16xi32>,
        %dma_start3A_390 = arith.constant 0 : i32
        %dma_start3A_391 = arith.constant 0 : i32
        %dma_start3A_392 = tpu.memref_slice %arg30[%dma_start3A_390, %dma_start3A_391] : memref<4000x128xf32, #tpu.memory_space<vmem_shared>> -> memref<4000x128xf32, #tpu.memory_space<vmem_shared>>
        tpu.enqueue_indirect_dma source(%arg17 : memref<128x128xf32, #tpu.memory_space<vmem>>) target(%dma_start3A_392 : memref<4000x128xf32, #tpu.memory_space<vmem_shared>>) offsets(%arg14 : memref<128xi32, #tpu.memory_space<vmem>>) semaphore(%arg26 : memref<!tpu.dma_semaphore, #tpu.memory_space<semaphore_mem>>) {add = true}
        %add3A_393 = arith.constant 3 : i32
        %add3A_394 = arith.addi %while3A_280, %add3A_393 : i32
        %lt3A_395 = arith.cmpi slt, %add3A_394, %select_n3A_66 : i32
        %convert_element_type3A_396 = arith.extui %lt3A_395 : i1 to i32
        %cond3A_397 = arith.constant 0 : i32
        %cond3A_398 = arith.cmpi ne, %convert_element_type3A_396, %cond3A_397 : i32
        scf.if %cond3A_398 {
          %add3A_399 = arith.constant 3 : i32
          %add3A_400 = arith.addi %while3A_280, %add3A_399 : i32
          %mul3A_401 = arith.constant 2 : i32
          %mul3A_402 = arith.muli %add3A_400, %mul3A_401 : i32
          %mul3A_403 = arith.constant 128 : i32
          %mul3A_404 = arith.muli %mul3A_402, %mul3A_403 : i32
          %multiple_of3A_405 = tpu.assume_multiple %mul3A_404, 256 : i32
          %dma_start3A_406 = tpu.memref_slice %arg3[%multiple_of3A_405] : memref<640000xi32, #tpu.memory_space<hbm>> -> memref<256xi32, #tpu.memory_space<hbm>>
          %dma_start3A_407 = tpu.memref_slice %arg3[%multiple_of3A_405] : memref<640000xi32, #tpu.memory_space<hbm>> -> memref<256xi32, #tpu.memory_space<hbm>>
          tpu.enqueue_dma source(%dma_start3A_407 : memref<256xi32, #tpu.memory_space<hbm>>) target(%arg11 : memref<256xi32, #tpu.memory_space<vmem>>) target_semaphore(%arg29 : memref<!tpu.dma_semaphore, #tpu.memory_space<semaphore_mem>>)
        } else {
        }
      } else {
      }
    }
    %while3A_106 = arith.constant 1 : i32
    scf.for %while3A_280 = %while3A_104 to %while3A_100 step %while3A_106  : i32 {
      %sub3A_281 = arith.subi %while3A_280, %select_n3A : i32
      %jit3A_282 = arith.constant 3 : i32
      %eq3A_283 = arith.constant 0 : i32
      %eq3A_284 = arith.cmpi eq, %jit3A_282, %eq3A_283 : i32
      %jit3A_285 = arith.constant 1 : i32
      %select_n3A_286 = arith.select %eq3A_284, %jit3A_285, %jit3A_282 : i32
      %rem3A_287 = arith.remsi %sub3A_281, %select_n3A_286 : i32
      %ne3A_288 = arith.constant 0 : i32
      %ne3A_289 = arith.cmpi ne, %rem3A_287, %ne3A_288 : i32
      %lt3A_290 = arith.constant 0 : i32
      %lt3A_291 = arith.cmpi slt, %rem3A_287, %lt3A_290 : i32
      %lt3A_292 = arith.constant 0 : i32
      %lt3A_293 = arith.cmpi slt, %select_n3A_286, %lt3A_292 : i32
      %ne3A_294 = arith.xori %lt3A_291, %lt3A_293 : i1
      %and3A_295 = arith.andi %ne3A_294, %ne3A_289 : i1
      %add3A_296 = arith.addi %rem3A_287, %select_n3A_286 : i32
      %select_n3A_297 = arith.select %and3A_295, %add3A_296, %rem3A_287 : i32
      %eq3A_298 = arith.constant 0 : i32
      %eq3A_299 = arith.cmpi eq, %select_n3A_297, %eq3A_298 : i32
      %convert_element_type3A_300 = arith.extui %eq3A_299 : i1 to i32
      %cond3A_301 = arith.constant 0 : i32
      %cond3A_302 = arith.cmpi ne, %convert_element_type3A_300, %cond3A_301 : i32
      scf.if %cond3A_302 {
        %dma_wait3A = arith.constant 0 : i32
        %dma_wait3A_347 = tpu.memref_slice %arg9[%dma_wait3A] : memref<256xi32, #tpu.memory_space<vmem>> -> memref<128xi32, #tpu.memory_space<vmem>>
        %dma_wait3A_348 = arith.constant 0 : i32
        %dma_wait3A_349 = arith.constant 0 : i32
        %dma_wait3A_350 = tpu.memref_slice %arg2[%dma_wait3A_348, %dma_wait3A_349] : memref<10000x128xf32, #tpu.memory_space<hbm>> -> memref<10000x128xf32, #tpu.memory_space<hbm>>
        tpu.wait_indirect_dma semaphore(%arg21 : memref<!tpu.dma_semaphore, #tpu.memory_space<semaphore_mem>>) src(%dma_wait3A_350 : memref<10000x128xf32, #tpu.memory_space<hbm>>) dst(%arg15 : memref<128x128xf32, #tpu.memory_space<vmem>>)
        %gt3A = arith.cmpi sgt, %while3A_280, %select_n3A : i32
        %convert_element_type3A_351 = arith.extui %gt3A : i1 to i32
        %cond3A_352 = arith.constant 0 : i32
        %cond3A_353 = arith.cmpi ne, %convert_element_type3A_351, %cond3A_352 : i32
        scf.if %cond3A_353 {
          %dma_wait3A_399 = arith.constant 0 : i32
          %dma_wait3A_400 = arith.constant 0 : i32
          %dma_wait3A_401 = tpu.memref_slice %arg30[%dma_wait3A_399, %dma_wait3A_400] : memref<4000x128xf32, #tpu.memory_space<vmem_shared>> -> memref<4000x128xf32, #tpu.memory_space<vmem_shared>>
          tpu.wait_indirect_dma semaphore(%arg26 : memref<!tpu.dma_semaphore, #tpu.memory_space<semaphore_mem>>) src(%arg17 : memref<128x128xf32, #tpu.memory_space<vmem>>) dst(%dma_wait3A_401 : memref<4000x128xf32, #tpu.memory_space<vmem_shared>>)
        } else {
        }
        %add3A_354 = arith.constant 2 : i32
        %add3A_355 = arith.addi %while3A_280, %add3A_354 : i32
        %lt3A_356 = arith.cmpi slt, %add3A_355, %select_n3A_66 : i32
        %convert_element_type3A_357 = arith.extui %lt3A_356 : i1 to i32
        %cond3A_358 = arith.constant 0 : i32
        %cond3A_359 = arith.cmpi ne, %convert_element_type3A_357, %cond3A_358 : i32
        scf.if %cond3A_359 {
          %add3A_399 = arith.constant 2 : i32
          %add3A_400 = arith.addi %while3A_280, %add3A_399 : i32
          %mul3A_401 = arith.constant 2 : i32
          %mul3A_402 = arith.muli %add3A_400, %mul3A_401 : i32
          %mul3A_403 = arith.constant 128 : i32
          %mul3A_404 = arith.muli %mul3A_402, %mul3A_403 : i32
          %multiple_of3A_405 = tpu.assume_multiple %mul3A_404, 256 : i32
          %dma_wait3A_406 = tpu.memref_slice %arg3[%multiple_of3A_405] : memref<640000xi32, #tpu.memory_space<hbm>> -> memref<256xi32, #tpu.memory_space<hbm>>
          %dma_wait3A_407 = tpu.memref_slice %arg3[%multiple_of3A_405] : memref<640000xi32, #tpu.memory_space<hbm>> -> memref<256xi32, #tpu.memory_space<hbm>>
          tpu.wait_dma2 semaphore(%arg29 : memref<!tpu.dma_semaphore, #tpu.memory_space<semaphore_mem>>) src(%dma_wait3A_407 : memref<256xi32, #tpu.memory_space<hbm>>) dst(%arg11 : memref<256xi32, #tpu.memory_space<vmem>>)
          %dma_start3A_408 = arith.constant 0 : i32
          %dma_start3A_409 = tpu.memref_slice %arg11[%dma_start3A_408] : memref<256xi32, #tpu.memory_space<vmem>> -> memref<128xi32, #tpu.memory_space<vmem>>
          %dma_start3A_410 = arith.constant 0 : i32
          %dma_start3A_411 = arith.constant 0 : i32
          %dma_start3A_412 = tpu.memref_slice %arg2[%dma_start3A_410, %dma_start3A_411] : memref<10000x128xf32, #tpu.memory_space<hbm>> -> memref<10000x128xf32, #tpu.memory_space<hbm>>
          tpu.enqueue_indirect_dma source(%dma_start3A_412 : memref<10000x128xf32, #tpu.memory_space<hbm>>) target(%arg17 : memref<128x128xf32, #tpu.memory_space<vmem>>) offsets(%dma_start3A_409 : memref<128xi32, #tpu.memory_space<vmem>>) semaphore(%arg23 : memref<!tpu.dma_semaphore, #tpu.memory_space<semaphore_mem>>)
        } else {
        }
        %get3A = arith.constant 128 : index
        %get3A_360 = tpu.vector_load %arg9[%get3A] {strides = array<i32>} : memref<256xi32, #tpu.memory_space<vmem>>, vector<16xi32>,
        tpu.vector_store_idx %arg18[%get3A_360], %broadcast_in_dim3A_68 {add = true} : memref<4000xf32, #tpu.memory_space<vmem>>[vector<16xi32>], vector<16xf32>,
        %swap3A = arith.constant 0 : index
        %swap3A_361 = tpu.vector_load %arg12[%swap3A] {strides = array<i32>} : memref<128xi32, #tpu.memory_space<vmem>>, vector<16xi32>,
        tpu.vector_store %arg12[%swap3A], %get3A_360 {strides = array<i32>} : memref<128xi32, #tpu.memory_space<vmem>>, vector<16xi32>,
        %get3A_362 = arith.constant 144 : index
        %get3A_363 = tpu.vector_load %arg9[%get3A_362] {strides = array<i32>} : memref<256xi32, #tpu.memory_space<vmem>>, vector<16xi32>,
        tpu.vector_store_idx %arg18[%get3A_363], %broadcast_in_dim3A_68 {add = true} : memref<4000xf32, #tpu.memory_space<vmem>>[vector<16xi32>], vector<16xf32>,
        %swap3A_364 = arith.constant 16 : index
        %swap3A_365 = tpu.vector_load %arg12[%swap3A_364] {strides = array<i32>} : memref<128xi32, #tpu.memory_space<vmem>>, vector<16xi32>,
        tpu.vector_store %arg12[%swap3A_364], %get3A_363 {strides = array<i32>} : memref<128xi32, #tpu.memory_space<vmem>>, vector<16xi32>,
        %get3A_366 = arith.constant 160 : index
        %get3A_367 = tpu.vector_load %arg9[%get3A_366] {strides = array<i32>} : memref<256xi32, #tpu.memory_space<vmem>>, vector<16xi32>,
        tpu.vector_store_idx %arg18[%get3A_367], %broadcast_in_dim3A_68 {add = true} : memref<4000xf32, #tpu.memory_space<vmem>>[vector<16xi32>], vector<16xf32>,
        %swap3A_368 = arith.constant 32 : index
        %swap3A_369 = tpu.vector_load %arg12[%swap3A_368] {strides = array<i32>} : memref<128xi32, #tpu.memory_space<vmem>>, vector<16xi32>,
        tpu.vector_store %arg12[%swap3A_368], %get3A_367 {strides = array<i32>} : memref<128xi32, #tpu.memory_space<vmem>>, vector<16xi32>,
        %get3A_370 = arith.constant 176 : index
        %get3A_371 = tpu.vector_load %arg9[%get3A_370] {strides = array<i32>} : memref<256xi32, #tpu.memory_space<vmem>>, vector<16xi32>,
        tpu.vector_store_idx %arg18[%get3A_371], %broadcast_in_dim3A_68 {add = true} : memref<4000xf32, #tpu.memory_space<vmem>>[vector<16xi32>], vector<16xf32>,
        %swap3A_372 = arith.constant 48 : index
        %swap3A_373 = tpu.vector_load %arg12[%swap3A_372] {strides = array<i32>} : memref<128xi32, #tpu.memory_space<vmem>>, vector<16xi32>,
        tpu.vector_store %arg12[%swap3A_372], %get3A_371 {strides = array<i32>} : memref<128xi32, #tpu.memory_space<vmem>>, vector<16xi32>,
        %get3A_374 = arith.constant 192 : index
        %get3A_375 = tpu.vector_load %arg9[%get3A_374] {strides = array<i32>} : memref<256xi32, #tpu.memory_space<vmem>>, vector<16xi32>,
        tpu.vector_store_idx %arg18[%get3A_375], %broadcast_in_dim3A_68 {add = true} : memref<4000xf32, #tpu.memory_space<vmem>>[vector<16xi32>], vector<16xf32>,
        %swap3A_376 = arith.constant 64 : index
        %swap3A_377 = tpu.vector_load %arg12[%swap3A_376] {strides = array<i32>} : memref<128xi32, #tpu.memory_space<vmem>>, vector<16xi32>,
        tpu.vector_store %arg12[%swap3A_376], %get3A_375 {strides = array<i32>} : memref<128xi32, #tpu.memory_space<vmem>>, vector<16xi32>,
        %get3A_378 = arith.constant 208 : index
        %get3A_379 = tpu.vector_load %arg9[%get3A_378] {strides = array<i32>} : memref<256xi32, #tpu.memory_space<vmem>>, vector<16xi32>,
        tpu.vector_store_idx %arg18[%get3A_379], %broadcast_in_dim3A_68 {add = true} : memref<4000xf32, #tpu.memory_space<vmem>>[vector<16xi32>], vector<16xf32>,
        %swap3A_380 = arith.constant 80 : index
        %swap3A_381 = tpu.vector_load %arg12[%swap3A_380] {strides = array<i32>} : memref<128xi32, #tpu.memory_space<vmem>>, vector<16xi32>,
        tpu.vector_store %arg12[%swap3A_380], %get3A_379 {strides = array<i32>} : memref<128xi32, #tpu.memory_space<vmem>>, vector<16xi32>,
        %get3A_382 = arith.constant 224 : index
        %get3A_383 = tpu.vector_load %arg9[%get3A_382] {strides = array<i32>} : memref<256xi32, #tpu.memory_space<vmem>>, vector<16xi32>,
        tpu.vector_store_idx %arg18[%get3A_383], %broadcast_in_dim3A_68 {add = true} : memref<4000xf32, #tpu.memory_space<vmem>>[vector<16xi32>], vector<16xf32>,
        %swap3A_384 = arith.constant 96 : index
        %swap3A_385 = tpu.vector_load %arg12[%swap3A_384] {strides = array<i32>} : memref<128xi32, #tpu.memory_space<vmem>>, vector<16xi32>,
        tpu.vector_store %arg12[%swap3A_384], %get3A_383 {strides = array<i32>} : memref<128xi32, #tpu.memory_space<vmem>>, vector<16xi32>,
        %get3A_386 = arith.constant 240 : index
        %get3A_387 = tpu.vector_load %arg9[%get3A_386] {strides = array<i32>} : memref<256xi32, #tpu.memory_space<vmem>>, vector<16xi32>,
        tpu.vector_store_idx %arg18[%get3A_387], %broadcast_in_dim3A_68 {add = true} : memref<4000xf32, #tpu.memory_space<vmem>>[vector<16xi32>], vector<16xf32>,
        %swap3A_388 = arith.constant 112 : index
        %swap3A_389 = tpu.vector_load %arg12[%swap3A_388] {strides = array<i32>} : memref<128xi32, #tpu.memory_space<vmem>>, vector<16xi32>,
        tpu.vector_store %arg12[%swap3A_388], %get3A_387 {strides = array<i32>} : memref<128xi32, #tpu.memory_space<vmem>>, vector<16xi32>,
        %dma_start3A_390 = arith.constant 0 : i32
        %dma_start3A_391 = arith.constant 0 : i32
        %dma_start3A_392 = tpu.memref_slice %arg30[%dma_start3A_390, %dma_start3A_391] : memref<4000x128xf32, #tpu.memory_space<vmem_shared>> -> memref<4000x128xf32, #tpu.memory_space<vmem_shared>>
        tpu.enqueue_indirect_dma source(%arg15 : memref<128x128xf32, #tpu.memory_space<vmem>>) target(%dma_start3A_392 : memref<4000x128xf32, #tpu.memory_space<vmem_shared>>) offsets(%arg12 : memref<128xi32, #tpu.memory_space<vmem>>) semaphore(%arg24 : memref<!tpu.dma_semaphore, #tpu.memory_space<semaphore_mem>>) {add = true}
        %add3A_393 = arith.constant 3 : i32
        %add3A_394 = arith.addi %while3A_280, %add3A_393 : i32
        %lt3A_395 = arith.cmpi slt, %add3A_394, %select_n3A_66 : i32
        %convert_element_type3A_396 = arith.extui %lt3A_395 : i1 to i32
        %cond3A_397 = arith.constant 0 : i32
        %cond3A_398 = arith.cmpi ne, %convert_element_type3A_396, %cond3A_397 : i32
        scf.if %cond3A_398 {
          %add3A_399 = arith.constant 3 : i32
          %add3A_400 = arith.addi %while3A_280, %add3A_399 : i32
          %mul3A_401 = arith.constant 2 : i32
          %mul3A_402 = arith.muli %add3A_400, %mul3A_401 : i32
          %mul3A_403 = arith.constant 128 : i32
          %mul3A_404 = arith.muli %mul3A_402, %mul3A_403 : i32
          %multiple_of3A_405 = tpu.assume_multiple %mul3A_404, 256 : i32
          %dma_start3A_406 = tpu.memref_slice %arg3[%multiple_of3A_405] : memref<640000xi32, #tpu.memory_space<hbm>> -> memref<256xi32, #tpu.memory_space<hbm>>
          %dma_start3A_407 = tpu.memref_slice %arg3[%multiple_of3A_405] : memref<640000xi32, #tpu.memory_space<hbm>> -> memref<256xi32, #tpu.memory_space<hbm>>
          tpu.enqueue_dma source(%dma_start3A_407 : memref<256xi32, #tpu.memory_space<hbm>>) target(%arg9 : memref<256xi32, #tpu.memory_space<vmem>>) target_semaphore(%arg27 : memref<!tpu.dma_semaphore, #tpu.memory_space<semaphore_mem>>)
        } else {
        }
      } else {
      }
      %sub3A_303 = arith.subi %while3A_280, %select_n3A : i32
      %jit3A_304 = arith.constant 3 : i32
      %eq3A_305 = arith.constant 0 : i32
      %eq3A_306 = arith.cmpi eq, %jit3A_304, %eq3A_305 : i32
      %jit3A_307 = arith.constant 1 : i32
      %select_n3A_308 = arith.select %eq3A_306, %jit3A_307, %jit3A_304 : i32
      %rem3A_309 = arith.remsi %sub3A_303, %select_n3A_308 : i32
      %ne3A_310 = arith.constant 0 : i32
      %ne3A_311 = arith.cmpi ne, %rem3A_309, %ne3A_310 : i32
      %lt3A_312 = arith.constant 0 : i32
      %lt3A_313 = arith.cmpi slt, %rem3A_309, %lt3A_312 : i32
      %lt3A_314 = arith.constant 0 : i32
      %lt3A_315 = arith.cmpi slt, %select_n3A_308, %lt3A_314 : i32
      %ne3A_316 = arith.xori %lt3A_313, %lt3A_315 : i1
      %and3A_317 = arith.andi %ne3A_316, %ne3A_311 : i1
      %add3A_318 = arith.addi %rem3A_309, %select_n3A_308 : i32
      %select_n3A_319 = arith.select %and3A_317, %add3A_318, %rem3A_309 : i32
      %eq3A_320 = arith.constant 1 : i32
      %eq3A_321 = arith.cmpi eq, %select_n3A_319, %eq3A_320 : i32
      %convert_element_type3A_322 = arith.extui %eq3A_321 : i1 to i32
      %cond3A_323 = arith.constant 0 : i32
      %cond3A_324 = arith.cmpi ne, %convert_element_type3A_322, %cond3A_323 : i32
      scf.if %cond3A_324 {
        %dma_wait3A = arith.constant 0 : i32
        %dma_wait3A_347 = tpu.memref_slice %arg10[%dma_wait3A] : memref<256xi32, #tpu.memory_space<vmem>> -> memref<128xi32, #tpu.memory_space<vmem>>
        %dma_wait3A_348 = arith.constant 0 : i32
        %dma_wait3A_349 = arith.constant 0 : i32
        %dma_wait3A_350 = tpu.memref_slice %arg2[%dma_wait3A_348, %dma_wait3A_349] : memref<10000x128xf32, #tpu.memory_space<hbm>> -> memref<10000x128xf32, #tpu.memory_space<hbm>>
        tpu.wait_indirect_dma semaphore(%arg22 : memref<!tpu.dma_semaphore, #tpu.memory_space<semaphore_mem>>) src(%dma_wait3A_350 : memref<10000x128xf32, #tpu.memory_space<hbm>>) dst(%arg16 : memref<128x128xf32, #tpu.memory_space<vmem>>)
        %gt3A = arith.cmpi sgt, %while3A_280, %select_n3A : i32
        %convert_element_type3A_351 = arith.extui %gt3A : i1 to i32
        %cond3A_352 = arith.constant 0 : i32
        %cond3A_353 = arith.cmpi ne, %convert_element_type3A_351, %cond3A_352 : i32
        scf.if %cond3A_353 {
          %dma_wait3A_399 = arith.constant 0 : i32
          %dma_wait3A_400 = arith.constant 0 : i32
          %dma_wait3A_401 = tpu.memref_slice %arg30[%dma_wait3A_399, %dma_wait3A_400] : memref<4000x128xf32, #tpu.memory_space<vmem_shared>> -> memref<4000x128xf32, #tpu.memory_space<vmem_shared>>
          tpu.wait_indirect_dma semaphore(%arg24 : memref<!tpu.dma_semaphore, #tpu.memory_space<semaphore_mem>>) src(%arg15 : memref<128x128xf32, #tpu.memory_space<vmem>>) dst(%dma_wait3A_401 : memref<4000x128xf32, #tpu.memory_space<vmem_shared>>)
        } else {
        }
        %add3A_354 = arith.constant 2 : i32
        %add3A_355 = arith.addi %while3A_280, %add3A_354 : i32
        %lt3A_356 = arith.cmpi slt, %add3A_355, %select_n3A_66 : i32
        %convert_element_type3A_357 = arith.extui %lt3A_356 : i1 to i32
        %cond3A_358 = arith.constant 0 : i32
        %cond3A_359 = arith.cmpi ne, %convert_element_type3A_357, %cond3A_358 : i32
        scf.if %cond3A_359 {
          %add3A_399 = arith.constant 2 : i32
          %add3A_400 = arith.addi %while3A_280, %add3A_399 : i32
          %mul3A_401 = arith.constant 2 : i32
          %mul3A_402 = arith.muli %add3A_400, %mul3A_401 : i32
          %mul3A_403 = arith.constant 128 : i32
          %mul3A_404 = arith.muli %mul3A_402, %mul3A_403 : i32
          %multiple_of3A_405 = tpu.assume_multiple %mul3A_404, 256 : i32
          %dma_wait3A_406 = tpu.memref_slice %arg3[%multiple_of3A_405] : memref<640000xi32, #tpu.memory_space<hbm>> -> memref<256xi32, #tpu.memory_space<hbm>>
          %dma_wait3A_407 = tpu.memref_slice %arg3[%multiple_of3A_405] : memref<640000xi32, #tpu.memory_space<hbm>> -> memref<256xi32, #tpu.memory_space<hbm>>
          tpu.wait_dma2 semaphore(%arg27 : memref<!tpu.dma_semaphore, #tpu.memory_space<semaphore_mem>>) src(%dma_wait3A_407 : memref<256xi32, #tpu.memory_space<hbm>>) dst(%arg9 : memref<256xi32, #tpu.memory_space<vmem>>)
          %dma_start3A_408 = arith.constant 0 : i32
          %dma_start3A_409 = tpu.memref_slice %arg9[%dma_start3A_408] : memref<256xi32, #tpu.memory_space<vmem>> -> memref<128xi32, #tpu.memory_space<vmem>>
          %dma_start3A_410 = arith.constant 0 : i32
          %dma_start3A_411 = arith.constant 0 : i32
          %dma_start3A_412 = tpu.memref_slice %arg2[%dma_start3A_410, %dma_start3A_411] : memref<10000x128xf32, #tpu.memory_space<hbm>> -> memref<10000x128xf32, #tpu.memory_space<hbm>>
          tpu.enqueue_indirect_dma source(%dma_start3A_412 : memref<10000x128xf32, #tpu.memory_space<hbm>>) target(%arg15 : memref<128x128xf32, #tpu.memory_space<vmem>>) offsets(%dma_start3A_409 : memref<128xi32, #tpu.memory_space<vmem>>) semaphore(%arg21 : memref<!tpu.dma_semaphore, #tpu.memory_space<semaphore_mem>>)
        } else {
        }
        %get3A = arith.constant 128 : index
        %get3A_360 = tpu.vector_load %arg10[%get3A] {strides = array<i32>} : memref<256xi32, #tpu.memory_space<vmem>>, vector<16xi32>,
        tpu.vector_store_idx %arg18[%get3A_360], %broadcast_in_dim3A_68 {add = true} : memref<4000xf32, #tpu.memory_space<vmem>>[vector<16xi32>], vector<16xf32>,
        %swap3A = arith.constant 0 : index
        %swap3A_361 = tpu.vector_load %arg13[%swap3A] {strides = array<i32>} : memref<128xi32, #tpu.memory_space<vmem>>, vector<16xi32>,
        tpu.vector_store %arg13[%swap3A], %get3A_360 {strides = array<i32>} : memref<128xi32, #tpu.memory_space<vmem>>, vector<16xi32>,
        %get3A_362 = arith.constant 144 : index
        %get3A_363 = tpu.vector_load %arg10[%get3A_362] {strides = array<i32>} : memref<256xi32, #tpu.memory_space<vmem>>, vector<16xi32>,
        tpu.vector_store_idx %arg18[%get3A_363], %broadcast_in_dim3A_68 {add = true} : memref<4000xf32, #tpu.memory_space<vmem>>[vector<16xi32>], vector<16xf32>,
        %swap3A_364 = arith.constant 16 : index
        %swap3A_365 = tpu.vector_load %arg13[%swap3A_364] {strides = array<i32>} : memref<128xi32, #tpu.memory_space<vmem>>, vector<16xi32>,
        tpu.vector_store %arg13[%swap3A_364], %get3A_363 {strides = array<i32>} : memref<128xi32, #tpu.memory_space<vmem>>, vector<16xi32>,
        %get3A_366 = arith.constant 160 : index
        %get3A_367 = tpu.vector_load %arg10[%get3A_366] {strides = array<i32>} : memref<256xi32, #tpu.memory_space<vmem>>, vector<16xi32>,
        tpu.vector_store_idx %arg18[%get3A_367], %broadcast_in_dim3A_68 {add = true} : memref<4000xf32, #tpu.memory_space<vmem>>[vector<16xi32>], vector<16xf32>,
        %swap3A_368 = arith.constant 32 : index
        %swap3A_369 = tpu.vector_load %arg13[%swap3A_368] {strides = array<i32>} : memref<128xi32, #tpu.memory_space<vmem>>, vector<16xi32>,
        tpu.vector_store %arg13[%swap3A_368], %get3A_367 {strides = array<i32>} : memref<128xi32, #tpu.memory_space<vmem>>, vector<16xi32>,
        %get3A_370 = arith.constant 176 : index
        %get3A_371 = tpu.vector_load %arg10[%get3A_370] {strides = array<i32>} : memref<256xi32, #tpu.memory_space<vmem>>, vector<16xi32>,
        tpu.vector_store_idx %arg18[%get3A_371], %broadcast_in_dim3A_68 {add = true} : memref<4000xf32, #tpu.memory_space<vmem>>[vector<16xi32>], vector<16xf32>,
        %swap3A_372 = arith.constant 48 : index
        %swap3A_373 = tpu.vector_load %arg13[%swap3A_372] {strides = array<i32>} : memref<128xi32, #tpu.memory_space<vmem>>, vector<16xi32>,
        tpu.vector_store %arg13[%swap3A_372], %get3A_371 {strides = array<i32>} : memref<128xi32, #tpu.memory_space<vmem>>, vector<16xi32>,
        %get3A_374 = arith.constant 192 : index
        %get3A_375 = tpu.vector_load %arg10[%get3A_374] {strides = array<i32>} : memref<256xi32, #tpu.memory_space<vmem>>, vector<16xi32>,
        tpu.vector_store_idx %arg18[%get3A_375], %broadcast_in_dim3A_68 {add = true} : memref<4000xf32, #tpu.memory_space<vmem>>[vector<16xi32>], vector<16xf32>,
        %swap3A_376 = arith.constant 64 : index
        %swap3A_377 = tpu.vector_load %arg13[%swap3A_376] {strides = array<i32>} : memref<128xi32, #tpu.memory_space<vmem>>, vector<16xi32>,
        tpu.vector_store %arg13[%swap3A_376], %get3A_375 {strides = array<i32>} : memref<128xi32, #tpu.memory_space<vmem>>, vector<16xi32>,
        %get3A_378 = arith.constant 208 : index
        %get3A_379 = tpu.vector_load %arg10[%get3A_378] {strides = array<i32>} : memref<256xi32, #tpu.memory_space<vmem>>, vector<16xi32>,
        tpu.vector_store_idx %arg18[%get3A_379], %broadcast_in_dim3A_68 {add = true} : memref<4000xf32, #tpu.memory_space<vmem>>[vector<16xi32>], vector<16xf32>,
        %swap3A_380 = arith.constant 80 : index
        %swap3A_381 = tpu.vector_load %arg13[%swap3A_380] {strides = array<i32>} : memref<128xi32, #tpu.memory_space<vmem>>, vector<16xi32>,
        tpu.vector_store %arg13[%swap3A_380], %get3A_379 {strides = array<i32>} : memref<128xi32, #tpu.memory_space<vmem>>, vector<16xi32>,
        %get3A_382 = arith.constant 224 : index
        %get3A_383 = tpu.vector_load %arg10[%get3A_382] {strides = array<i32>} : memref<256xi32, #tpu.memory_space<vmem>>, vector<16xi32>,
        tpu.vector_store_idx %arg18[%get3A_383], %broadcast_in_dim3A_68 {add = true} : memref<4000xf32, #tpu.memory_space<vmem>>[vector<16xi32>], vector<16xf32>,
        %swap3A_384 = arith.constant 96 : index
        %swap3A_385 = tpu.vector_load %arg13[%swap3A_384] {strides = array<i32>} : memref<128xi32, #tpu.memory_space<vmem>>, vector<16xi32>,
        tpu.vector_store %arg13[%swap3A_384], %get3A_383 {strides = array<i32>} : memref<128xi32, #tpu.memory_space<vmem>>, vector<16xi32>,
        %get3A_386 = arith.constant 240 : index
        %get3A_387 = tpu.vector_load %arg10[%get3A_386] {strides = array<i32>} : memref<256xi32, #tpu.memory_space<vmem>>, vector<16xi32>,
        tpu.vector_store_idx %arg18[%get3A_387], %broadcast_in_dim3A_68 {add = true} : memref<4000xf32, #tpu.memory_space<vmem>>[vector<16xi32>], vector<16xf32>,
        %swap3A_388 = arith.constant 112 : index
        %swap3A_389 = tpu.vector_load %arg13[%swap3A_388] {strides = array<i32>} : memref<128xi32, #tpu.memory_space<vmem>>, vector<16xi32>,
        tpu.vector_store %arg13[%swap3A_388], %get3A_387 {strides = array<i32>} : memref<128xi32, #tpu.memory_space<vmem>>, vector<16xi32>,
        %dma_start3A_390 = arith.constant 0 : i32
        %dma_start3A_391 = arith.constant 0 : i32
        %dma_start3A_392 = tpu.memref_slice %arg30[%dma_start3A_390, %dma_start3A_391] : memref<4000x128xf32, #tpu.memory_space<vmem_shared>> -> memref<4000x128xf32, #tpu.memory_space<vmem_shared>>
        tpu.enqueue_indirect_dma source(%arg16 : memref<128x128xf32, #tpu.memory_space<vmem>>) target(%dma_start3A_392 : memref<4000x128xf32, #tpu.memory_space<vmem_shared>>) offsets(%arg13 : memref<128xi32, #tpu.memory_space<vmem>>) semaphore(%arg25 : memref<!tpu.dma_semaphore, #tpu.memory_space<semaphore_mem>>) {add = true}
        %add3A_393 = arith.constant 3 : i32
        %add3A_394 = arith.addi %while3A_280, %add3A_393 : i32
        %lt3A_395 = arith.cmpi slt, %add3A_394, %select_n3A_66 : i32
        %convert_element_type3A_396 = arith.extui %lt3A_395 : i1 to i32
        %cond3A_397 = arith.constant 0 : i32
        %cond3A_398 = arith.cmpi ne, %convert_element_type3A_396, %cond3A_397 : i32
        scf.if %cond3A_398 {
          %add3A_399 = arith.constant 3 : i32
          %add3A_400 = arith.addi %while3A_280, %add3A_399 : i32
          %mul3A_401 = arith.constant 2 : i32
          %mul3A_402 = arith.muli %add3A_400, %mul3A_401 : i32
          %mul3A_403 = arith.constant 128 : i32
          %mul3A_404 = arith.muli %mul3A_402, %mul3A_403 : i32
          %multiple_of3A_405 = tpu.assume_multiple %mul3A_404, 256 : i32
          %dma_start3A_406 = tpu.memref_slice %arg3[%multiple_of3A_405] : memref<640000xi32, #tpu.memory_space<hbm>> -> memref<256xi32, #tpu.memory_space<hbm>>
          %dma_start3A_407 = tpu.memref_slice %arg3[%multiple_of3A_405] : memref<640000xi32, #tpu.memory_space<hbm>> -> memref<256xi32, #tpu.memory_space<hbm>>
          tpu.enqueue_dma source(%dma_start3A_407 : memref<256xi32, #tpu.memory_space<hbm>>) target(%arg10 : memref<256xi32, #tpu.memory_space<vmem>>) target_semaphore(%arg28 : memref<!tpu.dma_semaphore, #tpu.memory_space<semaphore_mem>>)
        } else {
        }
      } else {
      }
      %sub3A_325 = arith.subi %while3A_280, %select_n3A : i32
      %jit3A_326 = arith.constant 3 : i32
      %eq3A_327 = arith.constant 0 : i32
      %eq3A_328 = arith.cmpi eq, %jit3A_326, %eq3A_327 : i32
      %jit3A_329 = arith.constant 1 : i32
      %select_n3A_330 = arith.select %eq3A_328, %jit3A_329, %jit3A_326 : i32
      %rem3A_331 = arith.remsi %sub3A_325, %select_n3A_330 : i32
      %ne3A_332 = arith.constant 0 : i32
      %ne3A_333 = arith.cmpi ne, %rem3A_331, %ne3A_332 : i32
      %lt3A_334 = arith.constant 0 : i32
      %lt3A_335 = arith.cmpi slt, %rem3A_331, %lt3A_334 : i32
      %lt3A_336 = arith.constant 0 : i32
      %lt3A_337 = arith.cmpi slt, %select_n3A_330, %lt3A_336 : i32
      %ne3A_338 = arith.xori %lt3A_335, %lt3A_337 : i1
      %and3A_339 = arith.andi %ne3A_338, %ne3A_333 : i1
      %add3A_340 = arith.addi %rem3A_331, %select_n3A_330 : i32
      %select_n3A_341 = arith.select %and3A_339, %add3A_340, %rem3A_331 : i32
      %eq3A_342 = arith.constant 2 : i32
      %eq3A_343 = arith.cmpi eq, %select_n3A_341, %eq3A_342 : i32
      %convert_element_type3A_344 = arith.extui %eq3A_343 : i1 to i32
      %cond3A_345 = arith.constant 0 : i32
      %cond3A_346 = arith.cmpi ne, %convert_element_type3A_344, %cond3A_345 : i32
      scf.if %cond3A_346 {
        %dma_wait3A = arith.constant 0 : i32
        %dma_wait3A_347 = tpu.memref_slice %arg11[%dma_wait3A] : memref<256xi32, #tpu.memory_space<vmem>> -> memref<128xi32, #tpu.memory_space<vmem>>
        %dma_wait3A_348 = arith.constant 0 : i32
        %dma_wait3A_349 = arith.constant 0 : i32
        %dma_wait3A_350 = tpu.memref_slice %arg2[%dma_wait3A_348, %dma_wait3A_349] : memref<10000x128xf32, #tpu.memory_space<hbm>> -> memref<10000x128xf32, #tpu.memory_space<hbm>>
        tpu.wait_indirect_dma semaphore(%arg23 : memref<!tpu.dma_semaphore, #tpu.memory_space<semaphore_mem>>) src(%dma_wait3A_350 : memref<10000x128xf32, #tpu.memory_space<hbm>>) dst(%arg17 : memref<128x128xf32, #tpu.memory_space<vmem>>)
        %gt3A = arith.cmpi sgt, %while3A_280, %select_n3A : i32
        %convert_element_type3A_351 = arith.extui %gt3A : i1 to i32
        %cond3A_352 = arith.constant 0 : i32
        %cond3A_353 = arith.cmpi ne, %convert_element_type3A_351, %cond3A_352 : i32
        scf.if %cond3A_353 {
          %dma_wait3A_399 = arith.constant 0 : i32
          %dma_wait3A_400 = arith.constant 0 : i32
          %dma_wait3A_401 = tpu.memref_slice %arg30[%dma_wait3A_399, %dma_wait3A_400] : memref<4000x128xf32, #tpu.memory_space<vmem_shared>> -> memref<4000x128xf32, #tpu.memory_space<vmem_shared>>
          tpu.wait_indirect_dma semaphore(%arg25 : memref<!tpu.dma_semaphore, #tpu.memory_space<semaphore_mem>>) src(%arg16 : memref<128x128xf32, #tpu.memory_space<vmem>>) dst(%dma_wait3A_401 : memref<4000x128xf32, #tpu.memory_space<vmem_shared>>)
        } else {
        }
        %add3A_354 = arith.constant 2 : i32
        %add3A_355 = arith.addi %while3A_280, %add3A_354 : i32
        %lt3A_356 = arith.cmpi slt, %add3A_355, %select_n3A_66 : i32
        %convert_element_type3A_357 = arith.extui %lt3A_356 : i1 to i32
        %cond3A_358 = arith.constant 0 : i32
        %cond3A_359 = arith.cmpi ne, %convert_element_type3A_357, %cond3A_358 : i32
        scf.if %cond3A_359 {
          %add3A_399 = arith.constant 2 : i32
          %add3A_400 = arith.addi %while3A_280, %add3A_399 : i32
          %mul3A_401 = arith.constant 2 : i32
          %mul3A_402 = arith.muli %add3A_400, %mul3A_401 : i32
          %mul3A_403 = arith.constant 128 : i32
          %mul3A_404 = arith.muli %mul3A_402, %mul3A_403 : i32
          %multiple_of3A_405 = tpu.assume_multiple %mul3A_404, 256 : i32
          %dma_wait3A_406 = tpu.memref_slice %arg3[%multiple_of3A_405] : memref<640000xi32, #tpu.memory_space<hbm>> -> memref<256xi32, #tpu.memory_space<hbm>>
          %dma_wait3A_407 = tpu.memref_slice %arg3[%multiple_of3A_405] : memref<640000xi32, #tpu.memory_space<hbm>> -> memref<256xi32, #tpu.memory_space<hbm>>
          tpu.wait_dma2 semaphore(%arg28 : memref<!tpu.dma_semaphore, #tpu.memory_space<semaphore_mem>>) src(%dma_wait3A_407 : memref<256xi32, #tpu.memory_space<hbm>>) dst(%arg10 : memref<256xi32, #tpu.memory_space<vmem>>)
          %dma_start3A_408 = arith.constant 0 : i32
          %dma_start3A_409 = tpu.memref_slice %arg10[%dma_start3A_408] : memref<256xi32, #tpu.memory_space<vmem>> -> memref<128xi32, #tpu.memory_space<vmem>>
          %dma_start3A_410 = arith.constant 0 : i32
          %dma_start3A_411 = arith.constant 0 : i32
          %dma_start3A_412 = tpu.memref_slice %arg2[%dma_start3A_410, %dma_start3A_411] : memref<10000x128xf32, #tpu.memory_space<hbm>> -> memref<10000x128xf32, #tpu.memory_space<hbm>>
          tpu.enqueue_indirect_dma source(%dma_start3A_412 : memref<10000x128xf32, #tpu.memory_space<hbm>>) target(%arg16 : memref<128x128xf32, #tpu.memory_space<vmem>>) offsets(%dma_start3A_409 : memref<128xi32, #tpu.memory_space<vmem>>) semaphore(%arg22 : memref<!tpu.dma_semaphore, #tpu.memory_space<semaphore_mem>>)
        } else {
        }
        %get3A = arith.constant 128 : index
        %get3A_360 = tpu.vector_load %arg11[%get3A] {strides = array<i32>} : memref<256xi32, #tpu.memory_space<vmem>>, vector<16xi32>,
        tpu.vector_store_idx %arg18[%get3A_360], %broadcast_in_dim3A_68 {add = true} : memref<4000xf32, #tpu.memory_space<vmem>>[vector<16xi32>], vector<16xf32>,
        %swap3A = arith.constant 0 : index
        %swap3A_361 = tpu.vector_load %arg14[%swap3A] {strides = array<i32>} : memref<128xi32, #tpu.memory_space<vmem>>, vector<16xi32>,
        tpu.vector_store %arg14[%swap3A], %get3A_360 {strides = array<i32>} : memref<128xi32, #tpu.memory_space<vmem>>, vector<16xi32>,
        %get3A_362 = arith.constant 144 : index
        %get3A_363 = tpu.vector_load %arg11[%get3A_362] {strides = array<i32>} : memref<256xi32, #tpu.memory_space<vmem>>, vector<16xi32>,
        tpu.vector_store_idx %arg18[%get3A_363], %broadcast_in_dim3A_68 {add = true} : memref<4000xf32, #tpu.memory_space<vmem>>[vector<16xi32>], vector<16xf32>,
        %swap3A_364 = arith.constant 16 : index
        %swap3A_365 = tpu.vector_load %arg14[%swap3A_364] {strides = array<i32>} : memref<128xi32, #tpu.memory_space<vmem>>, vector<16xi32>,
        tpu.vector_store %arg14[%swap3A_364], %get3A_363 {strides = array<i32>} : memref<128xi32, #tpu.memory_space<vmem>>, vector<16xi32>,
        %get3A_366 = arith.constant 160 : index
        %get3A_367 = tpu.vector_load %arg11[%get3A_366] {strides = array<i32>} : memref<256xi32, #tpu.memory_space<vmem>>, vector<16xi32>,
        tpu.vector_store_idx %arg18[%get3A_367], %broadcast_in_dim3A_68 {add = true} : memref<4000xf32, #tpu.memory_space<vmem>>[vector<16xi32>], vector<16xf32>,
        %swap3A_368 = arith.constant 32 : index
        %swap3A_369 = tpu.vector_load %arg14[%swap3A_368] {strides = array<i32>} : memref<128xi32, #tpu.memory_space<vmem>>, vector<16xi32>,
        tpu.vector_store %arg14[%swap3A_368], %get3A_367 {strides = array<i32>} : memref<128xi32, #tpu.memory_space<vmem>>, vector<16xi32>,
        %get3A_370 = arith.constant 176 : index
        %get3A_371 = tpu.vector_load %arg11[%get3A_370] {strides = array<i32>} : memref<256xi32, #tpu.memory_space<vmem>>, vector<16xi32>,
        tpu.vector_store_idx %arg18[%get3A_371], %broadcast_in_dim3A_68 {add = true} : memref<4000xf32, #tpu.memory_space<vmem>>[vector<16xi32>], vector<16xf32>,
        %swap3A_372 = arith.constant 48 : index
        %swap3A_373 = tpu.vector_load %arg14[%swap3A_372] {strides = array<i32>} : memref<128xi32, #tpu.memory_space<vmem>>, vector<16xi32>,
        tpu.vector_store %arg14[%swap3A_372], %get3A_371 {strides = array<i32>} : memref<128xi32, #tpu.memory_space<vmem>>, vector<16xi32>,
        %get3A_374 = arith.constant 192 : index
        %get3A_375 = tpu.vector_load %arg11[%get3A_374] {strides = array<i32>} : memref<256xi32, #tpu.memory_space<vmem>>, vector<16xi32>,
        tpu.vector_store_idx %arg18[%get3A_375], %broadcast_in_dim3A_68 {add = true} : memref<4000xf32, #tpu.memory_space<vmem>>[vector<16xi32>], vector<16xf32>,
        %swap3A_376 = arith.constant 64 : index
        %swap3A_377 = tpu.vector_load %arg14[%swap3A_376] {strides = array<i32>} : memref<128xi32, #tpu.memory_space<vmem>>, vector<16xi32>,
        tpu.vector_store %arg14[%swap3A_376], %get3A_375 {strides = array<i32>} : memref<128xi32, #tpu.memory_space<vmem>>, vector<16xi32>,
        %get3A_378 = arith.constant 208 : index
        %get3A_379 = tpu.vector_load %arg11[%get3A_378] {strides = array<i32>} : memref<256xi32, #tpu.memory_space<vmem>>, vector<16xi32>,
        tpu.vector_store_idx %arg18[%get3A_379], %broadcast_in_dim3A_68 {add = true} : memref<4000xf32, #tpu.memory_space<vmem>>[vector<16xi32>], vector<16xf32>,
        %swap3A_380 = arith.constant 80 : index
        %swap3A_381 = tpu.vector_load %arg14[%swap3A_380] {strides = array<i32>} : memref<128xi32, #tpu.memory_space<vmem>>, vector<16xi32>,
        tpu.vector_store %arg14[%swap3A_380], %get3A_379 {strides = array<i32>} : memref<128xi32, #tpu.memory_space<vmem>>, vector<16xi32>,
        %get3A_382 = arith.constant 224 : index
        %get3A_383 = tpu.vector_load %arg11[%get3A_382] {strides = array<i32>} : memref<256xi32, #tpu.memory_space<vmem>>, vector<16xi32>,
        tpu.vector_store_idx %arg18[%get3A_383], %broadcast_in_dim3A_68 {add = true} : memref<4000xf32, #tpu.memory_space<vmem>>[vector<16xi32>], vector<16xf32>,
        %swap3A_384 = arith.constant 96 : index
        %swap3A_385 = tpu.vector_load %arg14[%swap3A_384] {strides = array<i32>} : memref<128xi32, #tpu.memory_space<vmem>>, vector<16xi32>,
        tpu.vector_store %arg14[%swap3A_384], %get3A_383 {strides = array<i32>} : memref<128xi32, #tpu.memory_space<vmem>>, vector<16xi32>,
        %get3A_386 = arith.constant 240 : index
        %get3A_387 = tpu.vector_load %arg11[%get3A_386] {strides = array<i32>} : memref<256xi32, #tpu.memory_space<vmem>>, vector<16xi32>,
        tpu.vector_store_idx %arg18[%get3A_387], %broadcast_in_dim3A_68 {add = true} : memref<4000xf32, #tpu.memory_space<vmem>>[vector<16xi32>], vector<16xf32>,
        %swap3A_388 = arith.constant 112 : index
        %swap3A_389 = tpu.vector_load %arg14[%swap3A_388] {strides = array<i32>} : memref<128xi32, #tpu.memory_space<vmem>>, vector<16xi32>,
        tpu.vector_store %arg14[%swap3A_388], %get3A_387 {strides = array<i32>} : memref<128xi32, #tpu.memory_space<vmem>>, vector<16xi32>,
        %dma_start3A_390 = arith.constant 0 : i32
        %dma_start3A_391 = arith.constant 0 : i32
        %dma_start3A_392 = tpu.memref_slice %arg30[%dma_start3A_390, %dma_start3A_391] : memref<4000x128xf32, #tpu.memory_space<vmem_shared>> -> memref<4000x128xf32, #tpu.memory_space<vmem_shared>>
        tpu.enqueue_indirect_dma source(%arg17 : memref<128x128xf32, #tpu.memory_space<vmem>>) target(%dma_start3A_392 : memref<4000x128xf32, #tpu.memory_space<vmem_shared>>) offsets(%arg14 : memref<128xi32, #tpu.memory_space<vmem>>) semaphore(%arg26 : memref<!tpu.dma_semaphore, #tpu.memory_space<semaphore_mem>>) {add = true}
        %add3A_393 = arith.constant 3 : i32
        %add3A_394 = arith.addi %while3A_280, %add3A_393 : i32
        %lt3A_395 = arith.cmpi slt, %add3A_394, %select_n3A_66 : i32
        %convert_element_type3A_396 = arith.extui %lt3A_395 : i1 to i32
        %cond3A_397 = arith.constant 0 : i32
        %cond3A_398 = arith.cmpi ne, %convert_element_type3A_396, %cond3A_397 : i32
        scf.if %cond3A_398 {
          %add3A_399 = arith.constant 3 : i32
          %add3A_400 = arith.addi %while3A_280, %add3A_399 : i32
          %mul3A_401 = arith.constant 2 : i32
          %mul3A_402 = arith.muli %add3A_400, %mul3A_401 : i32
          %mul3A_403 = arith.constant 128 : i32
          %mul3A_404 = arith.muli %mul3A_402, %mul3A_403 : i32
          %multiple_of3A_405 = tpu.assume_multiple %mul3A_404, 256 : i32
          %dma_start3A_406 = tpu.memref_slice %arg3[%multiple_of3A_405] : memref<640000xi32, #tpu.memory_space<hbm>> -> memref<256xi32, #tpu.memory_space<hbm>>
          %dma_start3A_407 = tpu.memref_slice %arg3[%multiple_of3A_405] : memref<640000xi32, #tpu.memory_space<hbm>> -> memref<256xi32, #tpu.memory_space<hbm>>
          tpu.enqueue_dma source(%dma_start3A_407 : memref<256xi32, #tpu.memory_space<hbm>>) target(%arg11 : memref<256xi32, #tpu.memory_space<vmem>>) target_semaphore(%arg29 : memref<!tpu.dma_semaphore, #tpu.memory_space<semaphore_mem>>)
        } else {
        }
      } else {
      }
    }
    %sub3A_107 = arith.constant 1 : i32
    %sub3A_108 = arith.subi %select_n3A_66, %sub3A_107 : i32
    %sub3A_109 = arith.subi %sub3A_108, %select_n3A : i32
    %jit3A_110 = arith.constant 3 : i32
    %eq3A_111 = arith.constant 0 : i32
    %eq3A_112 = arith.cmpi eq, %jit3A_110, %eq3A_111 : i32
    %jit3A_113 = arith.constant 1 : i32
    %select_n3A_114 = arith.select %eq3A_112, %jit3A_113, %jit3A_110 : i32
    %rem3A_115 = arith.remsi %sub3A_109, %select_n3A_114 : i32
    %ne3A_116 = arith.constant 0 : i32
    %ne3A_117 = arith.cmpi ne, %rem3A_115, %ne3A_116 : i32
    %lt3A_118 = arith.constant 0 : i32
    %lt3A_119 = arith.cmpi slt, %rem3A_115, %lt3A_118 : i32
    %lt3A_120 = arith.constant 0 : i32
    %lt3A_121 = arith.cmpi slt, %select_n3A_114, %lt3A_120 : i32
    %ne3A_122 = arith.xori %lt3A_119, %lt3A_121 : i1
    %and3A_123 = arith.andi %ne3A_122, %ne3A_117 : i1
    %add3A_124 = arith.addi %rem3A_115, %select_n3A_114 : i32
    %select_n3A_125 = arith.select %and3A_123, %add3A_124, %rem3A_115 : i32
    %eq3A_126 = arith.constant 0 : i32
    %eq3A_127 = arith.cmpi eq, %select_n3A_125, %eq3A_126 : i32
    %convert_element_type3A_128 = arith.extui %eq3A_127 : i1 to i32
    %cond3A_129 = arith.constant 0 : i32
    %cond3A_130 = arith.cmpi ne, %convert_element_type3A_128, %cond3A_129 : i32
    scf.if %cond3A_130 {
      %dma_wait3A = arith.constant 0 : i32
      %dma_wait3A_280 = arith.constant 0 : i32
      %dma_wait3A_281 = tpu.memref_slice %arg30[%dma_wait3A, %dma_wait3A_280] : memref<4000x128xf32, #tpu.memory_space<vmem_shared>> -> memref<4000x128xf32, #tpu.memory_space<vmem_shared>>
      tpu.wait_indirect_dma semaphore(%arg24 : memref<!tpu.dma_semaphore, #tpu.memory_space<semaphore_mem>>) src(%arg15 : memref<128x128xf32, #tpu.memory_space<vmem>>) dst(%dma_wait3A_281 : memref<4000x128xf32, #tpu.memory_space<vmem_shared>>)
    } else {
    }
    %sub3A_131 = arith.constant 1 : i32
    %sub3A_132 = arith.subi %select_n3A_66, %sub3A_131 : i32
    %sub3A_133 = arith.subi %sub3A_132, %select_n3A : i32
    %jit3A_134 = arith.constant 3 : i32
    %eq3A_135 = arith.constant 0 : i32
    %eq3A_136 = arith.cmpi eq, %jit3A_134, %eq3A_135 : i32
    %jit3A_137 = arith.constant 1 : i32
    %select_n3A_138 = arith.select %eq3A_136, %jit3A_137, %jit3A_134 : i32
    %rem3A_139 = arith.remsi %sub3A_133, %select_n3A_138 : i32
    %ne3A_140 = arith.constant 0 : i32
    %ne3A_141 = arith.cmpi ne, %rem3A_139, %ne3A_140 : i32
    %lt3A_142 = arith.constant 0 : i32
    %lt3A_143 = arith.cmpi slt, %rem3A_139, %lt3A_142 : i32
    %lt3A_144 = arith.constant 0 : i32
    %lt3A_145 = arith.cmpi slt, %select_n3A_138, %lt3A_144 : i32
    %ne3A_146 = arith.xori %lt3A_143, %lt3A_145 : i1
    %and3A_147 = arith.andi %ne3A_146, %ne3A_141 : i1
    %add3A_148 = arith.addi %rem3A_139, %select_n3A_138 : i32
    %select_n3A_149 = arith.select %and3A_147, %add3A_148, %rem3A_139 : i32
    %eq3A_150 = arith.constant 1 : i32
    %eq3A_151 = arith.cmpi eq, %select_n3A_149, %eq3A_150 : i32
    %convert_element_type3A_152 = arith.extui %eq3A_151 : i1 to i32
    %cond3A_153 = arith.constant 0 : i32
    %cond3A_154 = arith.cmpi ne, %convert_element_type3A_152, %cond3A_153 : i32
    scf.if %cond3A_154 {
      %dma_wait3A = arith.constant 0 : i32
      %dma_wait3A_280 = arith.constant 0 : i32
      %dma_wait3A_281 = tpu.memref_slice %arg30[%dma_wait3A, %dma_wait3A_280] : memref<4000x128xf32, #tpu.memory_space<vmem_shared>> -> memref<4000x128xf32, #tpu.memory_space<vmem_shared>>
      tpu.wait_indirect_dma semaphore(%arg25 : memref<!tpu.dma_semaphore, #tpu.memory_space<semaphore_mem>>) src(%arg16 : memref<128x128xf32, #tpu.memory_space<vmem>>) dst(%dma_wait3A_281 : memref<4000x128xf32, #tpu.memory_space<vmem_shared>>)
    } else {
    }
    %sub3A_155 = arith.constant 1 : i32
    %sub3A_156 = arith.subi %select_n3A_66, %sub3A_155 : i32
    %sub3A_157 = arith.subi %sub3A_156, %select_n3A : i32
    %jit3A_158 = arith.constant 3 : i32
    %eq3A_159 = arith.constant 0 : i32
    %eq3A_160 = arith.cmpi eq, %jit3A_158, %eq3A_159 : i32
    %jit3A_161 = arith.constant 1 : i32
    %select_n3A_162 = arith.select %eq3A_160, %jit3A_161, %jit3A_158 : i32
    %rem3A_163 = arith.remsi %sub3A_157, %select_n3A_162 : i32
    %ne3A_164 = arith.constant 0 : i32
    %ne3A_165 = arith.cmpi ne, %rem3A_163, %ne3A_164 : i32
    %lt3A_166 = arith.constant 0 : i32
    %lt3A_167 = arith.cmpi slt, %rem3A_163, %lt3A_166 : i32
    %lt3A_168 = arith.constant 0 : i32
    %lt3A_169 = arith.cmpi slt, %select_n3A_162, %lt3A_168 : i32
    %ne3A_170 = arith.xori %lt3A_167, %lt3A_169 : i1
    %and3A_171 = arith.andi %ne3A_170, %ne3A_165 : i1
    %add3A_172 = arith.addi %rem3A_163, %select_n3A_162 : i32
    %select_n3A_173 = arith.select %and3A_171, %add3A_172, %rem3A_163 : i32
    %eq3A_174 = arith.constant 2 : i32
    %eq3A_175 = arith.cmpi eq, %select_n3A_173, %eq3A_174 : i32
    %convert_element_type3A_176 = arith.extui %eq3A_175 : i1 to i32
    %cond3A_177 = arith.constant 0 : i32
    %cond3A_178 = arith.cmpi ne, %convert_element_type3A_176, %cond3A_177 : i32
    scf.if %cond3A_178 {
      %dma_wait3A = arith.constant 0 : i32
      %dma_wait3A_280 = arith.constant 0 : i32
      %dma_wait3A_281 = tpu.memref_slice %arg30[%dma_wait3A, %dma_wait3A_280] : memref<4000x128xf32, #tpu.memory_space<vmem_shared>> -> memref<4000x128xf32, #tpu.memory_space<vmem_shared>>
      tpu.wait_indirect_dma semaphore(%arg26 : memref<!tpu.dma_semaphore, #tpu.memory_space<semaphore_mem>>) src(%arg17 : memref<128x128xf32, #tpu.memory_space<vmem>>) dst(%dma_wait3A_281 : memref<4000x128xf32, #tpu.memory_space<vmem_shared>>)
    } else {
    }
    %eq3A_179 = arith.constant 0 : i32
    %eq3A_180 = arith.cmpi eq, %arg1, %eq3A_179 : i32
    %convert_element_type3A_181 = arith.extui %eq3A_180 : i1 to i32
    %cond3A_182 = arith.constant 0 : i32
    %cond3A_183 = arith.cmpi ne, %convert_element_type3A_181, %cond3A_182 : i32
    scf.if %cond3A_183 {
      "tpu.region"() ({
        %run_scoped3A = tpu.sem_alloc : memref<!tpu.dma_semaphore, #tpu.memory_space<semaphore_mem>>
        tpu.enqueue_dma source(%arg18 : memref<4000xf32, #tpu.memory_space<vmem>>) target(%arg31 : memref<4000xf32, #tpu.memory_space<vmem_shared>>) target_semaphore(%run_scoped3A : memref<!tpu.dma_semaphore, #tpu.memory_space<semaphore_mem>>)
        tpu.wait_dma2 semaphore(%run_scoped3A : memref<!tpu.dma_semaphore, #tpu.memory_space<semaphore_mem>>) src(%arg18 : memref<4000xf32, #tpu.memory_space<vmem>>) dst(%arg31 : memref<4000xf32, #tpu.memory_space<vmem_shared>>)
        tpu.yield
      }) : () -> ()
    } else {
    }
    %eq3A_184 = arith.constant 1 : i32
    %eq3A_185 = arith.cmpi eq, %arg1, %eq3A_184 : i32
    %convert_element_type3A_186 = arith.extui %eq3A_185 : i1 to i32
    %cond3A_187 = arith.constant 0 : i32
    %cond3A_188 = arith.cmpi ne, %convert_element_type3A_186, %cond3A_187 : i32
    scf.if %cond3A_188 {
      "tpu.region"() ({
        %run_scoped3A = tpu.sem_alloc : memref<!tpu.dma_semaphore, #tpu.memory_space<semaphore_mem>>
        tpu.enqueue_dma source(%arg18 : memref<4000xf32, #tpu.memory_space<vmem>>) target(%arg32 : memref<4000xf32, #tpu.memory_space<vmem_shared>>) target_semaphore(%run_scoped3A : memref<!tpu.dma_semaphore, #tpu.memory_space<semaphore_mem>>)
        tpu.wait_dma2 semaphore(%run_scoped3A : memref<!tpu.dma_semaphore, #tpu.memory_space<semaphore_mem>>) src(%arg18 : memref<4000xf32, #tpu.memory_space<vmem>>) dst(%arg32 : memref<4000xf32, #tpu.memory_space<vmem_shared>>)
        tpu.yield
      }) : () -> ()
    } else {
    }
    %eq3A_189 = arith.constant 2 : i32
    %eq3A_190 = arith.cmpi eq, %arg1, %eq3A_189 : i32
    %convert_element_type3A_191 = arith.extui %eq3A_190 : i1 to i32
    %cond3A_192 = arith.constant 0 : i32
    %cond3A_193 = arith.cmpi ne, %convert_element_type3A_191, %cond3A_192 : i32
    scf.if %cond3A_193 {
      "tpu.region"() ({
        %run_scoped3A = tpu.sem_alloc : memref<!tpu.dma_semaphore, #tpu.memory_space<semaphore_mem>>
        tpu.enqueue_dma source(%arg18 : memref<4000xf32, #tpu.memory_space<vmem>>) target(%arg33 : memref<4000xf32, #tpu.memory_space<vmem_shared>>) target_semaphore(%run_scoped3A : memref<!tpu.dma_semaphore, #tpu.memory_space<semaphore_mem>>)
        tpu.wait_dma2 semaphore(%run_scoped3A : memref<!tpu.dma_semaphore, #tpu.memory_space<semaphore_mem>>) src(%arg18 : memref<4000xf32, #tpu.memory_space<vmem>>) dst(%arg33 : memref<4000xf32, #tpu.memory_space<vmem_shared>>)
        tpu.yield
      }) : () -> ()
    } else {
    }
    %eq3A_194 = arith.constant 3 : i32
    %eq3A_195 = arith.cmpi eq, %arg1, %eq3A_194 : i32
    %convert_element_type3A_196 = arith.extui %eq3A_195 : i1 to i32
    %cond3A_197 = arith.constant 0 : i32
    %cond3A_198 = arith.cmpi ne, %convert_element_type3A_196, %cond3A_197 : i32
    scf.if %cond3A_198 {
      "tpu.region"() ({
        %run_scoped3A = tpu.sem_alloc : memref<!tpu.dma_semaphore, #tpu.memory_space<semaphore_mem>>
        tpu.enqueue_dma source(%arg18 : memref<4000xf32, #tpu.memory_space<vmem>>) target(%arg34 : memref<4000xf32, #tpu.memory_space<vmem_shared>>) target_semaphore(%run_scoped3A : memref<!tpu.dma_semaphore, #tpu.memory_space<semaphore_mem>>)
        tpu.wait_dma2 semaphore(%run_scoped3A : memref<!tpu.dma_semaphore, #tpu.memory_space<semaphore_mem>>) src(%arg18 : memref<4000xf32, #tpu.memory_space<vmem>>) dst(%arg34 : memref<4000xf32, #tpu.memory_space<vmem_shared>>)
        tpu.yield
      }) : () -> ()
    } else {
    }
    %eq3A_199 = arith.constant 4 : i32
    %eq3A_200 = arith.cmpi eq, %arg1, %eq3A_199 : i32
    %convert_element_type3A_201 = arith.extui %eq3A_200 : i1 to i32
    %cond3A_202 = arith.constant 0 : i32
    %cond3A_203 = arith.cmpi ne, %convert_element_type3A_201, %cond3A_202 : i32
    scf.if %cond3A_203 {
      "tpu.region"() ({
        %run_scoped3A = tpu.sem_alloc : memref<!tpu.dma_semaphore, #tpu.memory_space<semaphore_mem>>
        tpu.enqueue_dma source(%arg18 : memref<4000xf32, #tpu.memory_space<vmem>>) target(%arg35 : memref<4000xf32, #tpu.memory_space<vmem_shared>>) target_semaphore(%run_scoped3A : memref<!tpu.dma_semaphore, #tpu.memory_space<semaphore_mem>>)
        tpu.wait_dma2 semaphore(%run_scoped3A : memref<!tpu.dma_semaphore, #tpu.memory_space<semaphore_mem>>) src(%arg18 : memref<4000xf32, #tpu.memory_space<vmem>>) dst(%arg35 : memref<4000xf32, #tpu.memory_space<vmem_shared>>)
        tpu.yield
      }) : () -> ()
    } else {
    }
    %eq3A_204 = arith.constant 5 : i32
    %eq3A_205 = arith.cmpi eq, %arg1, %eq3A_204 : i32
    %convert_element_type3A_206 = arith.extui %eq3A_205 : i1 to i32
    %cond3A_207 = arith.constant 0 : i32
    %cond3A_208 = arith.cmpi ne, %convert_element_type3A_206, %cond3A_207 : i32
    scf.if %cond3A_208 {
      "tpu.region"() ({
        %run_scoped3A = tpu.sem_alloc : memref<!tpu.dma_semaphore, #tpu.memory_space<semaphore_mem>>
        tpu.enqueue_dma source(%arg18 : memref<4000xf32, #tpu.memory_space<vmem>>) target(%arg36 : memref<4000xf32, #tpu.memory_space<vmem_shared>>) target_semaphore(%run_scoped3A : memref<!tpu.dma_semaphore, #tpu.memory_space<semaphore_mem>>)
        tpu.wait_dma2 semaphore(%run_scoped3A : memref<!tpu.dma_semaphore, #tpu.memory_space<semaphore_mem>>) src(%arg18 : memref<4000xf32, #tpu.memory_space<vmem>>) dst(%arg36 : memref<4000xf32, #tpu.memory_space<vmem_shared>>)
        tpu.yield
      }) : () -> ()
    } else {
    }
    %eq3A_209 = arith.constant 6 : i32
    %eq3A_210 = arith.cmpi eq, %arg1, %eq3A_209 : i32
    %convert_element_type3A_211 = arith.extui %eq3A_210 : i1 to i32
    %cond3A_212 = arith.constant 0 : i32
    %cond3A_213 = arith.cmpi ne, %convert_element_type3A_211, %cond3A_212 : i32
    scf.if %cond3A_213 {
      "tpu.region"() ({
        %run_scoped3A = tpu.sem_alloc : memref<!tpu.dma_semaphore, #tpu.memory_space<semaphore_mem>>
        tpu.enqueue_dma source(%arg18 : memref<4000xf32, #tpu.memory_space<vmem>>) target(%arg37 : memref<4000xf32, #tpu.memory_space<vmem_shared>>) target_semaphore(%run_scoped3A : memref<!tpu.dma_semaphore, #tpu.memory_space<semaphore_mem>>)
        tpu.wait_dma2 semaphore(%run_scoped3A : memref<!tpu.dma_semaphore, #tpu.memory_space<semaphore_mem>>) src(%arg18 : memref<4000xf32, #tpu.memory_space<vmem>>) dst(%arg37 : memref<4000xf32, #tpu.memory_space<vmem_shared>>)
        tpu.yield
      }) : () -> ()
    } else {
    }
    %eq3A_214 = arith.constant 7 : i32
    %eq3A_215 = arith.cmpi eq, %arg1, %eq3A_214 : i32
    %convert_element_type3A_216 = arith.extui %eq3A_215 : i1 to i32
    %cond3A_217 = arith.constant 0 : i32
    %cond3A_218 = arith.cmpi ne, %convert_element_type3A_216, %cond3A_217 : i32
    scf.if %cond3A_218 {
      "tpu.region"() ({
        %run_scoped3A = tpu.sem_alloc : memref<!tpu.dma_semaphore, #tpu.memory_space<semaphore_mem>>
        tpu.enqueue_dma source(%arg18 : memref<4000xf32, #tpu.memory_space<vmem>>) target(%arg38 : memref<4000xf32, #tpu.memory_space<vmem_shared>>) target_semaphore(%run_scoped3A : memref<!tpu.dma_semaphore, #tpu.memory_space<semaphore_mem>>)
        tpu.wait_dma2 semaphore(%run_scoped3A : memref<!tpu.dma_semaphore, #tpu.memory_space<semaphore_mem>>) src(%arg18 : memref<4000xf32, #tpu.memory_space<vmem>>) dst(%arg38 : memref<4000xf32, #tpu.memory_space<vmem_shared>>)
        tpu.yield
      }) : () -> ()
    } else {
    }
    %eq3A_219 = arith.constant 8 : i32
    %eq3A_220 = arith.cmpi eq, %arg1, %eq3A_219 : i32
    %convert_element_type3A_221 = arith.extui %eq3A_220 : i1 to i32
    %cond3A_222 = arith.constant 0 : i32
    %cond3A_223 = arith.cmpi ne, %convert_element_type3A_221, %cond3A_222 : i32
    scf.if %cond3A_223 {
      "tpu.region"() ({
        %run_scoped3A = tpu.sem_alloc : memref<!tpu.dma_semaphore, #tpu.memory_space<semaphore_mem>>
        tpu.enqueue_dma source(%arg18 : memref<4000xf32, #tpu.memory_space<vmem>>) target(%arg39 : memref<4000xf32, #tpu.memory_space<vmem_shared>>) target_semaphore(%run_scoped3A : memref<!tpu.dma_semaphore, #tpu.memory_space<semaphore_mem>>)
        tpu.wait_dma2 semaphore(%run_scoped3A : memref<!tpu.dma_semaphore, #tpu.memory_space<semaphore_mem>>) src(%arg18 : memref<4000xf32, #tpu.memory_space<vmem>>) dst(%arg39 : memref<4000xf32, #tpu.memory_space<vmem_shared>>)
        tpu.yield
      }) : () -> ()
    } else {
    }
    %eq3A_224 = arith.constant 9 : i32
    %eq3A_225 = arith.cmpi eq, %arg1, %eq3A_224 : i32
    %convert_element_type3A_226 = arith.extui %eq3A_225 : i1 to i32
    %cond3A_227 = arith.constant 0 : i32
    %cond3A_228 = arith.cmpi ne, %convert_element_type3A_226, %cond3A_227 : i32
    scf.if %cond3A_228 {
      "tpu.region"() ({
        %run_scoped3A = tpu.sem_alloc : memref<!tpu.dma_semaphore, #tpu.memory_space<semaphore_mem>>
        tpu.enqueue_dma source(%arg18 : memref<4000xf32, #tpu.memory_space<vmem>>) target(%arg40 : memref<4000xf32, #tpu.memory_space<vmem_shared>>) target_semaphore(%run_scoped3A : memref<!tpu.dma_semaphore, #tpu.memory_space<semaphore_mem>>)
        tpu.wait_dma2 semaphore(%run_scoped3A : memref<!tpu.dma_semaphore, #tpu.memory_space<semaphore_mem>>) src(%arg18 : memref<4000xf32, #tpu.memory_space<vmem>>) dst(%arg40 : memref<4000xf32, #tpu.memory_space<vmem_shared>>)
        tpu.yield
      }) : () -> ()
    } else {
    }
    %eq3A_229 = arith.constant 10 : i32
    %eq3A_230 = arith.cmpi eq, %arg1, %eq3A_229 : i32
    %convert_element_type3A_231 = arith.extui %eq3A_230 : i1 to i32
    %cond3A_232 = arith.constant 0 : i32
    %cond3A_233 = arith.cmpi ne, %convert_element_type3A_231, %cond3A_232 : i32
    scf.if %cond3A_233 {
      "tpu.region"() ({
        %run_scoped3A = tpu.sem_alloc : memref<!tpu.dma_semaphore, #tpu.memory_space<semaphore_mem>>
        tpu.enqueue_dma source(%arg18 : memref<4000xf32, #tpu.memory_space<vmem>>) target(%arg41 : memref<4000xf32, #tpu.memory_space<vmem_shared>>) target_semaphore(%run_scoped3A : memref<!tpu.dma_semaphore, #tpu.memory_space<semaphore_mem>>)
        tpu.wait_dma2 semaphore(%run_scoped3A : memref<!tpu.dma_semaphore, #tpu.memory_space<semaphore_mem>>) src(%arg18 : memref<4000xf32, #tpu.memory_space<vmem>>) dst(%arg41 : memref<4000xf32, #tpu.memory_space<vmem_shared>>)
        tpu.yield
      }) : () -> ()
    } else {
    }
    %eq3A_234 = arith.constant 11 : i32
    %eq3A_235 = arith.cmpi eq, %arg1, %eq3A_234 : i32
    %convert_element_type3A_236 = arith.extui %eq3A_235 : i1 to i32
    %cond3A_237 = arith.constant 0 : i32
    %cond3A_238 = arith.cmpi ne, %convert_element_type3A_236, %cond3A_237 : i32
    scf.if %cond3A_238 {
      "tpu.region"() ({
        %run_scoped3A = tpu.sem_alloc : memref<!tpu.dma_semaphore, #tpu.memory_space<semaphore_mem>>
        tpu.enqueue_dma source(%arg18 : memref<4000xf32, #tpu.memory_space<vmem>>) target(%arg42 : memref<4000xf32, #tpu.memory_space<vmem_shared>>) target_semaphore(%run_scoped3A : memref<!tpu.dma_semaphore, #tpu.memory_space<semaphore_mem>>)
        tpu.wait_dma2 semaphore(%run_scoped3A : memref<!tpu.dma_semaphore, #tpu.memory_space<semaphore_mem>>) src(%arg18 : memref<4000xf32, #tpu.memory_space<vmem>>) dst(%arg42 : memref<4000xf32, #tpu.memory_space<vmem_shared>>)
        tpu.yield
      }) : () -> ()
    } else {
    }
    %eq3A_239 = arith.constant 12 : i32
    %eq3A_240 = arith.cmpi eq, %arg1, %eq3A_239 : i32
    %convert_element_type3A_241 = arith.extui %eq3A_240 : i1 to i32
    %cond3A_242 = arith.constant 0 : i32
    %cond3A_243 = arith.cmpi ne, %convert_element_type3A_241, %cond3A_242 : i32
    scf.if %cond3A_243 {
      "tpu.region"() ({
        %run_scoped3A = tpu.sem_alloc : memref<!tpu.dma_semaphore, #tpu.memory_space<semaphore_mem>>
        tpu.enqueue_dma source(%arg18 : memref<4000xf32, #tpu.memory_space<vmem>>) target(%arg43 : memref<4000xf32, #tpu.memory_space<vmem_shared>>) target_semaphore(%run_scoped3A : memref<!tpu.dma_semaphore, #tpu.memory_space<semaphore_mem>>)
        tpu.wait_dma2 semaphore(%run_scoped3A : memref<!tpu.dma_semaphore, #tpu.memory_space<semaphore_mem>>) src(%arg18 : memref<4000xf32, #tpu.memory_space<vmem>>) dst(%arg43 : memref<4000xf32, #tpu.memory_space<vmem_shared>>)
        tpu.yield
      }) : () -> ()
    } else {
    }
    %eq3A_244 = arith.constant 13 : i32
    %eq3A_245 = arith.cmpi eq, %arg1, %eq3A_244 : i32
    %convert_element_type3A_246 = arith.extui %eq3A_245 : i1 to i32
    %cond3A_247 = arith.constant 0 : i32
    %cond3A_248 = arith.cmpi ne, %convert_element_type3A_246, %cond3A_247 : i32
    scf.if %cond3A_248 {
      "tpu.region"() ({
        %run_scoped3A = tpu.sem_alloc : memref<!tpu.dma_semaphore, #tpu.memory_space<semaphore_mem>>
        tpu.enqueue_dma source(%arg18 : memref<4000xf32, #tpu.memory_space<vmem>>) target(%arg44 : memref<4000xf32, #tpu.memory_space<vmem_shared>>) target_semaphore(%run_scoped3A : memref<!tpu.dma_semaphore, #tpu.memory_space<semaphore_mem>>)
        tpu.wait_dma2 semaphore(%run_scoped3A : memref<!tpu.dma_semaphore, #tpu.memory_space<semaphore_mem>>) src(%arg18 : memref<4000xf32, #tpu.memory_space<vmem>>) dst(%arg44 : memref<4000xf32, #tpu.memory_space<vmem_shared>>)
        tpu.yield
      }) : () -> ()
    } else {
    }
    %eq3A_249 = arith.constant 14 : i32
    %eq3A_250 = arith.cmpi eq, %arg1, %eq3A_249 : i32
    %convert_element_type3A_251 = arith.extui %eq3A_250 : i1 to i32
    %cond3A_252 = arith.constant 0 : i32
    %cond3A_253 = arith.cmpi ne, %convert_element_type3A_251, %cond3A_252 : i32
    scf.if %cond3A_253 {
      "tpu.region"() ({
        %run_scoped3A = tpu.sem_alloc : memref<!tpu.dma_semaphore, #tpu.memory_space<semaphore_mem>>
        tpu.enqueue_dma source(%arg18 : memref<4000xf32, #tpu.memory_space<vmem>>) target(%arg45 : memref<4000xf32, #tpu.memory_space<vmem_shared>>) target_semaphore(%run_scoped3A : memref<!tpu.dma_semaphore, #tpu.memory_space<semaphore_mem>>)
        tpu.wait_dma2 semaphore(%run_scoped3A : memref<!tpu.dma_semaphore, #tpu.memory_space<semaphore_mem>>) src(%arg18 : memref<4000xf32, #tpu.memory_space<vmem>>) dst(%arg45 : memref<4000xf32, #tpu.memory_space<vmem_shared>>)
        tpu.yield
      }) : () -> ()
    } else {
    }
    %eq3A_254 = arith.constant 15 : i32
    %eq3A_255 = arith.cmpi eq, %arg1, %eq3A_254 : i32
    %convert_element_type3A_256 = arith.extui %eq3A_255 : i1 to i32
    %cond3A_257 = arith.constant 0 : i32
    %cond3A_258 = arith.cmpi ne, %convert_element_type3A_256, %cond3A_257 : i32
    scf.if %cond3A_258 {
      "tpu.region"() ({
        %run_scoped3A = tpu.sem_alloc : memref<!tpu.dma_semaphore, #tpu.memory_space<semaphore_mem>>
        tpu.enqueue_dma source(%arg18 : memref<4000xf32, #tpu.memory_space<vmem>>) target(%arg46 : memref<4000xf32, #tpu.memory_space<vmem_shared>>) target_semaphore(%run_scoped3A : memref<!tpu.dma_semaphore, #tpu.memory_space<semaphore_mem>>)
        tpu.wait_dma2 semaphore(%run_scoped3A : memref<!tpu.dma_semaphore, #tpu.memory_space<semaphore_mem>>) src(%arg18 : memref<4000xf32, #tpu.memory_space<vmem>>) dst(%arg46 : memref<4000xf32, #tpu.memory_space<vmem_shared>>)
        tpu.yield
      }) : () -> ()
    } else {
    }
    %barrier3A_259 = arith.constant 0 : index
    tpu.barrier barrier_id(%barrier3A_259)
    %lt3A_260 = arith.constant 15 : i32
    %lt3A_261 = arith.cmpi slt, %arg1, %lt3A_260 : i32
    %convert_element_type3A_262 = arith.extui %lt3A_261 : i1 to i32
    %cond3A_263 = arith.constant 0 : i32
    %cond3A_264 = arith.cmpi ne, %convert_element_type3A_262, %cond3A_263 : i32
    scf.if %cond3A_264 {
      "tpu.region"() ({
        %run_scoped3A = tpu.sem_alloc : memref<!tpu.dma_semaphore, #tpu.memory_space<semaphore_mem>>
        %dma_start3A_1317 = arith.constant 0 : i32
        %dma_start3A_1318 = tpu.memref_slice %arg6[%arg0, %multiple_of3A, %dma_start3A_1317] : memref<2x4000x128xf32, #tpu.memory_space<hbm>> -> memref<1x256x128xf32, #tpu.memory_space<hbm>>
        %dma_start3A_1319 = tpu.memref_squeeze %dma_start3A_1318 : memref<1x256x128xf32, #tpu.memory_space<hbm>> -> memref<256x128xf32, #tpu.memory_space<hbm>>
        %dma_start3A_1320 = arith.constant 0 : i32
        %dma_start3A_1321 = tpu.memref_slice %arg30[%multiple_of3A, %dma_start3A_1320] : memref<4000x128xf32, #tpu.memory_space<vmem_shared>> -> memref<256x128xf32, #tpu.memory_space<vmem_shared>>
        tpu.enqueue_dma source(%dma_start3A_1321 : memref<256x128xf32, #tpu.memory_space<vmem_shared>>) target(%dma_start3A_1319 : memref<256x128xf32, #tpu.memory_space<hbm>>) target_semaphore(%run_scoped3A : memref<!tpu.dma_semaphore, #tpu.memory_space<semaphore_mem>>)
        %dma_wait3A_1322 = arith.constant 0 : i32
        %dma_wait3A_1323 = tpu.memref_slice %arg6[%arg0, %multiple_of3A, %dma_wait3A_1322] : memref<2x4000x128xf32, #tpu.memory_space<hbm>> -> memref<1x256x128xf32, #tpu.memory_space<hbm>>
        %dma_wait3A_1324 = tpu.memref_squeeze %dma_wait3A_1323 : memref<1x256x128xf32, #tpu.memory_space<hbm>> -> memref<256x128xf32, #tpu.memory_space<hbm>>
        %dma_wait3A_1325 = arith.constant 0 : i32
        %dma_wait3A_1326 = tpu.memref_slice %arg30[%multiple_of3A, %dma_wait3A_1325] : memref<4000x128xf32, #tpu.memory_space<vmem_shared>> -> memref<256x128xf32, #tpu.memory_space<vmem_shared>>
        tpu.wait_dma2 semaphore(%run_scoped3A : memref<!tpu.dma_semaphore, #tpu.memory_space<semaphore_mem>>) src(%dma_wait3A_1326 : memref<256x128xf32, #tpu.memory_space<vmem_shared>>) dst(%dma_wait3A_1324 : memref<256x128xf32, #tpu.memory_space<hbm>>)
        tpu.yield
      }) : () -> ()
      %dma_start3A_280 = arith.constant 0 : i32
      %dma_start3A_281 = tpu.memref_slice %arg19[%dma_start3A_280] : memref<4096xf32, #tpu.memory_space<vmem>> -> memref<256xf32, #tpu.memory_space<vmem>>
      %dma_start3A_282 = tpu.memref_slice %arg31[%multiple_of3A] : memref<4000xf32, #tpu.memory_space<vmem_shared>> -> memref<256xf32, #tpu.memory_space<vmem_shared>>
      %dma_start3A_283 = arith.constant 0 : i32
      %dma_start3A_284 = tpu.memref_slice %arg19[%dma_start3A_283] : memref<4096xf32, #tpu.memory_space<vmem>> -> memref<256xf32, #tpu.memory_space<vmem>>
      %dma_start3A_285 = tpu.memref_slice %arg31[%multiple_of3A] : memref<4000xf32, #tpu.memory_space<vmem_shared>> -> memref<256xf32, #tpu.memory_space<vmem_shared>>
      tpu.enqueue_dma source(%dma_start3A_285 : memref<256xf32, #tpu.memory_space<vmem_shared>>) target(%dma_start3A_284 : memref<256xf32, #tpu.memory_space<vmem>>) target_semaphore(%arg27 : memref<!tpu.dma_semaphore, #tpu.memory_space<semaphore_mem>>)
      %dma_start3A_286 = arith.constant 256 : i32
      %dma_start3A_287 = tpu.memref_slice %arg19[%dma_start3A_286] : memref<4096xf32, #tpu.memory_space<vmem>> -> memref<256xf32, #tpu.memory_space<vmem>>
      %dma_start3A_288 = tpu.memref_slice %arg32[%multiple_of3A] : memref<4000xf32, #tpu.memory_space<vmem_shared>> -> memref<256xf32, #tpu.memory_space<vmem_shared>>
      %dma_start3A_289 = arith.constant 256 : i32
      %dma_start3A_290 = tpu.memref_slice %arg19[%dma_start3A_289] : memref<4096xf32, #tpu.memory_space<vmem>> -> memref<256xf32, #tpu.memory_space<vmem>>
      %dma_start3A_291 = tpu.memref_slice %arg32[%multiple_of3A] : memref<4000xf32, #tpu.memory_space<vmem_shared>> -> memref<256xf32, #tpu.memory_space<vmem_shared>>
      tpu.enqueue_dma source(%dma_start3A_291 : memref<256xf32, #tpu.memory_space<vmem_shared>>) target(%dma_start3A_290 : memref<256xf32, #tpu.memory_space<vmem>>) target_semaphore(%arg27 : memref<!tpu.dma_semaphore, #tpu.memory_space<semaphore_mem>>)
      %dma_start3A_292 = arith.constant 512 : i32
      %dma_start3A_293 = tpu.memref_slice %arg19[%dma_start3A_292] : memref<4096xf32, #tpu.memory_space<vmem>> -> memref<256xf32, #tpu.memory_space<vmem>>
      %dma_start3A_294 = tpu.memref_slice %arg33[%multiple_of3A] : memref<4000xf32, #tpu.memory_space<vmem_shared>> -> memref<256xf32, #tpu.memory_space<vmem_shared>>
      %dma_start3A_295 = arith.constant 512 : i32
      %dma_start3A_296 = tpu.memref_slice %arg19[%dma_start3A_295] : memref<4096xf32, #tpu.memory_space<vmem>> -> memref<256xf32, #tpu.memory_space<vmem>>
      %dma_start3A_297 = tpu.memref_slice %arg33[%multiple_of3A] : memref<4000xf32, #tpu.memory_space<vmem_shared>> -> memref<256xf32, #tpu.memory_space<vmem_shared>>
      tpu.enqueue_dma source(%dma_start3A_297 : memref<256xf32, #tpu.memory_space<vmem_shared>>) target(%dma_start3A_296 : memref<256xf32, #tpu.memory_space<vmem>>) target_semaphore(%arg27 : memref<!tpu.dma_semaphore, #tpu.memory_space<semaphore_mem>>)
      %dma_start3A_298 = arith.constant 768 : i32
      %dma_start3A_299 = tpu.memref_slice %arg19[%dma_start3A_298] : memref<4096xf32, #tpu.memory_space<vmem>> -> memref<256xf32, #tpu.memory_space<vmem>>
      %dma_start3A_300 = tpu.memref_slice %arg34[%multiple_of3A] : memref<4000xf32, #tpu.memory_space<vmem_shared>> -> memref<256xf32, #tpu.memory_space<vmem_shared>>
      %dma_start3A_301 = arith.constant 768 : i32
      %dma_start3A_302 = tpu.memref_slice %arg19[%dma_start3A_301] : memref<4096xf32, #tpu.memory_space<vmem>> -> memref<256xf32, #tpu.memory_space<vmem>>
      %dma_start3A_303 = tpu.memref_slice %arg34[%multiple_of3A] : memref<4000xf32, #tpu.memory_space<vmem_shared>> -> memref<256xf32, #tpu.memory_space<vmem_shared>>
      tpu.enqueue_dma source(%dma_start3A_303 : memref<256xf32, #tpu.memory_space<vmem_shared>>) target(%dma_start3A_302 : memref<256xf32, #tpu.memory_space<vmem>>) target_semaphore(%arg27 : memref<!tpu.dma_semaphore, #tpu.memory_space<semaphore_mem>>)
      %dma_start3A_304 = arith.constant 1024 : i32
      %dma_start3A_305 = tpu.memref_slice %arg19[%dma_start3A_304] : memref<4096xf32, #tpu.memory_space<vmem>> -> memref<256xf32, #tpu.memory_space<vmem>>
      %dma_start3A_306 = tpu.memref_slice %arg35[%multiple_of3A] : memref<4000xf32, #tpu.memory_space<vmem_shared>> -> memref<256xf32, #tpu.memory_space<vmem_shared>>
      %dma_start3A_307 = arith.constant 1024 : i32
      %dma_start3A_308 = tpu.memref_slice %arg19[%dma_start3A_307] : memref<4096xf32, #tpu.memory_space<vmem>> -> memref<256xf32, #tpu.memory_space<vmem>>
      %dma_start3A_309 = tpu.memref_slice %arg35[%multiple_of3A] : memref<4000xf32, #tpu.memory_space<vmem_shared>> -> memref<256xf32, #tpu.memory_space<vmem_shared>>
      tpu.enqueue_dma source(%dma_start3A_309 : memref<256xf32, #tpu.memory_space<vmem_shared>>) target(%dma_start3A_308 : memref<256xf32, #tpu.memory_space<vmem>>) target_semaphore(%arg27 : memref<!tpu.dma_semaphore, #tpu.memory_space<semaphore_mem>>)
      %dma_start3A_310 = arith.constant 1280 : i32
      %dma_start3A_311 = tpu.memref_slice %arg19[%dma_start3A_310] : memref<4096xf32, #tpu.memory_space<vmem>> -> memref<256xf32, #tpu.memory_space<vmem>>
      %dma_start3A_312 = tpu.memref_slice %arg36[%multiple_of3A] : memref<4000xf32, #tpu.memory_space<vmem_shared>> -> memref<256xf32, #tpu.memory_space<vmem_shared>>
      %dma_start3A_313 = arith.constant 1280 : i32
      %dma_start3A_314 = tpu.memref_slice %arg19[%dma_start3A_313] : memref<4096xf32, #tpu.memory_space<vmem>> -> memref<256xf32, #tpu.memory_space<vmem>>
      %dma_start3A_315 = tpu.memref_slice %arg36[%multiple_of3A] : memref<4000xf32, #tpu.memory_space<vmem_shared>> -> memref<256xf32, #tpu.memory_space<vmem_shared>>
      tpu.enqueue_dma source(%dma_start3A_315 : memref<256xf32, #tpu.memory_space<vmem_shared>>) target(%dma_start3A_314 : memref<256xf32, #tpu.memory_space<vmem>>) target_semaphore(%arg27 : memref<!tpu.dma_semaphore, #tpu.memory_space<semaphore_mem>>)
      %dma_start3A_316 = arith.constant 1536 : i32
      %dma_start3A_317 = tpu.memref_slice %arg19[%dma_start3A_316] : memref<4096xf32, #tpu.memory_space<vmem>> -> memref<256xf32, #tpu.memory_space<vmem>>
      %dma_start3A_318 = tpu.memref_slice %arg37[%multiple_of3A] : memref<4000xf32, #tpu.memory_space<vmem_shared>> -> memref<256xf32, #tpu.memory_space<vmem_shared>>
      %dma_start3A_319 = arith.constant 1536 : i32
      %dma_start3A_320 = tpu.memref_slice %arg19[%dma_start3A_319] : memref<4096xf32, #tpu.memory_space<vmem>> -> memref<256xf32, #tpu.memory_space<vmem>>
      %dma_start3A_321 = tpu.memref_slice %arg37[%multiple_of3A] : memref<4000xf32, #tpu.memory_space<vmem_shared>> -> memref<256xf32, #tpu.memory_space<vmem_shared>>
      tpu.enqueue_dma source(%dma_start3A_321 : memref<256xf32, #tpu.memory_space<vmem_shared>>) target(%dma_start3A_320 : memref<256xf32, #tpu.memory_space<vmem>>) target_semaphore(%arg27 : memref<!tpu.dma_semaphore, #tpu.memory_space<semaphore_mem>>)
      %dma_start3A_322 = arith.constant 1792 : i32
      %dma_start3A_323 = tpu.memref_slice %arg19[%dma_start3A_322] : memref<4096xf32, #tpu.memory_space<vmem>> -> memref<256xf32, #tpu.memory_space<vmem>>
      %dma_start3A_324 = tpu.memref_slice %arg38[%multiple_of3A] : memref<4000xf32, #tpu.memory_space<vmem_shared>> -> memref<256xf32, #tpu.memory_space<vmem_shared>>
      %dma_start3A_325 = arith.constant 1792 : i32
      %dma_start3A_326 = tpu.memref_slice %arg19[%dma_start3A_325] : memref<4096xf32, #tpu.memory_space<vmem>> -> memref<256xf32, #tpu.memory_space<vmem>>
      %dma_start3A_327 = tpu.memref_slice %arg38[%multiple_of3A] : memref<4000xf32, #tpu.memory_space<vmem_shared>> -> memref<256xf32, #tpu.memory_space<vmem_shared>>
      tpu.enqueue_dma source(%dma_start3A_327 : memref<256xf32, #tpu.memory_space<vmem_shared>>) target(%dma_start3A_326 : memref<256xf32, #tpu.memory_space<vmem>>) target_semaphore(%arg27 : memref<!tpu.dma_semaphore, #tpu.memory_space<semaphore_mem>>)
      %dma_start3A_328 = arith.constant 2048 : i32
      %dma_start3A_329 = tpu.memref_slice %arg19[%dma_start3A_328] : memref<4096xf32, #tpu.memory_space<vmem>> -> memref<256xf32, #tpu.memory_space<vmem>>
      %dma_start3A_330 = tpu.memref_slice %arg39[%multiple_of3A] : memref<4000xf32, #tpu.memory_space<vmem_shared>> -> memref<256xf32, #tpu.memory_space<vmem_shared>>
      %dma_start3A_331 = arith.constant 2048 : i32
      %dma_start3A_332 = tpu.memref_slice %arg19[%dma_start3A_331] : memref<4096xf32, #tpu.memory_space<vmem>> -> memref<256xf32, #tpu.memory_space<vmem>>
      %dma_start3A_333 = tpu.memref_slice %arg39[%multiple_of3A] : memref<4000xf32, #tpu.memory_space<vmem_shared>> -> memref<256xf32, #tpu.memory_space<vmem_shared>>
      tpu.enqueue_dma source(%dma_start3A_333 : memref<256xf32, #tpu.memory_space<vmem_shared>>) target(%dma_start3A_332 : memref<256xf32, #tpu.memory_space<vmem>>) target_semaphore(%arg27 : memref<!tpu.dma_semaphore, #tpu.memory_space<semaphore_mem>>)
      %dma_start3A_334 = arith.constant 2304 : i32
      %dma_start3A_335 = tpu.memref_slice %arg19[%dma_start3A_334] : memref<4096xf32, #tpu.memory_space<vmem>> -> memref<256xf32, #tpu.memory_space<vmem>>
      %dma_start3A_336 = tpu.memref_slice %arg40[%multiple_of3A] : memref<4000xf32, #tpu.memory_space<vmem_shared>> -> memref<256xf32, #tpu.memory_space<vmem_shared>>
      %dma_start3A_337 = arith.constant 2304 : i32
      %dma_start3A_338 = tpu.memref_slice %arg19[%dma_start3A_337] : memref<4096xf32, #tpu.memory_space<vmem>> -> memref<256xf32, #tpu.memory_space<vmem>>
      %dma_start3A_339 = tpu.memref_slice %arg40[%multiple_of3A] : memref<4000xf32, #tpu.memory_space<vmem_shared>> -> memref<256xf32, #tpu.memory_space<vmem_shared>>
      tpu.enqueue_dma source(%dma_start3A_339 : memref<256xf32, #tpu.memory_space<vmem_shared>>) target(%dma_start3A_338 : memref<256xf32, #tpu.memory_space<vmem>>) target_semaphore(%arg27 : memref<!tpu.dma_semaphore, #tpu.memory_space<semaphore_mem>>)
      %dma_start3A_340 = arith.constant 2560 : i32
      %dma_start3A_341 = tpu.memref_slice %arg19[%dma_start3A_340] : memref<4096xf32, #tpu.memory_space<vmem>> -> memref<256xf32, #tpu.memory_space<vmem>>
      %dma_start3A_342 = tpu.memref_slice %arg41[%multiple_of3A] : memref<4000xf32, #tpu.memory_space<vmem_shared>> -> memref<256xf32, #tpu.memory_space<vmem_shared>>
      %dma_start3A_343 = arith.constant 2560 : i32
      %dma_start3A_344 = tpu.memref_slice %arg19[%dma_start3A_343] : memref<4096xf32, #tpu.memory_space<vmem>> -> memref<256xf32, #tpu.memory_space<vmem>>
      %dma_start3A_345 = tpu.memref_slice %arg41[%multiple_of3A] : memref<4000xf32, #tpu.memory_space<vmem_shared>> -> memref<256xf32, #tpu.memory_space<vmem_shared>>
      tpu.enqueue_dma source(%dma_start3A_345 : memref<256xf32, #tpu.memory_space<vmem_shared>>) target(%dma_start3A_344 : memref<256xf32, #tpu.memory_space<vmem>>) target_semaphore(%arg27 : memref<!tpu.dma_semaphore, #tpu.memory_space<semaphore_mem>>)
      %dma_start3A_346 = arith.constant 2816 : i32
      %dma_start3A_347 = tpu.memref_slice %arg19[%dma_start3A_346] : memref<4096xf32, #tpu.memory_space<vmem>> -> memref<256xf32, #tpu.memory_space<vmem>>
      %dma_start3A_348 = tpu.memref_slice %arg42[%multiple_of3A] : memref<4000xf32, #tpu.memory_space<vmem_shared>> -> memref<256xf32, #tpu.memory_space<vmem_shared>>
      %dma_start3A_349 = arith.constant 2816 : i32
      %dma_start3A_350 = tpu.memref_slice %arg19[%dma_start3A_349] : memref<4096xf32, #tpu.memory_space<vmem>> -> memref<256xf32, #tpu.memory_space<vmem>>
      %dma_start3A_351 = tpu.memref_slice %arg42[%multiple_of3A] : memref<4000xf32, #tpu.memory_space<vmem_shared>> -> memref<256xf32, #tpu.memory_space<vmem_shared>>
      tpu.enqueue_dma source(%dma_start3A_351 : memref<256xf32, #tpu.memory_space<vmem_shared>>) target(%dma_start3A_350 : memref<256xf32, #tpu.memory_space<vmem>>) target_semaphore(%arg27 : memref<!tpu.dma_semaphore, #tpu.memory_space<semaphore_mem>>)
      %dma_start3A_352 = arith.constant 3072 : i32
      %dma_start3A_353 = tpu.memref_slice %arg19[%dma_start3A_352] : memref<4096xf32, #tpu.memory_space<vmem>> -> memref<256xf32, #tpu.memory_space<vmem>>
      %dma_start3A_354 = tpu.memref_slice %arg43[%multiple_of3A] : memref<4000xf32, #tpu.memory_space<vmem_shared>> -> memref<256xf32, #tpu.memory_space<vmem_shared>>
      %dma_start3A_355 = arith.constant 3072 : i32
      %dma_start3A_356 = tpu.memref_slice %arg19[%dma_start3A_355] : memref<4096xf32, #tpu.memory_space<vmem>> -> memref<256xf32, #tpu.memory_space<vmem>>
      %dma_start3A_357 = tpu.memref_slice %arg43[%multiple_of3A] : memref<4000xf32, #tpu.memory_space<vmem_shared>> -> memref<256xf32, #tpu.memory_space<vmem_shared>>
      tpu.enqueue_dma source(%dma_start3A_357 : memref<256xf32, #tpu.memory_space<vmem_shared>>) target(%dma_start3A_356 : memref<256xf32, #tpu.memory_space<vmem>>) target_semaphore(%arg27 : memref<!tpu.dma_semaphore, #tpu.memory_space<semaphore_mem>>)
      %dma_start3A_358 = arith.constant 3328 : i32
      %dma_start3A_359 = tpu.memref_slice %arg19[%dma_start3A_358] : memref<4096xf32, #tpu.memory_space<vmem>> -> memref<256xf32, #tpu.memory_space<vmem>>
      %dma_start3A_360 = tpu.memref_slice %arg44[%multiple_of3A] : memref<4000xf32, #tpu.memory_space<vmem_shared>> -> memref<256xf32, #tpu.memory_space<vmem_shared>>
      %dma_start3A_361 = arith.constant 3328 : i32
      %dma_start3A_362 = tpu.memref_slice %arg19[%dma_start3A_361] : memref<4096xf32, #tpu.memory_space<vmem>> -> memref<256xf32, #tpu.memory_space<vmem>>
      %dma_start3A_363 = tpu.memref_slice %arg44[%multiple_of3A] : memref<4000xf32, #tpu.memory_space<vmem_shared>> -> memref<256xf32, #tpu.memory_space<vmem_shared>>
      tpu.enqueue_dma source(%dma_start3A_363 : memref<256xf32, #tpu.memory_space<vmem_shared>>) target(%dma_start3A_362 : memref<256xf32, #tpu.memory_space<vmem>>) target_semaphore(%arg27 : memref<!tpu.dma_semaphore, #tpu.memory_space<semaphore_mem>>)
      %dma_start3A_364 = arith.constant 3584 : i32
      %dma_start3A_365 = tpu.memref_slice %arg19[%dma_start3A_364] : memref<4096xf32, #tpu.memory_space<vmem>> -> memref<256xf32, #tpu.memory_space<vmem>>
      %dma_start3A_366 = tpu.memref_slice %arg45[%multiple_of3A] : memref<4000xf32, #tpu.memory_space<vmem_shared>> -> memref<256xf32, #tpu.memory_space<vmem_shared>>
      %dma_start3A_367 = arith.constant 3584 : i32
      %dma_start3A_368 = tpu.memref_slice %arg19[%dma_start3A_367] : memref<4096xf32, #tpu.memory_space<vmem>> -> memref<256xf32, #tpu.memory_space<vmem>>
      %dma_start3A_369 = tpu.memref_slice %arg45[%multiple_of3A] : memref<4000xf32, #tpu.memory_space<vmem_shared>> -> memref<256xf32, #tpu.memory_space<vmem_shared>>
      tpu.enqueue_dma source(%dma_start3A_369 : memref<256xf32, #tpu.memory_space<vmem_shared>>) target(%dma_start3A_368 : memref<256xf32, #tpu.memory_space<vmem>>) target_semaphore(%arg27 : memref<!tpu.dma_semaphore, #tpu.memory_space<semaphore_mem>>)
      %dma_start3A_370 = arith.constant 3840 : i32
      %dma_start3A_371 = tpu.memref_slice %arg19[%dma_start3A_370] : memref<4096xf32, #tpu.memory_space<vmem>> -> memref<256xf32, #tpu.memory_space<vmem>>
      %dma_start3A_372 = tpu.memref_slice %arg46[%multiple_of3A] : memref<4000xf32, #tpu.memory_space<vmem_shared>> -> memref<256xf32, #tpu.memory_space<vmem_shared>>
      %dma_start3A_373 = arith.constant 3840 : i32
      %dma_start3A_374 = tpu.memref_slice %arg19[%dma_start3A_373] : memref<4096xf32, #tpu.memory_space<vmem>> -> memref<256xf32, #tpu.memory_space<vmem>>
      %dma_start3A_375 = tpu.memref_slice %arg46[%multiple_of3A] : memref<4000xf32, #tpu.memory_space<vmem_shared>> -> memref<256xf32, #tpu.memory_space<vmem_shared>>
      tpu.enqueue_dma source(%dma_start3A_375 : memref<256xf32, #tpu.memory_space<vmem_shared>>) target(%dma_start3A_374 : memref<256xf32, #tpu.memory_space<vmem>>) target_semaphore(%arg27 : memref<!tpu.dma_semaphore, #tpu.memory_space<semaphore_mem>>)
      %dma_wait3A = arith.constant 0 : i32
      %dma_wait3A_376 = tpu.memref_slice %arg19[%dma_wait3A] : memref<4096xf32, #tpu.memory_space<vmem>> -> memref<256xf32, #tpu.memory_space<vmem>>
      %dma_wait3A_377 = tpu.memref_slice %arg31[%multiple_of3A] : memref<4000xf32, #tpu.memory_space<vmem_shared>> -> memref<256xf32, #tpu.memory_space<vmem_shared>>
      %dma_wait3A_378 = arith.constant 0 : i32
      %dma_wait3A_379 = tpu.memref_slice %arg19[%dma_wait3A_378] : memref<4096xf32, #tpu.memory_space<vmem>> -> memref<256xf32, #tpu.memory_space<vmem>>
      %dma_wait3A_380 = tpu.memref_slice %arg31[%multiple_of3A] : memref<4000xf32, #tpu.memory_space<vmem_shared>> -> memref<256xf32, #tpu.memory_space<vmem_shared>>
      tpu.wait_dma2 semaphore(%arg27 : memref<!tpu.dma_semaphore, #tpu.memory_space<semaphore_mem>>) src(%dma_wait3A_380 : memref<256xf32, #tpu.memory_space<vmem_shared>>) dst(%dma_wait3A_379 : memref<256xf32, #tpu.memory_space<vmem>>)
      %dma_wait3A_381 = arith.constant 256 : i32
      %dma_wait3A_382 = tpu.memref_slice %arg19[%dma_wait3A_381] : memref<4096xf32, #tpu.memory_space<vmem>> -> memref<256xf32, #tpu.memory_space<vmem>>
      %dma_wait3A_383 = tpu.memref_slice %arg32[%multiple_of3A] : memref<4000xf32, #tpu.memory_space<vmem_shared>> -> memref<256xf32, #tpu.memory_space<vmem_shared>>
      %dma_wait3A_384 = arith.constant 256 : i32
      %dma_wait3A_385 = tpu.memref_slice %arg19[%dma_wait3A_384] : memref<4096xf32, #tpu.memory_space<vmem>> -> memref<256xf32, #tpu.memory_space<vmem>>
      %dma_wait3A_386 = tpu.memref_slice %arg32[%multiple_of3A] : memref<4000xf32, #tpu.memory_space<vmem_shared>> -> memref<256xf32, #tpu.memory_space<vmem_shared>>
      tpu.wait_dma2 semaphore(%arg27 : memref<!tpu.dma_semaphore, #tpu.memory_space<semaphore_mem>>) src(%dma_wait3A_386 : memref<256xf32, #tpu.memory_space<vmem_shared>>) dst(%dma_wait3A_385 : memref<256xf32, #tpu.memory_space<vmem>>)
      %dma_wait3A_387 = arith.constant 512 : i32
      %dma_wait3A_388 = tpu.memref_slice %arg19[%dma_wait3A_387] : memref<4096xf32, #tpu.memory_space<vmem>> -> memref<256xf32, #tpu.memory_space<vmem>>
      %dma_wait3A_389 = tpu.memref_slice %arg33[%multiple_of3A] : memref<4000xf32, #tpu.memory_space<vmem_shared>> -> memref<256xf32, #tpu.memory_space<vmem_shared>>
      %dma_wait3A_390 = arith.constant 512 : i32
      %dma_wait3A_391 = tpu.memref_slice %arg19[%dma_wait3A_390] : memref<4096xf32, #tpu.memory_space<vmem>> -> memref<256xf32, #tpu.memory_space<vmem>>
      %dma_wait3A_392 = tpu.memref_slice %arg33[%multiple_of3A] : memref<4000xf32, #tpu.memory_space<vmem_shared>> -> memref<256xf32, #tpu.memory_space<vmem_shared>>
      tpu.wait_dma2 semaphore(%arg27 : memref<!tpu.dma_semaphore, #tpu.memory_space<semaphore_mem>>) src(%dma_wait3A_392 : memref<256xf32, #tpu.memory_space<vmem_shared>>) dst(%dma_wait3A_391 : memref<256xf32, #tpu.memory_space<vmem>>)
      %dma_wait3A_393 = arith.constant 768 : i32
      %dma_wait3A_394 = tpu.memref_slice %arg19[%dma_wait3A_393] : memref<4096xf32, #tpu.memory_space<vmem>> -> memref<256xf32, #tpu.memory_space<vmem>>
      %dma_wait3A_395 = tpu.memref_slice %arg34[%multiple_of3A] : memref<4000xf32, #tpu.memory_space<vmem_shared>> -> memref<256xf32, #tpu.memory_space<vmem_shared>>
      %dma_wait3A_396 = arith.constant 768 : i32
      %dma_wait3A_397 = tpu.memref_slice %arg19[%dma_wait3A_396] : memref<4096xf32, #tpu.memory_space<vmem>> -> memref<256xf32, #tpu.memory_space<vmem>>
      %dma_wait3A_398 = tpu.memref_slice %arg34[%multiple_of3A] : memref<4000xf32, #tpu.memory_space<vmem_shared>> -> memref<256xf32, #tpu.memory_space<vmem_shared>>
      tpu.wait_dma2 semaphore(%arg27 : memref<!tpu.dma_semaphore, #tpu.memory_space<semaphore_mem>>) src(%dma_wait3A_398 : memref<256xf32, #tpu.memory_space<vmem_shared>>) dst(%dma_wait3A_397 : memref<256xf32, #tpu.memory_space<vmem>>)
      %dma_wait3A_399 = arith.constant 1024 : i32
      %dma_wait3A_400 = tpu.memref_slice %arg19[%dma_wait3A_399] : memref<4096xf32, #tpu.memory_space<vmem>> -> memref<256xf32, #tpu.memory_space<vmem>>
      %dma_wait3A_401 = tpu.memref_slice %arg35[%multiple_of3A] : memref<4000xf32, #tpu.memory_space<vmem_shared>> -> memref<256xf32, #tpu.memory_space<vmem_shared>>
      %dma_wait3A_402 = arith.constant 1024 : i32
      %dma_wait3A_403 = tpu.memref_slice %arg19[%dma_wait3A_402] : memref<4096xf32, #tpu.memory_space<vmem>> -> memref<256xf32, #tpu.memory_space<vmem>>
      %dma_wait3A_404 = tpu.memref_slice %arg35[%multiple_of3A] : memref<4000xf32, #tpu.memory_space<vmem_shared>> -> memref<256xf32, #tpu.memory_space<vmem_shared>>
      tpu.wait_dma2 semaphore(%arg27 : memref<!tpu.dma_semaphore, #tpu.memory_space<semaphore_mem>>) src(%dma_wait3A_404 : memref<256xf32, #tpu.memory_space<vmem_shared>>) dst(%dma_wait3A_403 : memref<256xf32, #tpu.memory_space<vmem>>)
      %dma_wait3A_405 = arith.constant 1280 : i32
      %dma_wait3A_406 = tpu.memref_slice %arg19[%dma_wait3A_405] : memref<4096xf32, #tpu.memory_space<vmem>> -> memref<256xf32, #tpu.memory_space<vmem>>
      %dma_wait3A_407 = tpu.memref_slice %arg36[%multiple_of3A] : memref<4000xf32, #tpu.memory_space<vmem_shared>> -> memref<256xf32, #tpu.memory_space<vmem_shared>>
      %dma_wait3A_408 = arith.constant 1280 : i32
      %dma_wait3A_409 = tpu.memref_slice %arg19[%dma_wait3A_408] : memref<4096xf32, #tpu.memory_space<vmem>> -> memref<256xf32, #tpu.memory_space<vmem>>
      %dma_wait3A_410 = tpu.memref_slice %arg36[%multiple_of3A] : memref<4000xf32, #tpu.memory_space<vmem_shared>> -> memref<256xf32, #tpu.memory_space<vmem_shared>>
      tpu.wait_dma2 semaphore(%arg27 : memref<!tpu.dma_semaphore, #tpu.memory_space<semaphore_mem>>) src(%dma_wait3A_410 : memref<256xf32, #tpu.memory_space<vmem_shared>>) dst(%dma_wait3A_409 : memref<256xf32, #tpu.memory_space<vmem>>)
      %dma_wait3A_411 = arith.constant 1536 : i32
      %dma_wait3A_412 = tpu.memref_slice %arg19[%dma_wait3A_411] : memref<4096xf32, #tpu.memory_space<vmem>> -> memref<256xf32, #tpu.memory_space<vmem>>
      %dma_wait3A_413 = tpu.memref_slice %arg37[%multiple_of3A] : memref<4000xf32, #tpu.memory_space<vmem_shared>> -> memref<256xf32, #tpu.memory_space<vmem_shared>>
      %dma_wait3A_414 = arith.constant 1536 : i32
      %dma_wait3A_415 = tpu.memref_slice %arg19[%dma_wait3A_414] : memref<4096xf32, #tpu.memory_space<vmem>> -> memref<256xf32, #tpu.memory_space<vmem>>
      %dma_wait3A_416 = tpu.memref_slice %arg37[%multiple_of3A] : memref<4000xf32, #tpu.memory_space<vmem_shared>> -> memref<256xf32, #tpu.memory_space<vmem_shared>>
      tpu.wait_dma2 semaphore(%arg27 : memref<!tpu.dma_semaphore, #tpu.memory_space<semaphore_mem>>) src(%dma_wait3A_416 : memref<256xf32, #tpu.memory_space<vmem_shared>>) dst(%dma_wait3A_415 : memref<256xf32, #tpu.memory_space<vmem>>)
      %dma_wait3A_417 = arith.constant 1792 : i32
      %dma_wait3A_418 = tpu.memref_slice %arg19[%dma_wait3A_417] : memref<4096xf32, #tpu.memory_space<vmem>> -> memref<256xf32, #tpu.memory_space<vmem>>
      %dma_wait3A_419 = tpu.memref_slice %arg38[%multiple_of3A] : memref<4000xf32, #tpu.memory_space<vmem_shared>> -> memref<256xf32, #tpu.memory_space<vmem_shared>>
      %dma_wait3A_420 = arith.constant 1792 : i32
      %dma_wait3A_421 = tpu.memref_slice %arg19[%dma_wait3A_420] : memref<4096xf32, #tpu.memory_space<vmem>> -> memref<256xf32, #tpu.memory_space<vmem>>
      %dma_wait3A_422 = tpu.memref_slice %arg38[%multiple_of3A] : memref<4000xf32, #tpu.memory_space<vmem_shared>> -> memref<256xf32, #tpu.memory_space<vmem_shared>>
      tpu.wait_dma2 semaphore(%arg27 : memref<!tpu.dma_semaphore, #tpu.memory_space<semaphore_mem>>) src(%dma_wait3A_422 : memref<256xf32, #tpu.memory_space<vmem_shared>>) dst(%dma_wait3A_421 : memref<256xf32, #tpu.memory_space<vmem>>)
      %dma_wait3A_423 = arith.constant 2048 : i32
      %dma_wait3A_424 = tpu.memref_slice %arg19[%dma_wait3A_423] : memref<4096xf32, #tpu.memory_space<vmem>> -> memref<256xf32, #tpu.memory_space<vmem>>
      %dma_wait3A_425 = tpu.memref_slice %arg39[%multiple_of3A] : memref<4000xf32, #tpu.memory_space<vmem_shared>> -> memref<256xf32, #tpu.memory_space<vmem_shared>>
      %dma_wait3A_426 = arith.constant 2048 : i32
      %dma_wait3A_427 = tpu.memref_slice %arg19[%dma_wait3A_426] : memref<4096xf32, #tpu.memory_space<vmem>> -> memref<256xf32, #tpu.memory_space<vmem>>
      %dma_wait3A_428 = tpu.memref_slice %arg39[%multiple_of3A] : memref<4000xf32, #tpu.memory_space<vmem_shared>> -> memref<256xf32, #tpu.memory_space<vmem_shared>>
      tpu.wait_dma2 semaphore(%arg27 : memref<!tpu.dma_semaphore, #tpu.memory_space<semaphore_mem>>) src(%dma_wait3A_428 : memref<256xf32, #tpu.memory_space<vmem_shared>>) dst(%dma_wait3A_427 : memref<256xf32, #tpu.memory_space<vmem>>)
      %dma_wait3A_429 = arith.constant 2304 : i32
      %dma_wait3A_430 = tpu.memref_slice %arg19[%dma_wait3A_429] : memref<4096xf32, #tpu.memory_space<vmem>> -> memref<256xf32, #tpu.memory_space<vmem>>
      %dma_wait3A_431 = tpu.memref_slice %arg40[%multiple_of3A] : memref<4000xf32, #tpu.memory_space<vmem_shared>> -> memref<256xf32, #tpu.memory_space<vmem_shared>>
      %dma_wait3A_432 = arith.constant 2304 : i32
      %dma_wait3A_433 = tpu.memref_slice %arg19[%dma_wait3A_432] : memref<4096xf32, #tpu.memory_space<vmem>> -> memref<256xf32, #tpu.memory_space<vmem>>
      %dma_wait3A_434 = tpu.memref_slice %arg40[%multiple_of3A] : memref<4000xf32, #tpu.memory_space<vmem_shared>> -> memref<256xf32, #tpu.memory_space<vmem_shared>>
      tpu.wait_dma2 semaphore(%arg27 : memref<!tpu.dma_semaphore, #tpu.memory_space<semaphore_mem>>) src(%dma_wait3A_434 : memref<256xf32, #tpu.memory_space<vmem_shared>>) dst(%dma_wait3A_433 : memref<256xf32, #tpu.memory_space<vmem>>)
      %dma_wait3A_435 = arith.constant 2560 : i32
      %dma_wait3A_436 = tpu.memref_slice %arg19[%dma_wait3A_435] : memref<4096xf32, #tpu.memory_space<vmem>> -> memref<256xf32, #tpu.memory_space<vmem>>
      %dma_wait3A_437 = tpu.memref_slice %arg41[%multiple_of3A] : memref<4000xf32, #tpu.memory_space<vmem_shared>> -> memref<256xf32, #tpu.memory_space<vmem_shared>>
      %dma_wait3A_438 = arith.constant 2560 : i32
      %dma_wait3A_439 = tpu.memref_slice %arg19[%dma_wait3A_438] : memref<4096xf32, #tpu.memory_space<vmem>> -> memref<256xf32, #tpu.memory_space<vmem>>
      %dma_wait3A_440 = tpu.memref_slice %arg41[%multiple_of3A] : memref<4000xf32, #tpu.memory_space<vmem_shared>> -> memref<256xf32, #tpu.memory_space<vmem_shared>>
      tpu.wait_dma2 semaphore(%arg27 : memref<!tpu.dma_semaphore, #tpu.memory_space<semaphore_mem>>) src(%dma_wait3A_440 : memref<256xf32, #tpu.memory_space<vmem_shared>>) dst(%dma_wait3A_439 : memref<256xf32, #tpu.memory_space<vmem>>)
      %dma_wait3A_441 = arith.constant 2816 : i32
      %dma_wait3A_442 = tpu.memref_slice %arg19[%dma_wait3A_441] : memref<4096xf32, #tpu.memory_space<vmem>> -> memref<256xf32, #tpu.memory_space<vmem>>
      %dma_wait3A_443 = tpu.memref_slice %arg42[%multiple_of3A] : memref<4000xf32, #tpu.memory_space<vmem_shared>> -> memref<256xf32, #tpu.memory_space<vmem_shared>>
      %dma_wait3A_444 = arith.constant 2816 : i32
      %dma_wait3A_445 = tpu.memref_slice %arg19[%dma_wait3A_444] : memref<4096xf32, #tpu.memory_space<vmem>> -> memref<256xf32, #tpu.memory_space<vmem>>
      %dma_wait3A_446 = tpu.memref_slice %arg42[%multiple_of3A] : memref<4000xf32, #tpu.memory_space<vmem_shared>> -> memref<256xf32, #tpu.memory_space<vmem_shared>>
      tpu.wait_dma2 semaphore(%arg27 : memref<!tpu.dma_semaphore, #tpu.memory_space<semaphore_mem>>) src(%dma_wait3A_446 : memref<256xf32, #tpu.memory_space<vmem_shared>>) dst(%dma_wait3A_445 : memref<256xf32, #tpu.memory_space<vmem>>)
      %dma_wait3A_447 = arith.constant 3072 : i32
      %dma_wait3A_448 = tpu.memref_slice %arg19[%dma_wait3A_447] : memref<4096xf32, #tpu.memory_space<vmem>> -> memref<256xf32, #tpu.memory_space<vmem>>
      %dma_wait3A_449 = tpu.memref_slice %arg43[%multiple_of3A] : memref<4000xf32, #tpu.memory_space<vmem_shared>> -> memref<256xf32, #tpu.memory_space<vmem_shared>>
      %dma_wait3A_450 = arith.constant 3072 : i32
      %dma_wait3A_451 = tpu.memref_slice %arg19[%dma_wait3A_450] : memref<4096xf32, #tpu.memory_space<vmem>> -> memref<256xf32, #tpu.memory_space<vmem>>
      %dma_wait3A_452 = tpu.memref_slice %arg43[%multiple_of3A] : memref<4000xf32, #tpu.memory_space<vmem_shared>> -> memref<256xf32, #tpu.memory_space<vmem_shared>>
      tpu.wait_dma2 semaphore(%arg27 : memref<!tpu.dma_semaphore, #tpu.memory_space<semaphore_mem>>) src(%dma_wait3A_452 : memref<256xf32, #tpu.memory_space<vmem_shared>>) dst(%dma_wait3A_451 : memref<256xf32, #tpu.memory_space<vmem>>)
      %dma_wait3A_453 = arith.constant 3328 : i32
      %dma_wait3A_454 = tpu.memref_slice %arg19[%dma_wait3A_453] : memref<4096xf32, #tpu.memory_space<vmem>> -> memref<256xf32, #tpu.memory_space<vmem>>
      %dma_wait3A_455 = tpu.memref_slice %arg44[%multiple_of3A] : memref<4000xf32, #tpu.memory_space<vmem_shared>> -> memref<256xf32, #tpu.memory_space<vmem_shared>>
      %dma_wait3A_456 = arith.constant 3328 : i32
      %dma_wait3A_457 = tpu.memref_slice %arg19[%dma_wait3A_456] : memref<4096xf32, #tpu.memory_space<vmem>> -> memref<256xf32, #tpu.memory_space<vmem>>
      %dma_wait3A_458 = tpu.memref_slice %arg44[%multiple_of3A] : memref<4000xf32, #tpu.memory_space<vmem_shared>> -> memref<256xf32, #tpu.memory_space<vmem_shared>>
      tpu.wait_dma2 semaphore(%arg27 : memref<!tpu.dma_semaphore, #tpu.memory_space<semaphore_mem>>) src(%dma_wait3A_458 : memref<256xf32, #tpu.memory_space<vmem_shared>>) dst(%dma_wait3A_457 : memref<256xf32, #tpu.memory_space<vmem>>)
      %dma_wait3A_459 = arith.constant 3584 : i32
      %dma_wait3A_460 = tpu.memref_slice %arg19[%dma_wait3A_459] : memref<4096xf32, #tpu.memory_space<vmem>> -> memref<256xf32, #tpu.memory_space<vmem>>
      %dma_wait3A_461 = tpu.memref_slice %arg45[%multiple_of3A] : memref<4000xf32, #tpu.memory_space<vmem_shared>> -> memref<256xf32, #tpu.memory_space<vmem_shared>>
      %dma_wait3A_462 = arith.constant 3584 : i32
      %dma_wait3A_463 = tpu.memref_slice %arg19[%dma_wait3A_462] : memref<4096xf32, #tpu.memory_space<vmem>> -> memref<256xf32, #tpu.memory_space<vmem>>
      %dma_wait3A_464 = tpu.memref_slice %arg45[%multiple_of3A] : memref<4000xf32, #tpu.memory_space<vmem_shared>> -> memref<256xf32, #tpu.memory_space<vmem_shared>>
      tpu.wait_dma2 semaphore(%arg27 : memref<!tpu.dma_semaphore, #tpu.memory_space<semaphore_mem>>) src(%dma_wait3A_464 : memref<256xf32, #tpu.memory_space<vmem_shared>>) dst(%dma_wait3A_463 : memref<256xf32, #tpu.memory_space<vmem>>)
      %dma_wait3A_465 = arith.constant 3840 : i32
      %dma_wait3A_466 = tpu.memref_slice %arg19[%dma_wait3A_465] : memref<4096xf32, #tpu.memory_space<vmem>> -> memref<256xf32, #tpu.memory_space<vmem>>
      %dma_wait3A_467 = tpu.memref_slice %arg46[%multiple_of3A] : memref<4000xf32, #tpu.memory_space<vmem_shared>> -> memref<256xf32, #tpu.memory_space<vmem_shared>>
      %dma_wait3A_468 = arith.constant 3840 : i32
      %dma_wait3A_469 = tpu.memref_slice %arg19[%dma_wait3A_468] : memref<4096xf32, #tpu.memory_space<vmem>> -> memref<256xf32, #tpu.memory_space<vmem>>
      %dma_wait3A_470 = tpu.memref_slice %arg46[%multiple_of3A] : memref<4000xf32, #tpu.memory_space<vmem_shared>> -> memref<256xf32, #tpu.memory_space<vmem_shared>>
      tpu.wait_dma2 semaphore(%arg27 : memref<!tpu.dma_semaphore, #tpu.memory_space<semaphore_mem>>) src(%dma_wait3A_470 : memref<256xf32, #tpu.memory_space<vmem_shared>>) dst(%dma_wait3A_469 : memref<256xf32, #tpu.memory_space<vmem>>)
      %get3A = arith.constant 0 : index
      %get3A_471 = tpu.vector_load %arg19[%get3A] {strides = array<i32>} : memref<4096xf32, #tpu.memory_space<vmem>>, vector<16xf32>,
      %get3A_472 = arith.constant 256 : index
      %get3A_473 = tpu.vector_load %arg19[%get3A_472] {strides = array<i32>} : memref<4096xf32, #tpu.memory_space<vmem>>, vector<16xf32>,
      %add3A_474 = arith.addf %get3A_471, %get3A_473 : vector<16xf32>
      %get3A_475 = arith.constant 512 : index
      %get3A_476 = tpu.vector_load %arg19[%get3A_475] {strides = array<i32>} : memref<4096xf32, #tpu.memory_space<vmem>>, vector<16xf32>,
      %add3A_477 = arith.addf %add3A_474, %get3A_476 : vector<16xf32>
      %get3A_478 = arith.constant 768 : index
      %get3A_479 = tpu.vector_load %arg19[%get3A_478] {strides = array<i32>} : memref<4096xf32, #tpu.memory_space<vmem>>, vector<16xf32>,
      %add3A_480 = arith.addf %add3A_477, %get3A_479 : vector<16xf32>
      %get3A_481 = arith.constant 1024 : index
      %get3A_482 = tpu.vector_load %arg19[%get3A_481] {strides = array<i32>} : memref<4096xf32, #tpu.memory_space<vmem>>, vector<16xf32>,
      %add3A_483 = arith.addf %add3A_480, %get3A_482 : vector<16xf32>
      %get3A_484 = arith.constant 1280 : index
      %get3A_485 = tpu.vector_load %arg19[%get3A_484] {strides = array<i32>} : memref<4096xf32, #tpu.memory_space<vmem>>, vector<16xf32>,
      %add3A_486 = arith.addf %add3A_483, %get3A_485 : vector<16xf32>
      %get3A_487 = arith.constant 1536 : index
      %get3A_488 = tpu.vector_load %arg19[%get3A_487] {strides = array<i32>} : memref<4096xf32, #tpu.memory_space<vmem>>, vector<16xf32>,
      %add3A_489 = arith.addf %add3A_486, %get3A_488 : vector<16xf32>
      %get3A_490 = arith.constant 1792 : index
      %get3A_491 = tpu.vector_load %arg19[%get3A_490] {strides = array<i32>} : memref<4096xf32, #tpu.memory_space<vmem>>, vector<16xf32>,
      %add3A_492 = arith.addf %add3A_489, %get3A_491 : vector<16xf32>
      %get3A_493 = arith.constant 2048 : index
      %get3A_494 = tpu.vector_load %arg19[%get3A_493] {strides = array<i32>} : memref<4096xf32, #tpu.memory_space<vmem>>, vector<16xf32>,
      %add3A_495 = arith.addf %add3A_492, %get3A_494 : vector<16xf32>
      %get3A_496 = arith.constant 2304 : index
      %get3A_497 = tpu.vector_load %arg19[%get3A_496] {strides = array<i32>} : memref<4096xf32, #tpu.memory_space<vmem>>, vector<16xf32>,
      %add3A_498 = arith.addf %add3A_495, %get3A_497 : vector<16xf32>
      %get3A_499 = arith.constant 2560 : index
      %get3A_500 = tpu.vector_load %arg19[%get3A_499] {strides = array<i32>} : memref<4096xf32, #tpu.memory_space<vmem>>, vector<16xf32>,
      %add3A_501 = arith.addf %add3A_498, %get3A_500 : vector<16xf32>
      %get3A_502 = arith.constant 2816 : index
      %get3A_503 = tpu.vector_load %arg19[%get3A_502] {strides = array<i32>} : memref<4096xf32, #tpu.memory_space<vmem>>, vector<16xf32>,
      %add3A_504 = arith.addf %add3A_501, %get3A_503 : vector<16xf32>
      %get3A_505 = arith.constant 3072 : index
      %get3A_506 = tpu.vector_load %arg19[%get3A_505] {strides = array<i32>} : memref<4096xf32, #tpu.memory_space<vmem>>, vector<16xf32>,
      %add3A_507 = arith.addf %add3A_504, %get3A_506 : vector<16xf32>
      %get3A_508 = arith.constant 3328 : index
      %get3A_509 = tpu.vector_load %arg19[%get3A_508] {strides = array<i32>} : memref<4096xf32, #tpu.memory_space<vmem>>, vector<16xf32>,
      %add3A_510 = arith.addf %add3A_507, %get3A_509 : vector<16xf32>
      %get3A_511 = arith.constant 3584 : index
      %get3A_512 = tpu.vector_load %arg19[%get3A_511] {strides = array<i32>} : memref<4096xf32, #tpu.memory_space<vmem>>, vector<16xf32>,
      %add3A_513 = arith.addf %add3A_510, %get3A_512 : vector<16xf32>
      %get3A_514 = arith.constant 3840 : index
      %get3A_515 = tpu.vector_load %arg19[%get3A_514] {strides = array<i32>} : memref<4096xf32, #tpu.memory_space<vmem>>, vector<16xf32>,
      %add3A_516 = arith.addf %add3A_513, %get3A_515 : vector<16xf32>
      %iota3A = tpu.iota {dimensions = array<i32: 0>} : vector<16xi32>
      %add3A_517 = arith.constant 0 : i32
      %add3A_518 = vector.broadcast %add3A_517 : i32 to vector<16xi32>
      %add3A_519 = arith.addi %add3A_518, %iota3A : vector<16xi32>
      %broadcast_in_dim3A_520 = arith.constant 0 : i32
      %broadcast_in_dim3A_521 = vector.broadcast %broadcast_in_dim3A_520 : i32 to vector<16xi32>
      tpu.vector_store_idx %arg20[%add3A_519, %broadcast_in_dim3A_521], %add3A_516 : memref<256x8xf32, #tpu.memory_space<vmem>>[vector<16xi32>, vector<16xi32>], vector<16xf32>,
      %get3A_522 = arith.constant 16 : index
      %get3A_523 = tpu.vector_load %arg19[%get3A_522] {strides = array<i32>} : memref<4096xf32, #tpu.memory_space<vmem>>, vector<16xf32>,
      %get3A_524 = arith.constant 272 : index
      %get3A_525 = tpu.vector_load %arg19[%get3A_524] {strides = array<i32>} : memref<4096xf32, #tpu.memory_space<vmem>>, vector<16xf32>,
      %add3A_526 = arith.addf %get3A_523, %get3A_525 : vector<16xf32>
      %get3A_527 = arith.constant 528 : index
      %get3A_528 = tpu.vector_load %arg19[%get3A_527] {strides = array<i32>} : memref<4096xf32, #tpu.memory_space<vmem>>, vector<16xf32>,
      %add3A_529 = arith.addf %add3A_526, %get3A_528 : vector<16xf32>
      %get3A_530 = arith.constant 784 : index
      %get3A_531 = tpu.vector_load %arg19[%get3A_530] {strides = array<i32>} : memref<4096xf32, #tpu.memory_space<vmem>>, vector<16xf32>,
      %add3A_532 = arith.addf %add3A_529, %get3A_531 : vector<16xf32>
      %get3A_533 = arith.constant 1040 : index
      %get3A_534 = tpu.vector_load %arg19[%get3A_533] {strides = array<i32>} : memref<4096xf32, #tpu.memory_space<vmem>>, vector<16xf32>,
      %add3A_535 = arith.addf %add3A_532, %get3A_534 : vector<16xf32>
      %get3A_536 = arith.constant 1296 : index
      %get3A_537 = tpu.vector_load %arg19[%get3A_536] {strides = array<i32>} : memref<4096xf32, #tpu.memory_space<vmem>>, vector<16xf32>,
      %add3A_538 = arith.addf %add3A_535, %get3A_537 : vector<16xf32>
      %get3A_539 = arith.constant 1552 : index
      %get3A_540 = tpu.vector_load %arg19[%get3A_539] {strides = array<i32>} : memref<4096xf32, #tpu.memory_space<vmem>>, vector<16xf32>,
      %add3A_541 = arith.addf %add3A_538, %get3A_540 : vector<16xf32>
      %get3A_542 = arith.constant 1808 : index
      %get3A_543 = tpu.vector_load %arg19[%get3A_542] {strides = array<i32>} : memref<4096xf32, #tpu.memory_space<vmem>>, vector<16xf32>,
      %add3A_544 = arith.addf %add3A_541, %get3A_543 : vector<16xf32>
      %get3A_545 = arith.constant 2064 : index
      %get3A_546 = tpu.vector_load %arg19[%get3A_545] {strides = array<i32>} : memref<4096xf32, #tpu.memory_space<vmem>>, vector<16xf32>,
      %add3A_547 = arith.addf %add3A_544, %get3A_546 : vector<16xf32>
      %get3A_548 = arith.constant 2320 : index
      %get3A_549 = tpu.vector_load %arg19[%get3A_548] {strides = array<i32>} : memref<4096xf32, #tpu.memory_space<vmem>>, vector<16xf32>,
      %add3A_550 = arith.addf %add3A_547, %get3A_549 : vector<16xf32>
      %get3A_551 = arith.constant 2576 : index
      %get3A_552 = tpu.vector_load %arg19[%get3A_551] {strides = array<i32>} : memref<4096xf32, #tpu.memory_space<vmem>>, vector<16xf32>,
      %add3A_553 = arith.addf %add3A_550, %get3A_552 : vector<16xf32>
      %get3A_554 = arith.constant 2832 : index
      %get3A_555 = tpu.vector_load %arg19[%get3A_554] {strides = array<i32>} : memref<4096xf32, #tpu.memory_space<vmem>>, vector<16xf32>,
      %add3A_556 = arith.addf %add3A_553, %get3A_555 : vector<16xf32>
      %get3A_557 = arith.constant 3088 : index
      %get3A_558 = tpu.vector_load %arg19[%get3A_557] {strides = array<i32>} : memref<4096xf32, #tpu.memory_space<vmem>>, vector<16xf32>,
      %add3A_559 = arith.addf %add3A_556, %get3A_558 : vector<16xf32>
      %get3A_560 = arith.constant 3344 : index
      %get3A_561 = tpu.vector_load %arg19[%get3A_560] {strides = array<i32>} : memref<4096xf32, #tpu.memory_space<vmem>>, vector<16xf32>,
      %add3A_562 = arith.addf %add3A_559, %get3A_561 : vector<16xf32>
      %get3A_563 = arith.constant 3600 : index
      %get3A_564 = tpu.vector_load %arg19[%get3A_563] {strides = array<i32>} : memref<4096xf32, #tpu.memory_space<vmem>>, vector<16xf32>,
      %add3A_565 = arith.addf %add3A_562, %get3A_564 : vector<16xf32>
      %get3A_566 = arith.constant 3856 : index
      %get3A_567 = tpu.vector_load %arg19[%get3A_566] {strides = array<i32>} : memref<4096xf32, #tpu.memory_space<vmem>>, vector<16xf32>,
      %add3A_568 = arith.addf %add3A_565, %get3A_567 : vector<16xf32>
      %iota3A_569 = tpu.iota {dimensions = array<i32: 0>} : vector<16xi32>
      %add3A_570 = arith.constant 16 : i32
      %add3A_571 = vector.broadcast %add3A_570 : i32 to vector<16xi32>
      %add3A_572 = arith.addi %add3A_571, %iota3A_569 : vector<16xi32>
      %broadcast_in_dim3A_573 = arith.constant 0 : i32
      %broadcast_in_dim3A_574 = vector.broadcast %broadcast_in_dim3A_573 : i32 to vector<16xi32>
      tpu.vector_store_idx %arg20[%add3A_572, %broadcast_in_dim3A_574], %add3A_568 : memref<256x8xf32, #tpu.memory_space<vmem>>[vector<16xi32>, vector<16xi32>], vector<16xf32>,
      %get3A_575 = arith.constant 32 : index
      %get3A_576 = tpu.vector_load %arg19[%get3A_575] {strides = array<i32>} : memref<4096xf32, #tpu.memory_space<vmem>>, vector<16xf32>,
      %get3A_577 = arith.constant 288 : index
      %get3A_578 = tpu.vector_load %arg19[%get3A_577] {strides = array<i32>} : memref<4096xf32, #tpu.memory_space<vmem>>, vector<16xf32>,
      %add3A_579 = arith.addf %get3A_576, %get3A_578 : vector<16xf32>
      %get3A_580 = arith.constant 544 : index
      %get3A_581 = tpu.vector_load %arg19[%get3A_580] {strides = array<i32>} : memref<4096xf32, #tpu.memory_space<vmem>>, vector<16xf32>,
      %add3A_582 = arith.addf %add3A_579, %get3A_581 : vector<16xf32>
      %get3A_583 = arith.constant 800 : index
      %get3A_584 = tpu.vector_load %arg19[%get3A_583] {strides = array<i32>} : memref<4096xf32, #tpu.memory_space<vmem>>, vector<16xf32>,
      %add3A_585 = arith.addf %add3A_582, %get3A_584 : vector<16xf32>
      %get3A_586 = arith.constant 1056 : index
      %get3A_587 = tpu.vector_load %arg19[%get3A_586] {strides = array<i32>} : memref<4096xf32, #tpu.memory_space<vmem>>, vector<16xf32>,
      %add3A_588 = arith.addf %add3A_585, %get3A_587 : vector<16xf32>
      %get3A_589 = arith.constant 1312 : index
      %get3A_590 = tpu.vector_load %arg19[%get3A_589] {strides = array<i32>} : memref<4096xf32, #tpu.memory_space<vmem>>, vector<16xf32>,
      %add3A_591 = arith.addf %add3A_588, %get3A_590 : vector<16xf32>
      %get3A_592 = arith.constant 1568 : index
      %get3A_593 = tpu.vector_load %arg19[%get3A_592] {strides = array<i32>} : memref<4096xf32, #tpu.memory_space<vmem>>, vector<16xf32>,
      %add3A_594 = arith.addf %add3A_591, %get3A_593 : vector<16xf32>
      %get3A_595 = arith.constant 1824 : index
      %get3A_596 = tpu.vector_load %arg19[%get3A_595] {strides = array<i32>} : memref<4096xf32, #tpu.memory_space<vmem>>, vector<16xf32>,
      %add3A_597 = arith.addf %add3A_594, %get3A_596 : vector<16xf32>
      %get3A_598 = arith.constant 2080 : index
      %get3A_599 = tpu.vector_load %arg19[%get3A_598] {strides = array<i32>} : memref<4096xf32, #tpu.memory_space<vmem>>, vector<16xf32>,
      %add3A_600 = arith.addf %add3A_597, %get3A_599 : vector<16xf32>
      %get3A_601 = arith.constant 2336 : index
      %get3A_602 = tpu.vector_load %arg19[%get3A_601] {strides = array<i32>} : memref<4096xf32, #tpu.memory_space<vmem>>, vector<16xf32>,
      %add3A_603 = arith.addf %add3A_600, %get3A_602 : vector<16xf32>
      %get3A_604 = arith.constant 2592 : index
      %get3A_605 = tpu.vector_load %arg19[%get3A_604] {strides = array<i32>} : memref<4096xf32, #tpu.memory_space<vmem>>, vector<16xf32>,
      %add3A_606 = arith.addf %add3A_603, %get3A_605 : vector<16xf32>
      %get3A_607 = arith.constant 2848 : index
      %get3A_608 = tpu.vector_load %arg19[%get3A_607] {strides = array<i32>} : memref<4096xf32, #tpu.memory_space<vmem>>, vector<16xf32>,
      %add3A_609 = arith.addf %add3A_606, %get3A_608 : vector<16xf32>
      %get3A_610 = arith.constant 3104 : index
      %get3A_611 = tpu.vector_load %arg19[%get3A_610] {strides = array<i32>} : memref<4096xf32, #tpu.memory_space<vmem>>, vector<16xf32>,
      %add3A_612 = arith.addf %add3A_609, %get3A_611 : vector<16xf32>
      %get3A_613 = arith.constant 3360 : index
      %get3A_614 = tpu.vector_load %arg19[%get3A_613] {strides = array<i32>} : memref<4096xf32, #tpu.memory_space<vmem>>, vector<16xf32>,
      %add3A_615 = arith.addf %add3A_612, %get3A_614 : vector<16xf32>
      %get3A_616 = arith.constant 3616 : index
      %get3A_617 = tpu.vector_load %arg19[%get3A_616] {strides = array<i32>} : memref<4096xf32, #tpu.memory_space<vmem>>, vector<16xf32>,
      %add3A_618 = arith.addf %add3A_615, %get3A_617 : vector<16xf32>
      %get3A_619 = arith.constant 3872 : index
      %get3A_620 = tpu.vector_load %arg19[%get3A_619] {strides = array<i32>} : memref<4096xf32, #tpu.memory_space<vmem>>, vector<16xf32>,
      %add3A_621 = arith.addf %add3A_618, %get3A_620 : vector<16xf32>
      %iota3A_622 = tpu.iota {dimensions = array<i32: 0>} : vector<16xi32>
      %add3A_623 = arith.constant 32 : i32
      %add3A_624 = vector.broadcast %add3A_623 : i32 to vector<16xi32>
      %add3A_625 = arith.addi %add3A_624, %iota3A_622 : vector<16xi32>
      %broadcast_in_dim3A_626 = arith.constant 0 : i32
      %broadcast_in_dim3A_627 = vector.broadcast %broadcast_in_dim3A_626 : i32 to vector<16xi32>
      tpu.vector_store_idx %arg20[%add3A_625, %broadcast_in_dim3A_627], %add3A_621 : memref<256x8xf32, #tpu.memory_space<vmem>>[vector<16xi32>, vector<16xi32>], vector<16xf32>,
      %get3A_628 = arith.constant 48 : index
      %get3A_629 = tpu.vector_load %arg19[%get3A_628] {strides = array<i32>} : memref<4096xf32, #tpu.memory_space<vmem>>, vector<16xf32>,
      %get3A_630 = arith.constant 304 : index
      %get3A_631 = tpu.vector_load %arg19[%get3A_630] {strides = array<i32>} : memref<4096xf32, #tpu.memory_space<vmem>>, vector<16xf32>,
      %add3A_632 = arith.addf %get3A_629, %get3A_631 : vector<16xf32>
      %get3A_633 = arith.constant 560 : index
      %get3A_634 = tpu.vector_load %arg19[%get3A_633] {strides = array<i32>} : memref<4096xf32, #tpu.memory_space<vmem>>, vector<16xf32>,
      %add3A_635 = arith.addf %add3A_632, %get3A_634 : vector<16xf32>
      %get3A_636 = arith.constant 816 : index
      %get3A_637 = tpu.vector_load %arg19[%get3A_636] {strides = array<i32>} : memref<4096xf32, #tpu.memory_space<vmem>>, vector<16xf32>,
      %add3A_638 = arith.addf %add3A_635, %get3A_637 : vector<16xf32>
      %get3A_639 = arith.constant 1072 : index
      %get3A_640 = tpu.vector_load %arg19[%get3A_639] {strides = array<i32>} : memref<4096xf32, #tpu.memory_space<vmem>>, vector<16xf32>,
      %add3A_641 = arith.addf %add3A_638, %get3A_640 : vector<16xf32>
      %get3A_642 = arith.constant 1328 : index
      %get3A_643 = tpu.vector_load %arg19[%get3A_642] {strides = array<i32>} : memref<4096xf32, #tpu.memory_space<vmem>>, vector<16xf32>,
      %add3A_644 = arith.addf %add3A_641, %get3A_643 : vector<16xf32>
      %get3A_645 = arith.constant 1584 : index
      %get3A_646 = tpu.vector_load %arg19[%get3A_645] {strides = array<i32>} : memref<4096xf32, #tpu.memory_space<vmem>>, vector<16xf32>,
      %add3A_647 = arith.addf %add3A_644, %get3A_646 : vector<16xf32>
      %get3A_648 = arith.constant 1840 : index
      %get3A_649 = tpu.vector_load %arg19[%get3A_648] {strides = array<i32>} : memref<4096xf32, #tpu.memory_space<vmem>>, vector<16xf32>,
      %add3A_650 = arith.addf %add3A_647, %get3A_649 : vector<16xf32>
      %get3A_651 = arith.constant 2096 : index
      %get3A_652 = tpu.vector_load %arg19[%get3A_651] {strides = array<i32>} : memref<4096xf32, #tpu.memory_space<vmem>>, vector<16xf32>,
      %add3A_653 = arith.addf %add3A_650, %get3A_652 : vector<16xf32>
      %get3A_654 = arith.constant 2352 : index
      %get3A_655 = tpu.vector_load %arg19[%get3A_654] {strides = array<i32>} : memref<4096xf32, #tpu.memory_space<vmem>>, vector<16xf32>,
      %add3A_656 = arith.addf %add3A_653, %get3A_655 : vector<16xf32>
      %get3A_657 = arith.constant 2608 : index
      %get3A_658 = tpu.vector_load %arg19[%get3A_657] {strides = array<i32>} : memref<4096xf32, #tpu.memory_space<vmem>>, vector<16xf32>,
      %add3A_659 = arith.addf %add3A_656, %get3A_658 : vector<16xf32>
      %get3A_660 = arith.constant 2864 : index
      %get3A_661 = tpu.vector_load %arg19[%get3A_660] {strides = array<i32>} : memref<4096xf32, #tpu.memory_space<vmem>>, vector<16xf32>,
      %add3A_662 = arith.addf %add3A_659, %get3A_661 : vector<16xf32>
      %get3A_663 = arith.constant 3120 : index
      %get3A_664 = tpu.vector_load %arg19[%get3A_663] {strides = array<i32>} : memref<4096xf32, #tpu.memory_space<vmem>>, vector<16xf32>,
      %add3A_665 = arith.addf %add3A_662, %get3A_664 : vector<16xf32>
      %get3A_666 = arith.constant 3376 : index
      %get3A_667 = tpu.vector_load %arg19[%get3A_666] {strides = array<i32>} : memref<4096xf32, #tpu.memory_space<vmem>>, vector<16xf32>,
      %add3A_668 = arith.addf %add3A_665, %get3A_667 : vector<16xf32>
      %get3A_669 = arith.constant 3632 : index
      %get3A_670 = tpu.vector_load %arg19[%get3A_669] {strides = array<i32>} : memref<4096xf32, #tpu.memory_space<vmem>>, vector<16xf32>,
      %add3A_671 = arith.addf %add3A_668, %get3A_670 : vector<16xf32>
      %get3A_672 = arith.constant 3888 : index
      %get3A_673 = tpu.vector_load %arg19[%get3A_672] {strides = array<i32>} : memref<4096xf32, #tpu.memory_space<vmem>>, vector<16xf32>,
      %add3A_674 = arith.addf %add3A_671, %get3A_673 : vector<16xf32>
      %iota3A_675 = tpu.iota {dimensions = array<i32: 0>} : vector<16xi32>
      %add3A_676 = arith.constant 48 : i32
      %add3A_677 = vector.broadcast %add3A_676 : i32 to vector<16xi32>
      %add3A_678 = arith.addi %add3A_677, %iota3A_675 : vector<16xi32>
      %broadcast_in_dim3A_679 = arith.constant 0 : i32
      %broadcast_in_dim3A_680 = vector.broadcast %broadcast_in_dim3A_679 : i32 to vector<16xi32>
      tpu.vector_store_idx %arg20[%add3A_678, %broadcast_in_dim3A_680], %add3A_674 : memref<256x8xf32, #tpu.memory_space<vmem>>[vector<16xi32>, vector<16xi32>], vector<16xf32>,
      %get3A_681 = arith.constant 64 : index
      %get3A_682 = tpu.vector_load %arg19[%get3A_681] {strides = array<i32>} : memref<4096xf32, #tpu.memory_space<vmem>>, vector<16xf32>,
      %get3A_683 = arith.constant 320 : index
      %get3A_684 = tpu.vector_load %arg19[%get3A_683] {strides = array<i32>} : memref<4096xf32, #tpu.memory_space<vmem>>, vector<16xf32>,
      %add3A_685 = arith.addf %get3A_682, %get3A_684 : vector<16xf32>
      %get3A_686 = arith.constant 576 : index
      %get3A_687 = tpu.vector_load %arg19[%get3A_686] {strides = array<i32>} : memref<4096xf32, #tpu.memory_space<vmem>>, vector<16xf32>,
      %add3A_688 = arith.addf %add3A_685, %get3A_687 : vector<16xf32>
      %get3A_689 = arith.constant 832 : index
      %get3A_690 = tpu.vector_load %arg19[%get3A_689] {strides = array<i32>} : memref<4096xf32, #tpu.memory_space<vmem>>, vector<16xf32>,
      %add3A_691 = arith.addf %add3A_688, %get3A_690 : vector<16xf32>
      %get3A_692 = arith.constant 1088 : index
      %get3A_693 = tpu.vector_load %arg19[%get3A_692] {strides = array<i32>} : memref<4096xf32, #tpu.memory_space<vmem>>, vector<16xf32>,
      %add3A_694 = arith.addf %add3A_691, %get3A_693 : vector<16xf32>
      %get3A_695 = arith.constant 1344 : index
      %get3A_696 = tpu.vector_load %arg19[%get3A_695] {strides = array<i32>} : memref<4096xf32, #tpu.memory_space<vmem>>, vector<16xf32>,
      %add3A_697 = arith.addf %add3A_694, %get3A_696 : vector<16xf32>
      %get3A_698 = arith.constant 1600 : index
      %get3A_699 = tpu.vector_load %arg19[%get3A_698] {strides = array<i32>} : memref<4096xf32, #tpu.memory_space<vmem>>, vector<16xf32>,
      %add3A_700 = arith.addf %add3A_697, %get3A_699 : vector<16xf32>
      %get3A_701 = arith.constant 1856 : index
      %get3A_702 = tpu.vector_load %arg19[%get3A_701] {strides = array<i32>} : memref<4096xf32, #tpu.memory_space<vmem>>, vector<16xf32>,
      %add3A_703 = arith.addf %add3A_700, %get3A_702 : vector<16xf32>
      %get3A_704 = arith.constant 2112 : index
      %get3A_705 = tpu.vector_load %arg19[%get3A_704] {strides = array<i32>} : memref<4096xf32, #tpu.memory_space<vmem>>, vector<16xf32>,
      %add3A_706 = arith.addf %add3A_703, %get3A_705 : vector<16xf32>
      %get3A_707 = arith.constant 2368 : index
      %get3A_708 = tpu.vector_load %arg19[%get3A_707] {strides = array<i32>} : memref<4096xf32, #tpu.memory_space<vmem>>, vector<16xf32>,
      %add3A_709 = arith.addf %add3A_706, %get3A_708 : vector<16xf32>
      %get3A_710 = arith.constant 2624 : index
      %get3A_711 = tpu.vector_load %arg19[%get3A_710] {strides = array<i32>} : memref<4096xf32, #tpu.memory_space<vmem>>, vector<16xf32>,
      %add3A_712 = arith.addf %add3A_709, %get3A_711 : vector<16xf32>
      %get3A_713 = arith.constant 2880 : index
      %get3A_714 = tpu.vector_load %arg19[%get3A_713] {strides = array<i32>} : memref<4096xf32, #tpu.memory_space<vmem>>, vector<16xf32>,
      %add3A_715 = arith.addf %add3A_712, %get3A_714 : vector<16xf32>
      %get3A_716 = arith.constant 3136 : index
      %get3A_717 = tpu.vector_load %arg19[%get3A_716] {strides = array<i32>} : memref<4096xf32, #tpu.memory_space<vmem>>, vector<16xf32>,
      %add3A_718 = arith.addf %add3A_715, %get3A_717 : vector<16xf32>
      %get3A_719 = arith.constant 3392 : index
      %get3A_720 = tpu.vector_load %arg19[%get3A_719] {strides = array<i32>} : memref<4096xf32, #tpu.memory_space<vmem>>, vector<16xf32>,
      %add3A_721 = arith.addf %add3A_718, %get3A_720 : vector<16xf32>
      %get3A_722 = arith.constant 3648 : index
      %get3A_723 = tpu.vector_load %arg19[%get3A_722] {strides = array<i32>} : memref<4096xf32, #tpu.memory_space<vmem>>, vector<16xf32>,
      %add3A_724 = arith.addf %add3A_721, %get3A_723 : vector<16xf32>
      %get3A_725 = arith.constant 3904 : index
      %get3A_726 = tpu.vector_load %arg19[%get3A_725] {strides = array<i32>} : memref<4096xf32, #tpu.memory_space<vmem>>, vector<16xf32>,
      %add3A_727 = arith.addf %add3A_724, %get3A_726 : vector<16xf32>
      %iota3A_728 = tpu.iota {dimensions = array<i32: 0>} : vector<16xi32>
      %add3A_729 = arith.constant 64 : i32
      %add3A_730 = vector.broadcast %add3A_729 : i32 to vector<16xi32>
      %add3A_731 = arith.addi %add3A_730, %iota3A_728 : vector<16xi32>
      %broadcast_in_dim3A_732 = arith.constant 0 : i32
      %broadcast_in_dim3A_733 = vector.broadcast %broadcast_in_dim3A_732 : i32 to vector<16xi32>
      tpu.vector_store_idx %arg20[%add3A_731, %broadcast_in_dim3A_733], %add3A_727 : memref<256x8xf32, #tpu.memory_space<vmem>>[vector<16xi32>, vector<16xi32>], vector<16xf32>,
      %get3A_734 = arith.constant 80 : index
      %get3A_735 = tpu.vector_load %arg19[%get3A_734] {strides = array<i32>} : memref<4096xf32, #tpu.memory_space<vmem>>, vector<16xf32>,
      %get3A_736 = arith.constant 336 : index
      %get3A_737 = tpu.vector_load %arg19[%get3A_736] {strides = array<i32>} : memref<4096xf32, #tpu.memory_space<vmem>>, vector<16xf32>,
      %add3A_738 = arith.addf %get3A_735, %get3A_737 : vector<16xf32>
      %get3A_739 = arith.constant 592 : index
      %get3A_740 = tpu.vector_load %arg19[%get3A_739] {strides = array<i32>} : memref<4096xf32, #tpu.memory_space<vmem>>, vector<16xf32>,
      %add3A_741 = arith.addf %add3A_738, %get3A_740 : vector<16xf32>
      %get3A_742 = arith.constant 848 : index
      %get3A_743 = tpu.vector_load %arg19[%get3A_742] {strides = array<i32>} : memref<4096xf32, #tpu.memory_space<vmem>>, vector<16xf32>,
      %add3A_744 = arith.addf %add3A_741, %get3A_743 : vector<16xf32>
      %get3A_745 = arith.constant 1104 : index
      %get3A_746 = tpu.vector_load %arg19[%get3A_745] {strides = array<i32>} : memref<4096xf32, #tpu.memory_space<vmem>>, vector<16xf32>,
      %add3A_747 = arith.addf %add3A_744, %get3A_746 : vector<16xf32>
      %get3A_748 = arith.constant 1360 : index
      %get3A_749 = tpu.vector_load %arg19[%get3A_748] {strides = array<i32>} : memref<4096xf32, #tpu.memory_space<vmem>>, vector<16xf32>,
      %add3A_750 = arith.addf %add3A_747, %get3A_749 : vector<16xf32>
      %get3A_751 = arith.constant 1616 : index
      %get3A_752 = tpu.vector_load %arg19[%get3A_751] {strides = array<i32>} : memref<4096xf32, #tpu.memory_space<vmem>>, vector<16xf32>,
      %add3A_753 = arith.addf %add3A_750, %get3A_752 : vector<16xf32>
      %get3A_754 = arith.constant 1872 : index
      %get3A_755 = tpu.vector_load %arg19[%get3A_754] {strides = array<i32>} : memref<4096xf32, #tpu.memory_space<vmem>>, vector<16xf32>,
      %add3A_756 = arith.addf %add3A_753, %get3A_755 : vector<16xf32>
      %get3A_757 = arith.constant 2128 : index
      %get3A_758 = tpu.vector_load %arg19[%get3A_757] {strides = array<i32>} : memref<4096xf32, #tpu.memory_space<vmem>>, vector<16xf32>,
      %add3A_759 = arith.addf %add3A_756, %get3A_758 : vector<16xf32>
      %get3A_760 = arith.constant 2384 : index
      %get3A_761 = tpu.vector_load %arg19[%get3A_760] {strides = array<i32>} : memref<4096xf32, #tpu.memory_space<vmem>>, vector<16xf32>,
      %add3A_762 = arith.addf %add3A_759, %get3A_761 : vector<16xf32>
      %get3A_763 = arith.constant 2640 : index
      %get3A_764 = tpu.vector_load %arg19[%get3A_763] {strides = array<i32>} : memref<4096xf32, #tpu.memory_space<vmem>>, vector<16xf32>,
      %add3A_765 = arith.addf %add3A_762, %get3A_764 : vector<16xf32>
      %get3A_766 = arith.constant 2896 : index
      %get3A_767 = tpu.vector_load %arg19[%get3A_766] {strides = array<i32>} : memref<4096xf32, #tpu.memory_space<vmem>>, vector<16xf32>,
      %add3A_768 = arith.addf %add3A_765, %get3A_767 : vector<16xf32>
      %get3A_769 = arith.constant 3152 : index
      %get3A_770 = tpu.vector_load %arg19[%get3A_769] {strides = array<i32>} : memref<4096xf32, #tpu.memory_space<vmem>>, vector<16xf32>,
      %add3A_771 = arith.addf %add3A_768, %get3A_770 : vector<16xf32>
      %get3A_772 = arith.constant 3408 : index
      %get3A_773 = tpu.vector_load %arg19[%get3A_772] {strides = array<i32>} : memref<4096xf32, #tpu.memory_space<vmem>>, vector<16xf32>,
      %add3A_774 = arith.addf %add3A_771, %get3A_773 : vector<16xf32>
      %get3A_775 = arith.constant 3664 : index
      %get3A_776 = tpu.vector_load %arg19[%get3A_775] {strides = array<i32>} : memref<4096xf32, #tpu.memory_space<vmem>>, vector<16xf32>,
      %add3A_777 = arith.addf %add3A_774, %get3A_776 : vector<16xf32>
      %get3A_778 = arith.constant 3920 : index
      %get3A_779 = tpu.vector_load %arg19[%get3A_778] {strides = array<i32>} : memref<4096xf32, #tpu.memory_space<vmem>>, vector<16xf32>,
      %add3A_780 = arith.addf %add3A_777, %get3A_779 : vector<16xf32>
      %iota3A_781 = tpu.iota {dimensions = array<i32: 0>} : vector<16xi32>
      %add3A_782 = arith.constant 80 : i32
      %add3A_783 = vector.broadcast %add3A_782 : i32 to vector<16xi32>
      %add3A_784 = arith.addi %add3A_783, %iota3A_781 : vector<16xi32>
      %broadcast_in_dim3A_785 = arith.constant 0 : i32
      %broadcast_in_dim3A_786 = vector.broadcast %broadcast_in_dim3A_785 : i32 to vector<16xi32>
      tpu.vector_store_idx %arg20[%add3A_784, %broadcast_in_dim3A_786], %add3A_780 : memref<256x8xf32, #tpu.memory_space<vmem>>[vector<16xi32>, vector<16xi32>], vector<16xf32>,
      %get3A_787 = arith.constant 96 : index
      %get3A_788 = tpu.vector_load %arg19[%get3A_787] {strides = array<i32>} : memref<4096xf32, #tpu.memory_space<vmem>>, vector<16xf32>,
      %get3A_789 = arith.constant 352 : index
      %get3A_790 = tpu.vector_load %arg19[%get3A_789] {strides = array<i32>} : memref<4096xf32, #tpu.memory_space<vmem>>, vector<16xf32>,
      %add3A_791 = arith.addf %get3A_788, %get3A_790 : vector<16xf32>
      %get3A_792 = arith.constant 608 : index
      %get3A_793 = tpu.vector_load %arg19[%get3A_792] {strides = array<i32>} : memref<4096xf32, #tpu.memory_space<vmem>>, vector<16xf32>,
      %add3A_794 = arith.addf %add3A_791, %get3A_793 : vector<16xf32>
      %get3A_795 = arith.constant 864 : index
      %get3A_796 = tpu.vector_load %arg19[%get3A_795] {strides = array<i32>} : memref<4096xf32, #tpu.memory_space<vmem>>, vector<16xf32>,
      %add3A_797 = arith.addf %add3A_794, %get3A_796 : vector<16xf32>
      %get3A_798 = arith.constant 1120 : index
      %get3A_799 = tpu.vector_load %arg19[%get3A_798] {strides = array<i32>} : memref<4096xf32, #tpu.memory_space<vmem>>, vector<16xf32>,
      %add3A_800 = arith.addf %add3A_797, %get3A_799 : vector<16xf32>
      %get3A_801 = arith.constant 1376 : index
      %get3A_802 = tpu.vector_load %arg19[%get3A_801] {strides = array<i32>} : memref<4096xf32, #tpu.memory_space<vmem>>, vector<16xf32>,
      %add3A_803 = arith.addf %add3A_800, %get3A_802 : vector<16xf32>
      %get3A_804 = arith.constant 1632 : index
      %get3A_805 = tpu.vector_load %arg19[%get3A_804] {strides = array<i32>} : memref<4096xf32, #tpu.memory_space<vmem>>, vector<16xf32>,
      %add3A_806 = arith.addf %add3A_803, %get3A_805 : vector<16xf32>
      %get3A_807 = arith.constant 1888 : index
      %get3A_808 = tpu.vector_load %arg19[%get3A_807] {strides = array<i32>} : memref<4096xf32, #tpu.memory_space<vmem>>, vector<16xf32>,
      %add3A_809 = arith.addf %add3A_806, %get3A_808 : vector<16xf32>
      %get3A_810 = arith.constant 2144 : index
      %get3A_811 = tpu.vector_load %arg19[%get3A_810] {strides = array<i32>} : memref<4096xf32, #tpu.memory_space<vmem>>, vector<16xf32>,
      %add3A_812 = arith.addf %add3A_809, %get3A_811 : vector<16xf32>
      %get3A_813 = arith.constant 2400 : index
      %get3A_814 = tpu.vector_load %arg19[%get3A_813] {strides = array<i32>} : memref<4096xf32, #tpu.memory_space<vmem>>, vector<16xf32>,
      %add3A_815 = arith.addf %add3A_812, %get3A_814 : vector<16xf32>
      %get3A_816 = arith.constant 2656 : index
      %get3A_817 = tpu.vector_load %arg19[%get3A_816] {strides = array<i32>} : memref<4096xf32, #tpu.memory_space<vmem>>, vector<16xf32>,
      %add3A_818 = arith.addf %add3A_815, %get3A_817 : vector<16xf32>
      %get3A_819 = arith.constant 2912 : index
      %get3A_820 = tpu.vector_load %arg19[%get3A_819] {strides = array<i32>} : memref<4096xf32, #tpu.memory_space<vmem>>, vector<16xf32>,
      %add3A_821 = arith.addf %add3A_818, %get3A_820 : vector<16xf32>
      %get3A_822 = arith.constant 3168 : index
      %get3A_823 = tpu.vector_load %arg19[%get3A_822] {strides = array<i32>} : memref<4096xf32, #tpu.memory_space<vmem>>, vector<16xf32>,
      %add3A_824 = arith.addf %add3A_821, %get3A_823 : vector<16xf32>
      %get3A_825 = arith.constant 3424 : index
      %get3A_826 = tpu.vector_load %arg19[%get3A_825] {strides = array<i32>} : memref<4096xf32, #tpu.memory_space<vmem>>, vector<16xf32>,
      %add3A_827 = arith.addf %add3A_824, %get3A_826 : vector<16xf32>
      %get3A_828 = arith.constant 3680 : index
      %get3A_829 = tpu.vector_load %arg19[%get3A_828] {strides = array<i32>} : memref<4096xf32, #tpu.memory_space<vmem>>, vector<16xf32>,
      %add3A_830 = arith.addf %add3A_827, %get3A_829 : vector<16xf32>
      %get3A_831 = arith.constant 3936 : index
      %get3A_832 = tpu.vector_load %arg19[%get3A_831] {strides = array<i32>} : memref<4096xf32, #tpu.memory_space<vmem>>, vector<16xf32>,
      %add3A_833 = arith.addf %add3A_830, %get3A_832 : vector<16xf32>
      %iota3A_834 = tpu.iota {dimensions = array<i32: 0>} : vector<16xi32>
      %add3A_835 = arith.constant 96 : i32
      %add3A_836 = vector.broadcast %add3A_835 : i32 to vector<16xi32>
      %add3A_837 = arith.addi %add3A_836, %iota3A_834 : vector<16xi32>
      %broadcast_in_dim3A_838 = arith.constant 0 : i32
      %broadcast_in_dim3A_839 = vector.broadcast %broadcast_in_dim3A_838 : i32 to vector<16xi32>
      tpu.vector_store_idx %arg20[%add3A_837, %broadcast_in_dim3A_839], %add3A_833 : memref<256x8xf32, #tpu.memory_space<vmem>>[vector<16xi32>, vector<16xi32>], vector<16xf32>,
      %get3A_840 = arith.constant 112 : index
      %get3A_841 = tpu.vector_load %arg19[%get3A_840] {strides = array<i32>} : memref<4096xf32, #tpu.memory_space<vmem>>, vector<16xf32>,
      %get3A_842 = arith.constant 368 : index
      %get3A_843 = tpu.vector_load %arg19[%get3A_842] {strides = array<i32>} : memref<4096xf32, #tpu.memory_space<vmem>>, vector<16xf32>,
      %add3A_844 = arith.addf %get3A_841, %get3A_843 : vector<16xf32>
      %get3A_845 = arith.constant 624 : index
      %get3A_846 = tpu.vector_load %arg19[%get3A_845] {strides = array<i32>} : memref<4096xf32, #tpu.memory_space<vmem>>, vector<16xf32>,
      %add3A_847 = arith.addf %add3A_844, %get3A_846 : vector<16xf32>
      %get3A_848 = arith.constant 880 : index
      %get3A_849 = tpu.vector_load %arg19[%get3A_848] {strides = array<i32>} : memref<4096xf32, #tpu.memory_space<vmem>>, vector<16xf32>,
      %add3A_850 = arith.addf %add3A_847, %get3A_849 : vector<16xf32>
      %get3A_851 = arith.constant 1136 : index
      %get3A_852 = tpu.vector_load %arg19[%get3A_851] {strides = array<i32>} : memref<4096xf32, #tpu.memory_space<vmem>>, vector<16xf32>,
      %add3A_853 = arith.addf %add3A_850, %get3A_852 : vector<16xf32>
      %get3A_854 = arith.constant 1392 : index
      %get3A_855 = tpu.vector_load %arg19[%get3A_854] {strides = array<i32>} : memref<4096xf32, #tpu.memory_space<vmem>>, vector<16xf32>,
      %add3A_856 = arith.addf %add3A_853, %get3A_855 : vector<16xf32>
      %get3A_857 = arith.constant 1648 : index
      %get3A_858 = tpu.vector_load %arg19[%get3A_857] {strides = array<i32>} : memref<4096xf32, #tpu.memory_space<vmem>>, vector<16xf32>,
      %add3A_859 = arith.addf %add3A_856, %get3A_858 : vector<16xf32>
      %get3A_860 = arith.constant 1904 : index
      %get3A_861 = tpu.vector_load %arg19[%get3A_860] {strides = array<i32>} : memref<4096xf32, #tpu.memory_space<vmem>>, vector<16xf32>,
      %add3A_862 = arith.addf %add3A_859, %get3A_861 : vector<16xf32>
      %get3A_863 = arith.constant 2160 : index
      %get3A_864 = tpu.vector_load %arg19[%get3A_863] {strides = array<i32>} : memref<4096xf32, #tpu.memory_space<vmem>>, vector<16xf32>,
      %add3A_865 = arith.addf %add3A_862, %get3A_864 : vector<16xf32>
      %get3A_866 = arith.constant 2416 : index
      %get3A_867 = tpu.vector_load %arg19[%get3A_866] {strides = array<i32>} : memref<4096xf32, #tpu.memory_space<vmem>>, vector<16xf32>,
      %add3A_868 = arith.addf %add3A_865, %get3A_867 : vector<16xf32>
      %get3A_869 = arith.constant 2672 : index
      %get3A_870 = tpu.vector_load %arg19[%get3A_869] {strides = array<i32>} : memref<4096xf32, #tpu.memory_space<vmem>>, vector<16xf32>,
      %add3A_871 = arith.addf %add3A_868, %get3A_870 : vector<16xf32>
      %get3A_872 = arith.constant 2928 : index
      %get3A_873 = tpu.vector_load %arg19[%get3A_872] {strides = array<i32>} : memref<4096xf32, #tpu.memory_space<vmem>>, vector<16xf32>,
      %add3A_874 = arith.addf %add3A_871, %get3A_873 : vector<16xf32>
      %get3A_875 = arith.constant 3184 : index
      %get3A_876 = tpu.vector_load %arg19[%get3A_875] {strides = array<i32>} : memref<4096xf32, #tpu.memory_space<vmem>>, vector<16xf32>,
      %add3A_877 = arith.addf %add3A_874, %get3A_876 : vector<16xf32>
      %get3A_878 = arith.constant 3440 : index
      %get3A_879 = tpu.vector_load %arg19[%get3A_878] {strides = array<i32>} : memref<4096xf32, #tpu.memory_space<vmem>>, vector<16xf32>,
      %add3A_880 = arith.addf %add3A_877, %get3A_879 : vector<16xf32>
      %get3A_881 = arith.constant 3696 : index
      %get3A_882 = tpu.vector_load %arg19[%get3A_881] {strides = array<i32>} : memref<4096xf32, #tpu.memory_space<vmem>>, vector<16xf32>,
      %add3A_883 = arith.addf %add3A_880, %get3A_882 : vector<16xf32>
      %get3A_884 = arith.constant 3952 : index
      %get3A_885 = tpu.vector_load %arg19[%get3A_884] {strides = array<i32>} : memref<4096xf32, #tpu.memory_space<vmem>>, vector<16xf32>,
      %add3A_886 = arith.addf %add3A_883, %get3A_885 : vector<16xf32>
      %iota3A_887 = tpu.iota {dimensions = array<i32: 0>} : vector<16xi32>
      %add3A_888 = arith.constant 112 : i32
      %add3A_889 = vector.broadcast %add3A_888 : i32 to vector<16xi32>
      %add3A_890 = arith.addi %add3A_889, %iota3A_887 : vector<16xi32>
      %broadcast_in_dim3A_891 = arith.constant 0 : i32
      %broadcast_in_dim3A_892 = vector.broadcast %broadcast_in_dim3A_891 : i32 to vector<16xi32>
      tpu.vector_store_idx %arg20[%add3A_890, %broadcast_in_dim3A_892], %add3A_886 : memref<256x8xf32, #tpu.memory_space<vmem>>[vector<16xi32>, vector<16xi32>], vector<16xf32>,
      %get3A_893 = arith.constant 128 : index
      %get3A_894 = tpu.vector_load %arg19[%get3A_893] {strides = array<i32>} : memref<4096xf32, #tpu.memory_space<vmem>>, vector<16xf32>,
      %get3A_895 = arith.constant 384 : index
      %get3A_896 = tpu.vector_load %arg19[%get3A_895] {strides = array<i32>} : memref<4096xf32, #tpu.memory_space<vmem>>, vector<16xf32>,
      %add3A_897 = arith.addf %get3A_894, %get3A_896 : vector<16xf32>
      %get3A_898 = arith.constant 640 : index
      %get3A_899 = tpu.vector_load %arg19[%get3A_898] {strides = array<i32>} : memref<4096xf32, #tpu.memory_space<vmem>>, vector<16xf32>,
      %add3A_900 = arith.addf %add3A_897, %get3A_899 : vector<16xf32>
      %get3A_901 = arith.constant 896 : index
      %get3A_902 = tpu.vector_load %arg19[%get3A_901] {strides = array<i32>} : memref<4096xf32, #tpu.memory_space<vmem>>, vector<16xf32>,
      %add3A_903 = arith.addf %add3A_900, %get3A_902 : vector<16xf32>
      %get3A_904 = arith.constant 1152 : index
      %get3A_905 = tpu.vector_load %arg19[%get3A_904] {strides = array<i32>} : memref<4096xf32, #tpu.memory_space<vmem>>, vector<16xf32>,
      %add3A_906 = arith.addf %add3A_903, %get3A_905 : vector<16xf32>
      %get3A_907 = arith.constant 1408 : index
      %get3A_908 = tpu.vector_load %arg19[%get3A_907] {strides = array<i32>} : memref<4096xf32, #tpu.memory_space<vmem>>, vector<16xf32>,
      %add3A_909 = arith.addf %add3A_906, %get3A_908 : vector<16xf32>
      %get3A_910 = arith.constant 1664 : index
      %get3A_911 = tpu.vector_load %arg19[%get3A_910] {strides = array<i32>} : memref<4096xf32, #tpu.memory_space<vmem>>, vector<16xf32>,
      %add3A_912 = arith.addf %add3A_909, %get3A_911 : vector<16xf32>
      %get3A_913 = arith.constant 1920 : index
      %get3A_914 = tpu.vector_load %arg19[%get3A_913] {strides = array<i32>} : memref<4096xf32, #tpu.memory_space<vmem>>, vector<16xf32>,
      %add3A_915 = arith.addf %add3A_912, %get3A_914 : vector<16xf32>
      %get3A_916 = arith.constant 2176 : index
      %get3A_917 = tpu.vector_load %arg19[%get3A_916] {strides = array<i32>} : memref<4096xf32, #tpu.memory_space<vmem>>, vector<16xf32>,
      %add3A_918 = arith.addf %add3A_915, %get3A_917 : vector<16xf32>
      %get3A_919 = arith.constant 2432 : index
      %get3A_920 = tpu.vector_load %arg19[%get3A_919] {strides = array<i32>} : memref<4096xf32, #tpu.memory_space<vmem>>, vector<16xf32>,
      %add3A_921 = arith.addf %add3A_918, %get3A_920 : vector<16xf32>
      %get3A_922 = arith.constant 2688 : index
      %get3A_923 = tpu.vector_load %arg19[%get3A_922] {strides = array<i32>} : memref<4096xf32, #tpu.memory_space<vmem>>, vector<16xf32>,
      %add3A_924 = arith.addf %add3A_921, %get3A_923 : vector<16xf32>
      %get3A_925 = arith.constant 2944 : index
      %get3A_926 = tpu.vector_load %arg19[%get3A_925] {strides = array<i32>} : memref<4096xf32, #tpu.memory_space<vmem>>, vector<16xf32>,
      %add3A_927 = arith.addf %add3A_924, %get3A_926 : vector<16xf32>
      %get3A_928 = arith.constant 3200 : index
      %get3A_929 = tpu.vector_load %arg19[%get3A_928] {strides = array<i32>} : memref<4096xf32, #tpu.memory_space<vmem>>, vector<16xf32>,
      %add3A_930 = arith.addf %add3A_927, %get3A_929 : vector<16xf32>
      %get3A_931 = arith.constant 3456 : index
      %get3A_932 = tpu.vector_load %arg19[%get3A_931] {strides = array<i32>} : memref<4096xf32, #tpu.memory_space<vmem>>, vector<16xf32>,
      %add3A_933 = arith.addf %add3A_930, %get3A_932 : vector<16xf32>
      %get3A_934 = arith.constant 3712 : index
      %get3A_935 = tpu.vector_load %arg19[%get3A_934] {strides = array<i32>} : memref<4096xf32, #tpu.memory_space<vmem>>, vector<16xf32>,
      %add3A_936 = arith.addf %add3A_933, %get3A_935 : vector<16xf32>
      %get3A_937 = arith.constant 3968 : index
      %get3A_938 = tpu.vector_load %arg19[%get3A_937] {strides = array<i32>} : memref<4096xf32, #tpu.memory_space<vmem>>, vector<16xf32>,
      %add3A_939 = arith.addf %add3A_936, %get3A_938 : vector<16xf32>
      %iota3A_940 = tpu.iota {dimensions = array<i32: 0>} : vector<16xi32>
      %add3A_941 = arith.constant 128 : i32
      %add3A_942 = vector.broadcast %add3A_941 : i32 to vector<16xi32>
      %add3A_943 = arith.addi %add3A_942, %iota3A_940 : vector<16xi32>
      %broadcast_in_dim3A_944 = arith.constant 0 : i32
      %broadcast_in_dim3A_945 = vector.broadcast %broadcast_in_dim3A_944 : i32 to vector<16xi32>
      tpu.vector_store_idx %arg20[%add3A_943, %broadcast_in_dim3A_945], %add3A_939 : memref<256x8xf32, #tpu.memory_space<vmem>>[vector<16xi32>, vector<16xi32>], vector<16xf32>,
      %get3A_946 = arith.constant 144 : index
      %get3A_947 = tpu.vector_load %arg19[%get3A_946] {strides = array<i32>} : memref<4096xf32, #tpu.memory_space<vmem>>, vector<16xf32>,
      %get3A_948 = arith.constant 400 : index
      %get3A_949 = tpu.vector_load %arg19[%get3A_948] {strides = array<i32>} : memref<4096xf32, #tpu.memory_space<vmem>>, vector<16xf32>,
      %add3A_950 = arith.addf %get3A_947, %get3A_949 : vector<16xf32>
      %get3A_951 = arith.constant 656 : index
      %get3A_952 = tpu.vector_load %arg19[%get3A_951] {strides = array<i32>} : memref<4096xf32, #tpu.memory_space<vmem>>, vector<16xf32>,
      %add3A_953 = arith.addf %add3A_950, %get3A_952 : vector<16xf32>
      %get3A_954 = arith.constant 912 : index
      %get3A_955 = tpu.vector_load %arg19[%get3A_954] {strides = array<i32>} : memref<4096xf32, #tpu.memory_space<vmem>>, vector<16xf32>,
      %add3A_956 = arith.addf %add3A_953, %get3A_955 : vector<16xf32>
      %get3A_957 = arith.constant 1168 : index
      %get3A_958 = tpu.vector_load %arg19[%get3A_957] {strides = array<i32>} : memref<4096xf32, #tpu.memory_space<vmem>>, vector<16xf32>,
      %add3A_959 = arith.addf %add3A_956, %get3A_958 : vector<16xf32>
      %get3A_960 = arith.constant 1424 : index
      %get3A_961 = tpu.vector_load %arg19[%get3A_960] {strides = array<i32>} : memref<4096xf32, #tpu.memory_space<vmem>>, vector<16xf32>,
      %add3A_962 = arith.addf %add3A_959, %get3A_961 : vector<16xf32>
      %get3A_963 = arith.constant 1680 : index
      %get3A_964 = tpu.vector_load %arg19[%get3A_963] {strides = array<i32>} : memref<4096xf32, #tpu.memory_space<vmem>>, vector<16xf32>,
      %add3A_965 = arith.addf %add3A_962, %get3A_964 : vector<16xf32>
      %get3A_966 = arith.constant 1936 : index
      %get3A_967 = tpu.vector_load %arg19[%get3A_966] {strides = array<i32>} : memref<4096xf32, #tpu.memory_space<vmem>>, vector<16xf32>,
      %add3A_968 = arith.addf %add3A_965, %get3A_967 : vector<16xf32>
      %get3A_969 = arith.constant 2192 : index
      %get3A_970 = tpu.vector_load %arg19[%get3A_969] {strides = array<i32>} : memref<4096xf32, #tpu.memory_space<vmem>>, vector<16xf32>,
      %add3A_971 = arith.addf %add3A_968, %get3A_970 : vector<16xf32>
      %get3A_972 = arith.constant 2448 : index
      %get3A_973 = tpu.vector_load %arg19[%get3A_972] {strides = array<i32>} : memref<4096xf32, #tpu.memory_space<vmem>>, vector<16xf32>,
      %add3A_974 = arith.addf %add3A_971, %get3A_973 : vector<16xf32>
      %get3A_975 = arith.constant 2704 : index
      %get3A_976 = tpu.vector_load %arg19[%get3A_975] {strides = array<i32>} : memref<4096xf32, #tpu.memory_space<vmem>>, vector<16xf32>,
      %add3A_977 = arith.addf %add3A_974, %get3A_976 : vector<16xf32>
      %get3A_978 = arith.constant 2960 : index
      %get3A_979 = tpu.vector_load %arg19[%get3A_978] {strides = array<i32>} : memref<4096xf32, #tpu.memory_space<vmem>>, vector<16xf32>,
      %add3A_980 = arith.addf %add3A_977, %get3A_979 : vector<16xf32>
      %get3A_981 = arith.constant 3216 : index
      %get3A_982 = tpu.vector_load %arg19[%get3A_981] {strides = array<i32>} : memref<4096xf32, #tpu.memory_space<vmem>>, vector<16xf32>,
      %add3A_983 = arith.addf %add3A_980, %get3A_982 : vector<16xf32>
      %get3A_984 = arith.constant 3472 : index
      %get3A_985 = tpu.vector_load %arg19[%get3A_984] {strides = array<i32>} : memref<4096xf32, #tpu.memory_space<vmem>>, vector<16xf32>,
      %add3A_986 = arith.addf %add3A_983, %get3A_985 : vector<16xf32>
      %get3A_987 = arith.constant 3728 : index
      %get3A_988 = tpu.vector_load %arg19[%get3A_987] {strides = array<i32>} : memref<4096xf32, #tpu.memory_space<vmem>>, vector<16xf32>,
      %add3A_989 = arith.addf %add3A_986, %get3A_988 : vector<16xf32>
      %get3A_990 = arith.constant 3984 : index
      %get3A_991 = tpu.vector_load %arg19[%get3A_990] {strides = array<i32>} : memref<4096xf32, #tpu.memory_space<vmem>>, vector<16xf32>,
      %add3A_992 = arith.addf %add3A_989, %get3A_991 : vector<16xf32>
      %iota3A_993 = tpu.iota {dimensions = array<i32: 0>} : vector<16xi32>
      %add3A_994 = arith.constant 144 : i32
      %add3A_995 = vector.broadcast %add3A_994 : i32 to vector<16xi32>
      %add3A_996 = arith.addi %add3A_995, %iota3A_993 : vector<16xi32>
      %broadcast_in_dim3A_997 = arith.constant 0 : i32
      %broadcast_in_dim3A_998 = vector.broadcast %broadcast_in_dim3A_997 : i32 to vector<16xi32>
      tpu.vector_store_idx %arg20[%add3A_996, %broadcast_in_dim3A_998], %add3A_992 : memref<256x8xf32, #tpu.memory_space<vmem>>[vector<16xi32>, vector<16xi32>], vector<16xf32>,
      %get3A_999 = arith.constant 160 : index
      %get3A_1000 = tpu.vector_load %arg19[%get3A_999] {strides = array<i32>} : memref<4096xf32, #tpu.memory_space<vmem>>, vector<16xf32>,
      %get3A_1001 = arith.constant 416 : index
      %get3A_1002 = tpu.vector_load %arg19[%get3A_1001] {strides = array<i32>} : memref<4096xf32, #tpu.memory_space<vmem>>, vector<16xf32>,
      %add3A_1003 = arith.addf %get3A_1000, %get3A_1002 : vector<16xf32>
      %get3A_1004 = arith.constant 672 : index
      %get3A_1005 = tpu.vector_load %arg19[%get3A_1004] {strides = array<i32>} : memref<4096xf32, #tpu.memory_space<vmem>>, vector<16xf32>,
      %add3A_1006 = arith.addf %add3A_1003, %get3A_1005 : vector<16xf32>
      %get3A_1007 = arith.constant 928 : index
      %get3A_1008 = tpu.vector_load %arg19[%get3A_1007] {strides = array<i32>} : memref<4096xf32, #tpu.memory_space<vmem>>, vector<16xf32>,
      %add3A_1009 = arith.addf %add3A_1006, %get3A_1008 : vector<16xf32>
      %get3A_1010 = arith.constant 1184 : index
      %get3A_1011 = tpu.vector_load %arg19[%get3A_1010] {strides = array<i32>} : memref<4096xf32, #tpu.memory_space<vmem>>, vector<16xf32>,
      %add3A_1012 = arith.addf %add3A_1009, %get3A_1011 : vector<16xf32>
      %get3A_1013 = arith.constant 1440 : index
      %get3A_1014 = tpu.vector_load %arg19[%get3A_1013] {strides = array<i32>} : memref<4096xf32, #tpu.memory_space<vmem>>, vector<16xf32>,
      %add3A_1015 = arith.addf %add3A_1012, %get3A_1014 : vector<16xf32>
      %get3A_1016 = arith.constant 1696 : index
      %get3A_1017 = tpu.vector_load %arg19[%get3A_1016] {strides = array<i32>} : memref<4096xf32, #tpu.memory_space<vmem>>, vector<16xf32>,
      %add3A_1018 = arith.addf %add3A_1015, %get3A_1017 : vector<16xf32>
      %get3A_1019 = arith.constant 1952 : index
      %get3A_1020 = tpu.vector_load %arg19[%get3A_1019] {strides = array<i32>} : memref<4096xf32, #tpu.memory_space<vmem>>, vector<16xf32>,
      %add3A_1021 = arith.addf %add3A_1018, %get3A_1020 : vector<16xf32>
      %get3A_1022 = arith.constant 2208 : index
      %get3A_1023 = tpu.vector_load %arg19[%get3A_1022] {strides = array<i32>} : memref<4096xf32, #tpu.memory_space<vmem>>, vector<16xf32>,
      %add3A_1024 = arith.addf %add3A_1021, %get3A_1023 : vector<16xf32>
      %get3A_1025 = arith.constant 2464 : index
      %get3A_1026 = tpu.vector_load %arg19[%get3A_1025] {strides = array<i32>} : memref<4096xf32, #tpu.memory_space<vmem>>, vector<16xf32>,
      %add3A_1027 = arith.addf %add3A_1024, %get3A_1026 : vector<16xf32>
      %get3A_1028 = arith.constant 2720 : index
      %get3A_1029 = tpu.vector_load %arg19[%get3A_1028] {strides = array<i32>} : memref<4096xf32, #tpu.memory_space<vmem>>, vector<16xf32>,
      %add3A_1030 = arith.addf %add3A_1027, %get3A_1029 : vector<16xf32>
      %get3A_1031 = arith.constant 2976 : index
      %get3A_1032 = tpu.vector_load %arg19[%get3A_1031] {strides = array<i32>} : memref<4096xf32, #tpu.memory_space<vmem>>, vector<16xf32>,
      %add3A_1033 = arith.addf %add3A_1030, %get3A_1032 : vector<16xf32>
      %get3A_1034 = arith.constant 3232 : index
      %get3A_1035 = tpu.vector_load %arg19[%get3A_1034] {strides = array<i32>} : memref<4096xf32, #tpu.memory_space<vmem>>, vector<16xf32>,
      %add3A_1036 = arith.addf %add3A_1033, %get3A_1035 : vector<16xf32>
      %get3A_1037 = arith.constant 3488 : index
      %get3A_1038 = tpu.vector_load %arg19[%get3A_1037] {strides = array<i32>} : memref<4096xf32, #tpu.memory_space<vmem>>, vector<16xf32>,
      %add3A_1039 = arith.addf %add3A_1036, %get3A_1038 : vector<16xf32>
      %get3A_1040 = arith.constant 3744 : index
      %get3A_1041 = tpu.vector_load %arg19[%get3A_1040] {strides = array<i32>} : memref<4096xf32, #tpu.memory_space<vmem>>, vector<16xf32>,
      %add3A_1042 = arith.addf %add3A_1039, %get3A_1041 : vector<16xf32>
      %get3A_1043 = arith.constant 4000 : index
      %get3A_1044 = tpu.vector_load %arg19[%get3A_1043] {strides = array<i32>} : memref<4096xf32, #tpu.memory_space<vmem>>, vector<16xf32>,
      %add3A_1045 = arith.addf %add3A_1042, %get3A_1044 : vector<16xf32>
      %iota3A_1046 = tpu.iota {dimensions = array<i32: 0>} : vector<16xi32>
      %add3A_1047 = arith.constant 160 : i32
      %add3A_1048 = vector.broadcast %add3A_1047 : i32 to vector<16xi32>
      %add3A_1049 = arith.addi %add3A_1048, %iota3A_1046 : vector<16xi32>
      %broadcast_in_dim3A_1050 = arith.constant 0 : i32
      %broadcast_in_dim3A_1051 = vector.broadcast %broadcast_in_dim3A_1050 : i32 to vector<16xi32>
      tpu.vector_store_idx %arg20[%add3A_1049, %broadcast_in_dim3A_1051], %add3A_1045 : memref<256x8xf32, #tpu.memory_space<vmem>>[vector<16xi32>, vector<16xi32>], vector<16xf32>,
      %get3A_1052 = arith.constant 176 : index
      %get3A_1053 = tpu.vector_load %arg19[%get3A_1052] {strides = array<i32>} : memref<4096xf32, #tpu.memory_space<vmem>>, vector<16xf32>,
      %get3A_1054 = arith.constant 432 : index
      %get3A_1055 = tpu.vector_load %arg19[%get3A_1054] {strides = array<i32>} : memref<4096xf32, #tpu.memory_space<vmem>>, vector<16xf32>,
      %add3A_1056 = arith.addf %get3A_1053, %get3A_1055 : vector<16xf32>
      %get3A_1057 = arith.constant 688 : index
      %get3A_1058 = tpu.vector_load %arg19[%get3A_1057] {strides = array<i32>} : memref<4096xf32, #tpu.memory_space<vmem>>, vector<16xf32>,
      %add3A_1059 = arith.addf %add3A_1056, %get3A_1058 : vector<16xf32>
      %get3A_1060 = arith.constant 944 : index
      %get3A_1061 = tpu.vector_load %arg19[%get3A_1060] {strides = array<i32>} : memref<4096xf32, #tpu.memory_space<vmem>>, vector<16xf32>,
      %add3A_1062 = arith.addf %add3A_1059, %get3A_1061 : vector<16xf32>
      %get3A_1063 = arith.constant 1200 : index
      %get3A_1064 = tpu.vector_load %arg19[%get3A_1063] {strides = array<i32>} : memref<4096xf32, #tpu.memory_space<vmem>>, vector<16xf32>,
      %add3A_1065 = arith.addf %add3A_1062, %get3A_1064 : vector<16xf32>
      %get3A_1066 = arith.constant 1456 : index
      %get3A_1067 = tpu.vector_load %arg19[%get3A_1066] {strides = array<i32>} : memref<4096xf32, #tpu.memory_space<vmem>>, vector<16xf32>,
      %add3A_1068 = arith.addf %add3A_1065, %get3A_1067 : vector<16xf32>
      %get3A_1069 = arith.constant 1712 : index
      %get3A_1070 = tpu.vector_load %arg19[%get3A_1069] {strides = array<i32>} : memref<4096xf32, #tpu.memory_space<vmem>>, vector<16xf32>,
      %add3A_1071 = arith.addf %add3A_1068, %get3A_1070 : vector<16xf32>
      %get3A_1072 = arith.constant 1968 : index
      %get3A_1073 = tpu.vector_load %arg19[%get3A_1072] {strides = array<i32>} : memref<4096xf32, #tpu.memory_space<vmem>>, vector<16xf32>,
      %add3A_1074 = arith.addf %add3A_1071, %get3A_1073 : vector<16xf32>
      %get3A_1075 = arith.constant 2224 : index
      %get3A_1076 = tpu.vector_load %arg19[%get3A_1075] {strides = array<i32>} : memref<4096xf32, #tpu.memory_space<vmem>>, vector<16xf32>,
      %add3A_1077 = arith.addf %add3A_1074, %get3A_1076 : vector<16xf32>
      %get3A_1078 = arith.constant 2480 : index
      %get3A_1079 = tpu.vector_load %arg19[%get3A_1078] {strides = array<i32>} : memref<4096xf32, #tpu.memory_space<vmem>>, vector<16xf32>,
      %add3A_1080 = arith.addf %add3A_1077, %get3A_1079 : vector<16xf32>
      %get3A_1081 = arith.constant 2736 : index
      %get3A_1082 = tpu.vector_load %arg19[%get3A_1081] {strides = array<i32>} : memref<4096xf32, #tpu.memory_space<vmem>>, vector<16xf32>,
      %add3A_1083 = arith.addf %add3A_1080, %get3A_1082 : vector<16xf32>
      %get3A_1084 = arith.constant 2992 : index
      %get3A_1085 = tpu.vector_load %arg19[%get3A_1084] {strides = array<i32>} : memref<4096xf32, #tpu.memory_space<vmem>>, vector<16xf32>,
      %add3A_1086 = arith.addf %add3A_1083, %get3A_1085 : vector<16xf32>
      %get3A_1087 = arith.constant 3248 : index
      %get3A_1088 = tpu.vector_load %arg19[%get3A_1087] {strides = array<i32>} : memref<4096xf32, #tpu.memory_space<vmem>>, vector<16xf32>,
      %add3A_1089 = arith.addf %add3A_1086, %get3A_1088 : vector<16xf32>
      %get3A_1090 = arith.constant 3504 : index
      %get3A_1091 = tpu.vector_load %arg19[%get3A_1090] {strides = array<i32>} : memref<4096xf32, #tpu.memory_space<vmem>>, vector<16xf32>,
      %add3A_1092 = arith.addf %add3A_1089, %get3A_1091 : vector<16xf32>
      %get3A_1093 = arith.constant 3760 : index
      %get3A_1094 = tpu.vector_load %arg19[%get3A_1093] {strides = array<i32>} : memref<4096xf32, #tpu.memory_space<vmem>>, vector<16xf32>,
      %add3A_1095 = arith.addf %add3A_1092, %get3A_1094 : vector<16xf32>
      %get3A_1096 = arith.constant 4016 : index
      %get3A_1097 = tpu.vector_load %arg19[%get3A_1096] {strides = array<i32>} : memref<4096xf32, #tpu.memory_space<vmem>>, vector<16xf32>,
      %add3A_1098 = arith.addf %add3A_1095, %get3A_1097 : vector<16xf32>
      %iota3A_1099 = tpu.iota {dimensions = array<i32: 0>} : vector<16xi32>
      %add3A_1100 = arith.constant 176 : i32
      %add3A_1101 = vector.broadcast %add3A_1100 : i32 to vector<16xi32>
      %add3A_1102 = arith.addi %add3A_1101, %iota3A_1099 : vector<16xi32>
      %broadcast_in_dim3A_1103 = arith.constant 0 : i32
      %broadcast_in_dim3A_1104 = vector.broadcast %broadcast_in_dim3A_1103 : i32 to vector<16xi32>
      tpu.vector_store_idx %arg20[%add3A_1102, %broadcast_in_dim3A_1104], %add3A_1098 : memref<256x8xf32, #tpu.memory_space<vmem>>[vector<16xi32>, vector<16xi32>], vector<16xf32>,
      %get3A_1105 = arith.constant 192 : index
      %get3A_1106 = tpu.vector_load %arg19[%get3A_1105] {strides = array<i32>} : memref<4096xf32, #tpu.memory_space<vmem>>, vector<16xf32>,
      %get3A_1107 = arith.constant 448 : index
      %get3A_1108 = tpu.vector_load %arg19[%get3A_1107] {strides = array<i32>} : memref<4096xf32, #tpu.memory_space<vmem>>, vector<16xf32>,
      %add3A_1109 = arith.addf %get3A_1106, %get3A_1108 : vector<16xf32>
      %get3A_1110 = arith.constant 704 : index
      %get3A_1111 = tpu.vector_load %arg19[%get3A_1110] {strides = array<i32>} : memref<4096xf32, #tpu.memory_space<vmem>>, vector<16xf32>,
      %add3A_1112 = arith.addf %add3A_1109, %get3A_1111 : vector<16xf32>
      %get3A_1113 = arith.constant 960 : index
      %get3A_1114 = tpu.vector_load %arg19[%get3A_1113] {strides = array<i32>} : memref<4096xf32, #tpu.memory_space<vmem>>, vector<16xf32>,
      %add3A_1115 = arith.addf %add3A_1112, %get3A_1114 : vector<16xf32>
      %get3A_1116 = arith.constant 1216 : index
      %get3A_1117 = tpu.vector_load %arg19[%get3A_1116] {strides = array<i32>} : memref<4096xf32, #tpu.memory_space<vmem>>, vector<16xf32>,
      %add3A_1118 = arith.addf %add3A_1115, %get3A_1117 : vector<16xf32>
      %get3A_1119 = arith.constant 1472 : index
      %get3A_1120 = tpu.vector_load %arg19[%get3A_1119] {strides = array<i32>} : memref<4096xf32, #tpu.memory_space<vmem>>, vector<16xf32>,
      %add3A_1121 = arith.addf %add3A_1118, %get3A_1120 : vector<16xf32>
      %get3A_1122 = arith.constant 1728 : index
      %get3A_1123 = tpu.vector_load %arg19[%get3A_1122] {strides = array<i32>} : memref<4096xf32, #tpu.memory_space<vmem>>, vector<16xf32>,
      %add3A_1124 = arith.addf %add3A_1121, %get3A_1123 : vector<16xf32>
      %get3A_1125 = arith.constant 1984 : index
      %get3A_1126 = tpu.vector_load %arg19[%get3A_1125] {strides = array<i32>} : memref<4096xf32, #tpu.memory_space<vmem>>, vector<16xf32>,
      %add3A_1127 = arith.addf %add3A_1124, %get3A_1126 : vector<16xf32>
      %get3A_1128 = arith.constant 2240 : index
      %get3A_1129 = tpu.vector_load %arg19[%get3A_1128] {strides = array<i32>} : memref<4096xf32, #tpu.memory_space<vmem>>, vector<16xf32>,
      %add3A_1130 = arith.addf %add3A_1127, %get3A_1129 : vector<16xf32>
      %get3A_1131 = arith.constant 2496 : index
      %get3A_1132 = tpu.vector_load %arg19[%get3A_1131] {strides = array<i32>} : memref<4096xf32, #tpu.memory_space<vmem>>, vector<16xf32>,
      %add3A_1133 = arith.addf %add3A_1130, %get3A_1132 : vector<16xf32>
      %get3A_1134 = arith.constant 2752 : index
      %get3A_1135 = tpu.vector_load %arg19[%get3A_1134] {strides = array<i32>} : memref<4096xf32, #tpu.memory_space<vmem>>, vector<16xf32>,
      %add3A_1136 = arith.addf %add3A_1133, %get3A_1135 : vector<16xf32>
      %get3A_1137 = arith.constant 3008 : index
      %get3A_1138 = tpu.vector_load %arg19[%get3A_1137] {strides = array<i32>} : memref<4096xf32, #tpu.memory_space<vmem>>, vector<16xf32>,
      %add3A_1139 = arith.addf %add3A_1136, %get3A_1138 : vector<16xf32>
      %get3A_1140 = arith.constant 3264 : index
      %get3A_1141 = tpu.vector_load %arg19[%get3A_1140] {strides = array<i32>} : memref<4096xf32, #tpu.memory_space<vmem>>, vector<16xf32>,
      %add3A_1142 = arith.addf %add3A_1139, %get3A_1141 : vector<16xf32>
      %get3A_1143 = arith.constant 3520 : index
      %get3A_1144 = tpu.vector_load %arg19[%get3A_1143] {strides = array<i32>} : memref<4096xf32, #tpu.memory_space<vmem>>, vector<16xf32>,
      %add3A_1145 = arith.addf %add3A_1142, %get3A_1144 : vector<16xf32>
      %get3A_1146 = arith.constant 3776 : index
      %get3A_1147 = tpu.vector_load %arg19[%get3A_1146] {strides = array<i32>} : memref<4096xf32, #tpu.memory_space<vmem>>, vector<16xf32>,
      %add3A_1148 = arith.addf %add3A_1145, %get3A_1147 : vector<16xf32>
      %get3A_1149 = arith.constant 4032 : index
      %get3A_1150 = tpu.vector_load %arg19[%get3A_1149] {strides = array<i32>} : memref<4096xf32, #tpu.memory_space<vmem>>, vector<16xf32>,
      %add3A_1151 = arith.addf %add3A_1148, %get3A_1150 : vector<16xf32>
      %iota3A_1152 = tpu.iota {dimensions = array<i32: 0>} : vector<16xi32>
      %add3A_1153 = arith.constant 192 : i32
      %add3A_1154 = vector.broadcast %add3A_1153 : i32 to vector<16xi32>
      %add3A_1155 = arith.addi %add3A_1154, %iota3A_1152 : vector<16xi32>
      %broadcast_in_dim3A_1156 = arith.constant 0 : i32
      %broadcast_in_dim3A_1157 = vector.broadcast %broadcast_in_dim3A_1156 : i32 to vector<16xi32>
      tpu.vector_store_idx %arg20[%add3A_1155, %broadcast_in_dim3A_1157], %add3A_1151 : memref<256x8xf32, #tpu.memory_space<vmem>>[vector<16xi32>, vector<16xi32>], vector<16xf32>,
      %get3A_1158 = arith.constant 208 : index
      %get3A_1159 = tpu.vector_load %arg19[%get3A_1158] {strides = array<i32>} : memref<4096xf32, #tpu.memory_space<vmem>>, vector<16xf32>,
      %get3A_1160 = arith.constant 464 : index
      %get3A_1161 = tpu.vector_load %arg19[%get3A_1160] {strides = array<i32>} : memref<4096xf32, #tpu.memory_space<vmem>>, vector<16xf32>,
      %add3A_1162 = arith.addf %get3A_1159, %get3A_1161 : vector<16xf32>
      %get3A_1163 = arith.constant 720 : index
      %get3A_1164 = tpu.vector_load %arg19[%get3A_1163] {strides = array<i32>} : memref<4096xf32, #tpu.memory_space<vmem>>, vector<16xf32>,
      %add3A_1165 = arith.addf %add3A_1162, %get3A_1164 : vector<16xf32>
      %get3A_1166 = arith.constant 976 : index
      %get3A_1167 = tpu.vector_load %arg19[%get3A_1166] {strides = array<i32>} : memref<4096xf32, #tpu.memory_space<vmem>>, vector<16xf32>,
      %add3A_1168 = arith.addf %add3A_1165, %get3A_1167 : vector<16xf32>
      %get3A_1169 = arith.constant 1232 : index
      %get3A_1170 = tpu.vector_load %arg19[%get3A_1169] {strides = array<i32>} : memref<4096xf32, #tpu.memory_space<vmem>>, vector<16xf32>,
      %add3A_1171 = arith.addf %add3A_1168, %get3A_1170 : vector<16xf32>
      %get3A_1172 = arith.constant 1488 : index
      %get3A_1173 = tpu.vector_load %arg19[%get3A_1172] {strides = array<i32>} : memref<4096xf32, #tpu.memory_space<vmem>>, vector<16xf32>,
      %add3A_1174 = arith.addf %add3A_1171, %get3A_1173 : vector<16xf32>
      %get3A_1175 = arith.constant 1744 : index
      %get3A_1176 = tpu.vector_load %arg19[%get3A_1175] {strides = array<i32>} : memref<4096xf32, #tpu.memory_space<vmem>>, vector<16xf32>,
      %add3A_1177 = arith.addf %add3A_1174, %get3A_1176 : vector<16xf32>
      %get3A_1178 = arith.constant 2000 : index
      %get3A_1179 = tpu.vector_load %arg19[%get3A_1178] {strides = array<i32>} : memref<4096xf32, #tpu.memory_space<vmem>>, vector<16xf32>,
      %add3A_1180 = arith.addf %add3A_1177, %get3A_1179 : vector<16xf32>
      %get3A_1181 = arith.constant 2256 : index
      %get3A_1182 = tpu.vector_load %arg19[%get3A_1181] {strides = array<i32>} : memref<4096xf32, #tpu.memory_space<vmem>>, vector<16xf32>,
      %add3A_1183 = arith.addf %add3A_1180, %get3A_1182 : vector<16xf32>
      %get3A_1184 = arith.constant 2512 : index
      %get3A_1185 = tpu.vector_load %arg19[%get3A_1184] {strides = array<i32>} : memref<4096xf32, #tpu.memory_space<vmem>>, vector<16xf32>,
      %add3A_1186 = arith.addf %add3A_1183, %get3A_1185 : vector<16xf32>
      %get3A_1187 = arith.constant 2768 : index
      %get3A_1188 = tpu.vector_load %arg19[%get3A_1187] {strides = array<i32>} : memref<4096xf32, #tpu.memory_space<vmem>>, vector<16xf32>,
      %add3A_1189 = arith.addf %add3A_1186, %get3A_1188 : vector<16xf32>
      %get3A_1190 = arith.constant 3024 : index
      %get3A_1191 = tpu.vector_load %arg19[%get3A_1190] {strides = array<i32>} : memref<4096xf32, #tpu.memory_space<vmem>>, vector<16xf32>,
      %add3A_1192 = arith.addf %add3A_1189, %get3A_1191 : vector<16xf32>
      %get3A_1193 = arith.constant 3280 : index
      %get3A_1194 = tpu.vector_load %arg19[%get3A_1193] {strides = array<i32>} : memref<4096xf32, #tpu.memory_space<vmem>>, vector<16xf32>,
      %add3A_1195 = arith.addf %add3A_1192, %get3A_1194 : vector<16xf32>
      %get3A_1196 = arith.constant 3536 : index
      %get3A_1197 = tpu.vector_load %arg19[%get3A_1196] {strides = array<i32>} : memref<4096xf32, #tpu.memory_space<vmem>>, vector<16xf32>,
      %add3A_1198 = arith.addf %add3A_1195, %get3A_1197 : vector<16xf32>
      %get3A_1199 = arith.constant 3792 : index
      %get3A_1200 = tpu.vector_load %arg19[%get3A_1199] {strides = array<i32>} : memref<4096xf32, #tpu.memory_space<vmem>>, vector<16xf32>,
      %add3A_1201 = arith.addf %add3A_1198, %get3A_1200 : vector<16xf32>
      %get3A_1202 = arith.constant 4048 : index
      %get3A_1203 = tpu.vector_load %arg19[%get3A_1202] {strides = array<i32>} : memref<4096xf32, #tpu.memory_space<vmem>>, vector<16xf32>,
      %add3A_1204 = arith.addf %add3A_1201, %get3A_1203 : vector<16xf32>
      %iota3A_1205 = tpu.iota {dimensions = array<i32: 0>} : vector<16xi32>
      %add3A_1206 = arith.constant 208 : i32
      %add3A_1207 = vector.broadcast %add3A_1206 : i32 to vector<16xi32>
      %add3A_1208 = arith.addi %add3A_1207, %iota3A_1205 : vector<16xi32>
      %broadcast_in_dim3A_1209 = arith.constant 0 : i32
      %broadcast_in_dim3A_1210 = vector.broadcast %broadcast_in_dim3A_1209 : i32 to vector<16xi32>
      tpu.vector_store_idx %arg20[%add3A_1208, %broadcast_in_dim3A_1210], %add3A_1204 : memref<256x8xf32, #tpu.memory_space<vmem>>[vector<16xi32>, vector<16xi32>], vector<16xf32>,
      %get3A_1211 = arith.constant 224 : index
      %get3A_1212 = tpu.vector_load %arg19[%get3A_1211] {strides = array<i32>} : memref<4096xf32, #tpu.memory_space<vmem>>, vector<16xf32>,
      %get3A_1213 = arith.constant 480 : index
      %get3A_1214 = tpu.vector_load %arg19[%get3A_1213] {strides = array<i32>} : memref<4096xf32, #tpu.memory_space<vmem>>, vector<16xf32>,
      %add3A_1215 = arith.addf %get3A_1212, %get3A_1214 : vector<16xf32>
      %get3A_1216 = arith.constant 736 : index
      %get3A_1217 = tpu.vector_load %arg19[%get3A_1216] {strides = array<i32>} : memref<4096xf32, #tpu.memory_space<vmem>>, vector<16xf32>,
      %add3A_1218 = arith.addf %add3A_1215, %get3A_1217 : vector<16xf32>
      %get3A_1219 = arith.constant 992 : index
      %get3A_1220 = tpu.vector_load %arg19[%get3A_1219] {strides = array<i32>} : memref<4096xf32, #tpu.memory_space<vmem>>, vector<16xf32>,
      %add3A_1221 = arith.addf %add3A_1218, %get3A_1220 : vector<16xf32>
      %get3A_1222 = arith.constant 1248 : index
      %get3A_1223 = tpu.vector_load %arg19[%get3A_1222] {strides = array<i32>} : memref<4096xf32, #tpu.memory_space<vmem>>, vector<16xf32>,
      %add3A_1224 = arith.addf %add3A_1221, %get3A_1223 : vector<16xf32>
      %get3A_1225 = arith.constant 1504 : index
      %get3A_1226 = tpu.vector_load %arg19[%get3A_1225] {strides = array<i32>} : memref<4096xf32, #tpu.memory_space<vmem>>, vector<16xf32>,
      %add3A_1227 = arith.addf %add3A_1224, %get3A_1226 : vector<16xf32>
      %get3A_1228 = arith.constant 1760 : index
      %get3A_1229 = tpu.vector_load %arg19[%get3A_1228] {strides = array<i32>} : memref<4096xf32, #tpu.memory_space<vmem>>, vector<16xf32>,
      %add3A_1230 = arith.addf %add3A_1227, %get3A_1229 : vector<16xf32>
      %get3A_1231 = arith.constant 2016 : index
      %get3A_1232 = tpu.vector_load %arg19[%get3A_1231] {strides = array<i32>} : memref<4096xf32, #tpu.memory_space<vmem>>, vector<16xf32>,
      %add3A_1233 = arith.addf %add3A_1230, %get3A_1232 : vector<16xf32>
      %get3A_1234 = arith.constant 2272 : index
      %get3A_1235 = tpu.vector_load %arg19[%get3A_1234] {strides = array<i32>} : memref<4096xf32, #tpu.memory_space<vmem>>, vector<16xf32>,
      %add3A_1236 = arith.addf %add3A_1233, %get3A_1235 : vector<16xf32>
      %get3A_1237 = arith.constant 2528 : index
      %get3A_1238 = tpu.vector_load %arg19[%get3A_1237] {strides = array<i32>} : memref<4096xf32, #tpu.memory_space<vmem>>, vector<16xf32>,
      %add3A_1239 = arith.addf %add3A_1236, %get3A_1238 : vector<16xf32>
      %get3A_1240 = arith.constant 2784 : index
      %get3A_1241 = tpu.vector_load %arg19[%get3A_1240] {strides = array<i32>} : memref<4096xf32, #tpu.memory_space<vmem>>, vector<16xf32>,
      %add3A_1242 = arith.addf %add3A_1239, %get3A_1241 : vector<16xf32>
      %get3A_1243 = arith.constant 3040 : index
      %get3A_1244 = tpu.vector_load %arg19[%get3A_1243] {strides = array<i32>} : memref<4096xf32, #tpu.memory_space<vmem>>, vector<16xf32>,
      %add3A_1245 = arith.addf %add3A_1242, %get3A_1244 : vector<16xf32>
      %get3A_1246 = arith.constant 3296 : index
      %get3A_1247 = tpu.vector_load %arg19[%get3A_1246] {strides = array<i32>} : memref<4096xf32, #tpu.memory_space<vmem>>, vector<16xf32>,
      %add3A_1248 = arith.addf %add3A_1245, %get3A_1247 : vector<16xf32>
      %get3A_1249 = arith.constant 3552 : index
      %get3A_1250 = tpu.vector_load %arg19[%get3A_1249] {strides = array<i32>} : memref<4096xf32, #tpu.memory_space<vmem>>, vector<16xf32>,
      %add3A_1251 = arith.addf %add3A_1248, %get3A_1250 : vector<16xf32>
      %get3A_1252 = arith.constant 3808 : index
      %get3A_1253 = tpu.vector_load %arg19[%get3A_1252] {strides = array<i32>} : memref<4096xf32, #tpu.memory_space<vmem>>, vector<16xf32>,
      %add3A_1254 = arith.addf %add3A_1251, %get3A_1253 : vector<16xf32>
      %get3A_1255 = arith.constant 4064 : index
      %get3A_1256 = tpu.vector_load %arg19[%get3A_1255] {strides = array<i32>} : memref<4096xf32, #tpu.memory_space<vmem>>, vector<16xf32>,
      %add3A_1257 = arith.addf %add3A_1254, %get3A_1256 : vector<16xf32>
      %iota3A_1258 = tpu.iota {dimensions = array<i32: 0>} : vector<16xi32>
      %add3A_1259 = arith.constant 224 : i32
      %add3A_1260 = vector.broadcast %add3A_1259 : i32 to vector<16xi32>
      %add3A_1261 = arith.addi %add3A_1260, %iota3A_1258 : vector<16xi32>
      %broadcast_in_dim3A_1262 = arith.constant 0 : i32
      %broadcast_in_dim3A_1263 = vector.broadcast %broadcast_in_dim3A_1262 : i32 to vector<16xi32>
      tpu.vector_store_idx %arg20[%add3A_1261, %broadcast_in_dim3A_1263], %add3A_1257 : memref<256x8xf32, #tpu.memory_space<vmem>>[vector<16xi32>, vector<16xi32>], vector<16xf32>,
      %get3A_1264 = arith.constant 240 : index
      %get3A_1265 = tpu.vector_load %arg19[%get3A_1264] {strides = array<i32>} : memref<4096xf32, #tpu.memory_space<vmem>>, vector<16xf32>,
      %get3A_1266 = arith.constant 496 : index
      %get3A_1267 = tpu.vector_load %arg19[%get3A_1266] {strides = array<i32>} : memref<4096xf32, #tpu.memory_space<vmem>>, vector<16xf32>,
      %add3A_1268 = arith.addf %get3A_1265, %get3A_1267 : vector<16xf32>
      %get3A_1269 = arith.constant 752 : index
      %get3A_1270 = tpu.vector_load %arg19[%get3A_1269] {strides = array<i32>} : memref<4096xf32, #tpu.memory_space<vmem>>, vector<16xf32>,
      %add3A_1271 = arith.addf %add3A_1268, %get3A_1270 : vector<16xf32>
      %get3A_1272 = arith.constant 1008 : index
      %get3A_1273 = tpu.vector_load %arg19[%get3A_1272] {strides = array<i32>} : memref<4096xf32, #tpu.memory_space<vmem>>, vector<16xf32>,
      %add3A_1274 = arith.addf %add3A_1271, %get3A_1273 : vector<16xf32>
      %get3A_1275 = arith.constant 1264 : index
      %get3A_1276 = tpu.vector_load %arg19[%get3A_1275] {strides = array<i32>} : memref<4096xf32, #tpu.memory_space<vmem>>, vector<16xf32>,
      %add3A_1277 = arith.addf %add3A_1274, %get3A_1276 : vector<16xf32>
      %get3A_1278 = arith.constant 1520 : index
      %get3A_1279 = tpu.vector_load %arg19[%get3A_1278] {strides = array<i32>} : memref<4096xf32, #tpu.memory_space<vmem>>, vector<16xf32>,
      %add3A_1280 = arith.addf %add3A_1277, %get3A_1279 : vector<16xf32>
      %get3A_1281 = arith.constant 1776 : index
      %get3A_1282 = tpu.vector_load %arg19[%get3A_1281] {strides = array<i32>} : memref<4096xf32, #tpu.memory_space<vmem>>, vector<16xf32>,
      %add3A_1283 = arith.addf %add3A_1280, %get3A_1282 : vector<16xf32>
      %get3A_1284 = arith.constant 2032 : index
      %get3A_1285 = tpu.vector_load %arg19[%get3A_1284] {strides = array<i32>} : memref<4096xf32, #tpu.memory_space<vmem>>, vector<16xf32>,
      %add3A_1286 = arith.addf %add3A_1283, %get3A_1285 : vector<16xf32>
      %get3A_1287 = arith.constant 2288 : index
      %get3A_1288 = tpu.vector_load %arg19[%get3A_1287] {strides = array<i32>} : memref<4096xf32, #tpu.memory_space<vmem>>, vector<16xf32>,
      %add3A_1289 = arith.addf %add3A_1286, %get3A_1288 : vector<16xf32>
      %get3A_1290 = arith.constant 2544 : index
      %get3A_1291 = tpu.vector_load %arg19[%get3A_1290] {strides = array<i32>} : memref<4096xf32, #tpu.memory_space<vmem>>, vector<16xf32>,
      %add3A_1292 = arith.addf %add3A_1289, %get3A_1291 : vector<16xf32>
      %get3A_1293 = arith.constant 2800 : index
      %get3A_1294 = tpu.vector_load %arg19[%get3A_1293] {strides = array<i32>} : memref<4096xf32, #tpu.memory_space<vmem>>, vector<16xf32>,
      %add3A_1295 = arith.addf %add3A_1292, %get3A_1294 : vector<16xf32>
      %get3A_1296 = arith.constant 3056 : index
      %get3A_1297 = tpu.vector_load %arg19[%get3A_1296] {strides = array<i32>} : memref<4096xf32, #tpu.memory_space<vmem>>, vector<16xf32>,
      %add3A_1298 = arith.addf %add3A_1295, %get3A_1297 : vector<16xf32>
      %get3A_1299 = arith.constant 3312 : index
      %get3A_1300 = tpu.vector_load %arg19[%get3A_1299] {strides = array<i32>} : memref<4096xf32, #tpu.memory_space<vmem>>, vector<16xf32>,
      %add3A_1301 = arith.addf %add3A_1298, %get3A_1300 : vector<16xf32>
      %get3A_1302 = arith.constant 3568 : index
      %get3A_1303 = tpu.vector_load %arg19[%get3A_1302] {strides = array<i32>} : memref<4096xf32, #tpu.memory_space<vmem>>, vector<16xf32>,
      %add3A_1304 = arith.addf %add3A_1301, %get3A_1303 : vector<16xf32>
      %get3A_1305 = arith.constant 3824 : index
      %get3A_1306 = tpu.vector_load %arg19[%get3A_1305] {strides = array<i32>} : memref<4096xf32, #tpu.memory_space<vmem>>, vector<16xf32>,
      %add3A_1307 = arith.addf %add3A_1304, %get3A_1306 : vector<16xf32>
      %get3A_1308 = arith.constant 4080 : index
      %get3A_1309 = tpu.vector_load %arg19[%get3A_1308] {strides = array<i32>} : memref<4096xf32, #tpu.memory_space<vmem>>, vector<16xf32>,
      %add3A_1310 = arith.addf %add3A_1307, %get3A_1309 : vector<16xf32>
      %iota3A_1311 = tpu.iota {dimensions = array<i32: 0>} : vector<16xi32>
      %add3A_1312 = arith.constant 240 : i32
      %add3A_1313 = vector.broadcast %add3A_1312 : i32 to vector<16xi32>
      %add3A_1314 = arith.addi %add3A_1313, %iota3A_1311 : vector<16xi32>
      %broadcast_in_dim3A_1315 = arith.constant 0 : i32
      %broadcast_in_dim3A_1316 = vector.broadcast %broadcast_in_dim3A_1315 : i32 to vector<16xi32>
      tpu.vector_store_idx %arg20[%add3A_1314, %broadcast_in_dim3A_1316], %add3A_1310 : memref<256x8xf32, #tpu.memory_space<vmem>>[vector<16xi32>, vector<16xi32>], vector<16xf32>,
      "tpu.region"() ({
        %run_scoped3A = tpu.sem_alloc : memref<!tpu.dma_semaphore, #tpu.memory_space<semaphore_mem>>
        %dma_start3A_1317 = arith.constant 0 : i32
        %dma_start3A_1318 = arith.constant 0 : i32
        %dma_start3A_1319 = tpu.memref_slice %arg20[%dma_start3A_1317, %dma_start3A_1318] : memref<256x8xf32, #tpu.memory_space<vmem>> -> memref<256x8xf32, #tpu.memory_space<vmem>>
        %dma_start3A_1320 = arith.constant 0 : i32
        %dma_start3A_1321 = tpu.memref_slice %arg7[%arg0, %multiple_of3A, %dma_start3A_1320] : memref<2x4000x8xf32, #tpu.memory_space<hbm>> -> memref<1x256x8xf32, #tpu.memory_space<hbm>>
        %dma_start3A_1322 = tpu.memref_squeeze %dma_start3A_1321 : memref<1x256x8xf32, #tpu.memory_space<hbm>> -> memref<256x8xf32, #tpu.memory_space<hbm>>
        %dma_start3A_1323 = arith.constant 0 : i32
        %dma_start3A_1324 = tpu.memref_slice %arg7[%arg0, %multiple_of3A, %dma_start3A_1323] : memref<2x4000x8xf32, #tpu.memory_space<hbm>> -> memref<1x256x8xf32, #tpu.memory_space<hbm>>
        %dma_start3A_1325 = tpu.memref_squeeze %dma_start3A_1324 : memref<1x256x8xf32, #tpu.memory_space<hbm>> -> memref<256x8xf32, #tpu.memory_space<hbm>>
        %dma_start3A_1326 = arith.constant 0 : i32
        %dma_start3A_1327 = arith.constant 0 : i32
        %dma_start3A_1328 = tpu.memref_slice %arg20[%dma_start3A_1326, %dma_start3A_1327] : memref<256x8xf32, #tpu.memory_space<vmem>> -> memref<256x8xf32, #tpu.memory_space<vmem>>
        tpu.enqueue_dma source(%dma_start3A_1328 : memref<256x8xf32, #tpu.memory_space<vmem>>) target(%dma_start3A_1325 : memref<256x8xf32, #tpu.memory_space<hbm>>) target_semaphore(%run_scoped3A : memref<!tpu.dma_semaphore, #tpu.memory_space<semaphore_mem>>)
        %dma_wait3A_1329 = arith.constant 0 : i32
        %dma_wait3A_1330 = arith.constant 0 : i32
        %dma_wait3A_1331 = tpu.memref_slice %arg20[%dma_wait3A_1329, %dma_wait3A_1330] : memref<256x8xf32, #tpu.memory_space<vmem>> -> memref<256x8xf32, #tpu.memory_space<vmem>>
        %dma_wait3A_1332 = arith.constant 0 : i32
        %dma_wait3A_1333 = tpu.memref_slice %arg7[%arg0, %multiple_of3A, %dma_wait3A_1332] : memref<2x4000x8xf32, #tpu.memory_space<hbm>> -> memref<1x256x8xf32, #tpu.memory_space<hbm>>
        %dma_wait3A_1334 = tpu.memref_squeeze %dma_wait3A_1333 : memref<1x256x8xf32, #tpu.memory_space<hbm>> -> memref<256x8xf32, #tpu.memory_space<hbm>>
        %dma_wait3A_1335 = arith.constant 0 : i32
        %dma_wait3A_1336 = tpu.memref_slice %arg7[%arg0, %multiple_of3A, %dma_wait3A_1335] : memref<2x4000x8xf32, #tpu.memory_space<hbm>> -> memref<1x256x8xf32, #tpu.memory_space<hbm>>
        %dma_wait3A_1337 = tpu.memref_squeeze %dma_wait3A_1336 : memref<1x256x8xf32, #tpu.memory_space<hbm>> -> memref<256x8xf32, #tpu.memory_space<hbm>>
        %dma_wait3A_1338 = arith.constant 0 : i32
        %dma_wait3A_1339 = arith.constant 0 : i32
        %dma_wait3A_1340 = tpu.memref_slice %arg20[%dma_wait3A_1338, %dma_wait3A_1339] : memref<256x8xf32, #tpu.memory_space<vmem>> -> memref<256x8xf32, #tpu.memory_space<vmem>>
        tpu.wait_dma2 semaphore(%run_scoped3A : memref<!tpu.dma_semaphore, #tpu.memory_space<semaphore_mem>>) src(%dma_wait3A_1340 : memref<256x8xf32, #tpu.memory_space<vmem>>) dst(%dma_wait3A_1337 : memref<256x8xf32, #tpu.memory_space<hbm>>)
        tpu.yield
      }) : () -> ()
    } else {
    }
    %eq3A_265 = arith.constant 15 : i32
    %eq3A_266 = arith.cmpi eq, %arg1, %eq3A_265 : i32
    %convert_element_type3A_267 = arith.extui %eq3A_266 : i1 to i32
    %cond3A_268 = arith.constant 0 : i32
    %cond3A_269 = arith.cmpi ne, %convert_element_type3A_267, %cond3A_268 : i32
    scf.if %cond3A_269 {
      "tpu.region"() ({
        %run_scoped3A = tpu.sem_alloc : memref<!tpu.dma_semaphore, #tpu.memory_space<semaphore_mem>>
        %dma_start3A_1063 = arith.constant 3840 : i32
        %dma_start3A_1064 = arith.constant 0 : i32
        %dma_start3A_1065 = tpu.memref_slice %arg6[%arg0, %dma_start3A_1063, %dma_start3A_1064] : memref<2x4000x128xf32, #tpu.memory_space<hbm>> -> memref<1x160x128xf32, #tpu.memory_space<hbm>>
        %dma_start3A_1066 = tpu.memref_squeeze %dma_start3A_1065 : memref<1x160x128xf32, #tpu.memory_space<hbm>> -> memref<160x128xf32, #tpu.memory_space<hbm>>
        %dma_start3A_1067 = arith.constant 3840 : i32
        %dma_start3A_1068 = arith.constant 0 : i32
        %dma_start3A_1069 = tpu.memref_slice %arg30[%dma_start3A_1067, %dma_start3A_1068] : memref<4000x128xf32, #tpu.memory_space<vmem_shared>> -> memref<160x128xf32, #tpu.memory_space<vmem_shared>>
        tpu.enqueue_dma source(%dma_start3A_1069 : memref<160x128xf32, #tpu.memory_space<vmem_shared>>) target(%dma_start3A_1066 : memref<160x128xf32, #tpu.memory_space<hbm>>) target_semaphore(%run_scoped3A : memref<!tpu.dma_semaphore, #tpu.memory_space<semaphore_mem>>)
        %dma_wait3A_1070 = arith.constant 3840 : i32
        %dma_wait3A_1071 = arith.constant 0 : i32
        %dma_wait3A_1072 = tpu.memref_slice %arg6[%arg0, %dma_wait3A_1070, %dma_wait3A_1071] : memref<2x4000x128xf32, #tpu.memory_space<hbm>> -> memref<1x160x128xf32, #tpu.memory_space<hbm>>
        %dma_wait3A_1073 = tpu.memref_squeeze %dma_wait3A_1072 : memref<1x160x128xf32, #tpu.memory_space<hbm>> -> memref<160x128xf32, #tpu.memory_space<hbm>>
        %dma_wait3A_1074 = arith.constant 3840 : i32
        %dma_wait3A_1075 = arith.constant 0 : i32
        %dma_wait3A_1076 = tpu.memref_slice %arg30[%dma_wait3A_1074, %dma_wait3A_1075] : memref<4000x128xf32, #tpu.memory_space<vmem_shared>> -> memref<160x128xf32, #tpu.memory_space<vmem_shared>>
        tpu.wait_dma2 semaphore(%run_scoped3A : memref<!tpu.dma_semaphore, #tpu.memory_space<semaphore_mem>>) src(%dma_wait3A_1076 : memref<160x128xf32, #tpu.memory_space<vmem_shared>>) dst(%dma_wait3A_1073 : memref<160x128xf32, #tpu.memory_space<hbm>>)
        tpu.yield
      }) : () -> ()
      %dma_start3A_280 = arith.constant 0 : i32
      %dma_start3A_281 = tpu.memref_slice %arg19[%dma_start3A_280] : memref<4096xf32, #tpu.memory_space<vmem>> -> memref<160xf32, #tpu.memory_space<vmem>>
      %dma_start3A_282 = arith.constant 3840 : i32
      %dma_start3A_283 = tpu.memref_slice %arg31[%dma_start3A_282] : memref<4000xf32, #tpu.memory_space<vmem_shared>> -> memref<160xf32, #tpu.memory_space<vmem_shared>>
      %dma_start3A_284 = arith.constant 0 : i32
      %dma_start3A_285 = tpu.memref_slice %arg19[%dma_start3A_284] : memref<4096xf32, #tpu.memory_space<vmem>> -> memref<160xf32, #tpu.memory_space<vmem>>
      %dma_start3A_286 = arith.constant 3840 : i32
      %dma_start3A_287 = tpu.memref_slice %arg31[%dma_start3A_286] : memref<4000xf32, #tpu.memory_space<vmem_shared>> -> memref<160xf32, #tpu.memory_space<vmem_shared>>
      tpu.enqueue_dma source(%dma_start3A_287 : memref<160xf32, #tpu.memory_space<vmem_shared>>) target(%dma_start3A_285 : memref<160xf32, #tpu.memory_space<vmem>>) target_semaphore(%arg27 : memref<!tpu.dma_semaphore, #tpu.memory_space<semaphore_mem>>)
      %dma_start3A_288 = arith.constant 256 : i32
      %dma_start3A_289 = tpu.memref_slice %arg19[%dma_start3A_288] : memref<4096xf32, #tpu.memory_space<vmem>> -> memref<160xf32, #tpu.memory_space<vmem>>
      %dma_start3A_290 = arith.constant 3840 : i32
      %dma_start3A_291 = tpu.memref_slice %arg32[%dma_start3A_290] : memref<4000xf32, #tpu.memory_space<vmem_shared>> -> memref<160xf32, #tpu.memory_space<vmem_shared>>
      %dma_start3A_292 = arith.constant 256 : i32
      %dma_start3A_293 = tpu.memref_slice %arg19[%dma_start3A_292] : memref<4096xf32, #tpu.memory_space<vmem>> -> memref<160xf32, #tpu.memory_space<vmem>>
      %dma_start3A_294 = arith.constant 3840 : i32
      %dma_start3A_295 = tpu.memref_slice %arg32[%dma_start3A_294] : memref<4000xf32, #tpu.memory_space<vmem_shared>> -> memref<160xf32, #tpu.memory_space<vmem_shared>>
      tpu.enqueue_dma source(%dma_start3A_295 : memref<160xf32, #tpu.memory_space<vmem_shared>>) target(%dma_start3A_293 : memref<160xf32, #tpu.memory_space<vmem>>) target_semaphore(%arg27 : memref<!tpu.dma_semaphore, #tpu.memory_space<semaphore_mem>>)
      %dma_start3A_296 = arith.constant 512 : i32
      %dma_start3A_297 = tpu.memref_slice %arg19[%dma_start3A_296] : memref<4096xf32, #tpu.memory_space<vmem>> -> memref<160xf32, #tpu.memory_space<vmem>>
      %dma_start3A_298 = arith.constant 3840 : i32
      %dma_start3A_299 = tpu.memref_slice %arg33[%dma_start3A_298] : memref<4000xf32, #tpu.memory_space<vmem_shared>> -> memref<160xf32, #tpu.memory_space<vmem_shared>>
      %dma_start3A_300 = arith.constant 512 : i32
      %dma_start3A_301 = tpu.memref_slice %arg19[%dma_start3A_300] : memref<4096xf32, #tpu.memory_space<vmem>> -> memref<160xf32, #tpu.memory_space<vmem>>
      %dma_start3A_302 = arith.constant 3840 : i32
      %dma_start3A_303 = tpu.memref_slice %arg33[%dma_start3A_302] : memref<4000xf32, #tpu.memory_space<vmem_shared>> -> memref<160xf32, #tpu.memory_space<vmem_shared>>
      tpu.enqueue_dma source(%dma_start3A_303 : memref<160xf32, #tpu.memory_space<vmem_shared>>) target(%dma_start3A_301 : memref<160xf32, #tpu.memory_space<vmem>>) target_semaphore(%arg27 : memref<!tpu.dma_semaphore, #tpu.memory_space<semaphore_mem>>)
      %dma_start3A_304 = arith.constant 768 : i32
      %dma_start3A_305 = tpu.memref_slice %arg19[%dma_start3A_304] : memref<4096xf32, #tpu.memory_space<vmem>> -> memref<160xf32, #tpu.memory_space<vmem>>
      %dma_start3A_306 = arith.constant 3840 : i32
      %dma_start3A_307 = tpu.memref_slice %arg34[%dma_start3A_306] : memref<4000xf32, #tpu.memory_space<vmem_shared>> -> memref<160xf32, #tpu.memory_space<vmem_shared>>
      %dma_start3A_308 = arith.constant 768 : i32
      %dma_start3A_309 = tpu.memref_slice %arg19[%dma_start3A_308] : memref<4096xf32, #tpu.memory_space<vmem>> -> memref<160xf32, #tpu.memory_space<vmem>>
      %dma_start3A_310 = arith.constant 3840 : i32
      %dma_start3A_311 = tpu.memref_slice %arg34[%dma_start3A_310] : memref<4000xf32, #tpu.memory_space<vmem_shared>> -> memref<160xf32, #tpu.memory_space<vmem_shared>>
      tpu.enqueue_dma source(%dma_start3A_311 : memref<160xf32, #tpu.memory_space<vmem_shared>>) target(%dma_start3A_309 : memref<160xf32, #tpu.memory_space<vmem>>) target_semaphore(%arg27 : memref<!tpu.dma_semaphore, #tpu.memory_space<semaphore_mem>>)
      %dma_start3A_312 = arith.constant 1024 : i32
      %dma_start3A_313 = tpu.memref_slice %arg19[%dma_start3A_312] : memref<4096xf32, #tpu.memory_space<vmem>> -> memref<160xf32, #tpu.memory_space<vmem>>
      %dma_start3A_314 = arith.constant 3840 : i32
      %dma_start3A_315 = tpu.memref_slice %arg35[%dma_start3A_314] : memref<4000xf32, #tpu.memory_space<vmem_shared>> -> memref<160xf32, #tpu.memory_space<vmem_shared>>
      %dma_start3A_316 = arith.constant 1024 : i32
      %dma_start3A_317 = tpu.memref_slice %arg19[%dma_start3A_316] : memref<4096xf32, #tpu.memory_space<vmem>> -> memref<160xf32, #tpu.memory_space<vmem>>
      %dma_start3A_318 = arith.constant 3840 : i32
      %dma_start3A_319 = tpu.memref_slice %arg35[%dma_start3A_318] : memref<4000xf32, #tpu.memory_space<vmem_shared>> -> memref<160xf32, #tpu.memory_space<vmem_shared>>
      tpu.enqueue_dma source(%dma_start3A_319 : memref<160xf32, #tpu.memory_space<vmem_shared>>) target(%dma_start3A_317 : memref<160xf32, #tpu.memory_space<vmem>>) target_semaphore(%arg27 : memref<!tpu.dma_semaphore, #tpu.memory_space<semaphore_mem>>)
      %dma_start3A_320 = arith.constant 1280 : i32
      %dma_start3A_321 = tpu.memref_slice %arg19[%dma_start3A_320] : memref<4096xf32, #tpu.memory_space<vmem>> -> memref<160xf32, #tpu.memory_space<vmem>>
      %dma_start3A_322 = arith.constant 3840 : i32
      %dma_start3A_323 = tpu.memref_slice %arg36[%dma_start3A_322] : memref<4000xf32, #tpu.memory_space<vmem_shared>> -> memref<160xf32, #tpu.memory_space<vmem_shared>>
      %dma_start3A_324 = arith.constant 1280 : i32
      %dma_start3A_325 = tpu.memref_slice %arg19[%dma_start3A_324] : memref<4096xf32, #tpu.memory_space<vmem>> -> memref<160xf32, #tpu.memory_space<vmem>>
      %dma_start3A_326 = arith.constant 3840 : i32
      %dma_start3A_327 = tpu.memref_slice %arg36[%dma_start3A_326] : memref<4000xf32, #tpu.memory_space<vmem_shared>> -> memref<160xf32, #tpu.memory_space<vmem_shared>>
      tpu.enqueue_dma source(%dma_start3A_327 : memref<160xf32, #tpu.memory_space<vmem_shared>>) target(%dma_start3A_325 : memref<160xf32, #tpu.memory_space<vmem>>) target_semaphore(%arg27 : memref<!tpu.dma_semaphore, #tpu.memory_space<semaphore_mem>>)
      %dma_start3A_328 = arith.constant 1536 : i32
      %dma_start3A_329 = tpu.memref_slice %arg19[%dma_start3A_328] : memref<4096xf32, #tpu.memory_space<vmem>> -> memref<160xf32, #tpu.memory_space<vmem>>
      %dma_start3A_330 = arith.constant 3840 : i32
      %dma_start3A_331 = tpu.memref_slice %arg37[%dma_start3A_330] : memref<4000xf32, #tpu.memory_space<vmem_shared>> -> memref<160xf32, #tpu.memory_space<vmem_shared>>
      %dma_start3A_332 = arith.constant 1536 : i32
      %dma_start3A_333 = tpu.memref_slice %arg19[%dma_start3A_332] : memref<4096xf32, #tpu.memory_space<vmem>> -> memref<160xf32, #tpu.memory_space<vmem>>
      %dma_start3A_334 = arith.constant 3840 : i32
      %dma_start3A_335 = tpu.memref_slice %arg37[%dma_start3A_334] : memref<4000xf32, #tpu.memory_space<vmem_shared>> -> memref<160xf32, #tpu.memory_space<vmem_shared>>
      tpu.enqueue_dma source(%dma_start3A_335 : memref<160xf32, #tpu.memory_space<vmem_shared>>) target(%dma_start3A_333 : memref<160xf32, #tpu.memory_space<vmem>>) target_semaphore(%arg27 : memref<!tpu.dma_semaphore, #tpu.memory_space<semaphore_mem>>)
      %dma_start3A_336 = arith.constant 1792 : i32
      %dma_start3A_337 = tpu.memref_slice %arg19[%dma_start3A_336] : memref<4096xf32, #tpu.memory_space<vmem>> -> memref<160xf32, #tpu.memory_space<vmem>>
      %dma_start3A_338 = arith.constant 3840 : i32
      %dma_start3A_339 = tpu.memref_slice %arg38[%dma_start3A_338] : memref<4000xf32, #tpu.memory_space<vmem_shared>> -> memref<160xf32, #tpu.memory_space<vmem_shared>>
      %dma_start3A_340 = arith.constant 1792 : i32
      %dma_start3A_341 = tpu.memref_slice %arg19[%dma_start3A_340] : memref<4096xf32, #tpu.memory_space<vmem>> -> memref<160xf32, #tpu.memory_space<vmem>>
      %dma_start3A_342 = arith.constant 3840 : i32
      %dma_start3A_343 = tpu.memref_slice %arg38[%dma_start3A_342] : memref<4000xf32, #tpu.memory_space<vmem_shared>> -> memref<160xf32, #tpu.memory_space<vmem_shared>>
      tpu.enqueue_dma source(%dma_start3A_343 : memref<160xf32, #tpu.memory_space<vmem_shared>>) target(%dma_start3A_341 : memref<160xf32, #tpu.memory_space<vmem>>) target_semaphore(%arg27 : memref<!tpu.dma_semaphore, #tpu.memory_space<semaphore_mem>>)
      %dma_start3A_344 = arith.constant 2048 : i32
      %dma_start3A_345 = tpu.memref_slice %arg19[%dma_start3A_344] : memref<4096xf32, #tpu.memory_space<vmem>> -> memref<160xf32, #tpu.memory_space<vmem>>
      %dma_start3A_346 = arith.constant 3840 : i32
      %dma_start3A_347 = tpu.memref_slice %arg39[%dma_start3A_346] : memref<4000xf32, #tpu.memory_space<vmem_shared>> -> memref<160xf32, #tpu.memory_space<vmem_shared>>
      %dma_start3A_348 = arith.constant 2048 : i32
      %dma_start3A_349 = tpu.memref_slice %arg19[%dma_start3A_348] : memref<4096xf32, #tpu.memory_space<vmem>> -> memref<160xf32, #tpu.memory_space<vmem>>
      %dma_start3A_350 = arith.constant 3840 : i32
      %dma_start3A_351 = tpu.memref_slice %arg39[%dma_start3A_350] : memref<4000xf32, #tpu.memory_space<vmem_shared>> -> memref<160xf32, #tpu.memory_space<vmem_shared>>
      tpu.enqueue_dma source(%dma_start3A_351 : memref<160xf32, #tpu.memory_space<vmem_shared>>) target(%dma_start3A_349 : memref<160xf32, #tpu.memory_space<vmem>>) target_semaphore(%arg27 : memref<!tpu.dma_semaphore, #tpu.memory_space<semaphore_mem>>)
      %dma_start3A_352 = arith.constant 2304 : i32
      %dma_start3A_353 = tpu.memref_slice %arg19[%dma_start3A_352] : memref<4096xf32, #tpu.memory_space<vmem>> -> memref<160xf32, #tpu.memory_space<vmem>>
      %dma_start3A_354 = arith.constant 3840 : i32
      %dma_start3A_355 = tpu.memref_slice %arg40[%dma_start3A_354] : memref<4000xf32, #tpu.memory_space<vmem_shared>> -> memref<160xf32, #tpu.memory_space<vmem_shared>>
      %dma_start3A_356 = arith.constant 2304 : i32
      %dma_start3A_357 = tpu.memref_slice %arg19[%dma_start3A_356] : memref<4096xf32, #tpu.memory_space<vmem>> -> memref<160xf32, #tpu.memory_space<vmem>>
      %dma_start3A_358 = arith.constant 3840 : i32
      %dma_start3A_359 = tpu.memref_slice %arg40[%dma_start3A_358] : memref<4000xf32, #tpu.memory_space<vmem_shared>> -> memref<160xf32, #tpu.memory_space<vmem_shared>>
      tpu.enqueue_dma source(%dma_start3A_359 : memref<160xf32, #tpu.memory_space<vmem_shared>>) target(%dma_start3A_357 : memref<160xf32, #tpu.memory_space<vmem>>) target_semaphore(%arg27 : memref<!tpu.dma_semaphore, #tpu.memory_space<semaphore_mem>>)
      %dma_start3A_360 = arith.constant 2560 : i32
      %dma_start3A_361 = tpu.memref_slice %arg19[%dma_start3A_360] : memref<4096xf32, #tpu.memory_space<vmem>> -> memref<160xf32, #tpu.memory_space<vmem>>
      %dma_start3A_362 = arith.constant 3840 : i32
      %dma_start3A_363 = tpu.memref_slice %arg41[%dma_start3A_362] : memref<4000xf32, #tpu.memory_space<vmem_shared>> -> memref<160xf32, #tpu.memory_space<vmem_shared>>
      %dma_start3A_364 = arith.constant 2560 : i32
      %dma_start3A_365 = tpu.memref_slice %arg19[%dma_start3A_364] : memref<4096xf32, #tpu.memory_space<vmem>> -> memref<160xf32, #tpu.memory_space<vmem>>
      %dma_start3A_366 = arith.constant 3840 : i32
      %dma_start3A_367 = tpu.memref_slice %arg41[%dma_start3A_366] : memref<4000xf32, #tpu.memory_space<vmem_shared>> -> memref<160xf32, #tpu.memory_space<vmem_shared>>
      tpu.enqueue_dma source(%dma_start3A_367 : memref<160xf32, #tpu.memory_space<vmem_shared>>) target(%dma_start3A_365 : memref<160xf32, #tpu.memory_space<vmem>>) target_semaphore(%arg27 : memref<!tpu.dma_semaphore, #tpu.memory_space<semaphore_mem>>)
      %dma_start3A_368 = arith.constant 2816 : i32
      %dma_start3A_369 = tpu.memref_slice %arg19[%dma_start3A_368] : memref<4096xf32, #tpu.memory_space<vmem>> -> memref<160xf32, #tpu.memory_space<vmem>>
      %dma_start3A_370 = arith.constant 3840 : i32
      %dma_start3A_371 = tpu.memref_slice %arg42[%dma_start3A_370] : memref<4000xf32, #tpu.memory_space<vmem_shared>> -> memref<160xf32, #tpu.memory_space<vmem_shared>>
      %dma_start3A_372 = arith.constant 2816 : i32
      %dma_start3A_373 = tpu.memref_slice %arg19[%dma_start3A_372] : memref<4096xf32, #tpu.memory_space<vmem>> -> memref<160xf32, #tpu.memory_space<vmem>>
      %dma_start3A_374 = arith.constant 3840 : i32
      %dma_start3A_375 = tpu.memref_slice %arg42[%dma_start3A_374] : memref<4000xf32, #tpu.memory_space<vmem_shared>> -> memref<160xf32, #tpu.memory_space<vmem_shared>>
      tpu.enqueue_dma source(%dma_start3A_375 : memref<160xf32, #tpu.memory_space<vmem_shared>>) target(%dma_start3A_373 : memref<160xf32, #tpu.memory_space<vmem>>) target_semaphore(%arg27 : memref<!tpu.dma_semaphore, #tpu.memory_space<semaphore_mem>>)
      %dma_start3A_376 = arith.constant 3072 : i32
      %dma_start3A_377 = tpu.memref_slice %arg19[%dma_start3A_376] : memref<4096xf32, #tpu.memory_space<vmem>> -> memref<160xf32, #tpu.memory_space<vmem>>
      %dma_start3A_378 = arith.constant 3840 : i32
      %dma_start3A_379 = tpu.memref_slice %arg43[%dma_start3A_378] : memref<4000xf32, #tpu.memory_space<vmem_shared>> -> memref<160xf32, #tpu.memory_space<vmem_shared>>
      %dma_start3A_380 = arith.constant 3072 : i32
      %dma_start3A_381 = tpu.memref_slice %arg19[%dma_start3A_380] : memref<4096xf32, #tpu.memory_space<vmem>> -> memref<160xf32, #tpu.memory_space<vmem>>
      %dma_start3A_382 = arith.constant 3840 : i32
      %dma_start3A_383 = tpu.memref_slice %arg43[%dma_start3A_382] : memref<4000xf32, #tpu.memory_space<vmem_shared>> -> memref<160xf32, #tpu.memory_space<vmem_shared>>
      tpu.enqueue_dma source(%dma_start3A_383 : memref<160xf32, #tpu.memory_space<vmem_shared>>) target(%dma_start3A_381 : memref<160xf32, #tpu.memory_space<vmem>>) target_semaphore(%arg27 : memref<!tpu.dma_semaphore, #tpu.memory_space<semaphore_mem>>)
      %dma_start3A_384 = arith.constant 3328 : i32
      %dma_start3A_385 = tpu.memref_slice %arg19[%dma_start3A_384] : memref<4096xf32, #tpu.memory_space<vmem>> -> memref<160xf32, #tpu.memory_space<vmem>>
      %dma_start3A_386 = arith.constant 3840 : i32
      %dma_start3A_387 = tpu.memref_slice %arg44[%dma_start3A_386] : memref<4000xf32, #tpu.memory_space<vmem_shared>> -> memref<160xf32, #tpu.memory_space<vmem_shared>>
      %dma_start3A_388 = arith.constant 3328 : i32
      %dma_start3A_389 = tpu.memref_slice %arg19[%dma_start3A_388] : memref<4096xf32, #tpu.memory_space<vmem>> -> memref<160xf32, #tpu.memory_space<vmem>>
      %dma_start3A_390 = arith.constant 3840 : i32
      %dma_start3A_391 = tpu.memref_slice %arg44[%dma_start3A_390] : memref<4000xf32, #tpu.memory_space<vmem_shared>> -> memref<160xf32, #tpu.memory_space<vmem_shared>>
      tpu.enqueue_dma source(%dma_start3A_391 : memref<160xf32, #tpu.memory_space<vmem_shared>>) target(%dma_start3A_389 : memref<160xf32, #tpu.memory_space<vmem>>) target_semaphore(%arg27 : memref<!tpu.dma_semaphore, #tpu.memory_space<semaphore_mem>>)
      %dma_start3A_392 = arith.constant 3584 : i32
      %dma_start3A_393 = tpu.memref_slice %arg19[%dma_start3A_392] : memref<4096xf32, #tpu.memory_space<vmem>> -> memref<160xf32, #tpu.memory_space<vmem>>
      %dma_start3A_394 = arith.constant 3840 : i32
      %dma_start3A_395 = tpu.memref_slice %arg45[%dma_start3A_394] : memref<4000xf32, #tpu.memory_space<vmem_shared>> -> memref<160xf32, #tpu.memory_space<vmem_shared>>
      %dma_start3A_396 = arith.constant 3584 : i32
      %dma_start3A_397 = tpu.memref_slice %arg19[%dma_start3A_396] : memref<4096xf32, #tpu.memory_space<vmem>> -> memref<160xf32, #tpu.memory_space<vmem>>
      %dma_start3A_398 = arith.constant 3840 : i32
      %dma_start3A_399 = tpu.memref_slice %arg45[%dma_start3A_398] : memref<4000xf32, #tpu.memory_space<vmem_shared>> -> memref<160xf32, #tpu.memory_space<vmem_shared>>
      tpu.enqueue_dma source(%dma_start3A_399 : memref<160xf32, #tpu.memory_space<vmem_shared>>) target(%dma_start3A_397 : memref<160xf32, #tpu.memory_space<vmem>>) target_semaphore(%arg27 : memref<!tpu.dma_semaphore, #tpu.memory_space<semaphore_mem>>)
      %dma_start3A_400 = arith.constant 3840 : i32
      %dma_start3A_401 = tpu.memref_slice %arg19[%dma_start3A_400] : memref<4096xf32, #tpu.memory_space<vmem>> -> memref<160xf32, #tpu.memory_space<vmem>>
      %dma_start3A_402 = arith.constant 3840 : i32
      %dma_start3A_403 = tpu.memref_slice %arg46[%dma_start3A_402] : memref<4000xf32, #tpu.memory_space<vmem_shared>> -> memref<160xf32, #tpu.memory_space<vmem_shared>>
      %dma_start3A_404 = arith.constant 3840 : i32
      %dma_start3A_405 = tpu.memref_slice %arg19[%dma_start3A_404] : memref<4096xf32, #tpu.memory_space<vmem>> -> memref<160xf32, #tpu.memory_space<vmem>>
      %dma_start3A_406 = arith.constant 3840 : i32
      %dma_start3A_407 = tpu.memref_slice %arg46[%dma_start3A_406] : memref<4000xf32, #tpu.memory_space<vmem_shared>> -> memref<160xf32, #tpu.memory_space<vmem_shared>>
      tpu.enqueue_dma source(%dma_start3A_407 : memref<160xf32, #tpu.memory_space<vmem_shared>>) target(%dma_start3A_405 : memref<160xf32, #tpu.memory_space<vmem>>) target_semaphore(%arg27 : memref<!tpu.dma_semaphore, #tpu.memory_space<semaphore_mem>>)
      %dma_wait3A = arith.constant 0 : i32
      %dma_wait3A_408 = tpu.memref_slice %arg19[%dma_wait3A] : memref<4096xf32, #tpu.memory_space<vmem>> -> memref<160xf32, #tpu.memory_space<vmem>>
      %dma_wait3A_409 = arith.constant 3840 : i32
      %dma_wait3A_410 = tpu.memref_slice %arg31[%dma_wait3A_409] : memref<4000xf32, #tpu.memory_space<vmem_shared>> -> memref<160xf32, #tpu.memory_space<vmem_shared>>
      %dma_wait3A_411 = arith.constant 0 : i32
      %dma_wait3A_412 = tpu.memref_slice %arg19[%dma_wait3A_411] : memref<4096xf32, #tpu.memory_space<vmem>> -> memref<160xf32, #tpu.memory_space<vmem>>
      %dma_wait3A_413 = arith.constant 3840 : i32
      %dma_wait3A_414 = tpu.memref_slice %arg31[%dma_wait3A_413] : memref<4000xf32, #tpu.memory_space<vmem_shared>> -> memref<160xf32, #tpu.memory_space<vmem_shared>>
      tpu.wait_dma2 semaphore(%arg27 : memref<!tpu.dma_semaphore, #tpu.memory_space<semaphore_mem>>) src(%dma_wait3A_414 : memref<160xf32, #tpu.memory_space<vmem_shared>>) dst(%dma_wait3A_412 : memref<160xf32, #tpu.memory_space<vmem>>)
      %dma_wait3A_415 = arith.constant 256 : i32
      %dma_wait3A_416 = tpu.memref_slice %arg19[%dma_wait3A_415] : memref<4096xf32, #tpu.memory_space<vmem>> -> memref<160xf32, #tpu.memory_space<vmem>>
      %dma_wait3A_417 = arith.constant 3840 : i32
      %dma_wait3A_418 = tpu.memref_slice %arg32[%dma_wait3A_417] : memref<4000xf32, #tpu.memory_space<vmem_shared>> -> memref<160xf32, #tpu.memory_space<vmem_shared>>
      %dma_wait3A_419 = arith.constant 256 : i32
      %dma_wait3A_420 = tpu.memref_slice %arg19[%dma_wait3A_419] : memref<4096xf32, #tpu.memory_space<vmem>> -> memref<160xf32, #tpu.memory_space<vmem>>
      %dma_wait3A_421 = arith.constant 3840 : i32
      %dma_wait3A_422 = tpu.memref_slice %arg32[%dma_wait3A_421] : memref<4000xf32, #tpu.memory_space<vmem_shared>> -> memref<160xf32, #tpu.memory_space<vmem_shared>>
      tpu.wait_dma2 semaphore(%arg27 : memref<!tpu.dma_semaphore, #tpu.memory_space<semaphore_mem>>) src(%dma_wait3A_422 : memref<160xf32, #tpu.memory_space<vmem_shared>>) dst(%dma_wait3A_420 : memref<160xf32, #tpu.memory_space<vmem>>)
      %dma_wait3A_423 = arith.constant 512 : i32
      %dma_wait3A_424 = tpu.memref_slice %arg19[%dma_wait3A_423] : memref<4096xf32, #tpu.memory_space<vmem>> -> memref<160xf32, #tpu.memory_space<vmem>>
      %dma_wait3A_425 = arith.constant 3840 : i32
      %dma_wait3A_426 = tpu.memref_slice %arg33[%dma_wait3A_425] : memref<4000xf32, #tpu.memory_space<vmem_shared>> -> memref<160xf32, #tpu.memory_space<vmem_shared>>
      %dma_wait3A_427 = arith.constant 512 : i32
      %dma_wait3A_428 = tpu.memref_slice %arg19[%dma_wait3A_427] : memref<4096xf32, #tpu.memory_space<vmem>> -> memref<160xf32, #tpu.memory_space<vmem>>
      %dma_wait3A_429 = arith.constant 3840 : i32
      %dma_wait3A_430 = tpu.memref_slice %arg33[%dma_wait3A_429] : memref<4000xf32, #tpu.memory_space<vmem_shared>> -> memref<160xf32, #tpu.memory_space<vmem_shared>>
      tpu.wait_dma2 semaphore(%arg27 : memref<!tpu.dma_semaphore, #tpu.memory_space<semaphore_mem>>) src(%dma_wait3A_430 : memref<160xf32, #tpu.memory_space<vmem_shared>>) dst(%dma_wait3A_428 : memref<160xf32, #tpu.memory_space<vmem>>)
      %dma_wait3A_431 = arith.constant 768 : i32
      %dma_wait3A_432 = tpu.memref_slice %arg19[%dma_wait3A_431] : memref<4096xf32, #tpu.memory_space<vmem>> -> memref<160xf32, #tpu.memory_space<vmem>>
      %dma_wait3A_433 = arith.constant 3840 : i32
      %dma_wait3A_434 = tpu.memref_slice %arg34[%dma_wait3A_433] : memref<4000xf32, #tpu.memory_space<vmem_shared>> -> memref<160xf32, #tpu.memory_space<vmem_shared>>
      %dma_wait3A_435 = arith.constant 768 : i32
      %dma_wait3A_436 = tpu.memref_slice %arg19[%dma_wait3A_435] : memref<4096xf32, #tpu.memory_space<vmem>> -> memref<160xf32, #tpu.memory_space<vmem>>
      %dma_wait3A_437 = arith.constant 3840 : i32
      %dma_wait3A_438 = tpu.memref_slice %arg34[%dma_wait3A_437] : memref<4000xf32, #tpu.memory_space<vmem_shared>> -> memref<160xf32, #tpu.memory_space<vmem_shared>>
      tpu.wait_dma2 semaphore(%arg27 : memref<!tpu.dma_semaphore, #tpu.memory_space<semaphore_mem>>) src(%dma_wait3A_438 : memref<160xf32, #tpu.memory_space<vmem_shared>>) dst(%dma_wait3A_436 : memref<160xf32, #tpu.memory_space<vmem>>)
      %dma_wait3A_439 = arith.constant 1024 : i32
      %dma_wait3A_440 = tpu.memref_slice %arg19[%dma_wait3A_439] : memref<4096xf32, #tpu.memory_space<vmem>> -> memref<160xf32, #tpu.memory_space<vmem>>
      %dma_wait3A_441 = arith.constant 3840 : i32
      %dma_wait3A_442 = tpu.memref_slice %arg35[%dma_wait3A_441] : memref<4000xf32, #tpu.memory_space<vmem_shared>> -> memref<160xf32, #tpu.memory_space<vmem_shared>>
      %dma_wait3A_443 = arith.constant 1024 : i32
      %dma_wait3A_444 = tpu.memref_slice %arg19[%dma_wait3A_443] : memref<4096xf32, #tpu.memory_space<vmem>> -> memref<160xf32, #tpu.memory_space<vmem>>
      %dma_wait3A_445 = arith.constant 3840 : i32
      %dma_wait3A_446 = tpu.memref_slice %arg35[%dma_wait3A_445] : memref<4000xf32, #tpu.memory_space<vmem_shared>> -> memref<160xf32, #tpu.memory_space<vmem_shared>>
      tpu.wait_dma2 semaphore(%arg27 : memref<!tpu.dma_semaphore, #tpu.memory_space<semaphore_mem>>) src(%dma_wait3A_446 : memref<160xf32, #tpu.memory_space<vmem_shared>>) dst(%dma_wait3A_444 : memref<160xf32, #tpu.memory_space<vmem>>)
      %dma_wait3A_447 = arith.constant 1280 : i32
      %dma_wait3A_448 = tpu.memref_slice %arg19[%dma_wait3A_447] : memref<4096xf32, #tpu.memory_space<vmem>> -> memref<160xf32, #tpu.memory_space<vmem>>
      %dma_wait3A_449 = arith.constant 3840 : i32
      %dma_wait3A_450 = tpu.memref_slice %arg36[%dma_wait3A_449] : memref<4000xf32, #tpu.memory_space<vmem_shared>> -> memref<160xf32, #tpu.memory_space<vmem_shared>>
      %dma_wait3A_451 = arith.constant 1280 : i32
      %dma_wait3A_452 = tpu.memref_slice %arg19[%dma_wait3A_451] : memref<4096xf32, #tpu.memory_space<vmem>> -> memref<160xf32, #tpu.memory_space<vmem>>
      %dma_wait3A_453 = arith.constant 3840 : i32
      %dma_wait3A_454 = tpu.memref_slice %arg36[%dma_wait3A_453] : memref<4000xf32, #tpu.memory_space<vmem_shared>> -> memref<160xf32, #tpu.memory_space<vmem_shared>>
      tpu.wait_dma2 semaphore(%arg27 : memref<!tpu.dma_semaphore, #tpu.memory_space<semaphore_mem>>) src(%dma_wait3A_454 : memref<160xf32, #tpu.memory_space<vmem_shared>>) dst(%dma_wait3A_452 : memref<160xf32, #tpu.memory_space<vmem>>)
      %dma_wait3A_455 = arith.constant 1536 : i32
      %dma_wait3A_456 = tpu.memref_slice %arg19[%dma_wait3A_455] : memref<4096xf32, #tpu.memory_space<vmem>> -> memref<160xf32, #tpu.memory_space<vmem>>
      %dma_wait3A_457 = arith.constant 3840 : i32
      %dma_wait3A_458 = tpu.memref_slice %arg37[%dma_wait3A_457] : memref<4000xf32, #tpu.memory_space<vmem_shared>> -> memref<160xf32, #tpu.memory_space<vmem_shared>>
      %dma_wait3A_459 = arith.constant 1536 : i32
      %dma_wait3A_460 = tpu.memref_slice %arg19[%dma_wait3A_459] : memref<4096xf32, #tpu.memory_space<vmem>> -> memref<160xf32, #tpu.memory_space<vmem>>
      %dma_wait3A_461 = arith.constant 3840 : i32
      %dma_wait3A_462 = tpu.memref_slice %arg37[%dma_wait3A_461] : memref<4000xf32, #tpu.memory_space<vmem_shared>> -> memref<160xf32, #tpu.memory_space<vmem_shared>>
      tpu.wait_dma2 semaphore(%arg27 : memref<!tpu.dma_semaphore, #tpu.memory_space<semaphore_mem>>) src(%dma_wait3A_462 : memref<160xf32, #tpu.memory_space<vmem_shared>>) dst(%dma_wait3A_460 : memref<160xf32, #tpu.memory_space<vmem>>)
      %dma_wait3A_463 = arith.constant 1792 : i32
      %dma_wait3A_464 = tpu.memref_slice %arg19[%dma_wait3A_463] : memref<4096xf32, #tpu.memory_space<vmem>> -> memref<160xf32, #tpu.memory_space<vmem>>
      %dma_wait3A_465 = arith.constant 3840 : i32
      %dma_wait3A_466 = tpu.memref_slice %arg38[%dma_wait3A_465] : memref<4000xf32, #tpu.memory_space<vmem_shared>> -> memref<160xf32, #tpu.memory_space<vmem_shared>>
      %dma_wait3A_467 = arith.constant 1792 : i32
      %dma_wait3A_468 = tpu.memref_slice %arg19[%dma_wait3A_467] : memref<4096xf32, #tpu.memory_space<vmem>> -> memref<160xf32, #tpu.memory_space<vmem>>
      %dma_wait3A_469 = arith.constant 3840 : i32
      %dma_wait3A_470 = tpu.memref_slice %arg38[%dma_wait3A_469] : memref<4000xf32, #tpu.memory_space<vmem_shared>> -> memref<160xf32, #tpu.memory_space<vmem_shared>>
      tpu.wait_dma2 semaphore(%arg27 : memref<!tpu.dma_semaphore, #tpu.memory_space<semaphore_mem>>) src(%dma_wait3A_470 : memref<160xf32, #tpu.memory_space<vmem_shared>>) dst(%dma_wait3A_468 : memref<160xf32, #tpu.memory_space<vmem>>)
      %dma_wait3A_471 = arith.constant 2048 : i32
      %dma_wait3A_472 = tpu.memref_slice %arg19[%dma_wait3A_471] : memref<4096xf32, #tpu.memory_space<vmem>> -> memref<160xf32, #tpu.memory_space<vmem>>
      %dma_wait3A_473 = arith.constant 3840 : i32
      %dma_wait3A_474 = tpu.memref_slice %arg39[%dma_wait3A_473] : memref<4000xf32, #tpu.memory_space<vmem_shared>> -> memref<160xf32, #tpu.memory_space<vmem_shared>>
      %dma_wait3A_475 = arith.constant 2048 : i32
      %dma_wait3A_476 = tpu.memref_slice %arg19[%dma_wait3A_475] : memref<4096xf32, #tpu.memory_space<vmem>> -> memref<160xf32, #tpu.memory_space<vmem>>
      %dma_wait3A_477 = arith.constant 3840 : i32
      %dma_wait3A_478 = tpu.memref_slice %arg39[%dma_wait3A_477] : memref<4000xf32, #tpu.memory_space<vmem_shared>> -> memref<160xf32, #tpu.memory_space<vmem_shared>>
      tpu.wait_dma2 semaphore(%arg27 : memref<!tpu.dma_semaphore, #tpu.memory_space<semaphore_mem>>) src(%dma_wait3A_478 : memref<160xf32, #tpu.memory_space<vmem_shared>>) dst(%dma_wait3A_476 : memref<160xf32, #tpu.memory_space<vmem>>)
      %dma_wait3A_479 = arith.constant 2304 : i32
      %dma_wait3A_480 = tpu.memref_slice %arg19[%dma_wait3A_479] : memref<4096xf32, #tpu.memory_space<vmem>> -> memref<160xf32, #tpu.memory_space<vmem>>
      %dma_wait3A_481 = arith.constant 3840 : i32
      %dma_wait3A_482 = tpu.memref_slice %arg40[%dma_wait3A_481] : memref<4000xf32, #tpu.memory_space<vmem_shared>> -> memref<160xf32, #tpu.memory_space<vmem_shared>>
      %dma_wait3A_483 = arith.constant 2304 : i32
      %dma_wait3A_484 = tpu.memref_slice %arg19[%dma_wait3A_483] : memref<4096xf32, #tpu.memory_space<vmem>> -> memref<160xf32, #tpu.memory_space<vmem>>
      %dma_wait3A_485 = arith.constant 3840 : i32
      %dma_wait3A_486 = tpu.memref_slice %arg40[%dma_wait3A_485] : memref<4000xf32, #tpu.memory_space<vmem_shared>> -> memref<160xf32, #tpu.memory_space<vmem_shared>>
      tpu.wait_dma2 semaphore(%arg27 : memref<!tpu.dma_semaphore, #tpu.memory_space<semaphore_mem>>) src(%dma_wait3A_486 : memref<160xf32, #tpu.memory_space<vmem_shared>>) dst(%dma_wait3A_484 : memref<160xf32, #tpu.memory_space<vmem>>)
      %dma_wait3A_487 = arith.constant 2560 : i32
      %dma_wait3A_488 = tpu.memref_slice %arg19[%dma_wait3A_487] : memref<4096xf32, #tpu.memory_space<vmem>> -> memref<160xf32, #tpu.memory_space<vmem>>
      %dma_wait3A_489 = arith.constant 3840 : i32
      %dma_wait3A_490 = tpu.memref_slice %arg41[%dma_wait3A_489] : memref<4000xf32, #tpu.memory_space<vmem_shared>> -> memref<160xf32, #tpu.memory_space<vmem_shared>>
      %dma_wait3A_491 = arith.constant 2560 : i32
      %dma_wait3A_492 = tpu.memref_slice %arg19[%dma_wait3A_491] : memref<4096xf32, #tpu.memory_space<vmem>> -> memref<160xf32, #tpu.memory_space<vmem>>
      %dma_wait3A_493 = arith.constant 3840 : i32
      %dma_wait3A_494 = tpu.memref_slice %arg41[%dma_wait3A_493] : memref<4000xf32, #tpu.memory_space<vmem_shared>> -> memref<160xf32, #tpu.memory_space<vmem_shared>>
      tpu.wait_dma2 semaphore(%arg27 : memref<!tpu.dma_semaphore, #tpu.memory_space<semaphore_mem>>) src(%dma_wait3A_494 : memref<160xf32, #tpu.memory_space<vmem_shared>>) dst(%dma_wait3A_492 : memref<160xf32, #tpu.memory_space<vmem>>)
      %dma_wait3A_495 = arith.constant 2816 : i32
      %dma_wait3A_496 = tpu.memref_slice %arg19[%dma_wait3A_495] : memref<4096xf32, #tpu.memory_space<vmem>> -> memref<160xf32, #tpu.memory_space<vmem>>
      %dma_wait3A_497 = arith.constant 3840 : i32
      %dma_wait3A_498 = tpu.memref_slice %arg42[%dma_wait3A_497] : memref<4000xf32, #tpu.memory_space<vmem_shared>> -> memref<160xf32, #tpu.memory_space<vmem_shared>>
      %dma_wait3A_499 = arith.constant 2816 : i32
      %dma_wait3A_500 = tpu.memref_slice %arg19[%dma_wait3A_499] : memref<4096xf32, #tpu.memory_space<vmem>> -> memref<160xf32, #tpu.memory_space<vmem>>
      %dma_wait3A_501 = arith.constant 3840 : i32
      %dma_wait3A_502 = tpu.memref_slice %arg42[%dma_wait3A_501] : memref<4000xf32, #tpu.memory_space<vmem_shared>> -> memref<160xf32, #tpu.memory_space<vmem_shared>>
      tpu.wait_dma2 semaphore(%arg27 : memref<!tpu.dma_semaphore, #tpu.memory_space<semaphore_mem>>) src(%dma_wait3A_502 : memref<160xf32, #tpu.memory_space<vmem_shared>>) dst(%dma_wait3A_500 : memref<160xf32, #tpu.memory_space<vmem>>)
      %dma_wait3A_503 = arith.constant 3072 : i32
      %dma_wait3A_504 = tpu.memref_slice %arg19[%dma_wait3A_503] : memref<4096xf32, #tpu.memory_space<vmem>> -> memref<160xf32, #tpu.memory_space<vmem>>
      %dma_wait3A_505 = arith.constant 3840 : i32
      %dma_wait3A_506 = tpu.memref_slice %arg43[%dma_wait3A_505] : memref<4000xf32, #tpu.memory_space<vmem_shared>> -> memref<160xf32, #tpu.memory_space<vmem_shared>>
      %dma_wait3A_507 = arith.constant 3072 : i32
      %dma_wait3A_508 = tpu.memref_slice %arg19[%dma_wait3A_507] : memref<4096xf32, #tpu.memory_space<vmem>> -> memref<160xf32, #tpu.memory_space<vmem>>
      %dma_wait3A_509 = arith.constant 3840 : i32
      %dma_wait3A_510 = tpu.memref_slice %arg43[%dma_wait3A_509] : memref<4000xf32, #tpu.memory_space<vmem_shared>> -> memref<160xf32, #tpu.memory_space<vmem_shared>>
      tpu.wait_dma2 semaphore(%arg27 : memref<!tpu.dma_semaphore, #tpu.memory_space<semaphore_mem>>) src(%dma_wait3A_510 : memref<160xf32, #tpu.memory_space<vmem_shared>>) dst(%dma_wait3A_508 : memref<160xf32, #tpu.memory_space<vmem>>)
      %dma_wait3A_511 = arith.constant 3328 : i32
      %dma_wait3A_512 = tpu.memref_slice %arg19[%dma_wait3A_511] : memref<4096xf32, #tpu.memory_space<vmem>> -> memref<160xf32, #tpu.memory_space<vmem>>
      %dma_wait3A_513 = arith.constant 3840 : i32
      %dma_wait3A_514 = tpu.memref_slice %arg44[%dma_wait3A_513] : memref<4000xf32, #tpu.memory_space<vmem_shared>> -> memref<160xf32, #tpu.memory_space<vmem_shared>>
      %dma_wait3A_515 = arith.constant 3328 : i32
      %dma_wait3A_516 = tpu.memref_slice %arg19[%dma_wait3A_515] : memref<4096xf32, #tpu.memory_space<vmem>> -> memref<160xf32, #tpu.memory_space<vmem>>
      %dma_wait3A_517 = arith.constant 3840 : i32
      %dma_wait3A_518 = tpu.memref_slice %arg44[%dma_wait3A_517] : memref<4000xf32, #tpu.memory_space<vmem_shared>> -> memref<160xf32, #tpu.memory_space<vmem_shared>>
      tpu.wait_dma2 semaphore(%arg27 : memref<!tpu.dma_semaphore, #tpu.memory_space<semaphore_mem>>) src(%dma_wait3A_518 : memref<160xf32, #tpu.memory_space<vmem_shared>>) dst(%dma_wait3A_516 : memref<160xf32, #tpu.memory_space<vmem>>)
      %dma_wait3A_519 = arith.constant 3584 : i32
      %dma_wait3A_520 = tpu.memref_slice %arg19[%dma_wait3A_519] : memref<4096xf32, #tpu.memory_space<vmem>> -> memref<160xf32, #tpu.memory_space<vmem>>
      %dma_wait3A_521 = arith.constant 3840 : i32
      %dma_wait3A_522 = tpu.memref_slice %arg45[%dma_wait3A_521] : memref<4000xf32, #tpu.memory_space<vmem_shared>> -> memref<160xf32, #tpu.memory_space<vmem_shared>>
      %dma_wait3A_523 = arith.constant 3584 : i32
      %dma_wait3A_524 = tpu.memref_slice %arg19[%dma_wait3A_523] : memref<4096xf32, #tpu.memory_space<vmem>> -> memref<160xf32, #tpu.memory_space<vmem>>
      %dma_wait3A_525 = arith.constant 3840 : i32
      %dma_wait3A_526 = tpu.memref_slice %arg45[%dma_wait3A_525] : memref<4000xf32, #tpu.memory_space<vmem_shared>> -> memref<160xf32, #tpu.memory_space<vmem_shared>>
      tpu.wait_dma2 semaphore(%arg27 : memref<!tpu.dma_semaphore, #tpu.memory_space<semaphore_mem>>) src(%dma_wait3A_526 : memref<160xf32, #tpu.memory_space<vmem_shared>>) dst(%dma_wait3A_524 : memref<160xf32, #tpu.memory_space<vmem>>)
      %dma_wait3A_527 = arith.constant 3840 : i32
      %dma_wait3A_528 = tpu.memref_slice %arg19[%dma_wait3A_527] : memref<4096xf32, #tpu.memory_space<vmem>> -> memref<160xf32, #tpu.memory_space<vmem>>
      %dma_wait3A_529 = arith.constant 3840 : i32
      %dma_wait3A_530 = tpu.memref_slice %arg46[%dma_wait3A_529] : memref<4000xf32, #tpu.memory_space<vmem_shared>> -> memref<160xf32, #tpu.memory_space<vmem_shared>>
      %dma_wait3A_531 = arith.constant 3840 : i32
      %dma_wait3A_532 = tpu.memref_slice %arg19[%dma_wait3A_531] : memref<4096xf32, #tpu.memory_space<vmem>> -> memref<160xf32, #tpu.memory_space<vmem>>
      %dma_wait3A_533 = arith.constant 3840 : i32
      %dma_wait3A_534 = tpu.memref_slice %arg46[%dma_wait3A_533] : memref<4000xf32, #tpu.memory_space<vmem_shared>> -> memref<160xf32, #tpu.memory_space<vmem_shared>>
      tpu.wait_dma2 semaphore(%arg27 : memref<!tpu.dma_semaphore, #tpu.memory_space<semaphore_mem>>) src(%dma_wait3A_534 : memref<160xf32, #tpu.memory_space<vmem_shared>>) dst(%dma_wait3A_532 : memref<160xf32, #tpu.memory_space<vmem>>)
      %get3A = arith.constant 0 : index
      %get3A_535 = tpu.vector_load %arg19[%get3A] {strides = array<i32>} : memref<4096xf32, #tpu.memory_space<vmem>>, vector<16xf32>,
      %get3A_536 = arith.constant 256 : index
      %get3A_537 = tpu.vector_load %arg19[%get3A_536] {strides = array<i32>} : memref<4096xf32, #tpu.memory_space<vmem>>, vector<16xf32>,
      %add3A_538 = arith.addf %get3A_535, %get3A_537 : vector<16xf32>
      %get3A_539 = arith.constant 512 : index
      %get3A_540 = tpu.vector_load %arg19[%get3A_539] {strides = array<i32>} : memref<4096xf32, #tpu.memory_space<vmem>>, vector<16xf32>,
      %add3A_541 = arith.addf %add3A_538, %get3A_540 : vector<16xf32>
      %get3A_542 = arith.constant 768 : index
      %get3A_543 = tpu.vector_load %arg19[%get3A_542] {strides = array<i32>} : memref<4096xf32, #tpu.memory_space<vmem>>, vector<16xf32>,
      %add3A_544 = arith.addf %add3A_541, %get3A_543 : vector<16xf32>
      %get3A_545 = arith.constant 1024 : index
      %get3A_546 = tpu.vector_load %arg19[%get3A_545] {strides = array<i32>} : memref<4096xf32, #tpu.memory_space<vmem>>, vector<16xf32>,
      %add3A_547 = arith.addf %add3A_544, %get3A_546 : vector<16xf32>
      %get3A_548 = arith.constant 1280 : index
      %get3A_549 = tpu.vector_load %arg19[%get3A_548] {strides = array<i32>} : memref<4096xf32, #tpu.memory_space<vmem>>, vector<16xf32>,
      %add3A_550 = arith.addf %add3A_547, %get3A_549 : vector<16xf32>
      %get3A_551 = arith.constant 1536 : index
      %get3A_552 = tpu.vector_load %arg19[%get3A_551] {strides = array<i32>} : memref<4096xf32, #tpu.memory_space<vmem>>, vector<16xf32>,
      %add3A_553 = arith.addf %add3A_550, %get3A_552 : vector<16xf32>
      %get3A_554 = arith.constant 1792 : index
      %get3A_555 = tpu.vector_load %arg19[%get3A_554] {strides = array<i32>} : memref<4096xf32, #tpu.memory_space<vmem>>, vector<16xf32>,
      %add3A_556 = arith.addf %add3A_553, %get3A_555 : vector<16xf32>
      %get3A_557 = arith.constant 2048 : index
      %get3A_558 = tpu.vector_load %arg19[%get3A_557] {strides = array<i32>} : memref<4096xf32, #tpu.memory_space<vmem>>, vector<16xf32>,
      %add3A_559 = arith.addf %add3A_556, %get3A_558 : vector<16xf32>
      %get3A_560 = arith.constant 2304 : index
      %get3A_561 = tpu.vector_load %arg19[%get3A_560] {strides = array<i32>} : memref<4096xf32, #tpu.memory_space<vmem>>, vector<16xf32>,
      %add3A_562 = arith.addf %add3A_559, %get3A_561 : vector<16xf32>
      %get3A_563 = arith.constant 2560 : index
      %get3A_564 = tpu.vector_load %arg19[%get3A_563] {strides = array<i32>} : memref<4096xf32, #tpu.memory_space<vmem>>, vector<16xf32>,
      %add3A_565 = arith.addf %add3A_562, %get3A_564 : vector<16xf32>
      %get3A_566 = arith.constant 2816 : index
      %get3A_567 = tpu.vector_load %arg19[%get3A_566] {strides = array<i32>} : memref<4096xf32, #tpu.memory_space<vmem>>, vector<16xf32>,
      %add3A_568 = arith.addf %add3A_565, %get3A_567 : vector<16xf32>
      %get3A_569 = arith.constant 3072 : index
      %get3A_570 = tpu.vector_load %arg19[%get3A_569] {strides = array<i32>} : memref<4096xf32, #tpu.memory_space<vmem>>, vector<16xf32>,
      %add3A_571 = arith.addf %add3A_568, %get3A_570 : vector<16xf32>
      %get3A_572 = arith.constant 3328 : index
      %get3A_573 = tpu.vector_load %arg19[%get3A_572] {strides = array<i32>} : memref<4096xf32, #tpu.memory_space<vmem>>, vector<16xf32>,
      %add3A_574 = arith.addf %add3A_571, %get3A_573 : vector<16xf32>
      %get3A_575 = arith.constant 3584 : index
      %get3A_576 = tpu.vector_load %arg19[%get3A_575] {strides = array<i32>} : memref<4096xf32, #tpu.memory_space<vmem>>, vector<16xf32>,
      %add3A_577 = arith.addf %add3A_574, %get3A_576 : vector<16xf32>
      %get3A_578 = arith.constant 3840 : index
      %get3A_579 = tpu.vector_load %arg19[%get3A_578] {strides = array<i32>} : memref<4096xf32, #tpu.memory_space<vmem>>, vector<16xf32>,
      %add3A_580 = arith.addf %add3A_577, %get3A_579 : vector<16xf32>
      %iota3A = tpu.iota {dimensions = array<i32: 0>} : vector<16xi32>
      %add3A_581 = arith.constant 0 : i32
      %add3A_582 = vector.broadcast %add3A_581 : i32 to vector<16xi32>
      %add3A_583 = arith.addi %add3A_582, %iota3A : vector<16xi32>
      %broadcast_in_dim3A_584 = arith.constant 0 : i32
      %broadcast_in_dim3A_585 = vector.broadcast %broadcast_in_dim3A_584 : i32 to vector<16xi32>
      tpu.vector_store_idx %arg20[%add3A_583, %broadcast_in_dim3A_585], %add3A_580 : memref<256x8xf32, #tpu.memory_space<vmem>>[vector<16xi32>, vector<16xi32>], vector<16xf32>,
      %get3A_586 = arith.constant 16 : index
      %get3A_587 = tpu.vector_load %arg19[%get3A_586] {strides = array<i32>} : memref<4096xf32, #tpu.memory_space<vmem>>, vector<16xf32>,
      %get3A_588 = arith.constant 272 : index
      %get3A_589 = tpu.vector_load %arg19[%get3A_588] {strides = array<i32>} : memref<4096xf32, #tpu.memory_space<vmem>>, vector<16xf32>,
      %add3A_590 = arith.addf %get3A_587, %get3A_589 : vector<16xf32>
      %get3A_591 = arith.constant 528 : index
      %get3A_592 = tpu.vector_load %arg19[%get3A_591] {strides = array<i32>} : memref<4096xf32, #tpu.memory_space<vmem>>, vector<16xf32>,
      %add3A_593 = arith.addf %add3A_590, %get3A_592 : vector<16xf32>
      %get3A_594 = arith.constant 784 : index
      %get3A_595 = tpu.vector_load %arg19[%get3A_594] {strides = array<i32>} : memref<4096xf32, #tpu.memory_space<vmem>>, vector<16xf32>,
      %add3A_596 = arith.addf %add3A_593, %get3A_595 : vector<16xf32>
      %get3A_597 = arith.constant 1040 : index
      %get3A_598 = tpu.vector_load %arg19[%get3A_597] {strides = array<i32>} : memref<4096xf32, #tpu.memory_space<vmem>>, vector<16xf32>,
      %add3A_599 = arith.addf %add3A_596, %get3A_598 : vector<16xf32>
      %get3A_600 = arith.constant 1296 : index
      %get3A_601 = tpu.vector_load %arg19[%get3A_600] {strides = array<i32>} : memref<4096xf32, #tpu.memory_space<vmem>>, vector<16xf32>,
      %add3A_602 = arith.addf %add3A_599, %get3A_601 : vector<16xf32>
      %get3A_603 = arith.constant 1552 : index
      %get3A_604 = tpu.vector_load %arg19[%get3A_603] {strides = array<i32>} : memref<4096xf32, #tpu.memory_space<vmem>>, vector<16xf32>,
      %add3A_605 = arith.addf %add3A_602, %get3A_604 : vector<16xf32>
      %get3A_606 = arith.constant 1808 : index
      %get3A_607 = tpu.vector_load %arg19[%get3A_606] {strides = array<i32>} : memref<4096xf32, #tpu.memory_space<vmem>>, vector<16xf32>,
      %add3A_608 = arith.addf %add3A_605, %get3A_607 : vector<16xf32>
      %get3A_609 = arith.constant 2064 : index
      %get3A_610 = tpu.vector_load %arg19[%get3A_609] {strides = array<i32>} : memref<4096xf32, #tpu.memory_space<vmem>>, vector<16xf32>,
      %add3A_611 = arith.addf %add3A_608, %get3A_610 : vector<16xf32>
      %get3A_612 = arith.constant 2320 : index
      %get3A_613 = tpu.vector_load %arg19[%get3A_612] {strides = array<i32>} : memref<4096xf32, #tpu.memory_space<vmem>>, vector<16xf32>,
      %add3A_614 = arith.addf %add3A_611, %get3A_613 : vector<16xf32>
      %get3A_615 = arith.constant 2576 : index
      %get3A_616 = tpu.vector_load %arg19[%get3A_615] {strides = array<i32>} : memref<4096xf32, #tpu.memory_space<vmem>>, vector<16xf32>,
      %add3A_617 = arith.addf %add3A_614, %get3A_616 : vector<16xf32>
      %get3A_618 = arith.constant 2832 : index
      %get3A_619 = tpu.vector_load %arg19[%get3A_618] {strides = array<i32>} : memref<4096xf32, #tpu.memory_space<vmem>>, vector<16xf32>,
      %add3A_620 = arith.addf %add3A_617, %get3A_619 : vector<16xf32>
      %get3A_621 = arith.constant 3088 : index
      %get3A_622 = tpu.vector_load %arg19[%get3A_621] {strides = array<i32>} : memref<4096xf32, #tpu.memory_space<vmem>>, vector<16xf32>,
      %add3A_623 = arith.addf %add3A_620, %get3A_622 : vector<16xf32>
      %get3A_624 = arith.constant 3344 : index
      %get3A_625 = tpu.vector_load %arg19[%get3A_624] {strides = array<i32>} : memref<4096xf32, #tpu.memory_space<vmem>>, vector<16xf32>,
      %add3A_626 = arith.addf %add3A_623, %get3A_625 : vector<16xf32>
      %get3A_627 = arith.constant 3600 : index
      %get3A_628 = tpu.vector_load %arg19[%get3A_627] {strides = array<i32>} : memref<4096xf32, #tpu.memory_space<vmem>>, vector<16xf32>,
      %add3A_629 = arith.addf %add3A_626, %get3A_628 : vector<16xf32>
      %get3A_630 = arith.constant 3856 : index
      %get3A_631 = tpu.vector_load %arg19[%get3A_630] {strides = array<i32>} : memref<4096xf32, #tpu.memory_space<vmem>>, vector<16xf32>,
      %add3A_632 = arith.addf %add3A_629, %get3A_631 : vector<16xf32>
      %iota3A_633 = tpu.iota {dimensions = array<i32: 0>} : vector<16xi32>
      %add3A_634 = arith.constant 16 : i32
      %add3A_635 = vector.broadcast %add3A_634 : i32 to vector<16xi32>
      %add3A_636 = arith.addi %add3A_635, %iota3A_633 : vector<16xi32>
      %broadcast_in_dim3A_637 = arith.constant 0 : i32
      %broadcast_in_dim3A_638 = vector.broadcast %broadcast_in_dim3A_637 : i32 to vector<16xi32>
      tpu.vector_store_idx %arg20[%add3A_636, %broadcast_in_dim3A_638], %add3A_632 : memref<256x8xf32, #tpu.memory_space<vmem>>[vector<16xi32>, vector<16xi32>], vector<16xf32>,
      %get3A_639 = arith.constant 32 : index
      %get3A_640 = tpu.vector_load %arg19[%get3A_639] {strides = array<i32>} : memref<4096xf32, #tpu.memory_space<vmem>>, vector<16xf32>,
      %get3A_641 = arith.constant 288 : index
      %get3A_642 = tpu.vector_load %arg19[%get3A_641] {strides = array<i32>} : memref<4096xf32, #tpu.memory_space<vmem>>, vector<16xf32>,
      %add3A_643 = arith.addf %get3A_640, %get3A_642 : vector<16xf32>
      %get3A_644 = arith.constant 544 : index
      %get3A_645 = tpu.vector_load %arg19[%get3A_644] {strides = array<i32>} : memref<4096xf32, #tpu.memory_space<vmem>>, vector<16xf32>,
      %add3A_646 = arith.addf %add3A_643, %get3A_645 : vector<16xf32>
      %get3A_647 = arith.constant 800 : index
      %get3A_648 = tpu.vector_load %arg19[%get3A_647] {strides = array<i32>} : memref<4096xf32, #tpu.memory_space<vmem>>, vector<16xf32>,
      %add3A_649 = arith.addf %add3A_646, %get3A_648 : vector<16xf32>
      %get3A_650 = arith.constant 1056 : index
      %get3A_651 = tpu.vector_load %arg19[%get3A_650] {strides = array<i32>} : memref<4096xf32, #tpu.memory_space<vmem>>, vector<16xf32>,
      %add3A_652 = arith.addf %add3A_649, %get3A_651 : vector<16xf32>
      %get3A_653 = arith.constant 1312 : index
      %get3A_654 = tpu.vector_load %arg19[%get3A_653] {strides = array<i32>} : memref<4096xf32, #tpu.memory_space<vmem>>, vector<16xf32>,
      %add3A_655 = arith.addf %add3A_652, %get3A_654 : vector<16xf32>
      %get3A_656 = arith.constant 1568 : index
      %get3A_657 = tpu.vector_load %arg19[%get3A_656] {strides = array<i32>} : memref<4096xf32, #tpu.memory_space<vmem>>, vector<16xf32>,
      %add3A_658 = arith.addf %add3A_655, %get3A_657 : vector<16xf32>
      %get3A_659 = arith.constant 1824 : index
      %get3A_660 = tpu.vector_load %arg19[%get3A_659] {strides = array<i32>} : memref<4096xf32, #tpu.memory_space<vmem>>, vector<16xf32>,
      %add3A_661 = arith.addf %add3A_658, %get3A_660 : vector<16xf32>
      %get3A_662 = arith.constant 2080 : index
      %get3A_663 = tpu.vector_load %arg19[%get3A_662] {strides = array<i32>} : memref<4096xf32, #tpu.memory_space<vmem>>, vector<16xf32>,
      %add3A_664 = arith.addf %add3A_661, %get3A_663 : vector<16xf32>
      %get3A_665 = arith.constant 2336 : index
      %get3A_666 = tpu.vector_load %arg19[%get3A_665] {strides = array<i32>} : memref<4096xf32, #tpu.memory_space<vmem>>, vector<16xf32>,
      %add3A_667 = arith.addf %add3A_664, %get3A_666 : vector<16xf32>
      %get3A_668 = arith.constant 2592 : index
      %get3A_669 = tpu.vector_load %arg19[%get3A_668] {strides = array<i32>} : memref<4096xf32, #tpu.memory_space<vmem>>, vector<16xf32>,
      %add3A_670 = arith.addf %add3A_667, %get3A_669 : vector<16xf32>
      %get3A_671 = arith.constant 2848 : index
      %get3A_672 = tpu.vector_load %arg19[%get3A_671] {strides = array<i32>} : memref<4096xf32, #tpu.memory_space<vmem>>, vector<16xf32>,
      %add3A_673 = arith.addf %add3A_670, %get3A_672 : vector<16xf32>
      %get3A_674 = arith.constant 3104 : index
      %get3A_675 = tpu.vector_load %arg19[%get3A_674] {strides = array<i32>} : memref<4096xf32, #tpu.memory_space<vmem>>, vector<16xf32>,
      %add3A_676 = arith.addf %add3A_673, %get3A_675 : vector<16xf32>
      %get3A_677 = arith.constant 3360 : index
      %get3A_678 = tpu.vector_load %arg19[%get3A_677] {strides = array<i32>} : memref<4096xf32, #tpu.memory_space<vmem>>, vector<16xf32>,
      %add3A_679 = arith.addf %add3A_676, %get3A_678 : vector<16xf32>
      %get3A_680 = arith.constant 3616 : index
      %get3A_681 = tpu.vector_load %arg19[%get3A_680] {strides = array<i32>} : memref<4096xf32, #tpu.memory_space<vmem>>, vector<16xf32>,
      %add3A_682 = arith.addf %add3A_679, %get3A_681 : vector<16xf32>
      %get3A_683 = arith.constant 3872 : index
      %get3A_684 = tpu.vector_load %arg19[%get3A_683] {strides = array<i32>} : memref<4096xf32, #tpu.memory_space<vmem>>, vector<16xf32>,
      %add3A_685 = arith.addf %add3A_682, %get3A_684 : vector<16xf32>
      %iota3A_686 = tpu.iota {dimensions = array<i32: 0>} : vector<16xi32>
      %add3A_687 = arith.constant 32 : i32
      %add3A_688 = vector.broadcast %add3A_687 : i32 to vector<16xi32>
      %add3A_689 = arith.addi %add3A_688, %iota3A_686 : vector<16xi32>
      %broadcast_in_dim3A_690 = arith.constant 0 : i32
      %broadcast_in_dim3A_691 = vector.broadcast %broadcast_in_dim3A_690 : i32 to vector<16xi32>
      tpu.vector_store_idx %arg20[%add3A_689, %broadcast_in_dim3A_691], %add3A_685 : memref<256x8xf32, #tpu.memory_space<vmem>>[vector<16xi32>, vector<16xi32>], vector<16xf32>,
      %get3A_692 = arith.constant 48 : index
      %get3A_693 = tpu.vector_load %arg19[%get3A_692] {strides = array<i32>} : memref<4096xf32, #tpu.memory_space<vmem>>, vector<16xf32>,
      %get3A_694 = arith.constant 304 : index
      %get3A_695 = tpu.vector_load %arg19[%get3A_694] {strides = array<i32>} : memref<4096xf32, #tpu.memory_space<vmem>>, vector<16xf32>,
      %add3A_696 = arith.addf %get3A_693, %get3A_695 : vector<16xf32>
      %get3A_697 = arith.constant 560 : index
      %get3A_698 = tpu.vector_load %arg19[%get3A_697] {strides = array<i32>} : memref<4096xf32, #tpu.memory_space<vmem>>, vector<16xf32>,
      %add3A_699 = arith.addf %add3A_696, %get3A_698 : vector<16xf32>
      %get3A_700 = arith.constant 816 : index
      %get3A_701 = tpu.vector_load %arg19[%get3A_700] {strides = array<i32>} : memref<4096xf32, #tpu.memory_space<vmem>>, vector<16xf32>,
      %add3A_702 = arith.addf %add3A_699, %get3A_701 : vector<16xf32>
      %get3A_703 = arith.constant 1072 : index
      %get3A_704 = tpu.vector_load %arg19[%get3A_703] {strides = array<i32>} : memref<4096xf32, #tpu.memory_space<vmem>>, vector<16xf32>,
      %add3A_705 = arith.addf %add3A_702, %get3A_704 : vector<16xf32>
      %get3A_706 = arith.constant 1328 : index
      %get3A_707 = tpu.vector_load %arg19[%get3A_706] {strides = array<i32>} : memref<4096xf32, #tpu.memory_space<vmem>>, vector<16xf32>,
      %add3A_708 = arith.addf %add3A_705, %get3A_707 : vector<16xf32>
      %get3A_709 = arith.constant 1584 : index
      %get3A_710 = tpu.vector_load %arg19[%get3A_709] {strides = array<i32>} : memref<4096xf32, #tpu.memory_space<vmem>>, vector<16xf32>,
      %add3A_711 = arith.addf %add3A_708, %get3A_710 : vector<16xf32>
      %get3A_712 = arith.constant 1840 : index
      %get3A_713 = tpu.vector_load %arg19[%get3A_712] {strides = array<i32>} : memref<4096xf32, #tpu.memory_space<vmem>>, vector<16xf32>,
      %add3A_714 = arith.addf %add3A_711, %get3A_713 : vector<16xf32>
      %get3A_715 = arith.constant 2096 : index
      %get3A_716 = tpu.vector_load %arg19[%get3A_715] {strides = array<i32>} : memref<4096xf32, #tpu.memory_space<vmem>>, vector<16xf32>,
      %add3A_717 = arith.addf %add3A_714, %get3A_716 : vector<16xf32>
      %get3A_718 = arith.constant 2352 : index
      %get3A_719 = tpu.vector_load %arg19[%get3A_718] {strides = array<i32>} : memref<4096xf32, #tpu.memory_space<vmem>>, vector<16xf32>,
      %add3A_720 = arith.addf %add3A_717, %get3A_719 : vector<16xf32>
      %get3A_721 = arith.constant 2608 : index
      %get3A_722 = tpu.vector_load %arg19[%get3A_721] {strides = array<i32>} : memref<4096xf32, #tpu.memory_space<vmem>>, vector<16xf32>,
      %add3A_723 = arith.addf %add3A_720, %get3A_722 : vector<16xf32>
      %get3A_724 = arith.constant 2864 : index
      %get3A_725 = tpu.vector_load %arg19[%get3A_724] {strides = array<i32>} : memref<4096xf32, #tpu.memory_space<vmem>>, vector<16xf32>,
      %add3A_726 = arith.addf %add3A_723, %get3A_725 : vector<16xf32>
      %get3A_727 = arith.constant 3120 : index
      %get3A_728 = tpu.vector_load %arg19[%get3A_727] {strides = array<i32>} : memref<4096xf32, #tpu.memory_space<vmem>>, vector<16xf32>,
      %add3A_729 = arith.addf %add3A_726, %get3A_728 : vector<16xf32>
      %get3A_730 = arith.constant 3376 : index
      %get3A_731 = tpu.vector_load %arg19[%get3A_730] {strides = array<i32>} : memref<4096xf32, #tpu.memory_space<vmem>>, vector<16xf32>,
      %add3A_732 = arith.addf %add3A_729, %get3A_731 : vector<16xf32>
      %get3A_733 = arith.constant 3632 : index
      %get3A_734 = tpu.vector_load %arg19[%get3A_733] {strides = array<i32>} : memref<4096xf32, #tpu.memory_space<vmem>>, vector<16xf32>,
      %add3A_735 = arith.addf %add3A_732, %get3A_734 : vector<16xf32>
      %get3A_736 = arith.constant 3888 : index
      %get3A_737 = tpu.vector_load %arg19[%get3A_736] {strides = array<i32>} : memref<4096xf32, #tpu.memory_space<vmem>>, vector<16xf32>,
      %add3A_738 = arith.addf %add3A_735, %get3A_737 : vector<16xf32>
      %iota3A_739 = tpu.iota {dimensions = array<i32: 0>} : vector<16xi32>
      %add3A_740 = arith.constant 48 : i32
      %add3A_741 = vector.broadcast %add3A_740 : i32 to vector<16xi32>
      %add3A_742 = arith.addi %add3A_741, %iota3A_739 : vector<16xi32>
      %broadcast_in_dim3A_743 = arith.constant 0 : i32
      %broadcast_in_dim3A_744 = vector.broadcast %broadcast_in_dim3A_743 : i32 to vector<16xi32>
      tpu.vector_store_idx %arg20[%add3A_742, %broadcast_in_dim3A_744], %add3A_738 : memref<256x8xf32, #tpu.memory_space<vmem>>[vector<16xi32>, vector<16xi32>], vector<16xf32>,
      %get3A_745 = arith.constant 64 : index
      %get3A_746 = tpu.vector_load %arg19[%get3A_745] {strides = array<i32>} : memref<4096xf32, #tpu.memory_space<vmem>>, vector<16xf32>,
      %get3A_747 = arith.constant 320 : index
      %get3A_748 = tpu.vector_load %arg19[%get3A_747] {strides = array<i32>} : memref<4096xf32, #tpu.memory_space<vmem>>, vector<16xf32>,
      %add3A_749 = arith.addf %get3A_746, %get3A_748 : vector<16xf32>
      %get3A_750 = arith.constant 576 : index
      %get3A_751 = tpu.vector_load %arg19[%get3A_750] {strides = array<i32>} : memref<4096xf32, #tpu.memory_space<vmem>>, vector<16xf32>,
      %add3A_752 = arith.addf %add3A_749, %get3A_751 : vector<16xf32>
      %get3A_753 = arith.constant 832 : index
      %get3A_754 = tpu.vector_load %arg19[%get3A_753] {strides = array<i32>} : memref<4096xf32, #tpu.memory_space<vmem>>, vector<16xf32>,
      %add3A_755 = arith.addf %add3A_752, %get3A_754 : vector<16xf32>
      %get3A_756 = arith.constant 1088 : index
      %get3A_757 = tpu.vector_load %arg19[%get3A_756] {strides = array<i32>} : memref<4096xf32, #tpu.memory_space<vmem>>, vector<16xf32>,
      %add3A_758 = arith.addf %add3A_755, %get3A_757 : vector<16xf32>
      %get3A_759 = arith.constant 1344 : index
      %get3A_760 = tpu.vector_load %arg19[%get3A_759] {strides = array<i32>} : memref<4096xf32, #tpu.memory_space<vmem>>, vector<16xf32>,
      %add3A_761 = arith.addf %add3A_758, %get3A_760 : vector<16xf32>
      %get3A_762 = arith.constant 1600 : index
      %get3A_763 = tpu.vector_load %arg19[%get3A_762] {strides = array<i32>} : memref<4096xf32, #tpu.memory_space<vmem>>, vector<16xf32>,
      %add3A_764 = arith.addf %add3A_761, %get3A_763 : vector<16xf32>
      %get3A_765 = arith.constant 1856 : index
      %get3A_766 = tpu.vector_load %arg19[%get3A_765] {strides = array<i32>} : memref<4096xf32, #tpu.memory_space<vmem>>, vector<16xf32>,
      %add3A_767 = arith.addf %add3A_764, %get3A_766 : vector<16xf32>
      %get3A_768 = arith.constant 2112 : index
      %get3A_769 = tpu.vector_load %arg19[%get3A_768] {strides = array<i32>} : memref<4096xf32, #tpu.memory_space<vmem>>, vector<16xf32>,
      %add3A_770 = arith.addf %add3A_767, %get3A_769 : vector<16xf32>
      %get3A_771 = arith.constant 2368 : index
      %get3A_772 = tpu.vector_load %arg19[%get3A_771] {strides = array<i32>} : memref<4096xf32, #tpu.memory_space<vmem>>, vector<16xf32>,
      %add3A_773 = arith.addf %add3A_770, %get3A_772 : vector<16xf32>
      %get3A_774 = arith.constant 2624 : index
      %get3A_775 = tpu.vector_load %arg19[%get3A_774] {strides = array<i32>} : memref<4096xf32, #tpu.memory_space<vmem>>, vector<16xf32>,
      %add3A_776 = arith.addf %add3A_773, %get3A_775 : vector<16xf32>
      %get3A_777 = arith.constant 2880 : index
      %get3A_778 = tpu.vector_load %arg19[%get3A_777] {strides = array<i32>} : memref<4096xf32, #tpu.memory_space<vmem>>, vector<16xf32>,
      %add3A_779 = arith.addf %add3A_776, %get3A_778 : vector<16xf32>
      %get3A_780 = arith.constant 3136 : index
      %get3A_781 = tpu.vector_load %arg19[%get3A_780] {strides = array<i32>} : memref<4096xf32, #tpu.memory_space<vmem>>, vector<16xf32>,
      %add3A_782 = arith.addf %add3A_779, %get3A_781 : vector<16xf32>
      %get3A_783 = arith.constant 3392 : index
      %get3A_784 = tpu.vector_load %arg19[%get3A_783] {strides = array<i32>} : memref<4096xf32, #tpu.memory_space<vmem>>, vector<16xf32>,
      %add3A_785 = arith.addf %add3A_782, %get3A_784 : vector<16xf32>
      %get3A_786 = arith.constant 3648 : index
      %get3A_787 = tpu.vector_load %arg19[%get3A_786] {strides = array<i32>} : memref<4096xf32, #tpu.memory_space<vmem>>, vector<16xf32>,
      %add3A_788 = arith.addf %add3A_785, %get3A_787 : vector<16xf32>
      %get3A_789 = arith.constant 3904 : index
      %get3A_790 = tpu.vector_load %arg19[%get3A_789] {strides = array<i32>} : memref<4096xf32, #tpu.memory_space<vmem>>, vector<16xf32>,
      %add3A_791 = arith.addf %add3A_788, %get3A_790 : vector<16xf32>
      %iota3A_792 = tpu.iota {dimensions = array<i32: 0>} : vector<16xi32>
      %add3A_793 = arith.constant 64 : i32
      %add3A_794 = vector.broadcast %add3A_793 : i32 to vector<16xi32>
      %add3A_795 = arith.addi %add3A_794, %iota3A_792 : vector<16xi32>
      %broadcast_in_dim3A_796 = arith.constant 0 : i32
      %broadcast_in_dim3A_797 = vector.broadcast %broadcast_in_dim3A_796 : i32 to vector<16xi32>
      tpu.vector_store_idx %arg20[%add3A_795, %broadcast_in_dim3A_797], %add3A_791 : memref<256x8xf32, #tpu.memory_space<vmem>>[vector<16xi32>, vector<16xi32>], vector<16xf32>,
      %get3A_798 = arith.constant 80 : index
      %get3A_799 = tpu.vector_load %arg19[%get3A_798] {strides = array<i32>} : memref<4096xf32, #tpu.memory_space<vmem>>, vector<16xf32>,
      %get3A_800 = arith.constant 336 : index
      %get3A_801 = tpu.vector_load %arg19[%get3A_800] {strides = array<i32>} : memref<4096xf32, #tpu.memory_space<vmem>>, vector<16xf32>,
      %add3A_802 = arith.addf %get3A_799, %get3A_801 : vector<16xf32>
      %get3A_803 = arith.constant 592 : index
      %get3A_804 = tpu.vector_load %arg19[%get3A_803] {strides = array<i32>} : memref<4096xf32, #tpu.memory_space<vmem>>, vector<16xf32>,
      %add3A_805 = arith.addf %add3A_802, %get3A_804 : vector<16xf32>
      %get3A_806 = arith.constant 848 : index
      %get3A_807 = tpu.vector_load %arg19[%get3A_806] {strides = array<i32>} : memref<4096xf32, #tpu.memory_space<vmem>>, vector<16xf32>,
      %add3A_808 = arith.addf %add3A_805, %get3A_807 : vector<16xf32>
      %get3A_809 = arith.constant 1104 : index
      %get3A_810 = tpu.vector_load %arg19[%get3A_809] {strides = array<i32>} : memref<4096xf32, #tpu.memory_space<vmem>>, vector<16xf32>,
      %add3A_811 = arith.addf %add3A_808, %get3A_810 : vector<16xf32>
      %get3A_812 = arith.constant 1360 : index
      %get3A_813 = tpu.vector_load %arg19[%get3A_812] {strides = array<i32>} : memref<4096xf32, #tpu.memory_space<vmem>>, vector<16xf32>,
      %add3A_814 = arith.addf %add3A_811, %get3A_813 : vector<16xf32>
      %get3A_815 = arith.constant 1616 : index
      %get3A_816 = tpu.vector_load %arg19[%get3A_815] {strides = array<i32>} : memref<4096xf32, #tpu.memory_space<vmem>>, vector<16xf32>,
      %add3A_817 = arith.addf %add3A_814, %get3A_816 : vector<16xf32>
      %get3A_818 = arith.constant 1872 : index
      %get3A_819 = tpu.vector_load %arg19[%get3A_818] {strides = array<i32>} : memref<4096xf32, #tpu.memory_space<vmem>>, vector<16xf32>,
      %add3A_820 = arith.addf %add3A_817, %get3A_819 : vector<16xf32>
      %get3A_821 = arith.constant 2128 : index
      %get3A_822 = tpu.vector_load %arg19[%get3A_821] {strides = array<i32>} : memref<4096xf32, #tpu.memory_space<vmem>>, vector<16xf32>,
      %add3A_823 = arith.addf %add3A_820, %get3A_822 : vector<16xf32>
      %get3A_824 = arith.constant 2384 : index
      %get3A_825 = tpu.vector_load %arg19[%get3A_824] {strides = array<i32>} : memref<4096xf32, #tpu.memory_space<vmem>>, vector<16xf32>,
      %add3A_826 = arith.addf %add3A_823, %get3A_825 : vector<16xf32>
      %get3A_827 = arith.constant 2640 : index
      %get3A_828 = tpu.vector_load %arg19[%get3A_827] {strides = array<i32>} : memref<4096xf32, #tpu.memory_space<vmem>>, vector<16xf32>,
      %add3A_829 = arith.addf %add3A_826, %get3A_828 : vector<16xf32>
      %get3A_830 = arith.constant 2896 : index
      %get3A_831 = tpu.vector_load %arg19[%get3A_830] {strides = array<i32>} : memref<4096xf32, #tpu.memory_space<vmem>>, vector<16xf32>,
      %add3A_832 = arith.addf %add3A_829, %get3A_831 : vector<16xf32>
      %get3A_833 = arith.constant 3152 : index
      %get3A_834 = tpu.vector_load %arg19[%get3A_833] {strides = array<i32>} : memref<4096xf32, #tpu.memory_space<vmem>>, vector<16xf32>,
      %add3A_835 = arith.addf %add3A_832, %get3A_834 : vector<16xf32>
      %get3A_836 = arith.constant 3408 : index
      %get3A_837 = tpu.vector_load %arg19[%get3A_836] {strides = array<i32>} : memref<4096xf32, #tpu.memory_space<vmem>>, vector<16xf32>,
      %add3A_838 = arith.addf %add3A_835, %get3A_837 : vector<16xf32>
      %get3A_839 = arith.constant 3664 : index
      %get3A_840 = tpu.vector_load %arg19[%get3A_839] {strides = array<i32>} : memref<4096xf32, #tpu.memory_space<vmem>>, vector<16xf32>,
      %add3A_841 = arith.addf %add3A_838, %get3A_840 : vector<16xf32>
      %get3A_842 = arith.constant 3920 : index
      %get3A_843 = tpu.vector_load %arg19[%get3A_842] {strides = array<i32>} : memref<4096xf32, #tpu.memory_space<vmem>>, vector<16xf32>,
      %add3A_844 = arith.addf %add3A_841, %get3A_843 : vector<16xf32>
      %iota3A_845 = tpu.iota {dimensions = array<i32: 0>} : vector<16xi32>
      %add3A_846 = arith.constant 80 : i32
      %add3A_847 = vector.broadcast %add3A_846 : i32 to vector<16xi32>
      %add3A_848 = arith.addi %add3A_847, %iota3A_845 : vector<16xi32>
      %broadcast_in_dim3A_849 = arith.constant 0 : i32
      %broadcast_in_dim3A_850 = vector.broadcast %broadcast_in_dim3A_849 : i32 to vector<16xi32>
      tpu.vector_store_idx %arg20[%add3A_848, %broadcast_in_dim3A_850], %add3A_844 : memref<256x8xf32, #tpu.memory_space<vmem>>[vector<16xi32>, vector<16xi32>], vector<16xf32>,
      %get3A_851 = arith.constant 96 : index
      %get3A_852 = tpu.vector_load %arg19[%get3A_851] {strides = array<i32>} : memref<4096xf32, #tpu.memory_space<vmem>>, vector<16xf32>,
      %get3A_853 = arith.constant 352 : index
      %get3A_854 = tpu.vector_load %arg19[%get3A_853] {strides = array<i32>} : memref<4096xf32, #tpu.memory_space<vmem>>, vector<16xf32>,
      %add3A_855 = arith.addf %get3A_852, %get3A_854 : vector<16xf32>
      %get3A_856 = arith.constant 608 : index
      %get3A_857 = tpu.vector_load %arg19[%get3A_856] {strides = array<i32>} : memref<4096xf32, #tpu.memory_space<vmem>>, vector<16xf32>,
      %add3A_858 = arith.addf %add3A_855, %get3A_857 : vector<16xf32>
      %get3A_859 = arith.constant 864 : index
      %get3A_860 = tpu.vector_load %arg19[%get3A_859] {strides = array<i32>} : memref<4096xf32, #tpu.memory_space<vmem>>, vector<16xf32>,
      %add3A_861 = arith.addf %add3A_858, %get3A_860 : vector<16xf32>
      %get3A_862 = arith.constant 1120 : index
      %get3A_863 = tpu.vector_load %arg19[%get3A_862] {strides = array<i32>} : memref<4096xf32, #tpu.memory_space<vmem>>, vector<16xf32>,
      %add3A_864 = arith.addf %add3A_861, %get3A_863 : vector<16xf32>
      %get3A_865 = arith.constant 1376 : index
      %get3A_866 = tpu.vector_load %arg19[%get3A_865] {strides = array<i32>} : memref<4096xf32, #tpu.memory_space<vmem>>, vector<16xf32>,
      %add3A_867 = arith.addf %add3A_864, %get3A_866 : vector<16xf32>
      %get3A_868 = arith.constant 1632 : index
      %get3A_869 = tpu.vector_load %arg19[%get3A_868] {strides = array<i32>} : memref<4096xf32, #tpu.memory_space<vmem>>, vector<16xf32>,
      %add3A_870 = arith.addf %add3A_867, %get3A_869 : vector<16xf32>
      %get3A_871 = arith.constant 1888 : index
      %get3A_872 = tpu.vector_load %arg19[%get3A_871] {strides = array<i32>} : memref<4096xf32, #tpu.memory_space<vmem>>, vector<16xf32>,
      %add3A_873 = arith.addf %add3A_870, %get3A_872 : vector<16xf32>
      %get3A_874 = arith.constant 2144 : index
      %get3A_875 = tpu.vector_load %arg19[%get3A_874] {strides = array<i32>} : memref<4096xf32, #tpu.memory_space<vmem>>, vector<16xf32>,
      %add3A_876 = arith.addf %add3A_873, %get3A_875 : vector<16xf32>
      %get3A_877 = arith.constant 2400 : index
      %get3A_878 = tpu.vector_load %arg19[%get3A_877] {strides = array<i32>} : memref<4096xf32, #tpu.memory_space<vmem>>, vector<16xf32>,
      %add3A_879 = arith.addf %add3A_876, %get3A_878 : vector<16xf32>
      %get3A_880 = arith.constant 2656 : index
      %get3A_881 = tpu.vector_load %arg19[%get3A_880] {strides = array<i32>} : memref<4096xf32, #tpu.memory_space<vmem>>, vector<16xf32>,
      %add3A_882 = arith.addf %add3A_879, %get3A_881 : vector<16xf32>
      %get3A_883 = arith.constant 2912 : index
      %get3A_884 = tpu.vector_load %arg19[%get3A_883] {strides = array<i32>} : memref<4096xf32, #tpu.memory_space<vmem>>, vector<16xf32>,
      %add3A_885 = arith.addf %add3A_882, %get3A_884 : vector<16xf32>
      %get3A_886 = arith.constant 3168 : index
      %get3A_887 = tpu.vector_load %arg19[%get3A_886] {strides = array<i32>} : memref<4096xf32, #tpu.memory_space<vmem>>, vector<16xf32>,
      %add3A_888 = arith.addf %add3A_885, %get3A_887 : vector<16xf32>
      %get3A_889 = arith.constant 3424 : index
      %get3A_890 = tpu.vector_load %arg19[%get3A_889] {strides = array<i32>} : memref<4096xf32, #tpu.memory_space<vmem>>, vector<16xf32>,
      %add3A_891 = arith.addf %add3A_888, %get3A_890 : vector<16xf32>
      %get3A_892 = arith.constant 3680 : index
      %get3A_893 = tpu.vector_load %arg19[%get3A_892] {strides = array<i32>} : memref<4096xf32, #tpu.memory_space<vmem>>, vector<16xf32>,
      %add3A_894 = arith.addf %add3A_891, %get3A_893 : vector<16xf32>
      %get3A_895 = arith.constant 3936 : index
      %get3A_896 = tpu.vector_load %arg19[%get3A_895] {strides = array<i32>} : memref<4096xf32, #tpu.memory_space<vmem>>, vector<16xf32>,
      %add3A_897 = arith.addf %add3A_894, %get3A_896 : vector<16xf32>
      %iota3A_898 = tpu.iota {dimensions = array<i32: 0>} : vector<16xi32>
      %add3A_899 = arith.constant 96 : i32
      %add3A_900 = vector.broadcast %add3A_899 : i32 to vector<16xi32>
      %add3A_901 = arith.addi %add3A_900, %iota3A_898 : vector<16xi32>
      %broadcast_in_dim3A_902 = arith.constant 0 : i32
      %broadcast_in_dim3A_903 = vector.broadcast %broadcast_in_dim3A_902 : i32 to vector<16xi32>
      tpu.vector_store_idx %arg20[%add3A_901, %broadcast_in_dim3A_903], %add3A_897 : memref<256x8xf32, #tpu.memory_space<vmem>>[vector<16xi32>, vector<16xi32>], vector<16xf32>,
      %get3A_904 = arith.constant 112 : index
      %get3A_905 = tpu.vector_load %arg19[%get3A_904] {strides = array<i32>} : memref<4096xf32, #tpu.memory_space<vmem>>, vector<16xf32>,
      %get3A_906 = arith.constant 368 : index
      %get3A_907 = tpu.vector_load %arg19[%get3A_906] {strides = array<i32>} : memref<4096xf32, #tpu.memory_space<vmem>>, vector<16xf32>,
      %add3A_908 = arith.addf %get3A_905, %get3A_907 : vector<16xf32>
      %get3A_909 = arith.constant 624 : index
      %get3A_910 = tpu.vector_load %arg19[%get3A_909] {strides = array<i32>} : memref<4096xf32, #tpu.memory_space<vmem>>, vector<16xf32>,
      %add3A_911 = arith.addf %add3A_908, %get3A_910 : vector<16xf32>
      %get3A_912 = arith.constant 880 : index
      %get3A_913 = tpu.vector_load %arg19[%get3A_912] {strides = array<i32>} : memref<4096xf32, #tpu.memory_space<vmem>>, vector<16xf32>,
      %add3A_914 = arith.addf %add3A_911, %get3A_913 : vector<16xf32>
      %get3A_915 = arith.constant 1136 : index
      %get3A_916 = tpu.vector_load %arg19[%get3A_915] {strides = array<i32>} : memref<4096xf32, #tpu.memory_space<vmem>>, vector<16xf32>,
      %add3A_917 = arith.addf %add3A_914, %get3A_916 : vector<16xf32>
      %get3A_918 = arith.constant 1392 : index
      %get3A_919 = tpu.vector_load %arg19[%get3A_918] {strides = array<i32>} : memref<4096xf32, #tpu.memory_space<vmem>>, vector<16xf32>,
      %add3A_920 = arith.addf %add3A_917, %get3A_919 : vector<16xf32>
      %get3A_921 = arith.constant 1648 : index
      %get3A_922 = tpu.vector_load %arg19[%get3A_921] {strides = array<i32>} : memref<4096xf32, #tpu.memory_space<vmem>>, vector<16xf32>,
      %add3A_923 = arith.addf %add3A_920, %get3A_922 : vector<16xf32>
      %get3A_924 = arith.constant 1904 : index
      %get3A_925 = tpu.vector_load %arg19[%get3A_924] {strides = array<i32>} : memref<4096xf32, #tpu.memory_space<vmem>>, vector<16xf32>,
      %add3A_926 = arith.addf %add3A_923, %get3A_925 : vector<16xf32>
      %get3A_927 = arith.constant 2160 : index
      %get3A_928 = tpu.vector_load %arg19[%get3A_927] {strides = array<i32>} : memref<4096xf32, #tpu.memory_space<vmem>>, vector<16xf32>,
      %add3A_929 = arith.addf %add3A_926, %get3A_928 : vector<16xf32>
      %get3A_930 = arith.constant 2416 : index
      %get3A_931 = tpu.vector_load %arg19[%get3A_930] {strides = array<i32>} : memref<4096xf32, #tpu.memory_space<vmem>>, vector<16xf32>,
      %add3A_932 = arith.addf %add3A_929, %get3A_931 : vector<16xf32>
      %get3A_933 = arith.constant 2672 : index
      %get3A_934 = tpu.vector_load %arg19[%get3A_933] {strides = array<i32>} : memref<4096xf32, #tpu.memory_space<vmem>>, vector<16xf32>,
      %add3A_935 = arith.addf %add3A_932, %get3A_934 : vector<16xf32>
      %get3A_936 = arith.constant 2928 : index
      %get3A_937 = tpu.vector_load %arg19[%get3A_936] {strides = array<i32>} : memref<4096xf32, #tpu.memory_space<vmem>>, vector<16xf32>,
      %add3A_938 = arith.addf %add3A_935, %get3A_937 : vector<16xf32>
      %get3A_939 = arith.constant 3184 : index
      %get3A_940 = tpu.vector_load %arg19[%get3A_939] {strides = array<i32>} : memref<4096xf32, #tpu.memory_space<vmem>>, vector<16xf32>,
      %add3A_941 = arith.addf %add3A_938, %get3A_940 : vector<16xf32>
      %get3A_942 = arith.constant 3440 : index
      %get3A_943 = tpu.vector_load %arg19[%get3A_942] {strides = array<i32>} : memref<4096xf32, #tpu.memory_space<vmem>>, vector<16xf32>,
      %add3A_944 = arith.addf %add3A_941, %get3A_943 : vector<16xf32>
      %get3A_945 = arith.constant 3696 : index
      %get3A_946 = tpu.vector_load %arg19[%get3A_945] {strides = array<i32>} : memref<4096xf32, #tpu.memory_space<vmem>>, vector<16xf32>,
      %add3A_947 = arith.addf %add3A_944, %get3A_946 : vector<16xf32>
      %get3A_948 = arith.constant 3952 : index
      %get3A_949 = tpu.vector_load %arg19[%get3A_948] {strides = array<i32>} : memref<4096xf32, #tpu.memory_space<vmem>>, vector<16xf32>,
      %add3A_950 = arith.addf %add3A_947, %get3A_949 : vector<16xf32>
      %iota3A_951 = tpu.iota {dimensions = array<i32: 0>} : vector<16xi32>
      %add3A_952 = arith.constant 112 : i32
      %add3A_953 = vector.broadcast %add3A_952 : i32 to vector<16xi32>
      %add3A_954 = arith.addi %add3A_953, %iota3A_951 : vector<16xi32>
      %broadcast_in_dim3A_955 = arith.constant 0 : i32
      %broadcast_in_dim3A_956 = vector.broadcast %broadcast_in_dim3A_955 : i32 to vector<16xi32>
      tpu.vector_store_idx %arg20[%add3A_954, %broadcast_in_dim3A_956], %add3A_950 : memref<256x8xf32, #tpu.memory_space<vmem>>[vector<16xi32>, vector<16xi32>], vector<16xf32>,
      %get3A_957 = arith.constant 128 : index
      %get3A_958 = tpu.vector_load %arg19[%get3A_957] {strides = array<i32>} : memref<4096xf32, #tpu.memory_space<vmem>>, vector<16xf32>,
      %get3A_959 = arith.constant 384 : index
      %get3A_960 = tpu.vector_load %arg19[%get3A_959] {strides = array<i32>} : memref<4096xf32, #tpu.memory_space<vmem>>, vector<16xf32>,
      %add3A_961 = arith.addf %get3A_958, %get3A_960 : vector<16xf32>
      %get3A_962 = arith.constant 640 : index
      %get3A_963 = tpu.vector_load %arg19[%get3A_962] {strides = array<i32>} : memref<4096xf32, #tpu.memory_space<vmem>>, vector<16xf32>,
      %add3A_964 = arith.addf %add3A_961, %get3A_963 : vector<16xf32>
      %get3A_965 = arith.constant 896 : index
      %get3A_966 = tpu.vector_load %arg19[%get3A_965] {strides = array<i32>} : memref<4096xf32, #tpu.memory_space<vmem>>, vector<16xf32>,
      %add3A_967 = arith.addf %add3A_964, %get3A_966 : vector<16xf32>
      %get3A_968 = arith.constant 1152 : index
      %get3A_969 = tpu.vector_load %arg19[%get3A_968] {strides = array<i32>} : memref<4096xf32, #tpu.memory_space<vmem>>, vector<16xf32>,
      %add3A_970 = arith.addf %add3A_967, %get3A_969 : vector<16xf32>
      %get3A_971 = arith.constant 1408 : index
      %get3A_972 = tpu.vector_load %arg19[%get3A_971] {strides = array<i32>} : memref<4096xf32, #tpu.memory_space<vmem>>, vector<16xf32>,
      %add3A_973 = arith.addf %add3A_970, %get3A_972 : vector<16xf32>
      %get3A_974 = arith.constant 1664 : index
      %get3A_975 = tpu.vector_load %arg19[%get3A_974] {strides = array<i32>} : memref<4096xf32, #tpu.memory_space<vmem>>, vector<16xf32>,
      %add3A_976 = arith.addf %add3A_973, %get3A_975 : vector<16xf32>
      %get3A_977 = arith.constant 1920 : index
      %get3A_978 = tpu.vector_load %arg19[%get3A_977] {strides = array<i32>} : memref<4096xf32, #tpu.memory_space<vmem>>, vector<16xf32>,
      %add3A_979 = arith.addf %add3A_976, %get3A_978 : vector<16xf32>
      %get3A_980 = arith.constant 2176 : index
      %get3A_981 = tpu.vector_load %arg19[%get3A_980] {strides = array<i32>} : memref<4096xf32, #tpu.memory_space<vmem>>, vector<16xf32>,
      %add3A_982 = arith.addf %add3A_979, %get3A_981 : vector<16xf32>
      %get3A_983 = arith.constant 2432 : index
      %get3A_984 = tpu.vector_load %arg19[%get3A_983] {strides = array<i32>} : memref<4096xf32, #tpu.memory_space<vmem>>, vector<16xf32>,
      %add3A_985 = arith.addf %add3A_982, %get3A_984 : vector<16xf32>
      %get3A_986 = arith.constant 2688 : index
      %get3A_987 = tpu.vector_load %arg19[%get3A_986] {strides = array<i32>} : memref<4096xf32, #tpu.memory_space<vmem>>, vector<16xf32>,
      %add3A_988 = arith.addf %add3A_985, %get3A_987 : vector<16xf32>
      %get3A_989 = arith.constant 2944 : index
      %get3A_990 = tpu.vector_load %arg19[%get3A_989] {strides = array<i32>} : memref<4096xf32, #tpu.memory_space<vmem>>, vector<16xf32>,
      %add3A_991 = arith.addf %add3A_988, %get3A_990 : vector<16xf32>
      %get3A_992 = arith.constant 3200 : index
      %get3A_993 = tpu.vector_load %arg19[%get3A_992] {strides = array<i32>} : memref<4096xf32, #tpu.memory_space<vmem>>, vector<16xf32>,
      %add3A_994 = arith.addf %add3A_991, %get3A_993 : vector<16xf32>
      %get3A_995 = arith.constant 3456 : index
      %get3A_996 = tpu.vector_load %arg19[%get3A_995] {strides = array<i32>} : memref<4096xf32, #tpu.memory_space<vmem>>, vector<16xf32>,
      %add3A_997 = arith.addf %add3A_994, %get3A_996 : vector<16xf32>
      %get3A_998 = arith.constant 3712 : index
      %get3A_999 = tpu.vector_load %arg19[%get3A_998] {strides = array<i32>} : memref<4096xf32, #tpu.memory_space<vmem>>, vector<16xf32>,
      %add3A_1000 = arith.addf %add3A_997, %get3A_999 : vector<16xf32>
      %get3A_1001 = arith.constant 3968 : index
      %get3A_1002 = tpu.vector_load %arg19[%get3A_1001] {strides = array<i32>} : memref<4096xf32, #tpu.memory_space<vmem>>, vector<16xf32>,
      %add3A_1003 = arith.addf %add3A_1000, %get3A_1002 : vector<16xf32>
      %iota3A_1004 = tpu.iota {dimensions = array<i32: 0>} : vector<16xi32>
      %add3A_1005 = arith.constant 128 : i32
      %add3A_1006 = vector.broadcast %add3A_1005 : i32 to vector<16xi32>
      %add3A_1007 = arith.addi %add3A_1006, %iota3A_1004 : vector<16xi32>
      %broadcast_in_dim3A_1008 = arith.constant 0 : i32
      %broadcast_in_dim3A_1009 = vector.broadcast %broadcast_in_dim3A_1008 : i32 to vector<16xi32>
      tpu.vector_store_idx %arg20[%add3A_1007, %broadcast_in_dim3A_1009], %add3A_1003 : memref<256x8xf32, #tpu.memory_space<vmem>>[vector<16xi32>, vector<16xi32>], vector<16xf32>,
      %get3A_1010 = arith.constant 144 : index
      %get3A_1011 = tpu.vector_load %arg19[%get3A_1010] {strides = array<i32>} : memref<4096xf32, #tpu.memory_space<vmem>>, vector<16xf32>,
      %get3A_1012 = arith.constant 400 : index
      %get3A_1013 = tpu.vector_load %arg19[%get3A_1012] {strides = array<i32>} : memref<4096xf32, #tpu.memory_space<vmem>>, vector<16xf32>,
      %add3A_1014 = arith.addf %get3A_1011, %get3A_1013 : vector<16xf32>
      %get3A_1015 = arith.constant 656 : index
      %get3A_1016 = tpu.vector_load %arg19[%get3A_1015] {strides = array<i32>} : memref<4096xf32, #tpu.memory_space<vmem>>, vector<16xf32>,
      %add3A_1017 = arith.addf %add3A_1014, %get3A_1016 : vector<16xf32>
      %get3A_1018 = arith.constant 912 : index
      %get3A_1019 = tpu.vector_load %arg19[%get3A_1018] {strides = array<i32>} : memref<4096xf32, #tpu.memory_space<vmem>>, vector<16xf32>,
      %add3A_1020 = arith.addf %add3A_1017, %get3A_1019 : vector<16xf32>
      %get3A_1021 = arith.constant 1168 : index
      %get3A_1022 = tpu.vector_load %arg19[%get3A_1021] {strides = array<i32>} : memref<4096xf32, #tpu.memory_space<vmem>>, vector<16xf32>,
      %add3A_1023 = arith.addf %add3A_1020, %get3A_1022 : vector<16xf32>
      %get3A_1024 = arith.constant 1424 : index
      %get3A_1025 = tpu.vector_load %arg19[%get3A_1024] {strides = array<i32>} : memref<4096xf32, #tpu.memory_space<vmem>>, vector<16xf32>,
      %add3A_1026 = arith.addf %add3A_1023, %get3A_1025 : vector<16xf32>
      %get3A_1027 = arith.constant 1680 : index
      %get3A_1028 = tpu.vector_load %arg19[%get3A_1027] {strides = array<i32>} : memref<4096xf32, #tpu.memory_space<vmem>>, vector<16xf32>,
      %add3A_1029 = arith.addf %add3A_1026, %get3A_1028 : vector<16xf32>
      %get3A_1030 = arith.constant 1936 : index
      %get3A_1031 = tpu.vector_load %arg19[%get3A_1030] {strides = array<i32>} : memref<4096xf32, #tpu.memory_space<vmem>>, vector<16xf32>,
      %add3A_1032 = arith.addf %add3A_1029, %get3A_1031 : vector<16xf32>
      %get3A_1033 = arith.constant 2192 : index
      %get3A_1034 = tpu.vector_load %arg19[%get3A_1033] {strides = array<i32>} : memref<4096xf32, #tpu.memory_space<vmem>>, vector<16xf32>,
      %add3A_1035 = arith.addf %add3A_1032, %get3A_1034 : vector<16xf32>
      %get3A_1036 = arith.constant 2448 : index
      %get3A_1037 = tpu.vector_load %arg19[%get3A_1036] {strides = array<i32>} : memref<4096xf32, #tpu.memory_space<vmem>>, vector<16xf32>,
      %add3A_1038 = arith.addf %add3A_1035, %get3A_1037 : vector<16xf32>
      %get3A_1039 = arith.constant 2704 : index
      %get3A_1040 = tpu.vector_load %arg19[%get3A_1039] {strides = array<i32>} : memref<4096xf32, #tpu.memory_space<vmem>>, vector<16xf32>,
      %add3A_1041 = arith.addf %add3A_1038, %get3A_1040 : vector<16xf32>
      %get3A_1042 = arith.constant 2960 : index
      %get3A_1043 = tpu.vector_load %arg19[%get3A_1042] {strides = array<i32>} : memref<4096xf32, #tpu.memory_space<vmem>>, vector<16xf32>,
      %add3A_1044 = arith.addf %add3A_1041, %get3A_1043 : vector<16xf32>
      %get3A_1045 = arith.constant 3216 : index
      %get3A_1046 = tpu.vector_load %arg19[%get3A_1045] {strides = array<i32>} : memref<4096xf32, #tpu.memory_space<vmem>>, vector<16xf32>,
      %add3A_1047 = arith.addf %add3A_1044, %get3A_1046 : vector<16xf32>
      %get3A_1048 = arith.constant 3472 : index
      %get3A_1049 = tpu.vector_load %arg19[%get3A_1048] {strides = array<i32>} : memref<4096xf32, #tpu.memory_space<vmem>>, vector<16xf32>,
      %add3A_1050 = arith.addf %add3A_1047, %get3A_1049 : vector<16xf32>
      %get3A_1051 = arith.constant 3728 : index
      %get3A_1052 = tpu.vector_load %arg19[%get3A_1051] {strides = array<i32>} : memref<4096xf32, #tpu.memory_space<vmem>>, vector<16xf32>,
      %add3A_1053 = arith.addf %add3A_1050, %get3A_1052 : vector<16xf32>
      %get3A_1054 = arith.constant 3984 : index
      %get3A_1055 = tpu.vector_load %arg19[%get3A_1054] {strides = array<i32>} : memref<4096xf32, #tpu.memory_space<vmem>>, vector<16xf32>,
      %add3A_1056 = arith.addf %add3A_1053, %get3A_1055 : vector<16xf32>
      %iota3A_1057 = tpu.iota {dimensions = array<i32: 0>} : vector<16xi32>
      %add3A_1058 = arith.constant 144 : i32
      %add3A_1059 = vector.broadcast %add3A_1058 : i32 to vector<16xi32>
      %add3A_1060 = arith.addi %add3A_1059, %iota3A_1057 : vector<16xi32>
      %broadcast_in_dim3A_1061 = arith.constant 0 : i32
      %broadcast_in_dim3A_1062 = vector.broadcast %broadcast_in_dim3A_1061 : i32 to vector<16xi32>
      tpu.vector_store_idx %arg20[%add3A_1060, %broadcast_in_dim3A_1062], %add3A_1056 : memref<256x8xf32, #tpu.memory_space<vmem>>[vector<16xi32>, vector<16xi32>], vector<16xf32>,
      "tpu.region"() ({
        %run_scoped3A = tpu.sem_alloc : memref<!tpu.dma_semaphore, #tpu.memory_space<semaphore_mem>>
        %dma_start3A_1063 = arith.constant 0 : i32
        %dma_start3A_1064 = arith.constant 0 : i32
        %dma_start3A_1065 = tpu.memref_slice %arg20[%dma_start3A_1063, %dma_start3A_1064] : memref<256x8xf32, #tpu.memory_space<vmem>> -> memref<160x8xf32, #tpu.memory_space<vmem>>
        %dma_start3A_1066 = arith.constant 3840 : i32
        %dma_start3A_1067 = arith.constant 0 : i32
        %dma_start3A_1068 = tpu.memref_slice %arg7[%arg0, %dma_start3A_1066, %dma_start3A_1067] : memref<2x4000x8xf32, #tpu.memory_space<hbm>> -> memref<1x160x8xf32, #tpu.memory_space<hbm>>
        %dma_start3A_1069 = tpu.memref_squeeze %dma_start3A_1068 : memref<1x160x8xf32, #tpu.memory_space<hbm>> -> memref<160x8xf32, #tpu.memory_space<hbm>>
        %dma_start3A_1070 = arith.constant 3840 : i32
        %dma_start3A_1071 = arith.constant 0 : i32
        %dma_start3A_1072 = tpu.memref_slice %arg7[%arg0, %dma_start3A_1070, %dma_start3A_1071] : memref<2x4000x8xf32, #tpu.memory_space<hbm>> -> memref<1x160x8xf32, #tpu.memory_space<hbm>>
        %dma_start3A_1073 = tpu.memref_squeeze %dma_start3A_1072 : memref<1x160x8xf32, #tpu.memory_space<hbm>> -> memref<160x8xf32, #tpu.memory_space<hbm>>
        %dma_start3A_1074 = arith.constant 0 : i32
        %dma_start3A_1075 = arith.constant 0 : i32
        %dma_start3A_1076 = tpu.memref_slice %arg20[%dma_start3A_1074, %dma_start3A_1075] : memref<256x8xf32, #tpu.memory_space<vmem>> -> memref<160x8xf32, #tpu.memory_space<vmem>>
        tpu.enqueue_dma source(%dma_start3A_1076 : memref<160x8xf32, #tpu.memory_space<vmem>>) target(%dma_start3A_1073 : memref<160x8xf32, #tpu.memory_space<hbm>>) target_semaphore(%run_scoped3A : memref<!tpu.dma_semaphore, #tpu.memory_space<semaphore_mem>>)
        %dma_wait3A_1077 = arith.constant 0 : i32
        %dma_wait3A_1078 = arith.constant 0 : i32
        %dma_wait3A_1079 = tpu.memref_slice %arg20[%dma_wait3A_1077, %dma_wait3A_1078] : memref<256x8xf32, #tpu.memory_space<vmem>> -> memref<160x8xf32, #tpu.memory_space<vmem>>
        %dma_wait3A_1080 = arith.constant 3840 : i32
        %dma_wait3A_1081 = arith.constant 0 : i32
        %dma_wait3A_1082 = tpu.memref_slice %arg7[%arg0, %dma_wait3A_1080, %dma_wait3A_1081] : memref<2x4000x8xf32, #tpu.memory_space<hbm>> -> memref<1x160x8xf32, #tpu.memory_space<hbm>>
        %dma_wait3A_1083 = tpu.memref_squeeze %dma_wait3A_1082 : memref<1x160x8xf32, #tpu.memory_space<hbm>> -> memref<160x8xf32, #tpu.memory_space<hbm>>
        %dma_wait3A_1084 = arith.constant 3840 : i32
        %dma_wait3A_1085 = arith.constant 0 : i32
        %dma_wait3A_1086 = tpu.memref_slice %arg7[%arg0, %dma_wait3A_1084, %dma_wait3A_1085] : memref<2x4000x8xf32, #tpu.memory_space<hbm>> -> memref<1x160x8xf32, #tpu.memory_space<hbm>>
        %dma_wait3A_1087 = tpu.memref_squeeze %dma_wait3A_1086 : memref<1x160x8xf32, #tpu.memory_space<hbm>> -> memref<160x8xf32, #tpu.memory_space<hbm>>
        %dma_wait3A_1088 = arith.constant 0 : i32
        %dma_wait3A_1089 = arith.constant 0 : i32
        %dma_wait3A_1090 = tpu.memref_slice %arg20[%dma_wait3A_1088, %dma_wait3A_1089] : memref<256x8xf32, #tpu.memory_space<vmem>> -> memref<160x8xf32, #tpu.memory_space<vmem>>
        tpu.wait_dma2 semaphore(%run_scoped3A : memref<!tpu.dma_semaphore, #tpu.memory_space<semaphore_mem>>) src(%dma_wait3A_1090 : memref<160x8xf32, #tpu.memory_space<vmem>>) dst(%dma_wait3A_1087 : memref<160x8xf32, #tpu.memory_space<hbm>>)
        tpu.yield
      }) : () -> ()
    } else {
    }
    %lt3A_270 = arith.constant 31 : i32
    %lt3A_271 = arith.cmpi slt, %add3A, %lt3A_270 : i32
    %convert_element_type3A_272 = arith.extui %lt3A_271 : i1 to i32
    %cond3A_273 = arith.constant 0 : i32
    %cond3A_274 = arith.cmpi ne, %convert_element_type3A_272, %cond3A_273 : i32
    scf.if %cond3A_274 {
      %mul3A_280 = arith.constant 128 : i32
      %mul3A_281 = arith.muli %add3A, %mul3A_280 : i32
      %multiple_of3A_282 = tpu.assume_multiple %mul3A_281, 128 : i32
      "tpu.region"() ({
        %run_scoped3A = tpu.sem_alloc : memref<!tpu.dma_semaphore, #tpu.memory_space<semaphore_mem>>
        %dma_start3A_288 = tpu.memref_slice %arg4[%multiple_of3A_282] : memref<4000xi32, #tpu.memory_space<hbm>> -> memref<128xi32, #tpu.memory_space<hbm>>
        %dma_start3A_289 = tpu.memref_slice %arg4[%multiple_of3A_282] : memref<4000xi32, #tpu.memory_space<hbm>> -> memref<128xi32, #tpu.memory_space<hbm>>
        tpu.enqueue_dma source(%dma_start3A_289 : memref<128xi32, #tpu.memory_space<hbm>>) target(%arg12 : memref<128xi32, #tpu.memory_space<vmem>>) target_semaphore(%run_scoped3A : memref<!tpu.dma_semaphore, #tpu.memory_space<semaphore_mem>>)
        %dma_wait3A_290 = tpu.memref_slice %arg4[%multiple_of3A_282] : memref<4000xi32, #tpu.memory_space<hbm>> -> memref<128xi32, #tpu.memory_space<hbm>>
        %dma_wait3A_291 = tpu.memref_slice %arg4[%multiple_of3A_282] : memref<4000xi32, #tpu.memory_space<hbm>> -> memref<128xi32, #tpu.memory_space<hbm>>
        tpu.wait_dma2 semaphore(%run_scoped3A : memref<!tpu.dma_semaphore, #tpu.memory_space<semaphore_mem>>) src(%dma_wait3A_291 : memref<128xi32, #tpu.memory_space<hbm>>) dst(%arg12 : memref<128xi32, #tpu.memory_space<vmem>>)
        tpu.yield
      }) : () -> ()
      %dma_start3A_283 = arith.constant 0 : i32
      %dma_start3A_284 = arith.constant 0 : i32
      %dma_start3A_285 = tpu.memref_slice %arg5[%dma_start3A_283, %dma_start3A_284] : memref<10000x128xf32, #tpu.memory_space<hbm>> -> memref<10000x128xf32, #tpu.memory_space<hbm>>
      tpu.enqueue_indirect_dma source(%dma_start3A_285 : memref<10000x128xf32, #tpu.memory_space<hbm>>) target(%arg15 : memref<128x128xf32, #tpu.memory_space<vmem>>) offsets(%arg12 : memref<128xi32, #tpu.memory_space<vmem>>) semaphore(%arg21 : memref<!tpu.dma_semaphore, #tpu.memory_space<semaphore_mem>>)
      %dma_wait3A = arith.constant 0 : i32
      %dma_wait3A_286 = arith.constant 0 : i32
      %dma_wait3A_287 = tpu.memref_slice %arg5[%dma_wait3A, %dma_wait3A_286] : memref<10000x128xf32, #tpu.memory_space<hbm>> -> memref<10000x128xf32, #tpu.memory_space<hbm>>
      tpu.wait_indirect_dma semaphore(%arg21 : memref<!tpu.dma_semaphore, #tpu.memory_space<semaphore_mem>>) src(%dma_wait3A_287 : memref<10000x128xf32, #tpu.memory_space<hbm>>) dst(%arg15 : memref<128x128xf32, #tpu.memory_space<vmem>>)
      "tpu.region"() ({
        %run_scoped3A = tpu.sem_alloc : memref<!tpu.dma_semaphore, #tpu.memory_space<semaphore_mem>>
        %dma_start3A_288 = arith.constant 0 : i32
        %dma_start3A_289 = tpu.memref_slice %arg8[%multiple_of3A_282, %dma_start3A_288] : memref<4000x128xf32, #tpu.memory_space<hbm>> -> memref<128x128xf32, #tpu.memory_space<hbm>>
        %dma_start3A_290 = arith.constant 0 : i32
        %dma_start3A_291 = tpu.memref_slice %arg8[%multiple_of3A_282, %dma_start3A_290] : memref<4000x128xf32, #tpu.memory_space<hbm>> -> memref<128x128xf32, #tpu.memory_space<hbm>>
        tpu.enqueue_dma source(%arg15 : memref<128x128xf32, #tpu.memory_space<vmem>>) target(%dma_start3A_291 : memref<128x128xf32, #tpu.memory_space<hbm>>) target_semaphore(%run_scoped3A : memref<!tpu.dma_semaphore, #tpu.memory_space<semaphore_mem>>)
        %dma_wait3A_292 = arith.constant 0 : i32
        %dma_wait3A_293 = tpu.memref_slice %arg8[%multiple_of3A_282, %dma_wait3A_292] : memref<4000x128xf32, #tpu.memory_space<hbm>> -> memref<128x128xf32, #tpu.memory_space<hbm>>
        %dma_wait3A_294 = arith.constant 0 : i32
        %dma_wait3A_295 = tpu.memref_slice %arg8[%multiple_of3A_282, %dma_wait3A_294] : memref<4000x128xf32, #tpu.memory_space<hbm>> -> memref<128x128xf32, #tpu.memory_space<hbm>>
        tpu.wait_dma2 semaphore(%run_scoped3A : memref<!tpu.dma_semaphore, #tpu.memory_space<semaphore_mem>>) src(%arg15 : memref<128x128xf32, #tpu.memory_space<vmem>>) dst(%dma_wait3A_295 : memref<128x128xf32, #tpu.memory_space<hbm>>)
        tpu.yield
      }) : () -> ()
    } else {
    }
    %eq3A_275 = arith.constant 31 : i32
    %eq3A_276 = arith.cmpi eq, %add3A, %eq3A_275 : i32
    %convert_element_type3A_277 = arith.extui %eq3A_276 : i1 to i32
    %cond3A_278 = arith.constant 0 : i32
    %cond3A_279 = arith.cmpi ne, %convert_element_type3A_277, %cond3A_278 : i32
    scf.if %cond3A_279 {
      "tpu.region"() ({
        %run_scoped3A = tpu.sem_alloc : memref<!tpu.dma_semaphore, #tpu.memory_space<semaphore_mem>>
        %dma_start3A_295 = arith.constant 0 : i32
        %dma_start3A_296 = tpu.memref_slice %arg12[%dma_start3A_295] : memref<128xi32, #tpu.memory_space<vmem>> -> memref<32xi32, #tpu.memory_space<vmem>>
        %dma_start3A_297 = arith.constant 3968 : i32
        %dma_start3A_298 = tpu.memref_slice %arg4[%dma_start3A_297] : memref<4000xi32, #tpu.memory_space<hbm>> -> memref<32xi32, #tpu.memory_space<hbm>>
        %dma_start3A_299 = arith.constant 0 : i32
        %dma_start3A_300 = tpu.memref_slice %arg12[%dma_start3A_299] : memref<128xi32, #tpu.memory_space<vmem>> -> memref<32xi32, #tpu.memory_space<vmem>>
        %dma_start3A_301 = arith.constant 3968 : i32
        %dma_start3A_302 = tpu.memref_slice %arg4[%dma_start3A_301] : memref<4000xi32, #tpu.memory_space<hbm>> -> memref<32xi32, #tpu.memory_space<hbm>>
        tpu.enqueue_dma source(%dma_start3A_302 : memref<32xi32, #tpu.memory_space<hbm>>) target(%dma_start3A_300 : memref<32xi32, #tpu.memory_space<vmem>>) target_semaphore(%run_scoped3A : memref<!tpu.dma_semaphore, #tpu.memory_space<semaphore_mem>>)
        %dma_wait3A_303 = arith.constant 0 : i32
        %dma_wait3A_304 = tpu.memref_slice %arg12[%dma_wait3A_303] : memref<128xi32, #tpu.memory_space<vmem>> -> memref<32xi32, #tpu.memory_space<vmem>>
        %dma_wait3A_305 = arith.constant 3968 : i32
        %dma_wait3A_306 = tpu.memref_slice %arg4[%dma_wait3A_305] : memref<4000xi32, #tpu.memory_space<hbm>> -> memref<32xi32, #tpu.memory_space<hbm>>
        %dma_wait3A_307 = arith.constant 0 : i32
        %dma_wait3A_308 = tpu.memref_slice %arg12[%dma_wait3A_307] : memref<128xi32, #tpu.memory_space<vmem>> -> memref<32xi32, #tpu.memory_space<vmem>>
        %dma_wait3A_309 = arith.constant 3968 : i32
        %dma_wait3A_310 = tpu.memref_slice %arg4[%dma_wait3A_309] : memref<4000xi32, #tpu.memory_space<hbm>> -> memref<32xi32, #tpu.memory_space<hbm>>
        tpu.wait_dma2 semaphore(%run_scoped3A : memref<!tpu.dma_semaphore, #tpu.memory_space<semaphore_mem>>) src(%dma_wait3A_310 : memref<32xi32, #tpu.memory_space<hbm>>) dst(%dma_wait3A_308 : memref<32xi32, #tpu.memory_space<vmem>>)
        tpu.yield
      }) : () -> ()
      %dma_start3A_280 = arith.constant 0 : i32
      %dma_start3A_281 = arith.constant 0 : i32
      %dma_start3A_282 = tpu.memref_slice %arg15[%dma_start3A_280, %dma_start3A_281] : memref<128x128xf32, #tpu.memory_space<vmem>> -> memref<32x128xf32, #tpu.memory_space<vmem>>
      %dma_start3A_283 = arith.constant 0 : i32
      %dma_start3A_284 = tpu.memref_slice %arg12[%dma_start3A_283] : memref<128xi32, #tpu.memory_space<vmem>> -> memref<32xi32, #tpu.memory_space<vmem>>
      %dma_start3A_285 = arith.constant 0 : i32
      %dma_start3A_286 = arith.constant 0 : i32
      %dma_start3A_287 = tpu.memref_slice %arg5[%dma_start3A_285, %dma_start3A_286] : memref<10000x128xf32, #tpu.memory_space<hbm>> -> memref<10000x128xf32, #tpu.memory_space<hbm>>
      tpu.enqueue_indirect_dma source(%dma_start3A_287 : memref<10000x128xf32, #tpu.memory_space<hbm>>) target(%dma_start3A_282 : memref<32x128xf32, #tpu.memory_space<vmem>>) offsets(%dma_start3A_284 : memref<32xi32, #tpu.memory_space<vmem>>) semaphore(%arg21 : memref<!tpu.dma_semaphore, #tpu.memory_space<semaphore_mem>>)
      %dma_wait3A = arith.constant 0 : i32
      %dma_wait3A_288 = arith.constant 0 : i32
      %dma_wait3A_289 = tpu.memref_slice %arg15[%dma_wait3A, %dma_wait3A_288] : memref<128x128xf32, #tpu.memory_space<vmem>> -> memref<32x128xf32, #tpu.memory_space<vmem>>
      %dma_wait3A_290 = arith.constant 0 : i32
      %dma_wait3A_291 = tpu.memref_slice %arg12[%dma_wait3A_290] : memref<128xi32, #tpu.memory_space<vmem>> -> memref<32xi32, #tpu.memory_space<vmem>>
      %dma_wait3A_292 = arith.constant 0 : i32
      %dma_wait3A_293 = arith.constant 0 : i32
      %dma_wait3A_294 = tpu.memref_slice %arg5[%dma_wait3A_292, %dma_wait3A_293] : memref<10000x128xf32, #tpu.memory_space<hbm>> -> memref<10000x128xf32, #tpu.memory_space<hbm>>
      tpu.wait_indirect_dma semaphore(%arg21 : memref<!tpu.dma_semaphore, #tpu.memory_space<semaphore_mem>>) src(%dma_wait3A_294 : memref<10000x128xf32, #tpu.memory_space<hbm>>) dst(%dma_wait3A_289 : memref<32x128xf32, #tpu.memory_space<vmem>>)
      "tpu.region"() ({
        %run_scoped3A = tpu.sem_alloc : memref<!tpu.dma_semaphore, #tpu.memory_space<semaphore_mem>>
        %dma_start3A_295 = arith.constant 0 : i32
        %dma_start3A_296 = arith.constant 0 : i32
        %dma_start3A_297 = tpu.memref_slice %arg15[%dma_start3A_295, %dma_start3A_296] : memref<128x128xf32, #tpu.memory_space<vmem>> -> memref<32x128xf32, #tpu.memory_space<vmem>>
        %dma_start3A_298 = arith.constant 3968 : i32
        %dma_start3A_299 = arith.constant 0 : i32
        %dma_start3A_300 = tpu.memref_slice %arg8[%dma_start3A_298, %dma_start3A_299] : memref<4000x128xf32, #tpu.memory_space<hbm>> -> memref<32x128xf32, #tpu.memory_space<hbm>>
        %dma_start3A_301 = arith.constant 3968 : i32
        %dma_start3A_302 = arith.constant 0 : i32
        %dma_start3A_303 = tpu.memref_slice %arg8[%dma_start3A_301, %dma_start3A_302] : memref<4000x128xf32, #tpu.memory_space<hbm>> -> memref<32x128xf32, #tpu.memory_space<hbm>>
        %dma_start3A_304 = arith.constant 0 : i32
        %dma_start3A_305 = arith.constant 0 : i32
        %dma_start3A_306 = tpu.memref_slice %arg15[%dma_start3A_304, %dma_start3A_305] : memref<128x128xf32, #tpu.memory_space<vmem>> -> memref<32x128xf32, #tpu.memory_space<vmem>>
        tpu.enqueue_dma source(%dma_start3A_306 : memref<32x128xf32, #tpu.memory_space<vmem>>) target(%dma_start3A_303 : memref<32x128xf32, #tpu.memory_space<hbm>>) target_semaphore(%run_scoped3A : memref<!tpu.dma_semaphore, #tpu.memory_space<semaphore_mem>>)
        %dma_wait3A_307 = arith.constant 0 : i32
        %dma_wait3A_308 = arith.constant 0 : i32
        %dma_wait3A_309 = tpu.memref_slice %arg15[%dma_wait3A_307, %dma_wait3A_308] : memref<128x128xf32, #tpu.memory_space<vmem>> -> memref<32x128xf32, #tpu.memory_space<vmem>>
        %dma_wait3A_310 = arith.constant 3968 : i32
        %dma_wait3A_311 = arith.constant 0 : i32
        %dma_wait3A_312 = tpu.memref_slice %arg8[%dma_wait3A_310, %dma_wait3A_311] : memref<4000x128xf32, #tpu.memory_space<hbm>> -> memref<32x128xf32, #tpu.memory_space<hbm>>
        %dma_wait3A_313 = arith.constant 3968 : i32
        %dma_wait3A_314 = arith.constant 0 : i32
        %dma_wait3A_315 = tpu.memref_slice %arg8[%dma_wait3A_313, %dma_wait3A_314] : memref<4000x128xf32, #tpu.memory_space<hbm>> -> memref<32x128xf32, #tpu.memory_space<hbm>>
        %dma_wait3A_316 = arith.constant 0 : i32
        %dma_wait3A_317 = arith.constant 0 : i32
        %dma_wait3A_318 = tpu.memref_slice %arg15[%dma_wait3A_316, %dma_wait3A_317] : memref<128x128xf32, #tpu.memory_space<vmem>> -> memref<32x128xf32, #tpu.memory_space<vmem>>
        tpu.wait_dma2 semaphore(%run_scoped3A : memref<!tpu.dma_semaphore, #tpu.memory_space<semaphore_mem>>) src(%dma_wait3A_318 : memref<32x128xf32, #tpu.memory_space<vmem>>) dst(%dma_wait3A_315 : memref<32x128xf32, #tpu.memory_space<hbm>>)
        tpu.yield
      }) : () -> ()
    } else {
    }
    return
  }
}

module attributes {stable_mosaic.version = 14 : i64} {
  func.func @body(%arg0: i32, %arg1: memref<2x4000x128xf32, #tpu.memory_space<vmem>>, %arg2: memref<2x4000x8xf32, #tpu.memory_space<vmem>>, %arg3: memref<4000x128xf32, #tpu.memory_space<vmem>>, %arg4: memref<4000x128xf32, #tpu.memory_space<vmem>>, %arg5: memref<128x128xf32, #tpu.memory_space<vmem>>, %arg6: memref<128x128xf32, #tpu.memory_space<vmem>>, %arg7: memref<128x128xf32, #tpu.memory_space<vmem>>, %arg8: memref<128xf32, #tpu.memory_space<vmem>>, %arg9: memref<128xf32, #tpu.memory_space<vmem>>, %arg10: memref<4000x128xf32, #tpu.memory_space<vmem>>) attributes {dimension_semantics = [#tpu.dimension_semantics<arbitrary>], iteration_bounds = array<i64: 1>, scalar_prefetch = 0 : i64, scratch_operands = 0 : i64, tpu.core_type = #tpu.core_type<tc>, window_params = [{transform_indices = @transform_0, window_bounds = array<i64: 2, 4000, 128>}, {transform_indices = @transform_1, window_bounds = array<i64: 2, 4000, 8>}, {transform_indices = @transform_2, window_bounds = array<i64: 4000, 128>}, {transform_indices = @transform_3, window_bounds = array<i64: 4000, 128>}, {pipeline_mode = #tpu.pipeline_mode<synchronous>, transform_indices = @transform_4, window_bounds = array<i64: 128, 128>}, {pipeline_mode = #tpu.pipeline_mode<synchronous>, transform_indices = @transform_5, window_bounds = array<i64: 128, 128>}, {pipeline_mode = #tpu.pipeline_mode<synchronous>, transform_indices = @transform_6, window_bounds = array<i64: 128, 128>}, {pipeline_mode = #tpu.pipeline_mode<synchronous>, transform_indices = @transform_7, window_bounds = array<i64: 128>}, {pipeline_mode = #tpu.pipeline_mode<synchronous>, transform_indices = @transform_8, window_bounds = array<i64: 128>}, {transform_indices = @transform_9, window_bounds = array<i64: 4000, 128>}]} {
    %get3A = arith.constant 0 : index
    %get3A_0 = arith.constant 0 : index
    %get3A_1 = arith.constant 0 : index
    %get3A_2 = vector.load %arg1[%get3A, %get3A_0, %get3A_1] : memref<2x4000x128xf32, #tpu.memory_space<vmem>>, vector<1x4000x128xf32>
    %get3A_3 = vector.shape_cast %get3A_2 : vector<1x4000x128xf32> to vector<4000x128xf32>
    %get3A_4 = arith.constant 1 : index
    %get3A_5 = arith.constant 0 : index
    %get3A_6 = arith.constant 0 : index
    %get3A_7 = vector.load %arg1[%get3A_4, %get3A_5, %get3A_6] : memref<2x4000x128xf32, #tpu.memory_space<vmem>>, vector<1x4000x128xf32>
    %get3A_8 = vector.shape_cast %get3A_7 : vector<1x4000x128xf32> to vector<4000x128xf32>
    %add3A = arith.addf %get3A_3, %get3A_8 : vector<4000x128xf32>
    %get3A_9 = arith.constant 0 : index
    %get3A_10 = arith.constant 0 : index
    %get3A_11 = arith.constant 0 : index
    %get3A_12 = vector.load %arg2[%get3A_9, %get3A_10, %get3A_11] : memref<2x4000x8xf32, #tpu.memory_space<vmem>>, vector<1x4000x8xf32>
    %get3A_13 = vector.shape_cast %get3A_12 : vector<1x4000x8xf32> to vector<4000x8xf32>
    %get3A_14 = arith.constant 1 : index
    %get3A_15 = arith.constant 0 : index
    %get3A_16 = arith.constant 0 : index
    %get3A_17 = vector.load %arg2[%get3A_14, %get3A_15, %get3A_16] : memref<2x4000x8xf32, #tpu.memory_space<vmem>>, vector<1x4000x8xf32>
    %get3A_18 = vector.shape_cast %get3A_17 : vector<1x4000x8xf32> to vector<4000x8xf32>
    %add3A_19 = arith.addf %get3A_13, %get3A_18 : vector<4000x8xf32>
    %slice3A = vector.extract_strided_slice %add3A_19 {offsets = [0, 0], sizes = [4000, 1], strides = [1, 1]} : vector<4000x8xf32> to vector<4000x1xf32>
    %max3A = arith.constant 1.000000e+00 : f32
    %max3A_20 = vector.broadcast %max3A : f32 to vector<4000x1xf32>
    %max3A_21 = arith.maximumf %slice3A, %max3A_20 : vector<4000x1xf32>
    %div3A = vector.broadcast %max3A_21 : vector<4000x1xf32> to vector<4000x128xf32>
    %div3A_22 = arith.divf %add3A, %div3A : vector<4000x128xf32>
    %get3A_23 = arith.constant 0 : index
    %get3A_24 = arith.constant 0 : index
    %get3A_25 = vector.load %arg5[%get3A_23, %get3A_24] : memref<128x128xf32, #tpu.memory_space<vmem>>, vector<128x128xf32>
    %dot_general3A = arith.constant dense<0.000000e+00> : vector<4000x128xf32>
    %dot_general3A_26 = tpu.matmul %div3A_22, %get3A_25, %dot_general3A {dimension_numbers = #tpu.dot_dimension_numbers<[1], [1], [0], [0], [0, 0, 1, 0], [], []>, transpose_lhs_hint = false} : vector<4000x128xf32>, vector<128x128xf32>, vector<4000x128xf32> -> vector<4000x128xf32>
    %get3A_27 = arith.constant 0 : index
    %get3A_28 = arith.constant 0 : index
    %get3A_29 = vector.load %arg3[%get3A_27, %get3A_28] : memref<4000x128xf32, #tpu.memory_space<vmem>>, vector<4000x128xf32>
    %get3A_30 = arith.constant 0 : index
    %get3A_31 = arith.constant 0 : index
    %get3A_32 = vector.load %arg6[%get3A_30, %get3A_31] : memref<128x128xf32, #tpu.memory_space<vmem>>, vector<128x128xf32>
    %dot_general3A_33 = arith.constant dense<0.000000e+00> : vector<4000x128xf32>
    %dot_general3A_34 = tpu.matmul %get3A_29, %get3A_32, %dot_general3A_33 {dimension_numbers = #tpu.dot_dimension_numbers<[1], [1], [0], [0], [0, 0, 1, 0], [], []>, transpose_lhs_hint = false} : vector<4000x128xf32>, vector<128x128xf32>, vector<4000x128xf32> -> vector<4000x128xf32>
    %add3A_35 = arith.addf %dot_general3A_26, %dot_general3A_34 : vector<4000x128xf32>
    %get3A_36 = arith.constant 0 : index
    %get3A_37 = arith.constant 0 : index
    %get3A_38 = vector.load %arg4[%get3A_36, %get3A_37] : memref<4000x128xf32, #tpu.memory_space<vmem>>, vector<4000x128xf32>
    %get3A_39 = arith.constant 0 : index
    %get3A_40 = arith.constant 0 : index
    %get3A_41 = vector.load %arg7[%get3A_39, %get3A_40] : memref<128x128xf32, #tpu.memory_space<vmem>>, vector<128x128xf32>
    %dot_general3A_42 = arith.constant dense<0.000000e+00> : vector<4000x128xf32>
    %dot_general3A_43 = tpu.matmul %get3A_38, %get3A_41, %dot_general3A_42 {dimension_numbers = #tpu.dot_dimension_numbers<[1], [1], [0], [0], [0, 0, 1, 0], [], []>, transpose_lhs_hint = false} : vector<4000x128xf32>, vector<128x128xf32>, vector<4000x128xf32> -> vector<4000x128xf32>
    %mul3A = arith.constant 2.500000e-01 : f32
    %mul3A_44 = vector.broadcast %mul3A : f32 to vector<4000x128xf32>
    %mul3A_45 = arith.mulf %mul3A_44, %dot_general3A_43 : vector<4000x128xf32>
    %add3A_46 = arith.addf %add3A_35, %mul3A_45 : vector<4000x128xf32>
    %get3A_47 = arith.constant 0 : index
    %get3A_48 = vector.load %arg8[%get3A_47] : memref<128xf32, #tpu.memory_space<vmem>>, vector<128xf32>
    %get3A_49 = arith.constant 0 : index
    %get3A_50 = vector.load %arg9[%get3A_49] : memref<128xf32, #tpu.memory_space<vmem>>, vector<128xf32>
    %mul3A_51 = arith.constant 2.500000e-01 : f32
    %mul3A_52 = vector.broadcast %mul3A_51 : f32 to vector<128xf32>
    %mul3A_53 = arith.mulf %mul3A_52, %get3A_50 : vector<128xf32>
    %add3A_54 = arith.addf %get3A_48, %mul3A_53 : vector<128xf32>
    %broadcast_in_dim3A = vector.shape_cast %add3A_54 : vector<128xf32> to vector<1x128xf32>
    %add3A_55 = vector.broadcast %broadcast_in_dim3A : vector<1x128xf32> to vector<4000x128xf32>
    %add3A_56 = arith.addf %add3A_46, %add3A_55 : vector<4000x128xf32>
    %max3A_57 = arith.constant 0.000000e+00 : f32
    %max3A_58 = vector.broadcast %max3A_57 : f32 to vector<4000x128xf32>
    %max3A_59 = arith.maximumf %add3A_56, %max3A_58 : vector<4000x128xf32>
    %swap3A = arith.constant 0 : index
    %swap3A_60 = arith.constant 0 : index
    %swap3A_61 = vector.load %arg10[%swap3A, %swap3A_60] : memref<4000x128xf32, #tpu.memory_space<vmem>>, vector<4000x128xf32>
    tpu.vector_store %arg10[%swap3A, %swap3A_60], %max3A_59 {strides = array<i32>} : memref<4000x128xf32, #tpu.memory_space<vmem>>, vector<4000x128xf32>,
    return
  }
  func.func @transform_0(%arg0: i32) -> (i32, i32, i32) {
    %c0_i32 = arith.constant 0 : i32
    %c0_i32_0 = arith.constant 0 : i32
    %c0_i32_1 = arith.constant 0 : i32
    return %c0_i32, %arg0, %c0_i32_0 : i32, i32, i32
  }
  func.func @transform_1(%arg0: i32) -> (i32, i32, i32) {
    %c0_i32 = arith.constant 0 : i32
    %c0_i32_0 = arith.constant 0 : i32
    %c0_i32_1 = arith.constant 0 : i32
    return %c0_i32, %arg0, %c0_i32_0 : i32, i32, i32
  }
  func.func @transform_2(%arg0: i32) -> (i32, i32) {
    %c0_i32 = arith.constant 0 : i32
    %c0_i32_0 = arith.constant 0 : i32
    return %arg0, %c0_i32 : i32, i32
  }
  func.func @transform_3(%arg0: i32) -> (i32, i32) {
    %c0_i32 = arith.constant 0 : i32
    %c0_i32_0 = arith.constant 0 : i32
    return %arg0, %c0_i32 : i32, i32
  }
  func.func @transform_4(%arg0: i32) -> (i32, i32) {
    %c0_i32 = arith.constant 0 : i32
    %c0_i32_0 = arith.constant 0 : i32
    %c0_i32_1 = arith.constant 0 : i32
    return %c0_i32, %c0_i32_0 : i32, i32
  }
  func.func @transform_5(%arg0: i32) -> (i32, i32) {
    %c0_i32 = arith.constant 0 : i32
    %c0_i32_0 = arith.constant 0 : i32
    %c0_i32_1 = arith.constant 0 : i32
    return %c0_i32, %c0_i32_0 : i32, i32
  }
  func.func @transform_6(%arg0: i32) -> (i32, i32) {
    %c0_i32 = arith.constant 0 : i32
    %c0_i32_0 = arith.constant 0 : i32
    %c0_i32_1 = arith.constant 0 : i32
    return %c0_i32, %c0_i32_0 : i32, i32
  }
  func.func @transform_7(%arg0: i32) -> i32 {
    %c0_i32 = arith.constant 0 : i32
    %c0_i32_0 = arith.constant 0 : i32
    return %c0_i32 : i32
  }
  func.func @transform_8(%arg0: i32) -> i32 {
    %c0_i32 = arith.constant 0 : i32
    %c0_i32_0 = arith.constant 0 : i32
    return %c0_i32 : i32
  }
  func.func @transform_9(%arg0: i32) -> (i32, i32) {
    %c0_i32 = arith.constant 0 : i32
    %c0_i32_0 = arith.constant 0 : i32
    return %arg0, %c0_i32 : i32, i32
  }
}

</mosaic_0001>

<sc_bundles>
// kernel: kernel.4.cloned.1.call-start
scs
__scs_entry_jumppad:
0x0: {  	(pc) =	sbr.rel $0x88, $3  }
0x1: {  	(tag) =	ssettag $0x0;
	lr =	simm.s32 $0x1  }
0x2: {  	[smem:$0x3F98] =	sst lr;
	_ =	strace $0xD0000000  }
0x3: {  	_ = 	snop  }
0x4: {  	_ = 	snop  }
0x5: {  	_ = 	snop  }
0x6: {  	_ = 	snop  }
0x7: {  	_ = 	snop  }
__scs_overlays_trampoline_lowered:
0x8: {  	[smem:$0x3FA7] =	sst s0  }
0x9: {  	[smem:$0x3FA8] =	sst s1  }
0xa: {  	[smem:$0x3FA9] =	sst s2  }
0xb: {  	[smem:$0x3FAA] =	sst s3  }
0xc: {  	[smem:$0x3FAB] =	sst s4  }
0xd: {  	[smem:$0x3FAC] =	sst s5  }
0xe: {  	[smem:$0x3FAD] =	sst s6  }
0xf: {  	[smem:$0x3FAE] =	sst s7  }
0x10: {  	[smem:$0x3FAF] =	sst s8  }
0x11: {  	[smem:$0x3FB0] =	sst s9;
	s0 =	simm.s32 @!p0 $0x0  }
0x12: {  	s1 =	sld [smem:$0x3F96];
	s0 =	simm.s32 @p0 $0x1  }
0x13: {  	[smem:$0x3FB1] =	sst s0;
	s0 =	simm.s32 @!p1 $0x0  }
0x14: {  	s2 =	sld [smem:$0x3F95];
	s0 =	simm.s32 @p1 $0x1  }
0x15: {  	[smem:$0x3FB2] =	sst s0;
	s0 =	simm.s32 @!p2 $0x0  }
0x16: {  	s3 =	sld [smem:$0x3FDB];
	s0 =	simm.s32 @p2 $0x1  }
0x17: {  	s4 =	simm.s32 $0x1BF5;
	[smem:$0x3FB4] =	sst s0  }
0x18: {  	s0 =	sld [smem:$0x3F97];
	_ =	swait.ge [sflag:s4], $0x0  }
0x19: {  	s7 =	sld [smem:$0x3F98]  }
0x1a: {  	s8 =	sadd.s32 $0xFFFFE003, lr  }
0x1b: {  	s9 =	sadd.s32 $0xFFFFFEF7, lr;
	s5 =	simm.s32 $0xFFFFFFFF;
	p2 =	slt.u32 s8, $0xFFFFF086  }
0x1c: {  	p1 =	slt.u32 s9, $0xF7A;
	s5 =	simm.s32 @!p2 $0x0  }
0x1d: {  	s5 =	simm.s32 @p1 $0x1;
	p0 =	seq.s32 s7, s2  }
0x1e: {  	s7 =	smul.u32 @!p0 $0xF7A, s2;
	p2 =	seq.s32 @!p0 s5, $0x0  }
0x1f: {  	s9 =	smul.u32 $0xF7A, s1;
	s8 =	simm.s32 @!p0 $0x1BF5;
	p2 =	por !p2, p0  }
0x20: {  	[sflag:s8] =	ssyncset.s32 @!p0 $0xFFFFF086;
	s6 =	sadd.s32 @!p0 s3, s7;
	s7 =	simm.s32 @!p0 $0x108  }
0x21: {  	s3 =	sadd.s32 s3, s9;
	s6 =	sadd.s32 @!p0 $0x88, s6;
	s7 =	simm.s32 @p2 $0x1082  }
0x22: {  	[simem:s7], [sflag:s8] =	dma.local @!p0 [hbm:s6], $0xF7A  }
0x23: {  	s9 =	sor.u32 $0xD0000000, s2;
	s6 =	simm.s32 $0x108;
	_ =	swait.ge @!p0 [sflag:s8], $0x0  }
0x24: {  	s3 =	sadd.s32 $0x88, s3;
	s6 =	simm.s32 @!p1 $0x1082;
	[sflag:s4] =	ssyncset.s32 $0xFFFFF086  }
0x25: {  	[simem:s6], [sflag:s4] =	dma.local [hbm:s3], $0xF7A  }
0x26: {  	[smem:$0x3F98] =	sst s1;
	(tag) =	ssettag s2;
	_ =	strace s9  }
0x27: {  	s1 =	sld [smem:$0x3FA8]  }
0x28: {  	s2 =	sld [smem:$0x3FA9]  }
0x29: {  	s4 =	sld [smem:$0x3FAB]  }
0x2a: {  	p0 =	seq.s32 s5, $0x0;
	s5 =	sld [smem:$0x3FAC]  }
0x2b: {  	s6 =	sld [smem:$0x3FAD]  }
0x2c: {  	s7 =	sld [smem:$0x3FAE]  }
0x2d: {  	s3 =	simm.s32 $0x108;
	s8 =	sld [smem:$0x3FAF]  }
0x2e: {  	s3 =	simm.s32 @!p0 $0x1082;
	s9 =	sld [smem:$0x3FB0]  }
0x2f: {  	lr =	sadd.s32 s0, s3;
	s0 =	sld [smem:$0x3FA7]  }
0x30: {  	s3 =	sld [smem:$0x3FAA]  }
0x31: {  	[smem:$0x3FB3] =	sst s10  }
0x32: {  	s10 =	sld [smem:$0x3FB1];
	_ =	sdelay $0x3  }
0x33: {  	p0 =	seq.s32 s10, $0x1;
	s10 =	sld [smem:$0x3FB3];
	_ =	sdelay $0x3  }
0x34: {  	[smem:$0x3FB3] =	sst s10  }
0x35: {  	s10 =	sld [smem:$0x3FB2];
	_ =	sdelay $0x3  }
0x36: {  	p1 =	seq.s32 s10, $0x1;
	s10 =	sld [smem:$0x3FB3];
	_ =	sdelay $0x3  }
0x37: {  	[smem:$0x3FB3] =	sst s10  }
0x38: {  	s10 =	sld [smem:$0x3FB4]  }
0x39: {  	_ = 	snop;
	(pc) =	sbr.ind lr, $3  }
0x3a: {  	_ = 	snop  }
0x3b: {  	_ = 	snop  }
0x3c: {  	p2 =	seq.s32 s10, $0x1;
	s10 =	sld [smem:$0x3FB3]  }
0x3d: {  	_ =	shalt  }
0x3e: {  	_ =	shalt  }
0x3f: {  	_ =	shalt  }
0x40: {  	_ =	shalt  }
0x41: {  	_ =	shalt  }
0x42: {  	_ =	shalt  }
0x43: {  	_ =	shalt  }
0x44: {  	_ =	shalt  }
0x45: {  	_ =	shalt  }
0x46: {  	_ =	shalt  }
0x47: {  	_ =	shalt  }
0x48: {  	_ =	shalt  }
0x49: {  	_ =	shalt  }
0x4a: {  	_ =	shalt  }
0x4b: {  	_ =	shalt  }
0x4c: {  	_ =	shalt  }
0x4d: {  	_ =	shalt  }
0x4e: {  	_ =	shalt  }
0x4f: {  	_ =	shalt  }
0x50: {  	_ =	shalt  }
0x51: {  	_ =	shalt  }
0x52: {  	_ =	shalt  }
0x53: {  	_ =	shalt  }
0x54: {  	_ =	shalt  }
0x55: {  	_ =	shalt  }
0x56: {  	_ =	shalt  }
0x57: {  	_ =	shalt  }
0x58: {  	_ =	shalt  }
0x59: {  	_ =	shalt  }
0x5a: {  	_ =	shalt  }
0x5b: {  	_ =	shalt  }
0x5c: {  	_ =	shalt  }
0x5d: {  	_ =	shalt  }
0x5e: {  	_ =	shalt  }
0x5f: {  	_ =	shalt  }
0x60: {  	_ =	shalt  }
0x61: {  	_ =	shalt  }
0x62: {  	_ =	shalt  }
0x63: {  	_ =	shalt  }
0x64: {  	_ =	shalt  }
0x65: {  	_ =	shalt  }
0x66: {  	_ =	shalt  }
0x67: {  	_ =	shalt  }
0x68: {  	_ =	shalt  }
0x69: {  	_ =	shalt  }
0x6a: {  	_ =	shalt  }
0x6b: {  	_ =	shalt  }
0x6c: {  	_ =	shalt  }
0x6d: {  	_ =	shalt  }
0x6e: {  	_ =	shalt  }
0x6f: {  	_ =	shalt  }
0x70: {  	_ =	shalt  }
0x71: {  	_ =	shalt  }
0x72: {  	_ =	shalt  }
0x73: {  	_ =	shalt  }
0x74: {  	_ =	shalt  }
0x75: {  	_ =	shalt  }
0x76: {  	_ =	shalt  }
0x77: {  	_ =	shalt  }
0x78: {  	_ =	shalt  }
0x79: {  	_ =	shalt  }
0x7a: {  	_ =	shalt  }
0x7b: {  	_ =	shalt  }
0x7c: {  	_ =	shalt  }
0x7d: {  	_ =	shalt  }
0x7e: {  	_ =	shalt  }
0x7f: {  	_ =	shalt  }
0x80: {  	_ =	shalt  }
0x81: {  	_ =	shalt  }
0x82: {  	_ =	shalt  }
0x83: {  	_ =	shalt  }
0x84: {  	_ =	shalt  }
0x85: {  	_ =	shalt  }
0x86: {  	_ =	shalt  }
0x87: {  	_ =	shalt  }
.Lfunc_end0:
.L_simem_size_0:
called_computation_lowered:
.L_overlay_start_0:
0x88: {  	s2 =	sld [smem:$0x3FD9]  }
0x89: {  	s3 =	sld [smem:$0x3FFE];
	_ =	sdelay $0x1  }
0x8a: {  	s1 =	srdreg.scid  }
0x8b: {  	s0 =	sand.u32 $0x1, s1  }
0x8c: {  	s11 =	sshll.u32 s0, $0xA;
	s2 =	sadd.s32 s3, s2  }
0x8d: {  	s2 =	sadd.s32 s2, s11  }
0x8e: {  	[smem:$0x3FBF] =	sst s2  }
0x8f: {  	_ = 	snop  }
0x90: {  	s6 =	sld [smem:$0x3FC9]  }
0x91: {  	s12 =	sld [smem:$0x3FC7]  }
0x92: {  	s4 =	sld [smem:$0x3FC6]  }
0x93: {  	s5 =	sld [smem:$0x3FD0];
	(tm) =	ssettm $0x1  }
0x94: {  	s13 =	sld [smem:$0x3FFB];
	_ =	sdelay $0x3  }
0x95: {  	_ =	strace s13  }
0x96: {  	s2 =	sld [smem:$0x3FFC];
	_ =	sdelay $0x3  }
0x97: {  	_ =	strace s2  }
0x98: {  	s2 =	sld [smem:$0x3FFD];
	_ =	sdelay $0x3  }
0x99: {  	_ =	strace s2  }
0x9a: {  	_ =	strace $0x8FFFFFFF  }
0x9b: {  	s14 =	sld [smem:$0x3FDB];
	_ =	sdelay $0x1  }
0x9c: {  	s7 =	simm.s32 $_scs_section_size  }
0x9d: {  	s8 =	simm.s32 $_size__tile_task_arg_handler_lowered;
	s9 =	simm.s32 $_tile_task_arg_handler_lowered  }
0x9e: {  	s17 =	simm.s32 $0x1BFF;
	s16 =	sshll.u32 s9, $0x1;
	s7 =	sadd.s32 s7, s14  }
0x9f: {  	s10 =	simm.s32 $0x60;
	s15 =	sshll.u32 s8, $0x1;
	s8 =	sadd.s32 s16, s7  }
0xa0: {  	[timem:s10], [sflag:s17] =	dma.local [hbm:s8], s15  }
0xa1: {  	_ =	swait.ge [sflag:s17], s15  }
0xa2: {  	s18 =	simm.s32 $_tile_overlayer_lowered;
	s2 =	ssub.s32 $0x0, s15;
	[sflag:s17] =	ssyncset.done $0x0  }
0xa3: {  	s19 =	simm.s32 $_size__tile_overlayer_lowered;
	s8 =	sshll.u32 s18, $0x1;
	[sflag:s17] =	ssyncadd.s32 s2  }
0xa4: {  	s21 =	simm.s32 $0x0;
	s20 =	sshll.u32 s19, $0x1;
	s8 =	sadd.s32 s8, s7  }
0xa5: {  	[timem:s21], [sflag:s17] =	dma.local [hbm:s8], s20  }
0xa6: {  	_ =	swait.ge [sflag:s17], s20  }
0xa7: {  	s22 =	ssub.s32 $0x0, s20;
	[sflag:s17] =	ssyncset.done $0x0  }
0xa8: {  	[sflag:s17] =	ssyncadd.s32 s22;
	_ =	sdelay $0x1  }
0xa9: {  	s23 =	simm.s32 $0x1B8B  }
0xaa: {  	_ =	swait.ge [sflag:s23], $0x1  }
0xab: {  	[sflag:s23] =	ssyncset.done $0x0  }
0xac: {  	s25 =	simm.s32 $0x1B8E;
	s24 =	sld [smem:$0x3FFE];
	[sflag:s23] =	ssyncadd.s32 $0xFFFFFFFF  }
0xad: {  	s26 =	simm.s32 $execute0_lowered;
	[smem:$0x3FD2] =	sst s25  }
0xae: {  	s9 =	sshll.u32 s26, $0x1;
	_ =	strace $0x80000046;
	[dreg:$0x1] =	wrdreg $0xFFFFFFFF  }
0xaf: {  	s28 =	simm.s32 $_size_execute0_lowered;
	s7 =	sadd.s32 s7, s9;
	[dreg:$0x0] =	wrdreg $0x0  }
0xb0: {  	s9 =	sshll.u32 s28, $0x1;
	[dreg:$0x2] =	wrdreg s7  }
0xb1: {  	[dreg:$0x3] =	wrdreg s9  }
0xb2: {  	[dreg:$0x4] =	wrdreg $0xC0  }
0xb3: {  	_ =	task [dreg:s21], $0x5FFFF  }
0xb4: {  	[dreg:$0x1] =	wrdreg $0xFFFFFFFF  }
0xb5: {  	[dreg:$0x0] =	wrdreg $0x30  }
0xb6: {  	[dreg:$0x2] =	wrdreg $0x0  }
0xb7: {  	[dreg:$0x3] =	wrdreg $0x1E9800  }
0xb8: {  	[dreg:$0x4] =	wrdreg $0x1EA800  }
0xb9: {  	[dreg:$0x5] =	wrdreg $0x1EB800  }
0xba: {  	[dreg:$0x6] =	wrdreg $0x1EC800  }
0xbb: {  	[dreg:$0x7] =	wrdreg $0x1ED800  }
0xbc: {  	[dreg:$0x8] =	wrdreg $0x1EE800  }
0xbd: {  	[dreg:$0x9] =	wrdreg $0x1EF800  }
0xbe: {  	[dreg:$0xa] =	wrdreg $0x1F0800  }
0xbf: {  	[dreg:$0xb] =	wrdreg $0x9  }
0xc0: {  	_ =	task [dreg:s21], $0xCFFFF  }
0xc1: {  	[dreg:$0x1] =	wrdreg $0xFFFFFFFF  }
0xc2: {  	[dreg:$0x0] =	wrdreg $0x60  }
0xc3: {  	[dreg:$0x2] =	wrdreg s6  }
0xc4: {  	[dreg:$0x3] =	wrdreg s24  }
0xc5: {  	[dreg:$0x4] =	wrdreg s12  }
0xc6: {  	[dreg:$0x5] =	wrdreg s4  }
0xc7: {  	[dreg:$0x6] =	wrdreg s5  }
0xc8: {  	[dreg:$0x7] =	wrdreg $0x164800  }
0xc9: {  	[dreg:$0x8] =	wrdreg $0x1E1800  }
0xca: {  	[dreg:$0x9] =	wrdreg $0x1E2800  }
0xcb: {  	[dreg:$0xa] =	wrdreg $0x1E3800  }
0xcc: {  	[dreg:$0xb] =	wrdreg $0x1E4800  }
0xcd: {  	[dreg:$0xc] =	wrdreg $0x1E5800  }
0xce: {  	[dreg:$0xd] =	wrdreg $0x1E6800  }
0xcf: {  	[dreg:$0xe] =	wrdreg $0x1E7800  }
0xd0: {  	[dreg:$0xf] =	wrdreg $0x1E8800  }
0xd1: {  	_ =	task.clear_ibuf [dreg:s21], $0x10FFFF;
	_ =	strace $0x90000046  }
0xd2: {  	s29 =	simm.s32 $0x9;
	_ =	strace $0x80000048  }
0xd3: {  	_ =	swait.ge [sflag:s29], $0x1  }
0xd4: {  	[sflag:s29] =	ssyncadd.s32 $0xFFFFFFFF  }
0xd5: {  	_ =	strace $0x90000048  }
0xd6: {  	_ =	sfence  }
0xd7: {  	s30 =	sld [smem:$0x0];
	_ =	sdelay $0x2  }
0xd8: {  	s31 =	sshll.u32 s1, $0xD;
	s1 =	sshrl.u32 s1, $0x2  }
0xd9: {  	s4 =	sand.u32 $0x4000, s31;
	s1 =	sadd.s32 s1, s30  }
0xda: {  	s0 =	sor.u32 s4, s0;
	s1 =	sshll.u32 s1, $0x11  }
0xdb: {  	s0 =	sor.u32 s1, s0  }
0xdc: {  	s0 =	sadd.s32 $0x8F2B, s0  }
0xdd: {  	[sflag:s0] =	ssyncadd.remote.s32 $0x1  }
0xde: {  	_ =	sfence.sel $0xFFFF  }
0xdf: {  	[dreg:$0x0] =	wrdreg $0xFFFFFFFF;
	(pc) =	sbr.abs _section_cstart, $3  }
0xe0: {  	[dreg:$0x1] =	wrdreg $0xFFFFFFFF  }
0xe1: {  	_ =	task.clear_ibuf [dreg:s21], $0x2FFFF;
	_ =	strace $0x9FFFFFFF  }
0xe2: {  	(tm) =	ssettm $0x7FFFFFFF  }
0xe3: {  	_ =	shalt  }
tec
_tile_task_arg_handler_lowered:
.L_overlay_start_1:
0x0: {  	(tag) =	ssettag $0x1  }
0x1: {  	s0 =	rddreg [dreg:$0x0]  }
0x2: {  	s1 =	rddreg [dreg:$0x1]  }
0x3: {  	s2 =	rddreg [dreg:$0x2]  }
0x4: {  	s3 =	rddreg [dreg:$0x3]  }
0x5: {  	s4 =	rddreg [dreg:$0x4]  }
0x6: {  	s5 =	rddreg [dreg:$0x5]  }
0x7: {  	s6 =	rddreg [dreg:$0x6]  }
0x8: {  	s7 =	rddreg [dreg:$0x7]  }
0x9: {  	s8 =	rddreg [dreg:$0x8]  }
0xa: {  	s9 =	rddreg [dreg:$0x9]  }
0xb: {  	s10 =	rddreg [dreg:$0xa]  }
0xc: {  	s11 =	rddreg [dreg:$0xb]  }
0xd: {  	s12 =	rddreg [dreg:$0xc]  }
0xe: {  	s13 =	rddreg [dreg:$0xd]  }
0xf: {  	[smem:s0] =	sst s1  }
0x10: {  	[smem:s0+$0x1] =	sst s2  }
0x11: {  	[smem:s0+$0x2] =	sst s3  }
0x12: {  	[smem:s0+$0x3] =	sst s4  }
0x13: {  	[smem:s0+$0x4] =	sst s5  }
0x14: {  	[smem:s0+$0x5] =	sst s6  }
0x15: {  	[smem:s0+$0x6] =	sst s7  }
0x16: {  	[smem:s0+$0x7] =	sst s8  }
0x17: {  	[smem:s0+$0x8] =	sst s9  }
0x18: {  	[smem:s0+$0x9] =	sst s10  }
0x19: {  	[smem:s0+$0xA] =	sst s11  }
0x1a: {  	[smem:s0+$0xB] =	sst s12  }
0x1b: {  	[smem:s0+$0xC] =	sst s13;
	_ =	shalt  }
.Lfunc_end2:
execute0_lowered:
.L_overlay_start_2:
0x1c: {  	(tag) =	ssettag $0x2  }
0x1d: {  	s0 =	srdreg.scid;
	s19 =	stileid.u32  }
0x1e: {  	s8 =	sand.u32 $0x1, s0;
	s5 =	sshll.u32 s19, $0x1  }
0x1f: {  	s0 =	sor.u32 s8, s5  }
0x20: {  	s9 =	smul.u32 $0x9C4, s0;
	_ =	sdelay $0x1  }
0x21: {  	s2 =	sshrl.u32 s9, $0x5;
	s3 =	sadd.s32 $0x9C4, s9  }
0x22: {  	s1 =	rddreg [dreg:$0x0];
	s3 =	sshrl.u32 s3, $0x5;
	s5 =	sxor.u32 $0xFFFFFFFF, s2  }
0x23: {  	s10 =	rddreg [dreg:$0x1];
	s7 =	sadd.s32 s5, s3  }
0x24: {  	s4 =	rddreg [dreg:$0x2];
	s5 =	sshll.u32 s7, $0x10  }
0x25: {  	s26 =	rddreg [dreg:$0x4];
	s11 =	sshra.s32 s5, $0x10  }
0x26: {  	s20 =	rddreg [dreg:$0x6];
	s11 =	smul.u32 $0x5556, s11  }
0x27: {  	s21 =	rddreg [dreg:$0x7]  }
0x28: {  	s22 =	rddreg [dreg:$0x8];
	s12 =	sshrl.u32 s11, $0x1F;
	s11 =	sshrl.u32 s11, $0x10  }
0x29: {  	s23 =	rddreg [dreg:$0x9];
	s15 =	smul.u32 $0x7D000, s8;
	s11 =	sadd.s32 s12, s11  }
0x2a: {  	s17 =	sshll.u32 s19, $0xF;
	s13 =	ssub.s32 $0x2, s8;
	s11 =	smul.u32 $0x3, s11  }
0x2b: {  	s24 =	rddreg [dreg:$0xa];
	s6 =	sshrl.u32 s13, $0x1;
	s25 =	sadd.s32 s17, s15  }
0x2c: {  	s31 =	ssub.s32 s13, s6;
	s6 =	sshrl.u32 s25, $0x3;
	s7 =	ssub.s32 s7, s11  }
0x2d: {  	s5 =	rddreg [dreg:$0x5];
	s14 =	sshll.u32 s7, $0x10;
	s7 =	sshrl.u32 s15, $0x3  }
0x2e: {  	s12 =	sadd.s32 $0x15200, s10;
	s18 =	sadd.s32 $0xF000, s7;
	s7 =	simm.s32 $0x0  }
0x2f: {  	s11 =	sshra.s32 s14, $0x10;
	s14 =	sadd.s32 s12, s18;
	[smem:$0x7FF] =	sst s7  }
0x30: {  	s12 =	sadd.s32 s12, s6;
	[dreg:$0xe] =	wrdreg s14  }
0x31: {  	s29 =	smul.u32 $0x1388, s19;
	[dreg:$0x10] =	wrdreg s12  }
0x32: {  	p1 =	sgt.s32 s19, $0x3;
	s8 =	smul.u32 $0x9C4, s8;
	s12 =	rddreg [dreg:$0xb]  }
0x33: {  	s16 =	sadd.s32 $0x34600, s10;
	p3 =	sgt.s32 @p1 s19, $0x5;
	s14 =	rddreg [dreg:$0xd]  }
0x34: {  	p6 =	sgt.s32 @!p1 s19, $0x1;
	s8 =	sadd.s32 s8, s29;
	s15 =	sld [smem:$0x0]  }
0x35: {  	p0 =	slt.s32 s11, $0x0;
	s13 =	sadd.s32 $0x3, s11;
	s25 =	sld [smem:$0x2]  }
0x36: {  	s9 =	sand.u32 $0x1FFE0, s9;
	s11 =	smov.u32 @p0 s13;
	s28 =	sld [smem:$0x3]  }
0x37: {  	s13 =	sadd.s32 s16, s18;
	s29 =	sld [smem:$0x4];
	p0 =	seq.s32 s11, $0x0  }
0x38: {  	[dreg:$0xf] =	wrdreg s13;
	s13 =	sadd.s32 s16, s6;
	s6 =	simm.s32 @!p0 $0x0  }
0x39: {  	s7 =	sld [smem:$0x6];
	p2 =	seq.s32 s11, $0x2;
	s6 =	simm.s32 @p0 $0x1  }
0x3a: {  	s10 =	sadd.s32 $0x1800, s10;
	[smem:$0x7E4] =	sst s6;
	s6 =	simm.s32 @!p2 $0x0  }
0x3b: {  	[dreg:$0x11] =	wrdreg s13;
	s6 =	simm.s32 @p2 $0x1;
	p2 =	sne.s32 s11, $0x1  }
0x3c: {  	s18 =	sadd.s32 s10, s9;
	[smem:$0x7CA] =	sst s6;
	s6 =	simm.s32 @!p2 $0x0  }
0x3d: {  	s13 =	rddreg [dreg:$0xc];
	p0 =	por !p3, !p1;
	s6 =	simm.s32 @p2 $0x1  }
0x3e: {  	s16 =	sand.u32 $0x3FFE0, s8;
	[smem:$0x7CB] =	sst s6;
	s6 =	simm.s32 @!p0 $0x0  }
0x3f: {  	p2 =	seq.s32 @!p0 s19, $0x6;
	s6 =	simm.s32 @p0 $0x1;
	p0 =	por !p6, p1  }
0x40: {  	s9 =	sadd.s32 s16, s10;
	s16 =	sld [smem:$0x1];
	s10 =	simm.s32 @!p0 $0x0  }
0x41: {  	s11 =	sld [smem:$0x7];
	s10 =	simm.s32 @p0 $0x1  }
0x42: {  	[smem:$0x7CD] =	sst s10  }
0x43: {  	s10 =	sld [smem:$0x8]  }
0x44: {  	[smem:$0x7CC] =	sst s6  }
0x45: {  	s6 =	sld [smem:$0x5]  }
0x46: {  	[dreg:$0x18] =	wrdreg s10  }
0x47: {  	_ =	strace $0x80000047;
	[dreg:$0x12] =	wrdreg s15  }
0x48: {  	[dreg:$0x13] =	wrdreg s16  }
0x49: {  	[dreg:$0x14] =	wrdreg s25  }
0x4a: {  	[dreg:$0x15] =	wrdreg s28  }
0x4b: {  	[dreg:$0x16] =	wrdreg s29  }
0x4c: {  	[dreg:$0x17] =	wrdreg s6  }
0x4d: {  	s10 =	sshll.u32 s19, $0x8;
	[dreg:$0x19] =	wrdreg s7  }
0x4e: {  	s30 =	sadd.s32 s17, s5;
	s17 =	sadd.s32 s10, s20;
	[dreg:$0x1a] =	wrdreg s11  }
0x4f: {  	s20 =	sadd.s32 $0xF00, s20;
	[dreg:$0x1b] =	wrdreg s17  }
0x50: {  	s17 =	sadd.s32 s10, s21;
	[smem:$0x7EE] =	sst s20  }
0x51: {  	s21 =	sadd.s32 $0xF00, s21;
	[dreg:$0x1c] =	wrdreg s17  }
0x52: {  	s20 =	sadd.s32 $0xF00, s16;
	[smem:$0x7EF] =	sst s21  }
0x53: {  	s17 =	sadd.s32 s10, s22;
	[smem:$0x7F7] =	sst s20  }
0x54: {  	s22 =	sadd.s32 $0xF00, s22;
	[dreg:$0x1d] =	wrdreg s17  }
0x55: {  	s21 =	sadd.s32 $0xF00, s25;
	[smem:$0x7F0] =	sst s22  }
0x56: {  	s17 =	sadd.s32 s10, s23;
	[smem:$0x7F8] =	sst s21  }
0x57: {  	s22 =	sadd.s32 $0xF00, s28;
	[dreg:$0x1e] =	wrdreg s17  }
0x58: {  	s17 =	sadd.s32 s10, s24;
	[smem:$0x7F9] =	sst s22  }
0x59: {  	[dreg:$0x1f] =	wrdreg s17;
	s17 =	sadd.s32 s10, s12  }
0x5a: {  	p4 =	por p3, !p1;
	s12 =	sadd.s32 $0xF00, s12;
	[smem:$0x7CE] =	sst s17  }
0x5b: {  	p4 =	seq.s32 @!p4 s19, $0x4;
	s17 =	sadd.s32 s10, s13;
	[smem:$0x7F3] =	sst s12  }
0x5c: {  	p4 =	por @p1 !p4, p3;
	s13 =	sadd.s32 $0xF00, s13;
	[smem:$0x7CF] =	sst s17  }
0x5d: {  	p2 =	por @p1 !p2, !p3;
	s17 =	sadd.s32 s10, s14;
	[smem:$0x7F4] =	sst s13  }
0x5e: {  	p3 =	seq.s32 @!p0 s19, $0x2;
	[smem:$0x7D0] =	sst s17;
	s17 =	sadd.s32 s10, s15  }
0x5f: {  	p0 =	por p6, p1;
	[smem:$0x7D1] =	sst s17;
	s17 =	sadd.s32 s10, s16  }
0x60: {  	p5 =	por @!p1 !p3, !p6;
	[smem:$0x7D2] =	sst s17;
	s17 =	sadd.s32 s10, s25  }
0x61: {  	p0 =	seq.s32 @!p0 s19, $0x0;
	s25 =	sadd.s32 $0xF00, s7;
	[smem:$0x7D3] =	sst s17  }
0x62: {  	p3 =	por @!p1 !p0, p6;
	s17 =	sadd.s32 s10, s28;
	[smem:$0x7FC] =	sst s25  }
0x63: {  	p6 =	seq.s32 s0, $0x1F;
	[smem:$0x7D4] =	sst s17;
	s17 =	sadd.s32 s10, s29  }
0x64: {  	p0 =	por !p2, !p1;
	[smem:$0x7D5] =	sst s17;
	s17 =	sadd.s32 s10, s6  }
0x65: {  	p2 =	sgt.s32 s19, $0x9;
	[smem:$0x7D6] =	sst s17;
	s17 =	sadd.s32 s10, s7  }
0x66: {  	s10 =	sadd.s32 s10, s11;
	[smem:$0x7D7] =	sst s17;
	s17 =	sshll.u32 s0, $0x4  }
0x67: {  	[smem:$0x7D8] =	sst s10;
	s0 =	sshll.u32 s0, $0xB;
	s10 =	sadd.s32 s4, s17  }
0x68: {  	s0 =	sadd.s32 s26, s0;
	s17 =	sadd.s32 $0x1F0, s4;
	s4 =	sadd.s32 $0xF800, s26  }
0x69: {  	s26 =	sshrl.u32 s8, $0x5;
	s8 =	sadd.s32 $0x60, s9;
	s9 =	sld [smem:$0x7E4]  }
0x6a: {  	s20 =	simm.s32 $0x0;
	s21 =	simm.s32 $0x7;
	[smem:$0x7D9] =	sst s0  }
0x6b: {  	s12 =	simm.s32 $0xA;
	s28 =	simm.s32 $0x80;
	[smem:$0x7DA] =	sst s17  }
0x6c: {  	s25 =	simm.s32 $0x4480;
	s7 =	simm.s32 $0x8480;
	[smem:$0x7DB] =	sst s4  }
0x6d: {  	s17 =	smax.u32 s31, $0x1;
	[smem:$0x7DD] =	sst s8;
	s0 =	sadd.s32 $0x3, s26  }
0x6e: {  	s4 =	sadd.s32 $0x78000, s5;
	s26 =	sadd.s32 $0x20, s18;
	s31 =	sadd.s32 $0x40, s18  }
0x6f: {  	s8 =	sadd.s32 $0xF00, s23;
	s23 =	sadd.s32 $0xF00, s29;
	[smem:$0x7DC] =	sst s17  }
0x70: {  	s29 =	sadd.s32 $0xF00, s11;
	[smem:$0x7DE] =	sst s0;
	s0 =	simm.s32 @!p0 $0x0  }
0x71: {  	[smem:$0x7F1] =	sst s8;
	s0 =	simm.s32 @p0 $0x1;
	p0 =	por !p4, !p1  }
0x72: {  	s11 =	smov.u32 s10;
	[smem:$0x7DF] =	sst s0;
	s0 =	simm.s32 @!p0 $0x0  }
0x73: {  	[smem:$0x7FA] =	sst s23;
	s0 =	simm.s32 @p0 $0x1;
	p0 =	por !p5, p1  }
0x74: {  	s10 =	simm.s32 $0x400;
	[smem:$0x7E0] =	sst s0;
	s0 =	simm.s32 @!p0 $0x0  }
0x75: {  	s17 =	sadd.s32 $0x4000, s30;
	[smem:$0x7FD] =	sst s29;
	s0 =	simm.s32 @p0 $0x1  }
0x76: {  	s8 =	simm.s32 $0xC480;
	[smem:$0x7E1] =	sst s0;
	s0 =	simm.s32 @!p1 $0x0  }
0x77: {  	s23 =	simm.s32 $0xE480;
	s0 =	simm.s32 @p1 $0x1;
	p1 =	por !p3, p1  }
0x78: {  	p0 =	seq.s32 @p2 s19, $0xA;
	[smem:$0x7E2] =	sst s0;
	s0 =	simm.s32 @!p1 $0x0  }
0x79: {  	[smem:$0x7EC] =	sst s17;
	p0 =	por !p0, !p2;
	s0 =	simm.s32 @p1 $0x1  }
0x7a: {  	p4 =	seq.s32 s19, $0xF;
	[smem:$0x7E3] =	sst s0;
	s0 =	simm.s32 @!p0 $0x0  }
0x7b: {  	s17 =	sadd.s32 $0xF00, s14;
	s14 =	simm.s32 $0x1;
	s0 =	simm.s32 @p0 $0x1  }
0x7c: {  	p0 =	seq.s32 @!p2 s19, $0x8;
	[smem:$0x7E5] =	sst s0;
	s0 =	simm.s32 @!p2 $0x0  }
0x7d: {  	[smem:$0x7F5] =	sst s17;
	p0 =	por !p0, p2;
	s0 =	simm.s32 @p2 $0x1  }
0x7e: {  	s17 =	simm.s32 $0x380;
	[smem:$0x7E6] =	sst s0;
	s0 =	simm.s32 @!p0 $0x0  }
0x7f: {  	p5 =	sgt.s32 s19, $0x7;
	s0 =	simm.s32 @p0 $0x1;
	p0 =	sgt.s32 s19, $0xB  }
0x80: {  	p1 =	seq.s32 s9, $0x1;
	[smem:$0x7E7] =	sst s0;
	s0 =	simm.s32 @!p0 $0x0  }
0x81: {  	s9 =	sadd.s32 $0xF00, s24;
	s0 =	simm.s32 @p0 $0x1;
	p0 =	sgt.s32 s19, $0xD  }
0x82: {  	v0 =	vlaneseq.u32;
	s24 =	sadd.s32 $0xF00, s6;
	[smem:$0x7E8] =	sst s0;
	s0 =	simm.s32 @!p0 $0x0  }
0x83: {  	v0 =	vmul.u32 $0x80, v0;
	[smem:$0x7F2] =	sst s9;
	s0 =	simm.s32 @p0 $0x1;
	p0 =	seq.s32 s19, $0xC  }
0x84: {  	v1 =	vimm.f32 $0.0e+00;
	v2 =	vimm.f32 $1.000000000e+00;
	s6 =	simm.s32 $0x3;
	[smem:$0x7E9] =	sst s0;
	s0 =	simm.s32 @!p0 $0x0  }
0x85: {  	v3 =	vor.u32 $0x800, v0;
	v4 =	vor.u32 $0x1000, v0;
	v5 =	vor.u32 $0x1800, v0;
	[smem:$0x7FB] =	sst s24;
	s24 =	simm.s32 $0x480;
	s0 =	simm.s32 @p0 $0x1  }
0x86: {  	v6 =	vor.u32 $0x2000, v0;
	v7 =	vor.u32 $0x2800, v0;
	v8 =	vor.u32 $0x3000, v0;
	p0 =	seq.s32 s19, $0xE;
	s19 =	sadd.s32 $0x7C000, s5;
	[smem:$0x7EA] =	sst s0  }
0x87: {  	v9 =	vor.u32 $0x3800, v0;
	v10 =	vor.u32 $0x4000, v0;
	v11 =	vor.u32 $0x4800, v0;
	s0 =	simm.s32 @!p0 $0x0;
	[smem:$0x7ED] =	sst s19;
	s19 =	sadd.s32 $0xF00, s15  }
0x88: {  	v12 =	vor.u32 $0x5000, v0;
	v13 =	vor.u32 $0x5800, v0;
	v14 =	vor.u32 $0x6000, v0;
	s9 =	simm.s32 $0x2;
	s0 =	simm.s32 @p0 $0x1;
	[smem:$0x7F6] =	sst s19  }
0x89: {  	v15 =	vor.u32 $0x6800, v0;
	v16 =	vor.u32 $0x7000, v0;
	v17 =	vor.u32 $0x7800, v0;
	p2 =	sge.u32 s2, s3;
	s19 =	simm.s32 $0x300;
	[smem:$0x7EB] =	sst s0  }
.LBB3_1:
0x8a: {  	s0 =	simm.s32 $0x0;
	s13 =	simm.s32 $0x200  }
.LBB3_2:
0x8b: {  	p3 =	sne.s32 s13, $0xFE00;
	[tilespmem:s0+$0x4F0] =	vst v1  }
0x8c: {  	[tilespmem:s0+$0x480] =	vst v1  }
0x8d: {  	[tilespmem:s0+$0x490] =	vst v1  }
.Ltmp0:
0x8e: {  	[tilespmem:s0+$0x4A0] =	vst v1;
	(pc) =	sbr.rel @p3 .LBB3_2-.Ltmp0, $4  }
0x8f: {  	[tilespmem:s0+$0x4B0] =	vst v1  }
0x90: {  	[tilespmem:s0+$0x4C0] =	vst v1  }
0x91: {  	[tilespmem:s0+$0x4D0] =	vst v1  }
0x92: {  	[tilespmem:s0+$0x4E0] =	vst v1;
	s0 =	sshra.s32 s13, $0x2;
	s13 =	sadd.s32 $0x200, s13  }
0x93: {  	[tilespmem:s0+$0x4F0] =	vst v1  }
0x94: {  	[tilespmem:s0+$0x480] =	vst v1  }
0x95: {  	[tilespmem:s0+$0x490] =	vst v1  }
0x96: {  	[tilespmem:s0+$0x4A0] =	vst v1  }
0x97: {  	[tilespmem:s0+$0x4B0] =	vst v1  }
0x98: {  	[tilespmem:s0+$0x4C0] =	vst v1  }
0x99: {  	[tilespmem:s0+$0x4D0] =	vst v1  }
0x9a: {  	[tilespmem:s0+$0x4E0] =	vst v1;
	s0 =	simm.s32 @p4 $0x480;
	s13 =	simm.s32 @p4 $0xA  }
0x9b: {  	[spmem:s4] =	stream.linear.scatter @p4 [tilespmem:s0], [sflag:$0xA], $0x4000, $0x38;
	[tilespmem:$0x1F180] =	vst v63  }
0x9c: {  	_ =	swait.ge @p4 [sflag:s13], $0x4000  }
0x9d: {  	s15 =	sld [smem:$0x7ED]  }
0x9e: {  	[sflag:s13] =	ssyncset.done @p4 $0x0  }
0x9f: {  	[sflag:s13] =	ssyncadd.s32 @p4 $0xFFFFC000  }
0xa0: {  	[spmem:s15] =	stream.linear.scatter @p4 [tilespmem:s0], [sflag:$0xA], $0x1000, $0x38;
	[tilespmem:$0x1F180] =	vst v63  }
0xa1: {  	_ =	swait.ge @p4 [sflag:s13], $0x1000  }
0xa2: {  	[sflag:s13] =	ssyncset.done @p4 $0x0  }
0xa3: {  	s0 =	simm.s32 @!p4 $0x480;
	[sflag:s13] =	ssyncadd.s32 @p4 $0xFFFFF000;
	s13 =	simm.s32 @!p4 $0xA  }
0xa4: {  	[spmem:s30] =	stream.linear.scatter @!p4 [tilespmem:s0], [sflag:$0xA], $0x4000, $0x38;
	[tilespmem:$0x1F180] =	vst v63  }
0xa5: {  	_ =	swait.ge @!p4 [sflag:s13], $0x4000  }
0xa6: {  	s15 =	sld [smem:$0x7EC]  }
0xa7: {  	[sflag:s13] =	ssyncset.done @!p4 $0x0  }
0xa8: {  	[sflag:s13] =	ssyncadd.s32 @!p4 $0xFFFFC000  }
0xa9: {  	[spmem:s15] =	stream.linear.scatter @!p4 [tilespmem:s0], [sflag:$0xA], $0x4000, $0x38;
	[tilespmem:$0x1F180] =	vst v63  }
0xaa: {  	_ =	swait.ge @!p4 [sflag:s13], $0x4000  }
0xab: {  	[sflag:s13] =	ssyncset.done @!p4 $0x0  }
0xac: {  	s0 =	simm.s32 $0x40;
	[sflag:s13] =	ssyncadd.s32 @!p4 $0xFFFFC000;
	s13 =	simm.s32 $0x0  }
.LBB3_4:
0xad: {  	p0 =	sne.s32 s0, $0x3E40;
	[tilespmem:s13+$0xC480] =	vst v1;
	s13 =	smov.u32 s0;
	s0 =	sadd.s32 $0x40, s0  }
.Ltmp1:
0xae: {  	(pc) =	sbr.rel @p0 .LBB3_4-.Ltmp1, $2  }
0xaf: {  	_ =	sdelay $0x2  }
0xb0: {  	s13 =	sshra.s32 s13, $0x2  }
0xb1: {  	[tilespmem:s13+$0xC480] =	vst v1  }
0xb2: {  	s22 =	simm.s32 $0x0;
	[bflag:$0x0] =	sbarrier.arrive $0xFFFF  }
0xb3: {  	[tilespmem:s22], [sflag:$0xA] =	stream.linear.gather [hbm4b:s18+s22], $0x100, $0x38;
	[tilespmem:$0x1F180] =	vst v63  }
0xb4: {  	_ =	swait.ge [sflag:s12], $0x100  }
0xb5: {  	[sflag:s12] =	ssyncset.done $0x0  }
0xb6: {  	s0 =	simm.s32 $0x100;
	[sflag:s12] =	ssyncadd.s32 $0xFFFFFF00  }
0xb7: {  	[tilespmem:s0], [sflag:$0xA] =	stream.linear.gather [hbm4b:s26+s22], $0x100, $0x38;
	[tilespmem:$0x1F180] =	vst v63  }
0xb8: {  	_ =	swait.ge [sflag:s12], $0x100  }
0xb9: {  	[sflag:s12] =	ssyncset.done $0x0  }
0xba: {  	[sflag:s12] =	ssyncadd.s32 $0xFFFFFF00  }
0xbb: {  	[tilespmem:s24], [sflag:$0x1] =	stream.indirect.gather [hbm4b:s1+s28], $0x80, s22, s28, $0xb8;
	[tilespmem:$0x1F180] =	vst v63  }
.Ltmp2:
0xbc: {  	_ = 	snop;
	(pc) =	sbr.rel @!p2 .LBB3_6-.Ltmp2, $4  }
0xbd: {  	s13 =	sld [smem:$0x7DE]  }
0xbe: {  	[tilespmem:s25], [sflag:$0x2] =	stream.indirect.gather [hbm4b:s1+s28], $0x80, s0, s28, $0xb8;
	[tilespmem:$0x1F180] =	vst v63  }
0xbf: {  	s29 =	simm.s32 $0x200;
	s0 =	sld [smem:$0x7DD]  }
0xc0: {  	[tilespmem:s29], [sflag:$0x9] =	stream.linear.gather [hbm4b:s31+s22], $0x100, $0x38;
	[tilespmem:$0x1F180] =	vst v63  }
.LBB3_12:
.Ltmp3:
0xc1: {  	(pc) =	sbr.rel @p1 .LBB3_13-.Ltmp3, $1  }
0xc2: {  	_ =	sdelay $0x3  }
0xc3: {  	s0 =	sld [smem:$0x7CA];
	_ =	sdelay $0x2  }
0xc4: {  	p0 =	seq.s32 s0, $0x1  }
.Ltmp4:
0xc5: {  	_ = 	snop;
	(pc) =	sbr.rel @p0 .LBB3_17-.Ltmp4, $1  }
0xc6: {  	_ =	sdelay $0x3  }
0xc7: {  	s0 =	sld [smem:$0x7CB];
	_ =	sdelay $0x2  }
0xc8: {  	p0 =	seq.s32 s0, $0x1  }
.Ltmp5:
0xc9: {  	_ = 	snop;
	(pc) =	sbr.rel @p0 .LBB3_19-.Ltmp5, $1  }
0xca: {  	_ =	sdelay $0x3  }
.Ltmp6:
0xcb: {  	(pc) =	sbr.rel .LBB3_18-.Ltmp6, $2  }
0xcc: {  	_ =	sdelay $0x2  }
0xcd: {  	s0 =	simm.s32 $0x5  }
.LBB3_10:
0xce: {  	_ =	swait.ge [sflag:s6], $0x4000  }
0xcf: {  	p0 =	sle.u32 s15, s2;
	[sflag:s6] =	ssyncset.done $0x0  }
0xd0: {  	s15 =	simm.s32 @!p0 $0x5;
	[sflag:s6] =	ssyncadd.s32 $0xFFFFC000  }
0xd1: {  	s16 =	sadd.s32 $0xFFFFFFFF, s13;
	_ =	swait.ge @!p0 [sflag:s15], $0x4000  }
0xd2: {  	p3 =	sge.u32 s16, s3;
	[sflag:s15] =	ssyncset.done @!p0 $0x0  }
0xd3: {  	[sflag:s15] =	ssyncadd.s32 @!p0 $0xFFFFC000;
	s15 =	simm.s32 @!p3 $0x8  }
0xd4: {  	_ =	swait.ge @!p3 [sflag:s15], $0x100  }
0xd5: {  	s16 =	simm.s32 @!p3 $0x100;
	[sflag:s15] =	ssyncset.done @!p3 $0x0  }
0xd6: {  	s29 =	simm.s32 @!p3 $0x4480;
	[sflag:s15] =	ssyncadd.s32 @!p3 $0xFFFFFF00;
	s15 =	simm.s32 @!p3 $0x80  }
0xd7: {  	[tilespmem:s29], [sflag:$0x2] =	stream.indirect.gather @!p3 [hbm4b:s1+s15], $0x80, s16, s15, $0xb8;
	[tilespmem:$0x1F180] =	vst v63  }
0xd8: {  	v18 =	vld [tilespmem:$0x280];
	_ =	sdelay $0x7  }
0xd9: {  	[tilespmem:v18+s8+$0x0] =	vst.idx.add.f32.msk $0xffff, v2  }
0xda: {  	v19 =	vld [tilespmem:$0x290];
	_ =	sdelay $0x6  }
0xdb: {  	[tilespmem:$0x400] =	vst v18  }
0xdc: {  	[tilespmem:v19+s8+$0x0] =	vst.idx.add.f32.msk $0xffff, v2  }
0xdd: {  	v18 =	vld [tilespmem:$0x2A0];
	_ =	sdelay $0x6  }
0xde: {  	[tilespmem:$0x410] =	vst v19  }
0xdf: {  	[tilespmem:v18+s8+$0x0] =	vst.idx.add.f32.msk $0xffff, v2  }
0xe0: {  	v19 =	vld [tilespmem:$0x2B0];
	_ =	sdelay $0x6  }
0xe1: {  	[tilespmem:$0x420] =	vst v18  }
0xe2: {  	[tilespmem:v19+s8+$0x0] =	vst.idx.add.f32.msk $0xffff, v2  }
0xe3: {  	v18 =	vld [tilespmem:$0x2C0];
	_ =	sdelay $0x6  }
0xe4: {  	[tilespmem:$0x430] =	vst v19  }
0xe5: {  	[tilespmem:v18+s8+$0x0] =	vst.idx.add.f32.msk $0xffff, v2  }
0xe6: {  	v19 =	vld [tilespmem:$0x2D0];
	_ =	sdelay $0x6  }
0xe7: {  	[tilespmem:$0x440] =	vst v18  }
0xe8: {  	[tilespmem:v19+s8+$0x0] =	vst.idx.add.f32.msk $0xffff, v2  }
0xe9: {  	v18 =	vld [tilespmem:$0x2E0];
	_ =	sdelay $0x6  }
0xea: {  	[tilespmem:$0x450] =	vst v19  }
0xeb: {  	[tilespmem:v18+s8+$0x0] =	vst.idx.add.f32.msk $0xffff, v2  }
0xec: {  	v19 =	vld [tilespmem:$0x2F0];
	_ =	sdelay $0x6  }
0xed: {  	[tilespmem:$0x460] =	vst v18  }
0xee: {  	[tilespmem:v19+s8+$0x0] =	vst.idx.add.f32.msk $0xffff, v2  }
0xef: {  	p0 =	sge.u32 s13, s3;
	[tilespmem:$0x470] =	vst v19  }
0xf0: {  	[spmem:s5] =	stream.indirect.scatter.add.f32 [tilespmem:s7], [sflag:$0x6], $0x80, s10, s28, $0xb8;
	[tilespmem:$0x1F180] =	vst v63  }
0xf1: {  	s15 =	simm.s32 @!p0 $0x0;
	s16 =	simm.s32 @!p0 $0x200  }
0xf2: {  	[tilespmem:s16], [sflag:$0x9] =	stream.linear.gather @!p0 [hbm4b:s0+s15], $0x100, $0x38;
	[tilespmem:$0x1F180] =	vst v63  }
.LBB3_11:
0xf3: {  	s15 =	sadd.s32 $0xFFFFFFFE, s13  }
0xf4: {  	p0 =	slt.u32 s15, s3  }
.Ltmp7:
0xf5: {  	_ = 	snop;
	(pc) =	sbr.rel @!p0 .LBB3_12-.Ltmp7, $2  }
0xf6: {  	_ =	sdelay $0x2  }
0xf7: {  	s13 =	sadd.s32 $0x1, s13;
	s0 =	sadd.s32 $0x20, s0;
	s22 =	sadd.s32 $0x1, s22  }
.LBB3_6:
0xf8: {  	s15 =	smulhi.u32 $0xAAAAAAAB, s22;
	_ =	sdelay $0x1  }
0xf9: {  	s15 =	sshrl.u32 s15, $0x1  }
0xfa: {  	s15 =	smul.u32 $0x3, s15;
	_ =	sdelay $0x1  }
0xfb: {  	s16 =	ssub.s32 s22, s15  }
0xfc: {  	p0 =	seq.s32 s16, $0x2  }
.Ltmp8:
0xfd: {  	_ = 	snop;
	(pc) =	sbr.rel @p0 .LBB3_10-.Ltmp8, $2  }
0xfe: {  	_ =	sdelay $0x2  }
0xff: {  	s15 =	sadd.s32 $0xFFFFFFFD, s13  }
0x100: {  	p0 =	seq.s32 s16, $0x1  }
.Ltmp9:
0x101: {  	_ = 	snop;
	(pc) =	sbr.rel @!p0 .LBB3_8-.Ltmp9, $1  }
0x102: {  	_ =	sdelay $0x3  }
0x103: {  	_ =	swait.ge [sflag:s9], $0x4000  }
0x104: {  	p0 =	sle.u32 s15, s2;
	[sflag:s9] =	ssyncset.done $0x0  }
0x105: {  	s15 =	simm.s32 @!p0 $0x4;
	[sflag:s9] =	ssyncadd.s32 $0xFFFFC000  }
0x106: {  	s16 =	sadd.s32 $0xFFFFFFFF, s13;
	_ =	swait.ge @!p0 [sflag:s15], $0x4000  }
0x107: {  	p3 =	sge.u32 s16, s3;
	[sflag:s15] =	ssyncset.done @!p0 $0x0  }
0x108: {  	[sflag:s15] =	ssyncadd.s32 @!p0 $0xFFFFC000;
	s15 =	simm.s32 @!p3 $0x7  }
0x109: {  	_ =	swait.ge @!p3 [sflag:s15], $0x100  }
0x10a: {  	s16 =	simm.s32 @!p3 $0x0;
	[sflag:s15] =	ssyncset.done @!p3 $0x0  }
0x10b: {  	s29 =	simm.s32 @!p3 $0x480;
	[sflag:s15] =	ssyncadd.s32 @!p3 $0xFFFFFF00;
	s15 =	simm.s32 @!p3 $0x80  }
0x10c: {  	[tilespmem:s29], [sflag:$0x1] =	stream.indirect.gather @!p3 [hbm4b:s1+s15], $0x80, s16, s15, $0xb8;
	[tilespmem:$0x1F180] =	vst v63  }
0x10d: {  	v18 =	vld [tilespmem:$0x180];
	_ =	sdelay $0x7  }
0x10e: {  	[tilespmem:v18+s8+$0x0] =	vst.idx.add.f32.msk $0xffff, v2  }
0x10f: {  	v19 =	vld [tilespmem:$0x190];
	_ =	sdelay $0x6  }
0x110: {  	[tilespmem:$0x380] =	vst v18  }
0x111: {  	[tilespmem:v19+s8+$0x0] =	vst.idx.add.f32.msk $0xffff, v2  }
0x112: {  	v18 =	vld [tilespmem:$0x1A0];
	_ =	sdelay $0x6  }
0x113: {  	[tilespmem:$0x390] =	vst v19  }
0x114: {  	[tilespmem:v18+s8+$0x0] =	vst.idx.add.f32.msk $0xffff, v2  }
0x115: {  	v19 =	vld [tilespmem:$0x1B0];
	_ =	sdelay $0x6  }
0x116: {  	[tilespmem:$0x3A0] =	vst v18  }
0x117: {  	[tilespmem:v19+s8+$0x0] =	vst.idx.add.f32.msk $0xffff, v2  }
0x118: {  	v18 =	vld [tilespmem:$0x1C0];
	_ =	sdelay $0x6  }
0x119: {  	[tilespmem:$0x3B0] =	vst v19  }
0x11a: {  	[tilespmem:v18+s8+$0x0] =	vst.idx.add.f32.msk $0xffff, v2  }
0x11b: {  	v19 =	vld [tilespmem:$0x1D0];
	_ =	sdelay $0x6  }
0x11c: {  	[tilespmem:$0x3C0] =	vst v18  }
0x11d: {  	[tilespmem:v19+s8+$0x0] =	vst.idx.add.f32.msk $0xffff, v2  }
0x11e: {  	v18 =	vld [tilespmem:$0x1E0];
	_ =	sdelay $0x6  }
0x11f: {  	[tilespmem:$0x3D0] =	vst v19  }
0x120: {  	[tilespmem:v18+s8+$0x0] =	vst.idx.add.f32.msk $0xffff, v2  }
0x121: {  	v19 =	vld [tilespmem:$0x1F0];
	_ =	sdelay $0x6  }
0x122: {  	[tilespmem:$0x3E0] =	vst v18  }
.Ltmp10:
0x123: {  	[tilespmem:v19+s8+$0x0] =	vst.idx.add.f32.msk $0xffff, v2;
	(pc) =	sbr.rel .LBB3_11-.Ltmp10, $4  }
0x124: {  	p0 =	sge.u32 s13, s3;
	[tilespmem:$0x3F0] =	vst v19  }
0x125: {  	[spmem:s5] =	stream.indirect.scatter.add.f32 [tilespmem:s25], [sflag:$0x5], $0x80, s17, s28, $0xb8;
	[tilespmem:$0x1F180] =	vst v63  }
0x126: {  	s15 =	simm.s32 @!p0 $0x0;
	s16 =	simm.s32 @!p0 $0x100  }
0x127: {  	[tilespmem:s16], [sflag:$0x8] =	stream.linear.gather @!p0 [hbm4b:s0+s15], $0x100, $0x38;
	[tilespmem:$0x1F180] =	vst v63  }
.LBB3_8:
0x128: {  	_ =	swait.ge [sflag:s14], $0x4000  }
0x129: {  	p0 =	sle.u32 s15, s2;
	[sflag:s14] =	ssyncset.done $0x0  }
0x12a: {  	s15 =	simm.s32 @!p0 $0x6;
	[sflag:s14] =	ssyncadd.s32 $0xFFFFC000  }
0x12b: {  	s16 =	sadd.s32 $0xFFFFFFFF, s13;
	_ =	swait.ge @!p0 [sflag:s15], $0x4000  }
0x12c: {  	p3 =	sge.u32 s16, s3;
	[sflag:s15] =	ssyncset.done @!p0 $0x0  }
0x12d: {  	[sflag:s15] =	ssyncadd.s32 @!p0 $0xFFFFC000;
	s15 =	simm.s32 @!p3 $0x9  }
0x12e: {  	_ =	swait.ge @!p3 [sflag:s15], $0x100  }
0x12f: {  	s16 =	simm.s32 @!p3 $0x200;
	[sflag:s15] =	ssyncset.done @!p3 $0x0  }
0x130: {  	s29 =	simm.s32 @!p3 $0x8480;
	[sflag:s15] =	ssyncadd.s32 @!p3 $0xFFFFFF00;
	s15 =	simm.s32 @!p3 $0x80  }
0x131: {  	[tilespmem:s29], [sflag:$0x3] =	stream.indirect.gather @!p3 [hbm4b:s1+s15], $0x80, s16, s15, $0xb8;
	[tilespmem:$0x1F180] =	vst v63  }
0x132: {  	v18 =	vld [tilespmem:$0x80];
	_ =	sdelay $0x7  }
0x133: {  	[tilespmem:v18+s8+$0x0] =	vst.idx.add.f32.msk $0xffff, v2  }
0x134: {  	v19 =	vld [tilespmem:$0x90];
	_ =	sdelay $0x6  }
0x135: {  	[tilespmem:$0x300] =	vst v18  }
0x136: {  	[tilespmem:v19+s8+$0x0] =	vst.idx.add.f32.msk $0xffff, v2  }
0x137: {  	v18 =	vld [tilespmem:$0xA0];
	_ =	sdelay $0x6  }
0x138: {  	[tilespmem:$0x310] =	vst v19  }
0x139: {  	[tilespmem:v18+s8+$0x0] =	vst.idx.add.f32.msk $0xffff, v2  }
0x13a: {  	v19 =	vld [tilespmem:$0xB0];
	_ =	sdelay $0x6  }
0x13b: {  	[tilespmem:$0x320] =	vst v18  }
0x13c: {  	[tilespmem:v19+s8+$0x0] =	vst.idx.add.f32.msk $0xffff, v2  }
0x13d: {  	v18 =	vld [tilespmem:$0xC0];
	_ =	sdelay $0x6  }
0x13e: {  	[tilespmem:$0x330] =	vst v19  }
0x13f: {  	[tilespmem:v18+s8+$0x0] =	vst.idx.add.f32.msk $0xffff, v2  }
0x140: {  	v19 =	vld [tilespmem:$0xD0];
	_ =	sdelay $0x6  }
0x141: {  	[tilespmem:$0x340] =	vst v18  }
0x142: {  	[tilespmem:v19+s8+$0x0] =	vst.idx.add.f32.msk $0xffff, v2  }
0x143: {  	v18 =	vld [tilespmem:$0xE0];
	_ =	sdelay $0x6  }
0x144: {  	[tilespmem:$0x350] =	vst v19  }
0x145: {  	[tilespmem:v18+s8+$0x0] =	vst.idx.add.f32.msk $0xffff, v2  }
0x146: {  	v19 =	vld [tilespmem:$0xF0];
	_ =	sdelay $0x6  }
0x147: {  	[tilespmem:$0x360] =	vst v18  }
.Ltmp11:
0x148: {  	[tilespmem:v19+s8+$0x0] =	vst.idx.add.f32.msk $0xffff, v2;
	(pc) =	sbr.rel .LBB3_11-.Ltmp11, $4  }
0x149: {  	p0 =	sge.u32 s13, s3;
	[tilespmem:$0x370] =	vst v19  }
0x14a: {  	[spmem:s5] =	stream.indirect.scatter.add.f32 [tilespmem:s24], [sflag:$0x4], $0x80, s19, s28, $0xb8;
	[tilespmem:$0x1F180] =	vst v63  }
0x14b: {  	s15 =	simm.s32 @!p0 $0x0  }
0x14c: {  	[tilespmem:s15], [sflag:$0x7] =	stream.linear.gather @!p0 [hbm4b:s0+s15], $0x100, $0x38;
	[tilespmem:$0x1F180] =	vst v63  }
.LBB3_17:
.Ltmp12:
0x14d: {  	(pc) =	sbr.rel .LBB3_18-.Ltmp12, $2  }
0x14e: {  	_ =	sdelay $0x2  }
0x14f: {  	s0 =	simm.s32 $0x6  }
.LBB3_13:
0x150: {  	s0 =	simm.s32 $0x4  }
.LBB3_18:
0x151: {  	_ =	swait.ge [sflag:s0], $0x4000  }
0x152: {  	[sflag:s0] =	ssyncset.done $0x0  }
0x153: {  	[sflag:s0] =	ssyncadd.s32 $0xFFFFC000  }
.LBB3_19:
.Ltmp13:
0x154: {  	(pc) =	sbr.rel @p5 .LBB3_21-.Ltmp13, $1  }
0x155: {  	_ =	sdelay $0x3  }
0x156: {  	s13 =	rddreg [dreg:$0xd]  }
0x157: {  	s15 =	rddreg [dreg:$0xb]  }
0x158: {  	s0 =	rddreg [dreg:$0xc]  }
0x159: {  	s16 =	sld [smem:$0x7DF]  }
0x15a: {  	s22 =	sld [smem:$0x7E0]  }
0x15b: {  	s29 =	sld [smem:$0x7E1]  }
0x15c: {  	p0 =	seq.s32 s16, $0x1;
	s16 =	rddreg [dreg:$0x7]  }
0x15d: {  	s13 =	smov.u32 @p0 s0;
	s0 =	rddreg [dreg:$0xa];
	p0 =	seq.s32 s22, $0x1  }
0x15e: {  	s15 =	smov.u32 @p0 s0;
	p0 =	seq.s32 s29, $0x1;
	s29 =	sld [smem:$0x7E3]  }
0x15f: {  	s22 =	rddreg [dreg:$0x8]  }
0x160: {  	s0 =	rddreg [dreg:$0x9]  }
0x161: {  	s0 =	smov.u32 @p0 s22;
	p0 =	seq.s32 s29, $0x1;
	s29 =	sld [smem:$0x7CC]  }
0x162: {  	s22 =	rddreg [dreg:$0x6]  }
0x163: {  	s16 =	smov.u32 @p0 s22;
	s22 =	sld [smem:$0x7CD]  }
.Ltmp14:
0x164: {  	p0 =	seq.s32 s29, $0x1;
	s29 =	sld [smem:$0x7E2];
	(pc) =	sbr.rel .LBB3_27-.Ltmp14, $4  }
0x165: {  	_ = 	snop  }
0x166: {  	s13 =	smov.u32 @p0 s15;
	p0 =	seq.s32 s22, $0x1  }
0x167: {  	s0 =	smov.u32 @p0 s16;
	p0 =	seq.s32 s29, $0x1  }
0x168: {  	s0 =	smov.u32 @p0 s13  }
.LBB3_21:
0x169: {  	s0 =	sld [smem:$0x7E8];
	_ =	sdelay $0x2  }
0x16a: {  	p0 =	seq.s32 s0, $0x1  }
.Ltmp15:
0x16b: {  	_ = 	snop;
	(pc) =	sbr.rel @p0 .LBB3_23-.Ltmp15, $1  }
0x16c: {  	_ =	sdelay $0x3  }
0x16d: {  	s13 =	rddreg [dreg:$0x14]  }
0x16e: {  	s0 =	rddreg [dreg:$0x12]  }
0x16f: {  	s16 =	sld [smem:$0x7E5]  }
0x170: {  	s22 =	sld [smem:$0x7E7]  }
.Ltmp16:
0x171: {  	s29 =	sld [smem:$0x7E6];
	(pc) =	sbr.rel .LBB3_27-.Ltmp16, $4  }
0x172: {  	s15 =	rddreg [dreg:$0x15];
	p0 =	seq.s32 s16, $0x1  }
0x173: {  	s13 =	smov.u32 @p0 s15;
	s15 =	rddreg [dreg:$0x13];
	p0 =	seq.s32 s22, $0x1  }
0x174: {  	s0 =	smov.u32 @p0 s15;
	p0 =	seq.s32 s29, $0x1  }
0x175: {  	s0 =	smov.u32 @p0 s13  }
.LBB3_23:
0x176: {  	s0 =	sld [smem:$0x7E9];
	_ =	sdelay $0x2  }
0x177: {  	p0 =	seq.s32 s0, $0x1  }
.Ltmp17:
0x178: {  	_ = 	snop;
	(pc) =	sbr.rel @p0 .LBB3_25-.Ltmp17, $1  }
0x179: {  	_ =	sdelay $0x3  }
.Ltmp18:
0x17a: {  	s15 =	sld [smem:$0x7EA];
	(pc) =	sbr.rel .LBB3_27-.Ltmp18, $4  }
0x17b: {  	_ = 	snop  }
0x17c: {  	s0 =	rddreg [dreg:$0x17]  }
0x17d: {  	s13 =	rddreg [dreg:$0x16];
	p0 =	seq.s32 s15, $0x1  }
0x17e: {  	s0 =	smov.u32 @p0 s13  }
.LBB3_25:
0x17f: {  	s0 =	sld [smem:$0x7EB];
	_ =	sdelay $0x2  }
0x180: {  	p0 =	seq.s32 s0, $0x1  }
.Ltmp19:
0x181: {  	_ = 	snop;
	(pc) =	sbr.rel @!p0 .LBB3_28-.Ltmp19, $1  }
0x182: {  	_ =	sdelay $0x3  }
0x183: {  	s0 =	rddreg [dreg:$0x19]  }
.LBB3_27:
0x184: {  	[spmem:s0] =	stream.linear.scatter [tilespmem:s8], [sflag:$0xA], $0x1000, $0x38;
	[tilespmem:$0x1F180] =	vst v63  }
0x185: {  	_ =	swait.ge [sflag:s12], $0x1000  }
0x186: {  	[sflag:s12] =	ssyncset.done $0x0  }
0x187: {  	s16 =	stileid.u32;
	[sflag:s12] =	ssyncadd.s32 $0xFFFFF000  }
0x188: {  	s0 =	sshll.u32 s16, $0x6;
	[bflag:$0x0] =	sbarrier.arrive $0xFFFF  }
0x189: {  	s13 =	sshrl.u32 s30, $0x3;
	s0 =	sor.u32 $0x1C0A, s0;
	s15 =	rddreg [dreg:$0x10]  }
0x18a: {  	[hbm:s15], [sflag:s0] =	dma.local [spmem:s13], $0x1000  }
0x18b: {  	_ =	swait.ge [sflag:s12], $0x1000  }
0x18c: {  	[sflag:s12] =	ssyncset.done $0x0;
	s22 =	rddreg [dreg:$0x1b]  }
0x18d: {  	s29 =	simm.s32 $0xD480;
	s15 =	rddreg [dreg:$0x1c];
	[sflag:s12] =	ssyncadd.s32 $0xFFFFF000  }
0x18e: {  	[tilespmem:s29], [sflag:$0x7] =	stream.linear.gather [spmem:s22], $0x100, $0x38;
	[tilespmem:$0x1F180] =	vst v63  }
0x18f: {  	s16 =	simm.s32 $0xD580;
	s22 =	rddreg [dreg:$0x1d]  }
0x190: {  	[tilespmem:s16], [sflag:$0x7] =	stream.linear.gather [spmem:s15], $0x100, $0x38;
	[tilespmem:$0x1F180] =	vst v63  }
0x191: {  	s29 =	simm.s32 $0xD680;
	s15 =	rddreg [dreg:$0x1e]  }
0x192: {  	[tilespmem:s29], [sflag:$0x7] =	stream.linear.gather [spmem:s22], $0x100, $0x38;
	[tilespmem:$0x1F180] =	vst v63  }
0x193: {  	s16 =	simm.s32 $0xD780;
	s22 =	rddreg [dreg:$0x1f]  }
0x194: {  	[tilespmem:s16], [sflag:$0x7] =	stream.linear.gather [spmem:s15], $0x100, $0x38;
	[tilespmem:$0x1F180] =	vst v63  }
0x195: {  	s29 =	simm.s32 $0xD880;
	s15 =	sld [smem:$0x7CE]  }
0x196: {  	[tilespmem:s29], [sflag:$0x7] =	stream.linear.gather [spmem:s22], $0x100, $0x38;
	[tilespmem:$0x1F180] =	vst v63  }
0x197: {  	s16 =	simm.s32 $0xD980;
	s22 =	sld [smem:$0x7CF]  }
0x198: {  	[tilespmem:s16], [sflag:$0x7] =	stream.linear.gather [spmem:s15], $0x100, $0x38;
	[tilespmem:$0x1F180] =	vst v63  }
0x199: {  	s29 =	simm.s32 $0xDA80;
	s15 =	sld [smem:$0x7D0]  }
0x19a: {  	[tilespmem:s29], [sflag:$0x7] =	stream.linear.gather [spmem:s22], $0x100, $0x38;
	[tilespmem:$0x1F180] =	vst v63  }
0x19b: {  	s16 =	simm.s32 $0xDB80;
	s22 =	sld [smem:$0x7D1]  }
0x19c: {  	[tilespmem:s16], [sflag:$0x7] =	stream.linear.gather [spmem:s15], $0x100, $0x38;
	[tilespmem:$0x1F180] =	vst v63  }
0x19d: {  	s29 =	simm.s32 $0xDC80;
	s15 =	sld [smem:$0x7D2]  }
0x19e: {  	[tilespmem:s29], [sflag:$0x7] =	stream.linear.gather [spmem:s22], $0x100, $0x38;
	[tilespmem:$0x1F180] =	vst v63  }
0x19f: {  	s16 =	simm.s32 $0xDD80;
	s22 =	sld [smem:$0x7D3]  }
0x1a0: {  	[tilespmem:s16], [sflag:$0x7] =	stream.linear.gather [spmem:s15], $0x100, $0x38;
	[tilespmem:$0x1F180] =	vst v63  }
0x1a1: {  	s29 =	simm.s32 $0xDE80;
	s15 =	sld [smem:$0x7D4]  }
0x1a2: {  	[tilespmem:s29], [sflag:$0x7] =	stream.linear.gather [spmem:s22], $0x100, $0x38;
	[tilespmem:$0x1F180] =	vst v63  }
0x1a3: {  	s16 =	simm.s32 $0xDF80;
	s22 =	sld [smem:$0x7D5]  }
0x1a4: {  	[tilespmem:s16], [sflag:$0x7] =	stream.linear.gather [spmem:s15], $0x100, $0x38;
	[tilespmem:$0x1F180] =	vst v63  }
0x1a5: {  	s29 =	simm.s32 $0xE080;
	s15 =	sld [smem:$0x7D6]  }
0x1a6: {  	[tilespmem:s29], [sflag:$0x7] =	stream.linear.gather [spmem:s22], $0x100, $0x38;
	[tilespmem:$0x1F180] =	vst v63  }
0x1a7: {  	s16 =	simm.s32 $0xE180;
	s22 =	sld [smem:$0x7D7]  }
0x1a8: {  	[tilespmem:s16], [sflag:$0x7] =	stream.linear.gather [spmem:s15], $0x100, $0x38;
	[tilespmem:$0x1F180] =	vst v63  }
0x1a9: {  	s29 =	simm.s32 $0xE280;
	s15 =	sld [smem:$0x7D8]  }
0x1aa: {  	[tilespmem:s29], [sflag:$0x7] =	stream.linear.gather [spmem:s22], $0x100, $0x38;
	[tilespmem:$0x1F180] =	vst v63  }
0x1ab: {  	s16 =	simm.s32 $0xE380  }
0x1ac: {  	[tilespmem:s16], [sflag:$0x7] =	stream.linear.gather [spmem:s15], $0x100, $0x38;
	[tilespmem:$0x1F180] =	vst v63  }
0x1ad: {  	_ =	swait.ge [sflag:s21], $0x100  }
0x1ae: {  	[sflag:s21] =	ssyncset.done $0x0  }
0x1af: {  	[sflag:s21] =	ssyncadd.s32 $0xFFFFFF00  }
0x1b0: {  	_ =	swait.ge [sflag:s21], $0x100  }
0x1b1: {  	[sflag:s21] =	ssyncset.done $0x0  }
0x1b2: {  	[sflag:s21] =	ssyncadd.s32 $0xFFFFFF00  }
0x1b3: {  	_ =	swait.ge [sflag:s21], $0x100  }
0x1b4: {  	[sflag:s21] =	ssyncset.done $0x0  }
0x1b5: {  	[sflag:s21] =	ssyncadd.s32 $0xFFFFFF00  }
0x1b6: {  	_ =	swait.ge [sflag:s21], $0x100  }
0x1b7: {  	[sflag:s21] =	ssyncset.done $0x0  }
0x1b8: {  	[sflag:s21] =	ssyncadd.s32 $0xFFFFFF00  }
0x1b9: {  	_ =	swait.ge [sflag:s21], $0x100  }
0x1ba: {  	[sflag:s21] =	ssyncset.done $0x0  }
0x1bb: {  	[sflag:s21] =	ssyncadd.s32 $0xFFFFFF00  }
0x1bc: {  	_ =	swait.ge [sflag:s21], $0x100  }
0x1bd: {  	[sflag:s21] =	ssyncset.done $0x0  }
0x1be: {  	[sflag:s21] =	ssyncadd.s32 $0xFFFFFF00  }
0x1bf: {  	_ =	swait.ge [sflag:s21], $0x100  }
0x1c0: {  	[sflag:s21] =	ssyncset.done $0x0  }
0x1c1: {  	[sflag:s21] =	ssyncadd.s32 $0xFFFFFF00  }
0x1c2: {  	_ =	swait.ge [sflag:s21], $0x100  }
0x1c3: {  	[sflag:s21] =	ssyncset.done $0x0  }
0x1c4: {  	[sflag:s21] =	ssyncadd.s32 $0xFFFFFF00  }
0x1c5: {  	_ =	swait.ge [sflag:s21], $0x100  }
0x1c6: {  	[sflag:s21] =	ssyncset.done $0x0  }
0x1c7: {  	[sflag:s21] =	ssyncadd.s32 $0xFFFFFF00  }
0x1c8: {  	_ =	swait.ge [sflag:s21], $0x100  }
0x1c9: {  	[sflag:s21] =	ssyncset.done $0x0  }
0x1ca: {  	[sflag:s21] =	ssyncadd.s32 $0xFFFFFF00  }
0x1cb: {  	_ =	swait.ge [sflag:s21], $0x100  }
0x1cc: {  	[sflag:s21] =	ssyncset.done $0x0  }
0x1cd: {  	[sflag:s21] =	ssyncadd.s32 $0xFFFFFF00  }
0x1ce: {  	_ =	swait.ge [sflag:s21], $0x100  }
0x1cf: {  	[sflag:s21] =	ssyncset.done $0x0  }
0x1d0: {  	[sflag:s21] =	ssyncadd.s32 $0xFFFFFF00  }
0x1d1: {  	_ =	swait.ge [sflag:s21], $0x100  }
0x1d2: {  	[sflag:s21] =	ssyncset.done $0x0  }
0x1d3: {  	[sflag:s21] =	ssyncadd.s32 $0xFFFFFF00  }
0x1d4: {  	_ =	swait.ge [sflag:s21], $0x100  }
0x1d5: {  	[sflag:s21] =	ssyncset.done $0x0  }
0x1d6: {  	[sflag:s21] =	ssyncadd.s32 $0xFFFFFF00  }
0x1d7: {  	_ =	swait.ge [sflag:s21], $0x100  }
0x1d8: {  	[sflag:s21] =	ssyncset.done $0x0  }
0x1d9: {  	[sflag:s21] =	ssyncadd.s32 $0xFFFFFF00  }
0x1da: {  	_ =	swait.ge [sflag:s21], $0x100  }
0x1db: {  	[sflag:s21] =	ssyncset.done $0x0  }
0x1dc: {  	[sflag:s21] =	ssyncadd.s32 $0xFFFFFF00  }
0x1dd: {  	v18 =	vld [tilespmem:$0xD480]  }
0x1de: {  	v19 =	vld [tilespmem:$0xD580];
	_ =	sdelay $0x1  }
0x1df: {  	v20 =	vld [tilespmem:$0xD680];
	_ =	sdelay $0x1  }
0x1e0: {  	v21 =	vld [tilespmem:$0xD780]  }
0x1e1: {  	v18 =	vadd.f32 v19, v18  }
0x1e2: {  	v19 =	vld [tilespmem:$0xD880]  }
0x1e3: {  	v18 =	vadd.f32 v20, v18  }
0x1e4: {  	v26 =	vld [tilespmem:$0xD980]  }
0x1e5: {  	v18 =	vadd.f32 v21, v18  }
0x1e6: {  	v27 =	vld [tilespmem:$0xDA80]  }
0x1e7: {  	v18 =	vadd.f32 v19, v18  }
0x1e8: {  	v19 =	vld [tilespmem:$0xDB80]  }
0x1e9: {  	v18 =	vadd.f32 v26, v18  }
0x1ea: {  	v28 =	vld [tilespmem:$0xDC80]  }
0x1eb: {  	v18 =	vadd.f32 v27, v18  }
0x1ec: {  	v29 =	vld [tilespmem:$0xDD80]  }
0x1ed: {  	v18 =	vadd.f32 v19, v18  }
0x1ee: {  	v19 =	vld [tilespmem:$0xDE80]  }
0x1ef: {  	v18 =	vadd.f32 v28, v18  }
0x1f0: {  	v30 =	vld [tilespmem:$0xDF80]  }
0x1f1: {  	v18 =	vadd.f32 v29, v18  }
0x1f2: {  	v31 =	vld [tilespmem:$0xE080]  }
0x1f3: {  	v18 =	vadd.f32 v19, v18  }
0x1f4: {  	v19 =	vld [tilespmem:$0xE180]  }
0x1f5: {  	v18 =	vadd.f32 v30, v18  }
0x1f6: {  	v32 =	vld [tilespmem:$0xE280]  }
0x1f7: {  	v18 =	vadd.f32 v31, v18  }
0x1f8: {  	v33 =	vld [tilespmem:$0xE380]  }
0x1f9: {  	v18 =	vadd.f32 v19, v18;
	_ =	sdelay $0x1  }
0x1fa: {  	v18 =	vadd.f32 v32, v18;
	_ =	sdelay $0x1  }
0x1fb: {  	v18 =	vadd.f32 v33, v18;
	_ =	sdelay $0x1  }
0x1fc: {  	[tilespmem:v0+s23+$0x0] =	vst.idx.msk $0xffff, v18  }
0x1fd: {  	v18 =	vld [tilespmem:$0xD490]  }
0x1fe: {  	v19 =	vld [tilespmem:$0xD590];
	_ =	sdelay $0x1  }
0x1ff: {  	v34 =	vld [tilespmem:$0xD690];
	_ =	sdelay $0x1  }
0x200: {  	v35 =	vld [tilespmem:$0xD790]  }
0x201: {  	v18 =	vadd.f32 v19, v18  }
0x202: {  	v19 =	vld [tilespmem:$0xD890]  }
0x203: {  	v18 =	vadd.f32 v34, v18  }
0x204: {  	v36 =	vld [tilespmem:$0xD990]  }
0x205: {  	v18 =	vadd.f32 v35, v18  }
0x206: {  	v37 =	vld [tilespmem:$0xDA90]  }
0x207: {  	v18 =	vadd.f32 v19, v18  }
0x208: {  	v19 =	vld [tilespmem:$0xDB90]  }
0x209: {  	v18 =	vadd.f32 v36, v18  }
0x20a: {  	v38 =	vld [tilespmem:$0xDC90]  }
0x20b: {  	v18 =	vadd.f32 v37, v18  }
0x20c: {  	v39 =	vld [tilespmem:$0xDD90]  }
0x20d: {  	v18 =	vadd.f32 v19, v18  }
0x20e: {  	v19 =	vld [tilespmem:$0xDE90]  }
0x20f: {  	v18 =	vadd.f32 v38, v18  }
0x210: {  	v40 =	vld [tilespmem:$0xDF90]  }
0x211: {  	v18 =	vadd.f32 v39, v18  }
0x212: {  	v41 =	vld [tilespmem:$0xE090]  }
0x213: {  	v18 =	vadd.f32 v19, v18  }
0x214: {  	v19 =	vld [tilespmem:$0xE190]  }
0x215: {  	v18 =	vadd.f32 v40, v18  }
0x216: {  	v42 =	vld [tilespmem:$0xE290]  }
0x217: {  	v18 =	vadd.f32 v41, v18  }
0x218: {  	v43 =	vld [tilespmem:$0xE390]  }
0x219: {  	v18 =	vadd.f32 v19, v18;
	_ =	sdelay $0x1  }
0x21a: {  	v18 =	vadd.f32 v42, v18;
	_ =	sdelay $0x1  }
0x21b: {  	v18 =	vadd.f32 v43, v18;
	_ =	sdelay $0x1  }
0x21c: {  	[tilespmem:v3+s23+$0x0] =	vst.idx.msk $0xffff, v18  }
0x21d: {  	v18 =	vld [tilespmem:$0xD4A0]  }
0x21e: {  	v19 =	vld [tilespmem:$0xD5A0];
	_ =	sdelay $0x1  }
0x21f: {  	v44 =	vld [tilespmem:$0xD6A0];
	_ =	sdelay $0x1  }
0x220: {  	v45 =	vld [tilespmem:$0xD7A0]  }
0x221: {  	v18 =	vadd.f32 v19, v18  }
0x222: {  	v19 =	vld [tilespmem:$0xD8A0]  }
0x223: {  	v18 =	vadd.f32 v44, v18  }
0x224: {  	v46 =	vld [tilespmem:$0xD9A0]  }
0x225: {  	v18 =	vadd.f32 v45, v18  }
0x226: {  	v47 =	vld [tilespmem:$0xDAA0]  }
0x227: {  	v18 =	vadd.f32 v19, v18  }
0x228: {  	v19 =	vld [tilespmem:$0xDBA0]  }
0x229: {  	v18 =	vadd.f32 v46, v18  }
0x22a: {  	v48 =	vld [tilespmem:$0xDCA0]  }
0x22b: {  	v18 =	vadd.f32 v47, v18  }
0x22c: {  	v49 =	vld [tilespmem:$0xDDA0]  }
0x22d: {  	v18 =	vadd.f32 v19, v18  }
0x22e: {  	v19 =	vld [tilespmem:$0xDEA0]  }
0x22f: {  	v18 =	vadd.f32 v48, v18  }
0x230: {  	v50 =	vld [tilespmem:$0xDFA0]  }
0x231: {  	v18 =	vadd.f32 v49, v18  }
0x232: {  	v51 =	vld [tilespmem:$0xE0A0]  }
0x233: {  	v18 =	vadd.f32 v19, v18  }
0x234: {  	v19 =	vld [tilespmem:$0xE1A0]  }
0x235: {  	v18 =	vadd.f32 v50, v18  }
0x236: {  	v52 =	vld [tilespmem:$0xE2A0]  }
0x237: {  	v18 =	vadd.f32 v51, v18  }
0x238: {  	v53 =	vld [tilespmem:$0xE3A0]  }
0x239: {  	v18 =	vadd.f32 v19, v18;
	_ =	sdelay $0x1  }
0x23a: {  	v18 =	vadd.f32 v52, v18;
	_ =	sdelay $0x1  }
0x23b: {  	v18 =	vadd.f32 v53, v18;
	_ =	sdelay $0x1  }
0x23c: {  	[tilespmem:v4+s23+$0x0] =	vst.idx.msk $0xffff, v18  }
0x23d: {  	v18 =	vld [tilespmem:$0xD4B0]  }
0x23e: {  	v19 =	vld [tilespmem:$0xD5B0];
	_ =	sdelay $0x1  }
0x23f: {  	v54 =	vld [tilespmem:$0xD6B0];
	_ =	sdelay $0x1  }
0x240: {  	v55 =	vld [tilespmem:$0xD7B0]  }
0x241: {  	v18 =	vadd.f32 v19, v18  }
0x242: {  	v19 =	vld [tilespmem:$0xD8B0]  }
0x243: {  	v18 =	vadd.f32 v54, v18  }
0x244: {  	v56 =	vld [tilespmem:$0xD9B0]  }
0x245: {  	v18 =	vadd.f32 v55, v18  }
0x246: {  	v57 =	vld [tilespmem:$0xDAB0]  }
0x247: {  	v18 =	vadd.f32 v19, v18  }
0x248: {  	v19 =	vld [tilespmem:$0xDBB0]  }
0x249: {  	v18 =	vadd.f32 v56, v18  }
0x24a: {  	v58 =	vld [tilespmem:$0xDCB0]  }
0x24b: {  	v18 =	vadd.f32 v57, v18  }
0x24c: {  	v59 =	vld [tilespmem:$0xDDB0]  }
0x24d: {  	v18 =	vadd.f32 v19, v18  }
0x24e: {  	v19 =	vld [tilespmem:$0xDEB0]  }
0x24f: {  	v18 =	vadd.f32 v58, v18  }
0x250: {  	v60 =	vld [tilespmem:$0xDFB0]  }
0x251: {  	v18 =	vadd.f32 v59, v18  }
0x252: {  	v61 =	vld [tilespmem:$0xE0B0]  }
0x253: {  	v18 =	vadd.f32 v19, v18  }
0x254: {  	v19 =	vld [tilespmem:$0xE1B0]  }
0x255: {  	v18 =	vadd.f32 v60, v18  }
0x256: {  	v62 =	vld [tilespmem:$0xE2B0]  }
0x257: {  	v18 =	vadd.f32 v61, v18  }
0x258: {  	v63 =	vld [tilespmem:$0xE3B0]  }
0x259: {  	v18 =	vadd.f32 v19, v18;
	_ =	sdelay $0x1  }
0x25a: {  	v18 =	vadd.f32 v62, v18;
	_ =	sdelay $0x1  }
0x25b: {  	v18 =	vadd.f32 v63, v18;
	_ =	sdelay $0x1  }
0x25c: {  	[tilespmem:v5+s23+$0x0] =	vst.idx.msk $0xffff, v18  }
0x25d: {  	v18 =	vld [tilespmem:$0xD4C0]  }
0x25e: {  	v19 =	vld [tilespmem:$0xD5C0];
	_ =	sdelay $0x1  }
0x25f: {  	v24 =	vld [tilespmem:$0xD6C0];
	_ =	sdelay $0x1  }
0x260: {  	v25 =	vld [tilespmem:$0xD7C0]  }
0x261: {  	v18 =	vadd.f32 v19, v18  }
0x262: {  	v19 =	vld [tilespmem:$0xD8C0]  }
0x263: {  	v18 =	vadd.f32 v24, v18  }
0x264: {  	v26 =	vld [tilespmem:$0xD9C0]  }
0x265: {  	v18 =	vadd.f32 v25, v18  }
0x266: {  	v27 =	vld [tilespmem:$0xDAC0]  }
0x267: {  	v18 =	vadd.f32 v19, v18  }
0x268: {  	v19 =	vld [tilespmem:$0xDBC0]  }
0x269: {  	v18 =	vadd.f32 v26, v18  }
0x26a: {  	v28 =	vld [tilespmem:$0xDCC0]  }
0x26b: {  	v18 =	vadd.f32 v27, v18  }
0x26c: {  	v29 =	vld [tilespmem:$0xDDC0]  }
0x26d: {  	v18 =	vadd.f32 v19, v18  }
0x26e: {  	v19 =	vld [tilespmem:$0xDEC0]  }
0x26f: {  	v18 =	vadd.f32 v28, v18  }
0x270: {  	v30 =	vld [tilespmem:$0xDFC0]  }
0x271: {  	v18 =	vadd.f32 v29, v18  }
0x272: {  	v31 =	vld [tilespmem:$0xE0C0]  }
0x273: {  	v18 =	vadd.f32 v19, v18  }
0x274: {  	v19 =	vld [tilespmem:$0xE1C0]  }
0x275: {  	v18 =	vadd.f32 v30, v18  }
0x276: {  	v32 =	vld [tilespmem:$0xE2C0]  }
0x277: {  	v18 =	vadd.f32 v31, v18  }
0x278: {  	v33 =	vld [tilespmem:$0xE3C0]  }
0x279: {  	v18 =	vadd.f32 v19, v18;
	_ =	sdelay $0x1  }
0x27a: {  	v18 =	vadd.f32 v32, v18;
	_ =	sdelay $0x1  }
0x27b: {  	v18 =	vadd.f32 v33, v18;
	_ =	sdelay $0x1  }
0x27c: {  	[tilespmem:v6+s23+$0x0] =	vst.idx.msk $0xffff, v18  }
0x27d: {  	v18 =	vld [tilespmem:$0xD4D0]  }
0x27e: {  	v19 =	vld [tilespmem:$0xD5D0];
	_ =	sdelay $0x1  }
0x27f: {  	v34 =	vld [tilespmem:$0xD6D0];
	_ =	sdelay $0x1  }
0x280: {  	v35 =	vld [tilespmem:$0xD7D0]  }
0x281: {  	v18 =	vadd.f32 v19, v18  }
0x282: {  	v19 =	vld [tilespmem:$0xD8D0]  }
0x283: {  	v18 =	vadd.f32 v34, v18  }
0x284: {  	v36 =	vld [tilespmem:$0xD9D0]  }
0x285: {  	v18 =	vadd.f32 v35, v18  }
0x286: {  	v37 =	vld [tilespmem:$0xDAD0]  }
0x287: {  	v18 =	vadd.f32 v19, v18  }
0x288: {  	v19 =	vld [tilespmem:$0xDBD0]  }
0x289: {  	v18 =	vadd.f32 v36, v18  }
0x28a: {  	v38 =	vld [tilespmem:$0xDCD0]  }
0x28b: {  	v18 =	vadd.f32 v37, v18  }
0x28c: {  	v39 =	vld [tilespmem:$0xDDD0]  }
0x28d: {  	v18 =	vadd.f32 v19, v18  }
0x28e: {  	v19 =	vld [tilespmem:$0xDED0]  }
0x28f: {  	v18 =	vadd.f32 v38, v18  }
0x290: {  	v40 =	vld [tilespmem:$0xDFD0]  }
0x291: {  	v18 =	vadd.f32 v39, v18  }
0x292: {  	v41 =	vld [tilespmem:$0xE0D0]  }
0x293: {  	v18 =	vadd.f32 v19, v18  }
0x294: {  	v19 =	vld [tilespmem:$0xE1D0]  }
0x295: {  	v18 =	vadd.f32 v40, v18  }
0x296: {  	v42 =	vld [tilespmem:$0xE2D0]  }
0x297: {  	v18 =	vadd.f32 v41, v18  }
0x298: {  	v43 =	vld [tilespmem:$0xE3D0]  }
0x299: {  	v18 =	vadd.f32 v19, v18;
	_ =	sdelay $0x1  }
0x29a: {  	v18 =	vadd.f32 v42, v18;
	_ =	sdelay $0x1  }
0x29b: {  	v18 =	vadd.f32 v43, v18;
	_ =	sdelay $0x1  }
0x29c: {  	[tilespmem:v7+s23+$0x0] =	vst.idx.msk $0xffff, v18  }
0x29d: {  	v18 =	vld [tilespmem:$0xD4E0]  }
0x29e: {  	v19 =	vld [tilespmem:$0xD5E0];
	_ =	sdelay $0x1  }
0x29f: {  	v44 =	vld [tilespmem:$0xD6E0];
	_ =	sdelay $0x1  }
0x2a0: {  	v45 =	vld [tilespmem:$0xD7E0]  }
0x2a1: {  	v18 =	vadd.f32 v19, v18  }
0x2a2: {  	v19 =	vld [tilespmem:$0xD8E0]  }
0x2a3: {  	v18 =	vadd.f32 v44, v18  }
0x2a4: {  	v46 =	vld [tilespmem:$0xD9E0]  }
0x2a5: {  	v18 =	vadd.f32 v45, v18  }
0x2a6: {  	v47 =	vld [tilespmem:$0xDAE0]  }
0x2a7: {  	v18 =	vadd.f32 v19, v18  }
0x2a8: {  	v19 =	vld [tilespmem:$0xDBE0]  }
0x2a9: {  	v18 =	vadd.f32 v46, v18  }
0x2aa: {  	v48 =	vld [tilespmem:$0xDCE0]  }
0x2ab: {  	v18 =	vadd.f32 v47, v18  }
0x2ac: {  	v49 =	vld [tilespmem:$0xDDE0]  }
0x2ad: {  	v18 =	vadd.f32 v19, v18  }
0x2ae: {  	v19 =	vld [tilespmem:$0xDEE0]  }
0x2af: {  	v18 =	vadd.f32 v48, v18  }
0x2b0: {  	v50 =	vld [tilespmem:$0xDFE0]  }
0x2b1: {  	v18 =	vadd.f32 v49, v18  }
0x2b2: {  	v51 =	vld [tilespmem:$0xE0E0]  }
0x2b3: {  	v18 =	vadd.f32 v19, v18  }
0x2b4: {  	v19 =	vld [tilespmem:$0xE1E0]  }
0x2b5: {  	v18 =	vadd.f32 v50, v18  }
0x2b6: {  	v52 =	vld [tilespmem:$0xE2E0]  }
0x2b7: {  	v18 =	vadd.f32 v51, v18  }
0x2b8: {  	v53 =	vld [tilespmem:$0xE3E0]  }
0x2b9: {  	v18 =	vadd.f32 v19, v18;
	_ =	sdelay $0x1  }
0x2ba: {  	v18 =	vadd.f32 v52, v18;
	_ =	sdelay $0x1  }
0x2bb: {  	v18 =	vadd.f32 v53, v18;
	_ =	sdelay $0x1  }
0x2bc: {  	[tilespmem:v8+s23+$0x0] =	vst.idx.msk $0xffff, v18  }
0x2bd: {  	v18 =	vld [tilespmem:$0xD4F0]  }
0x2be: {  	v19 =	vld [tilespmem:$0xD5F0];
	_ =	sdelay $0x1  }
0x2bf: {  	v54 =	vld [tilespmem:$0xD6F0];
	_ =	sdelay $0x1  }
0x2c0: {  	v55 =	vld [tilespmem:$0xD7F0]  }
0x2c1: {  	v18 =	vadd.f32 v19, v18  }
0x2c2: {  	v19 =	vld [tilespmem:$0xD8F0]  }
0x2c3: {  	v18 =	vadd.f32 v54, v18  }
0x2c4: {  	v56 =	vld [tilespmem:$0xD9F0]  }
0x2c5: {  	v18 =	vadd.f32 v55, v18  }
0x2c6: {  	v57 =	vld [tilespmem:$0xDAF0]  }
0x2c7: {  	v18 =	vadd.f32 v19, v18  }
0x2c8: {  	v19 =	vld [tilespmem:$0xDBF0]  }
0x2c9: {  	v18 =	vadd.f32 v56, v18  }
0x2ca: {  	v58 =	vld [tilespmem:$0xDCF0]  }
0x2cb: {  	v18 =	vadd.f32 v57, v18  }
0x2cc: {  	v59 =	vld [tilespmem:$0xDDF0]  }
0x2cd: {  	v18 =	vadd.f32 v19, v18  }
0x2ce: {  	v19 =	vld [tilespmem:$0xDEF0]  }
0x2cf: {  	v18 =	vadd.f32 v58, v18  }
0x2d0: {  	v60 =	vld [tilespmem:$0xDFF0]  }
0x2d1: {  	v18 =	vadd.f32 v59, v18  }
0x2d2: {  	v61 =	vld [tilespmem:$0xE0F0]  }
0x2d3: {  	v18 =	vadd.f32 v19, v18  }
0x2d4: {  	v19 =	vld [tilespmem:$0xE1F0]  }
0x2d5: {  	v18 =	vadd.f32 v60, v18  }
0x2d6: {  	v62 =	vld [tilespmem:$0xE2F0]  }
0x2d7: {  	v18 =	vadd.f32 v61, v18  }
0x2d8: {  	v63 =	vld [tilespmem:$0xE3F0]  }
0x2d9: {  	v18 =	vadd.f32 v19, v18;
	_ =	sdelay $0x1  }
0x2da: {  	v18 =	vadd.f32 v62, v18;
	_ =	sdelay $0x1  }
0x2db: {  	v18 =	vadd.f32 v63, v18;
	_ =	sdelay $0x1  }
0x2dc: {  	[tilespmem:v9+s23+$0x0] =	vst.idx.msk $0xffff, v18  }
0x2dd: {  	v18 =	vld [tilespmem:$0xD500]  }
0x2de: {  	v19 =	vld [tilespmem:$0xD600];
	_ =	sdelay $0x1  }
0x2df: {  	v24 =	vld [tilespmem:$0xD700];
	_ =	sdelay $0x1  }
0x2e0: {  	v25 =	vld [tilespmem:$0xD800]  }
0x2e1: {  	v18 =	vadd.f32 v19, v18  }
0x2e2: {  	v19 =	vld [tilespmem:$0xD900]  }
0x2e3: {  	v18 =	vadd.f32 v24, v18  }
0x2e4: {  	v26 =	vld [tilespmem:$0xDA00]  }
0x2e5: {  	v18 =	vadd.f32 v25, v18  }
0x2e6: {  	v27 =	vld [tilespmem:$0xDB00]  }
0x2e7: {  	v18 =	vadd.f32 v19, v18  }
0x2e8: {  	v19 =	vld [tilespmem:$0xDC00]  }
0x2e9: {  	v18 =	vadd.f32 v26, v18  }
0x2ea: {  	v28 =	vld [tilespmem:$0xDD00]  }
0x2eb: {  	v18 =	vadd.f32 v27, v18  }
0x2ec: {  	v29 =	vld [tilespmem:$0xDE00]  }
0x2ed: {  	v18 =	vadd.f32 v19, v18  }
0x2ee: {  	v19 =	vld [tilespmem:$0xDF00]  }
0x2ef: {  	v18 =	vadd.f32 v28, v18  }
0x2f0: {  	v30 =	vld [tilespmem:$0xE000]  }
0x2f1: {  	v18 =	vadd.f32 v29, v18  }
0x2f2: {  	v31 =	vld [tilespmem:$0xE100]  }
0x2f3: {  	v18 =	vadd.f32 v19, v18  }
0x2f4: {  	v19 =	vld [tilespmem:$0xE200]  }
0x2f5: {  	v18 =	vadd.f32 v30, v18  }
0x2f6: {  	v32 =	vld [tilespmem:$0xE300]  }
0x2f7: {  	v18 =	vadd.f32 v31, v18  }
0x2f8: {  	v33 =	vld [tilespmem:$0xE400]  }
0x2f9: {  	v18 =	vadd.f32 v19, v18;
	_ =	sdelay $0x1  }
0x2fa: {  	v18 =	vadd.f32 v32, v18;
	_ =	sdelay $0x1  }
0x2fb: {  	v18 =	vadd.f32 v33, v18;
	_ =	sdelay $0x1  }
0x2fc: {  	[tilespmem:v10+s23+$0x0] =	vst.idx.msk $0xffff, v18  }
0x2fd: {  	v18 =	vld [tilespmem:$0xD510]  }
0x2fe: {  	v19 =	vld [tilespmem:$0xD610];
	_ =	sdelay $0x1  }
0x2ff: {  	v34 =	vld [tilespmem:$0xD710];
	_ =	sdelay $0x1  }
0x300: {  	v35 =	vld [tilespmem:$0xD810]  }
0x301: {  	v18 =	vadd.f32 v19, v18  }
0x302: {  	v19 =	vld [tilespmem:$0xD910]  }
0x303: {  	v18 =	vadd.f32 v34, v18  }
0x304: {  	v36 =	vld [tilespmem:$0xDA10]  }
0x305: {  	v18 =	vadd.f32 v35, v18  }
0x306: {  	v37 =	vld [tilespmem:$0xDB10]  }
0x307: {  	v18 =	vadd.f32 v19, v18  }
0x308: {  	v19 =	vld [tilespmem:$0xDC10]  }
0x309: {  	v18 =	vadd.f32 v36, v18  }
0x30a: {  	v38 =	vld [tilespmem:$0xDD10]  }
0x30b: {  	v18 =	vadd.f32 v37, v18  }
0x30c: {  	v39 =	vld [tilespmem:$0xDE10]  }
0x30d: {  	v18 =	vadd.f32 v19, v18  }
0x30e: {  	v19 =	vld [tilespmem:$0xDF10]  }
0x30f: {  	v18 =	vadd.f32 v38, v18  }
0x310: {  	v40 =	vld [tilespmem:$0xE010]  }
0x311: {  	v18 =	vadd.f32 v39, v18  }
0x312: {  	v41 =	vld [tilespmem:$0xE110]  }
0x313: {  	v18 =	vadd.f32 v19, v18  }
0x314: {  	v19 =	vld [tilespmem:$0xE210]  }
0x315: {  	v18 =	vadd.f32 v40, v18  }
0x316: {  	v42 =	vld [tilespmem:$0xE310]  }
0x317: {  	v18 =	vadd.f32 v41, v18  }
0x318: {  	v43 =	vld [tilespmem:$0xE410]  }
0x319: {  	v18 =	vadd.f32 v19, v18;
	_ =	sdelay $0x1  }
0x31a: {  	v18 =	vadd.f32 v42, v18;
	_ =	sdelay $0x1  }
0x31b: {  	v18 =	vadd.f32 v43, v18;
	_ =	sdelay $0x1  }
0x31c: {  	[tilespmem:v11+s23+$0x0] =	vst.idx.msk $0xffff, v18  }
0x31d: {  	v18 =	vld [tilespmem:$0xD520]  }
0x31e: {  	v19 =	vld [tilespmem:$0xD620];
	_ =	sdelay $0x1  }
0x31f: {  	v44 =	vld [tilespmem:$0xD720];
	_ =	sdelay $0x1  }
0x320: {  	v45 =	vld [tilespmem:$0xD820]  }
0x321: {  	v18 =	vadd.f32 v19, v18  }
0x322: {  	v19 =	vld [tilespmem:$0xD920]  }
0x323: {  	v18 =	vadd.f32 v44, v18  }
0x324: {  	v46 =	vld [tilespmem:$0xDA20]  }
0x325: {  	v18 =	vadd.f32 v45, v18  }
0x326: {  	v47 =	vld [tilespmem:$0xDB20]  }
0x327: {  	v18 =	vadd.f32 v19, v18  }
0x328: {  	v19 =	vld [tilespmem:$0xDC20]  }
0x329: {  	v18 =	vadd.f32 v46, v18  }
0x32a: {  	v48 =	vld [tilespmem:$0xDD20]  }
0x32b: {  	v18 =	vadd.f32 v47, v18  }
0x32c: {  	v49 =	vld [tilespmem:$0xDE20]  }
0x32d: {  	v18 =	vadd.f32 v19, v18  }
0x32e: {  	v19 =	vld [tilespmem:$0xDF20]  }
0x32f: {  	v18 =	vadd.f32 v48, v18  }
0x330: {  	v50 =	vld [tilespmem:$0xE020]  }
0x331: {  	v18 =	vadd.f32 v49, v18  }
0x332: {  	v51 =	vld [tilespmem:$0xE120]  }
0x333: {  	v18 =	vadd.f32 v19, v18  }
0x334: {  	v19 =	vld [tilespmem:$0xE220]  }
0x335: {  	v18 =	vadd.f32 v50, v18  }
0x336: {  	v52 =	vld [tilespmem:$0xE320]  }
0x337: {  	v18 =	vadd.f32 v51, v18  }
0x338: {  	v53 =	vld [tilespmem:$0xE420]  }
0x339: {  	v18 =	vadd.f32 v19, v18;
	_ =	sdelay $0x1  }
0x33a: {  	v18 =	vadd.f32 v52, v18;
	_ =	sdelay $0x1  }
0x33b: {  	v18 =	vadd.f32 v53, v18;
	_ =	sdelay $0x1  }
0x33c: {  	[tilespmem:v12+s23+$0x0] =	vst.idx.msk $0xffff, v18  }
0x33d: {  	v18 =	vld [tilespmem:$0xD530]  }
0x33e: {  	v19 =	vld [tilespmem:$0xD630];
	_ =	sdelay $0x1  }
0x33f: {  	v54 =	vld [tilespmem:$0xD730];
	_ =	sdelay $0x1  }
0x340: {  	v55 =	vld [tilespmem:$0xD830]  }
0x341: {  	v18 =	vadd.f32 v19, v18  }
0x342: {  	v19 =	vld [tilespmem:$0xD930]  }
0x343: {  	v18 =	vadd.f32 v54, v18  }
0x344: {  	v56 =	vld [tilespmem:$0xDA30]  }
0x345: {  	v18 =	vadd.f32 v55, v18  }
0x346: {  	v57 =	vld [tilespmem:$0xDB30]  }
0x347: {  	v18 =	vadd.f32 v19, v18  }
0x348: {  	v19 =	vld [tilespmem:$0xDC30]  }
0x349: {  	v18 =	vadd.f32 v56, v18  }
0x34a: {  	v58 =	vld [tilespmem:$0xDD30]  }
0x34b: {  	v18 =	vadd.f32 v57, v18  }
0x34c: {  	v59 =	vld [tilespmem:$0xDE30]  }
0x34d: {  	v18 =	vadd.f32 v19, v18  }
0x34e: {  	v19 =	vld [tilespmem:$0xDF30]  }
0x34f: {  	v18 =	vadd.f32 v58, v18  }
0x350: {  	v60 =	vld [tilespmem:$0xE030]  }
0x351: {  	v18 =	vadd.f32 v59, v18  }
0x352: {  	v61 =	vld [tilespmem:$0xE130]  }
0x353: {  	v18 =	vadd.f32 v19, v18  }
0x354: {  	v19 =	vld [tilespmem:$0xE230]  }
0x355: {  	v18 =	vadd.f32 v60, v18  }
0x356: {  	v62 =	vld [tilespmem:$0xE330]  }
0x357: {  	v18 =	vadd.f32 v61, v18  }
0x358: {  	v63 =	vld [tilespmem:$0xE430]  }
0x359: {  	v18 =	vadd.f32 v19, v18;
	_ =	sdelay $0x1  }
0x35a: {  	v18 =	vadd.f32 v62, v18;
	_ =	sdelay $0x1  }
0x35b: {  	v18 =	vadd.f32 v63, v18;
	_ =	sdelay $0x1  }
0x35c: {  	[tilespmem:v13+s23+$0x0] =	vst.idx.msk $0xffff, v18  }
0x35d: {  	v18 =	vld [tilespmem:$0xD540]  }
0x35e: {  	v19 =	vld [tilespmem:$0xD640];
	_ =	sdelay $0x1  }
0x35f: {  	v24 =	vld [tilespmem:$0xD740];
	_ =	sdelay $0x1  }
0x360: {  	v25 =	vld [tilespmem:$0xD840]  }
0x361: {  	v18 =	vadd.f32 v19, v18  }
0x362: {  	v19 =	vld [tilespmem:$0xD940]  }
0x363: {  	v18 =	vadd.f32 v24, v18  }
0x364: {  	v26 =	vld [tilespmem:$0xDA40]  }
0x365: {  	v18 =	vadd.f32 v25, v18  }
0x366: {  	v27 =	vld [tilespmem:$0xDB40]  }
0x367: {  	v18 =	vadd.f32 v19, v18  }
0x368: {  	v19 =	vld [tilespmem:$0xDC40]  }
0x369: {  	v18 =	vadd.f32 v26, v18  }
0x36a: {  	v28 =	vld [tilespmem:$0xDD40]  }
0x36b: {  	v18 =	vadd.f32 v27, v18  }
0x36c: {  	v29 =	vld [tilespmem:$0xDE40]  }
0x36d: {  	v18 =	vadd.f32 v19, v18  }
0x36e: {  	v19 =	vld [tilespmem:$0xDF40]  }
0x36f: {  	v18 =	vadd.f32 v28, v18  }
0x370: {  	v30 =	vld [tilespmem:$0xE040]  }
0x371: {  	v18 =	vadd.f32 v29, v18  }
0x372: {  	v31 =	vld [tilespmem:$0xE140]  }
0x373: {  	v18 =	vadd.f32 v19, v18  }
0x374: {  	v19 =	vld [tilespmem:$0xE240]  }
0x375: {  	v18 =	vadd.f32 v30, v18  }
0x376: {  	v32 =	vld [tilespmem:$0xE340]  }
0x377: {  	v18 =	vadd.f32 v31, v18  }
0x378: {  	v33 =	vld [tilespmem:$0xE440]  }
0x379: {  	v18 =	vadd.f32 v19, v18;
	_ =	sdelay $0x1  }
0x37a: {  	v18 =	vadd.f32 v32, v18;
	_ =	sdelay $0x1  }
0x37b: {  	v18 =	vadd.f32 v33, v18;
	_ =	sdelay $0x1  }
0x37c: {  	[tilespmem:v14+s23+$0x0] =	vst.idx.msk $0xffff, v18  }
0x37d: {  	v18 =	vld [tilespmem:$0xD550]  }
0x37e: {  	v19 =	vld [tilespmem:$0xD650];
	_ =	sdelay $0x1  }
0x37f: {  	v34 =	vld [tilespmem:$0xD750];
	_ =	sdelay $0x1  }
0x380: {  	v35 =	vld [tilespmem:$0xD850]  }
0x381: {  	v18 =	vadd.f32 v19, v18  }
0x382: {  	v19 =	vld [tilespmem:$0xD950]  }
0x383: {  	v18 =	vadd.f32 v34, v18  }
0x384: {  	v36 =	vld [tilespmem:$0xDA50]  }
0x385: {  	v18 =	vadd.f32 v35, v18  }
0x386: {  	v37 =	vld [tilespmem:$0xDB50]  }
0x387: {  	v18 =	vadd.f32 v19, v18  }
0x388: {  	v19 =	vld [tilespmem:$0xDC50]  }
0x389: {  	v18 =	vadd.f32 v36, v18  }
0x38a: {  	v38 =	vld [tilespmem:$0xDD50]  }
0x38b: {  	v18 =	vadd.f32 v37, v18  }
0x38c: {  	v39 =	vld [tilespmem:$0xDE50]  }
0x38d: {  	v18 =	vadd.f32 v19, v18  }
0x38e: {  	v19 =	vld [tilespmem:$0xDF50]  }
0x38f: {  	v18 =	vadd.f32 v38, v18  }
0x390: {  	v40 =	vld [tilespmem:$0xE050]  }
0x391: {  	v18 =	vadd.f32 v39, v18  }
0x392: {  	v41 =	vld [tilespmem:$0xE150]  }
0x393: {  	v18 =	vadd.f32 v19, v18  }
0x394: {  	v19 =	vld [tilespmem:$0xE250]  }
0x395: {  	v18 =	vadd.f32 v40, v18  }
0x396: {  	v42 =	vld [tilespmem:$0xE350]  }
0x397: {  	v18 =	vadd.f32 v41, v18  }
0x398: {  	v43 =	vld [tilespmem:$0xE450]  }
0x399: {  	v18 =	vadd.f32 v19, v18;
	_ =	sdelay $0x1  }
0x39a: {  	v18 =	vadd.f32 v42, v18;
	_ =	sdelay $0x1  }
0x39b: {  	v18 =	vadd.f32 v43, v18;
	_ =	sdelay $0x1  }
0x39c: {  	[tilespmem:v15+s23+$0x0] =	vst.idx.msk $0xffff, v18  }
0x39d: {  	v18 =	vld [tilespmem:$0xD560]  }
0x39e: {  	v19 =	vld [tilespmem:$0xD660];
	_ =	sdelay $0x1  }
0x39f: {  	v44 =	vld [tilespmem:$0xD760];
	_ =	sdelay $0x1  }
0x3a0: {  	v45 =	vld [tilespmem:$0xD860]  }
0x3a1: {  	v18 =	vadd.f32 v19, v18  }
0x3a2: {  	v19 =	vld [tilespmem:$0xD960]  }
0x3a3: {  	v18 =	vadd.f32 v44, v18  }
0x3a4: {  	v46 =	vld [tilespmem:$0xDA60]  }
0x3a5: {  	v18 =	vadd.f32 v45, v18  }
0x3a6: {  	v47 =	vld [tilespmem:$0xDB60]  }
0x3a7: {  	v18 =	vadd.f32 v19, v18  }
0x3a8: {  	v19 =	vld [tilespmem:$0xDC60]  }
0x3a9: {  	v18 =	vadd.f32 v46, v18  }
0x3aa: {  	v48 =	vld [tilespmem:$0xDD60]  }
0x3ab: {  	v18 =	vadd.f32 v47, v18  }
0x3ac: {  	v49 =	vld [tilespmem:$0xDE60]  }
0x3ad: {  	v18 =	vadd.f32 v19, v18  }
0x3ae: {  	v19 =	vld [tilespmem:$0xDF60]  }
0x3af: {  	v18 =	vadd.f32 v48, v18  }
0x3b0: {  	v50 =	vld [tilespmem:$0xE060]  }
0x3b1: {  	v18 =	vadd.f32 v49, v18  }
0x3b2: {  	v51 =	vld [tilespmem:$0xE160]  }
0x3b3: {  	v18 =	vadd.f32 v19, v18  }
0x3b4: {  	v19 =	vld [tilespmem:$0xE260]  }
0x3b5: {  	v18 =	vadd.f32 v50, v18  }
0x3b6: {  	v52 =	vld [tilespmem:$0xE360]  }
0x3b7: {  	v18 =	vadd.f32 v51, v18  }
0x3b8: {  	v53 =	vld [tilespmem:$0xE460]  }
0x3b9: {  	v18 =	vadd.f32 v19, v18;
	_ =	sdelay $0x1  }
0x3ba: {  	v18 =	vadd.f32 v52, v18;
	_ =	sdelay $0x1  }
0x3bb: {  	v18 =	vadd.f32 v53, v18;
	_ =	sdelay $0x1  }
0x3bc: {  	[tilespmem:v16+s23+$0x0] =	vst.idx.msk $0xffff, v18  }
0x3bd: {  	v18 =	vld [tilespmem:$0xD570]  }
0x3be: {  	v19 =	vld [tilespmem:$0xD670];
	_ =	sdelay $0x1  }
0x3bf: {  	v54 =	vld [tilespmem:$0xD770];
	_ =	sdelay $0x1  }
0x3c0: {  	v55 =	vld [tilespmem:$0xD870]  }
0x3c1: {  	v18 =	vadd.f32 v19, v18  }
0x3c2: {  	v19 =	vld [tilespmem:$0xD970]  }
0x3c3: {  	v18 =	vadd.f32 v54, v18  }
0x3c4: {  	v56 =	vld [tilespmem:$0xDA70]  }
0x3c5: {  	v18 =	vadd.f32 v55, v18  }
0x3c6: {  	v57 =	vld [tilespmem:$0xDB70]  }
0x3c7: {  	v18 =	vadd.f32 v19, v18  }
0x3c8: {  	v19 =	vld [tilespmem:$0xDC70]  }
0x3c9: {  	v18 =	vadd.f32 v56, v18  }
0x3ca: {  	v58 =	vld [tilespmem:$0xDD70]  }
0x3cb: {  	v18 =	vadd.f32 v57, v18  }
0x3cc: {  	v59 =	vld [tilespmem:$0xDE70]  }
0x3cd: {  	v18 =	vadd.f32 v19, v18  }
0x3ce: {  	v19 =	vld [tilespmem:$0xDF70]  }
0x3cf: {  	v18 =	vadd.f32 v58, v18  }
0x3d0: {  	v60 =	vld [tilespmem:$0xE070]  }
0x3d1: {  	v18 =	vadd.f32 v59, v18  }
0x3d2: {  	v61 =	vld [tilespmem:$0xE170]  }
0x3d3: {  	v18 =	vadd.f32 v19, v18  }
0x3d4: {  	v19 =	vld [tilespmem:$0xE270]  }
0x3d5: {  	v18 =	vadd.f32 v60, v18  }
0x3d6: {  	v62 =	vld [tilespmem:$0xE370]  }
0x3d7: {  	v18 =	vadd.f32 v61, v18  }
0x3d8: {  	v63 =	vld [tilespmem:$0xE470]  }
0x3d9: {  	v18 =	vadd.f32 v19, v18;
	_ =	sdelay $0x1  }
0x3da: {  	v18 =	vadd.f32 v62, v18;
	_ =	sdelay $0x1  }
0x3db: {  	v18 =	vadd.f32 v63, v18;
	_ =	sdelay $0x1  }
0x3dc: {  	s22 =	simm.s32 $0x0;
	s29 =	rddreg [dreg:$0x11];
	[tilespmem:v17+s23+$0x0] =	vst.idx.msk $0xffff, v18  }
0x3dd: {  	[hbm4b:s29+s22] =	stream.linear.scatter [tilespmem:s23], [sflag:$0xA], $0x8000, $0x38;
	[tilespmem:$0x1F180] =	vst v63  }
0x3de: {  	_ =	swait.ge [sflag:s12], $0x8000  }
0x3df: {  	[sflag:s12] =	ssyncset.done $0x0  }
0x3e0: {  	[sflag:s12] =	ssyncadd.s32 $0xFFFF8000  }
.LBB3_29:
0x3e1: {  	s15 =	sld [smem:$0x7DA];
	_ =	sdelay $0x1  }
0x3e2: {  	s0 =	simm.s32 @p6 $0x0;
	s13 =	simm.s32 @p6 $0x300  }
0x3e3: {  	[tilespmem:s13], [sflag:$0xA] =	stream.linear.gather @p6 [hbm4b:s15+s0], $0x20, $0x38;
	[tilespmem:$0x1F180] =	vst v63  }
0x3e4: {  	s15 =	simm.s32 @p6 $0xA  }
0x3e5: {  	_ =	swait.ge @p6 [sflag:s15], $0x20  }
0x3e6: {  	[sflag:s15] =	ssyncset.done @p6 $0x0  }
0x3e7: {  	[sflag:s15] =	ssyncadd.s32 @p6 $0xFFFFFFE0  }
0x3e8: {  	s16 =	simm.s32 @p6 $0x20;
	s22 =	simm.s32 @p6 $0x480;
	s29 =	rddreg [dreg:$0x3]  }
0x3e9: {  	[tilespmem:s22], [sflag:$0x1] =	stream.indirect.gather @p6 [hbm4b:s29+s16], $0x80, s13, s16, $0xb8;
	[tilespmem:$0x1F180] =	vst v63  }
0x3ea: {  	s13 =	simm.s32 @p6 $0x1  }
0x3eb: {  	_ =	swait.ge @p6 [sflag:s13], $0x1000  }
0x3ec: {  	[sflag:s13] =	ssyncset.done @p6 $0x0  }
0x3ed: {  	[sflag:s13] =	ssyncadd.s32 @p6 $0xFFFFF000;
	s13 =	sld [smem:$0x7DB];
	_ =	sdelay $0x2  }
0x3ee: {  	[hbm4b:s13+s0] =	stream.linear.scatter @p6 [tilespmem:s22], [sflag:$0xA], $0x1000, $0x38;
	[tilespmem:$0x1F180] =	vst v63  }
0x3ef: {  	_ =	swait.ge @p6 [sflag:s15], $0x1000  }
0x3f0: {  	s0 =	simm.s32 @!p6 $0x0;
	[sflag:s15] =	ssyncset.done @p6 $0x0  }
0x3f1: {  	s13 =	simm.s32 @!p6 $0x300;
	[sflag:s15] =	ssyncadd.s32 @p6 $0xFFFFF000;
	s15 =	simm.s32 @!p6 $0xA  }
0x3f2: {  	[tilespmem:s13], [sflag:$0xA] =	stream.linear.gather @!p6 [hbm4b:s11+s0], $0x80, $0x38;
	[tilespmem:$0x1F180] =	vst v63  }
0x3f3: {  	_ =	swait.ge @!p6 [sflag:s15], $0x80  }
0x3f4: {  	[sflag:s15] =	ssyncset.done @!p6 $0x0  }
0x3f5: {  	s16 =	simm.s32 @!p6 $0x80;
	s22 =	simm.s32 @!p6 $0x480;
	[sflag:s15] =	ssyncadd.s32 @!p6 $0xFFFFFF80  }
0x3f6: {  	[tilespmem:s22], [sflag:$0x1] =	stream.indirect.gather @!p6 [hbm4b:s29+s16], $0x80, s13, s16, $0xb8;
	[tilespmem:$0x1F180] =	vst v63  }
0x3f7: {  	s13 =	simm.s32 @!p6 $0x1  }
0x3f8: {  	_ =	swait.ge @!p6 [sflag:s13], $0x4000  }
0x3f9: {  	[sflag:s13] =	ssyncset.done @!p6 $0x0  }
0x3fa: {  	[sflag:s13] =	ssyncadd.s32 @!p6 $0xFFFFC000;
	s13 =	sld [smem:$0x7D9];
	_ =	sdelay $0x2  }
0x3fb: {  	[hbm4b:s13+s0] =	stream.linear.scatter @!p6 [tilespmem:s22], [sflag:$0xA], $0x4000, $0x38;
	[tilespmem:$0x1F180] =	vst v63  }
0x3fc: {  	_ =	swait.ge @!p6 [sflag:s15], $0x4000  }
0x3fd: {  	s29 =	sld [smem:$0x7DC];
	_ =	sdelay $0x1  }
0x3fe: {  	s20 =	sadd.s32 $0x1, s20  }
0x3ff: {  	p0 =	sne.s32 s20, s29  }
.Ltmp20:
0x400: {  	_ = 	snop;
	(pc) =	sbr.rel @p0 .LBB3_1-.Ltmp20, $4  }
.Ltmp21:
0x401: {  	_ = 	snop;
	(pc) =	sbr.rel @!p0 .LBB3_30-.Ltmp21, $4  }
0x402: {  	_ = 	snop  }
0x403: {  	[sflag:s15] =	ssyncset.done @!p6 $0x0  }
0x404: {  	[sflag:s15] =	ssyncadd.s32 @!p6 $0xFFFFC000  }
0x405: {  	_ = 	snop  }
.LBB3_28:
0x406: {  	s0 =	rddreg [dreg:$0x1a]  }
0x407: {  	[spmem:s0] =	stream.linear.scatter [tilespmem:s8], [sflag:$0xA], $0x1000, $0x38;
	[tilespmem:$0x1F180] =	vst v63  }
0x408: {  	_ =	swait.ge [sflag:s12], $0x1000  }
0x409: {  	[sflag:s12] =	ssyncset.done $0x0  }
0x40a: {  	[sflag:s12] =	ssyncadd.s32 $0xFFFFF000  }
0x40b: {  	[bflag:$0x0] =	sbarrier.arrive $0xFFFF  }
0x40c: {  	s16 =	sshrl.u32 s4, $0x3;
	s15 =	simm.s32 $0x1FCA;
	s13 =	rddreg [dreg:$0xe]  }
0x40d: {  	[hbm:s13], [sflag:s15] =	dma.local [spmem:s16], $0xA00  }
0x40e: {  	_ =	swait.ge [sflag:s12], $0xA00  }
0x40f: {  	s22 =	sld [smem:$0x7EE]  }
0x410: {  	[sflag:s12] =	ssyncset.done $0x0  }
0x411: {  	s29 =	simm.s32 $0xD480;
	s15 =	sld [smem:$0x7EF];
	[sflag:s12] =	ssyncadd.s32 $0xFFFFF600  }
0x412: {  	[tilespmem:s29], [sflag:$0x7] =	stream.linear.gather [spmem:s22], $0xA0, $0x38;
	[tilespmem:$0x1F180] =	vst v63  }
0x413: {  	s16 =	simm.s32 $0xD580;
	s22 =	sld [smem:$0x7F0]  }
0x414: {  	[tilespmem:s16], [sflag:$0x7] =	stream.linear.gather [spmem:s15], $0xA0, $0x38;
	[tilespmem:$0x1F180] =	vst v63  }
0x415: {  	s29 =	simm.s32 $0xD680;
	s15 =	sld [smem:$0x7F1]  }
0x416: {  	[tilespmem:s29], [sflag:$0x7] =	stream.linear.gather [spmem:s22], $0xA0, $0x38;
	[tilespmem:$0x1F180] =	vst v63  }
0x417: {  	s16 =	simm.s32 $0xD780;
	s22 =	sld [smem:$0x7F2]  }
0x418: {  	[tilespmem:s16], [sflag:$0x7] =	stream.linear.gather [spmem:s15], $0xA0, $0x38;
	[tilespmem:$0x1F180] =	vst v63  }
0x419: {  	s29 =	simm.s32 $0xD880;
	s15 =	sld [smem:$0x7F3]  }
0x41a: {  	[tilespmem:s29], [sflag:$0x7] =	stream.linear.gather [spmem:s22], $0xA0, $0x38;
	[tilespmem:$0x1F180] =	vst v63  }
0x41b: {  	s16 =	simm.s32 $0xD980;
	s22 =	sld [smem:$0x7F4]  }
0x41c: {  	[tilespmem:s16], [sflag:$0x7] =	stream.linear.gather [spmem:s15], $0xA0, $0x38;
	[tilespmem:$0x1F180] =	vst v63  }
0x41d: {  	s29 =	simm.s32 $0xDA80;
	s15 =	sld [smem:$0x7F5]  }
0x41e: {  	[tilespmem:s29], [sflag:$0x7] =	stream.linear.gather [spmem:s22], $0xA0, $0x38;
	[tilespmem:$0x1F180] =	vst v63  }
0x41f: {  	s16 =	simm.s32 $0xDB80;
	s22 =	sld [smem:$0x7F6]  }
0x420: {  	[tilespmem:s16], [sflag:$0x7] =	stream.linear.gather [spmem:s15], $0xA0, $0x38;
	[tilespmem:$0x1F180] =	vst v63  }
0x421: {  	s29 =	simm.s32 $0xDC80;
	s15 =	sld [smem:$0x7F7]  }
0x422: {  	[tilespmem:s29], [sflag:$0x7] =	stream.linear.gather [spmem:s22], $0xA0, $0x38;
	[tilespmem:$0x1F180] =	vst v63  }
0x423: {  	s16 =	simm.s32 $0xDD80;
	s22 =	sld [smem:$0x7F8]  }
0x424: {  	[tilespmem:s16], [sflag:$0x7] =	stream.linear.gather [spmem:s15], $0xA0, $0x38;
	[tilespmem:$0x1F180] =	vst v63  }
0x425: {  	s29 =	simm.s32 $0xDE80;
	s15 =	sld [smem:$0x7F9]  }
0x426: {  	[tilespmem:s29], [sflag:$0x7] =	stream.linear.gather [spmem:s22], $0xA0, $0x38;
	[tilespmem:$0x1F180] =	vst v63  }
0x427: {  	s16 =	simm.s32 $0xDF80;
	s22 =	sld [smem:$0x7FA]  }
0x428: {  	[tilespmem:s16], [sflag:$0x7] =	stream.linear.gather [spmem:s15], $0xA0, $0x38;
	[tilespmem:$0x1F180] =	vst v63  }
0x429: {  	s29 =	simm.s32 $0xE080;
	s15 =	sld [smem:$0x7FB]  }
0x42a: {  	[tilespmem:s29], [sflag:$0x7] =	stream.linear.gather [spmem:s22], $0xA0, $0x38;
	[tilespmem:$0x1F180] =	vst v63  }
0x42b: {  	s16 =	simm.s32 $0xE180;
	s22 =	sld [smem:$0x7FC]  }
0x42c: {  	[tilespmem:s16], [sflag:$0x7] =	stream.linear.gather [spmem:s15], $0xA0, $0x38;
	[tilespmem:$0x1F180] =	vst v63  }
0x42d: {  	s29 =	simm.s32 $0xE280;
	s15 =	sld [smem:$0x7FD]  }
0x42e: {  	[tilespmem:s29], [sflag:$0x7] =	stream.linear.gather [spmem:s22], $0xA0, $0x38;
	[tilespmem:$0x1F180] =	vst v63  }
0x42f: {  	s16 =	simm.s32 $0xE380  }
0x430: {  	[tilespmem:s16], [sflag:$0x7] =	stream.linear.gather [spmem:s15], $0xA0, $0x38;
	[tilespmem:$0x1F180] =	vst v63  }
0x431: {  	_ =	swait.ge [sflag:s21], $0xA0  }
0x432: {  	[sflag:s21] =	ssyncset.done $0x0  }
0x433: {  	[sflag:s21] =	ssyncadd.s32 $0xFFFFFF60  }
0x434: {  	_ =	swait.ge [sflag:s21], $0xA0  }
0x435: {  	[sflag:s21] =	ssyncset.done $0x0  }
0x436: {  	[sflag:s21] =	ssyncadd.s32 $0xFFFFFF60  }
0x437: {  	_ =	swait.ge [sflag:s21], $0xA0  }
0x438: {  	[sflag:s21] =	ssyncset.done $0x0  }
0x439: {  	[sflag:s21] =	ssyncadd.s32 $0xFFFFFF60  }
0x43a: {  	_ =	swait.ge [sflag:s21], $0xA0  }
0x43b: {  	[sflag:s21] =	ssyncset.done $0x0  }
0x43c: {  	[sflag:s21] =	ssyncadd.s32 $0xFFFFFF60  }
0x43d: {  	_ =	swait.ge [sflag:s21], $0xA0  }
0x43e: {  	[sflag:s21] =	ssyncset.done $0x0  }
0x43f: {  	[sflag:s21] =	ssyncadd.s32 $0xFFFFFF60  }
0x440: {  	_ =	swait.ge [sflag:s21], $0xA0  }
0x441: {  	[sflag:s21] =	ssyncset.done $0x0  }
0x442: {  	[sflag:s21] =	ssyncadd.s32 $0xFFFFFF60  }
0x443: {  	_ =	swait.ge [sflag:s21], $0xA0  }
0x444: {  	[sflag:s21] =	ssyncset.done $0x0  }
0x445: {  	[sflag:s21] =	ssyncadd.s32 $0xFFFFFF60  }
0x446: {  	_ =	swait.ge [sflag:s21], $0xA0  }
0x447: {  	[sflag:s21] =	ssyncset.done $0x0  }
0x448: {  	[sflag:s21] =	ssyncadd.s32 $0xFFFFFF60  }
0x449: {  	_ =	swait.ge [sflag:s21], $0xA0  }
0x44a: {  	[sflag:s21] =	ssyncset.done $0x0  }
0x44b: {  	[sflag:s21] =	ssyncadd.s32 $0xFFFFFF60  }
0x44c: {  	_ =	swait.ge [sflag:s21], $0xA0  }
0x44d: {  	[sflag:s21] =	ssyncset.done $0x0  }
0x44e: {  	[sflag:s21] =	ssyncadd.s32 $0xFFFFFF60  }
0x44f: {  	_ =	swait.ge [sflag:s21], $0xA0  }
0x450: {  	[sflag:s21] =	ssyncset.done $0x0  }
0x451: {  	[sflag:s21] =	ssyncadd.s32 $0xFFFFFF60  }
0x452: {  	_ =	swait.ge [sflag:s21], $0xA0  }
0x453: {  	[sflag:s21] =	ssyncset.done $0x0  }
0x454: {  	[sflag:s21] =	ssyncadd.s32 $0xFFFFFF60  }
0x455: {  	_ =	swait.ge [sflag:s21], $0xA0  }
0x456: {  	[sflag:s21] =	ssyncset.done $0x0  }
0x457: {  	[sflag:s21] =	ssyncadd.s32 $0xFFFFFF60  }
0x458: {  	_ =	swait.ge [sflag:s21], $0xA0  }
0x459: {  	[sflag:s21] =	ssyncset.done $0x0  }
0x45a: {  	[sflag:s21] =	ssyncadd.s32 $0xFFFFFF60  }
0x45b: {  	_ =	swait.ge [sflag:s21], $0xA0  }
0x45c: {  	[sflag:s21] =	ssyncset.done $0x0  }
0x45d: {  	[sflag:s21] =	ssyncadd.s32 $0xFFFFFF60  }
0x45e: {  	_ =	swait.ge [sflag:s21], $0xA0  }
0x45f: {  	[sflag:s21] =	ssyncset.done $0x0  }
0x460: {  	[sflag:s21] =	ssyncadd.s32 $0xFFFFFF60  }
0x461: {  	v18 =	vld [tilespmem:$0xD480]  }
0x462: {  	v19 =	vld [tilespmem:$0xD580];
	_ =	sdelay $0x1  }
0x463: {  	v20 =	vld [tilespmem:$0xD680];
	_ =	sdelay $0x1  }
0x464: {  	v21 =	vld [tilespmem:$0xD780]  }
0x465: {  	v18 =	vadd.f32 v19, v18  }
0x466: {  	v19 =	vld [tilespmem:$0xD880]  }
0x467: {  	v18 =	vadd.f32 v20, v18  }
0x468: {  	v46 =	vld [tilespmem:$0xD980]  }
0x469: {  	v18 =	vadd.f32 v21, v18  }
0x46a: {  	v47 =	vld [tilespmem:$0xDA80]  }
0x46b: {  	v18 =	vadd.f32 v19, v18  }
0x46c: {  	v19 =	vld [tilespmem:$0xDB80]  }
0x46d: {  	v18 =	vadd.f32 v46, v18  }
0x46e: {  	v48 =	vld [tilespmem:$0xDC80]  }
0x46f: {  	v18 =	vadd.f32 v47, v18  }
0x470: {  	v49 =	vld [tilespmem:$0xDD80]  }
0x471: {  	v18 =	vadd.f32 v19, v18  }
0x472: {  	v19 =	vld [tilespmem:$0xDE80]  }
0x473: {  	v18 =	vadd.f32 v48, v18  }
0x474: {  	v50 =	vld [tilespmem:$0xDF80]  }
0x475: {  	v18 =	vadd.f32 v49, v18  }
0x476: {  	v51 =	vld [tilespmem:$0xE080]  }
0x477: {  	v18 =	vadd.f32 v19, v18  }
0x478: {  	v19 =	vld [tilespmem:$0xE180]  }
0x479: {  	v18 =	vadd.f32 v50, v18  }
0x47a: {  	v52 =	vld [tilespmem:$0xE280]  }
0x47b: {  	v18 =	vadd.f32 v51, v18  }
0x47c: {  	v53 =	vld [tilespmem:$0xE380]  }
0x47d: {  	v18 =	vadd.f32 v19, v18;
	_ =	sdelay $0x1  }
0x47e: {  	v18 =	vadd.f32 v52, v18;
	_ =	sdelay $0x1  }
0x47f: {  	v18 =	vadd.f32 v53, v18;
	_ =	sdelay $0x1  }
0x480: {  	[tilespmem:v0+s23+$0x0] =	vst.idx.msk $0xffff, v18  }
0x481: {  	v18 =	vld [tilespmem:$0xD490]  }
0x482: {  	v19 =	vld [tilespmem:$0xD590];
	_ =	sdelay $0x1  }
0x483: {  	v54 =	vld [tilespmem:$0xD690];
	_ =	sdelay $0x1  }
0x484: {  	v55 =	vld [tilespmem:$0xD790]  }
0x485: {  	v18 =	vadd.f32 v19, v18  }
0x486: {  	v19 =	vld [tilespmem:$0xD890]  }
0x487: {  	v18 =	vadd.f32 v54, v18  }
0x488: {  	v56 =	vld [tilespmem:$0xD990]  }
0x489: {  	v18 =	vadd.f32 v55, v18  }
0x48a: {  	v57 =	vld [tilespmem:$0xDA90]  }
0x48b: {  	v18 =	vadd.f32 v19, v18  }
0x48c: {  	v19 =	vld [tilespmem:$0xDB90]  }
0x48d: {  	v18 =	vadd.f32 v56, v18  }
0x48e: {  	v58 =	vld [tilespmem:$0xDC90]  }
0x48f: {  	v18 =	vadd.f32 v57, v18  }
0x490: {  	v59 =	vld [tilespmem:$0xDD90]  }
0x491: {  	v18 =	vadd.f32 v19, v18  }
0x492: {  	v19 =	vld [tilespmem:$0xDE90]  }
0x493: {  	v18 =	vadd.f32 v58, v18  }
0x494: {  	v60 =	vld [tilespmem:$0xDF90]  }
0x495: {  	v18 =	vadd.f32 v59, v18  }
0x496: {  	v61 =	vld [tilespmem:$0xE090]  }
0x497: {  	v18 =	vadd.f32 v19, v18  }
0x498: {  	v19 =	vld [tilespmem:$0xE190]  }
0x499: {  	v18 =	vadd.f32 v60, v18  }
0x49a: {  	v62 =	vld [tilespmem:$0xE290]  }
0x49b: {  	v18 =	vadd.f32 v61, v18  }
0x49c: {  	v63 =	vld [tilespmem:$0xE390]  }
0x49d: {  	v18 =	vadd.f32 v19, v18;
	_ =	sdelay $0x1  }
0x49e: {  	v18 =	vadd.f32 v62, v18;
	_ =	sdelay $0x1  }
0x49f: {  	v18 =	vadd.f32 v63, v18;
	_ =	sdelay $0x1  }
0x4a0: {  	[tilespmem:v3+s23+$0x0] =	vst.idx.msk $0xffff, v18  }
0x4a1: {  	v18 =	vld [tilespmem:$0xD4A0]  }
0x4a2: {  	v19 =	vld [tilespmem:$0xD5A0];
	_ =	sdelay $0x1  }
0x4a3: {  	v24 =	vld [tilespmem:$0xD6A0];
	_ =	sdelay $0x1  }
0x4a4: {  	v25 =	vld [tilespmem:$0xD7A0]  }
0x4a5: {  	v18 =	vadd.f32 v19, v18  }
0x4a6: {  	v19 =	vld [tilespmem:$0xD8A0]  }
0x4a7: {  	v18 =	vadd.f32 v24, v18  }
0x4a8: {  	v26 =	vld [tilespmem:$0xD9A0]  }
0x4a9: {  	v18 =	vadd.f32 v25, v18  }
0x4aa: {  	v27 =	vld [tilespmem:$0xDAA0]  }
0x4ab: {  	v18 =	vadd.f32 v19, v18  }
0x4ac: {  	v19 =	vld [tilespmem:$0xDBA0]  }
0x4ad: {  	v18 =	vadd.f32 v26, v18  }
0x4ae: {  	v28 =	vld [tilespmem:$0xDCA0]  }
0x4af: {  	v18 =	vadd.f32 v27, v18  }
0x4b0: {  	v29 =	vld [tilespmem:$0xDDA0]  }
0x4b1: {  	v18 =	vadd.f32 v19, v18  }
0x4b2: {  	v19 =	vld [tilespmem:$0xDEA0]  }
0x4b3: {  	v18 =	vadd.f32 v28, v18  }
0x4b4: {  	v30 =	vld [tilespmem:$0xDFA0]  }
0x4b5: {  	v18 =	vadd.f32 v29, v18  }
0x4b6: {  	v31 =	vld [tilespmem:$0xE0A0]  }
0x4b7: {  	v18 =	vadd.f32 v19, v18  }
0x4b8: {  	v19 =	vld [tilespmem:$0xE1A0]  }
0x4b9: {  	v18 =	vadd.f32 v30, v18  }
0x4ba: {  	v32 =	vld [tilespmem:$0xE2A0]  }
0x4bb: {  	v18 =	vadd.f32 v31, v18  }
0x4bc: {  	v33 =	vld [tilespmem:$0xE3A0]  }
0x4bd: {  	v18 =	vadd.f32 v19, v18;
	_ =	sdelay $0x1  }
0x4be: {  	v18 =	vadd.f32 v32, v18;
	_ =	sdelay $0x1  }
0x4bf: {  	v18 =	vadd.f32 v33, v18;
	_ =	sdelay $0x1  }
0x4c0: {  	[tilespmem:v4+s23+$0x0] =	vst.idx.msk $0xffff, v18  }
0x4c1: {  	v18 =	vld [tilespmem:$0xD4B0]  }
0x4c2: {  	v19 =	vld [tilespmem:$0xD5B0];
	_ =	sdelay $0x1  }
0x4c3: {  	v34 =	vld [tilespmem:$0xD6B0];
	_ =	sdelay $0x1  }
0x4c4: {  	v35 =	vld [tilespmem:$0xD7B0]  }
0x4c5: {  	v18 =	vadd.f32 v19, v18  }
0x4c6: {  	v19 =	vld [tilespmem:$0xD8B0]  }
0x4c7: {  	v18 =	vadd.f32 v34, v18  }
0x4c8: {  	v36 =	vld [tilespmem:$0xD9B0]  }
0x4c9: {  	v18 =	vadd.f32 v35, v18  }
0x4ca: {  	v37 =	vld [tilespmem:$0xDAB0]  }
0x4cb: {  	v18 =	vadd.f32 v19, v18  }
0x4cc: {  	v19 =	vld [tilespmem:$0xDBB0]  }
0x4cd: {  	v18 =	vadd.f32 v36, v18  }
0x4ce: {  	v38 =	vld [tilespmem:$0xDCB0]  }
0x4cf: {  	v18 =	vadd.f32 v37, v18  }
0x4d0: {  	v39 =	vld [tilespmem:$0xDDB0]  }
0x4d1: {  	v18 =	vadd.f32 v19, v18  }
0x4d2: {  	v19 =	vld [tilespmem:$0xDEB0]  }
0x4d3: {  	v18 =	vadd.f32 v38, v18  }
0x4d4: {  	v40 =	vld [tilespmem:$0xDFB0]  }
0x4d5: {  	v18 =	vadd.f32 v39, v18  }
0x4d6: {  	v41 =	vld [tilespmem:$0xE0B0]  }
0x4d7: {  	v18 =	vadd.f32 v19, v18  }
0x4d8: {  	v19 =	vld [tilespmem:$0xE1B0]  }
0x4d9: {  	v18 =	vadd.f32 v40, v18  }
0x4da: {  	v42 =	vld [tilespmem:$0xE2B0]  }
0x4db: {  	v18 =	vadd.f32 v41, v18  }
0x4dc: {  	v43 =	vld [tilespmem:$0xE3B0]  }
0x4dd: {  	v18 =	vadd.f32 v19, v18;
	_ =	sdelay $0x1  }
0x4de: {  	v18 =	vadd.f32 v42, v18;
	_ =	sdelay $0x1  }
0x4df: {  	v18 =	vadd.f32 v43, v18;
	_ =	sdelay $0x1  }
0x4e0: {  	[tilespmem:v5+s23+$0x0] =	vst.idx.msk $0xffff, v18  }
0x4e1: {  	v18 =	vld [tilespmem:$0xD4C0]  }
0x4e2: {  	v19 =	vld [tilespmem:$0xD5C0];
	_ =	sdelay $0x1  }
0x4e3: {  	v44 =	vld [tilespmem:$0xD6C0];
	_ =	sdelay $0x1  }
0x4e4: {  	v45 =	vld [tilespmem:$0xD7C0]  }
0x4e5: {  	v18 =	vadd.f32 v19, v18  }
0x4e6: {  	v19 =	vld [tilespmem:$0xD8C0]  }
0x4e7: {  	v18 =	vadd.f32 v44, v18  }
0x4e8: {  	v46 =	vld [tilespmem:$0xD9C0]  }
0x4e9: {  	v18 =	vadd.f32 v45, v18  }
0x4ea: {  	v47 =	vld [tilespmem:$0xDAC0]  }
0x4eb: {  	v18 =	vadd.f32 v19, v18  }
0x4ec: {  	v19 =	vld [tilespmem:$0xDBC0]  }
0x4ed: {  	v18 =	vadd.f32 v46, v18  }
0x4ee: {  	v48 =	vld [tilespmem:$0xDCC0]  }
0x4ef: {  	v18 =	vadd.f32 v47, v18  }
0x4f0: {  	v49 =	vld [tilespmem:$0xDDC0]  }
0x4f1: {  	v18 =	vadd.f32 v19, v18  }
0x4f2: {  	v19 =	vld [tilespmem:$0xDEC0]  }
0x4f3: {  	v18 =	vadd.f32 v48, v18  }
0x4f4: {  	v50 =	vld [tilespmem:$0xDFC0]  }
0x4f5: {  	v18 =	vadd.f32 v49, v18  }
0x4f6: {  	v51 =	vld [tilespmem:$0xE0C0]  }
0x4f7: {  	v18 =	vadd.f32 v19, v18  }
0x4f8: {  	v19 =	vld [tilespmem:$0xE1C0]  }
0x4f9: {  	v18 =	vadd.f32 v50, v18  }
0x4fa: {  	v52 =	vld [tilespmem:$0xE2C0]  }
0x4fb: {  	v18 =	vadd.f32 v51, v18  }
0x4fc: {  	v53 =	vld [tilespmem:$0xE3C0]  }
0x4fd: {  	v18 =	vadd.f32 v19, v18;
	_ =	sdelay $0x1  }
0x4fe: {  	v18 =	vadd.f32 v52, v18;
	_ =	sdelay $0x1  }
0x4ff: {  	v18 =	vadd.f32 v53, v18;
	_ =	sdelay $0x1  }
0x500: {  	[tilespmem:v6+s23+$0x0] =	vst.idx.msk $0xffff, v18  }
0x501: {  	v18 =	vld [tilespmem:$0xD4D0]  }
0x502: {  	v19 =	vld [tilespmem:$0xD5D0];
	_ =	sdelay $0x1  }
0x503: {  	v54 =	vld [tilespmem:$0xD6D0];
	_ =	sdelay $0x1  }
0x504: {  	v55 =	vld [tilespmem:$0xD7D0]  }
0x505: {  	v18 =	vadd.f32 v19, v18  }
0x506: {  	v19 =	vld [tilespmem:$0xD8D0]  }
0x507: {  	v18 =	vadd.f32 v54, v18  }
0x508: {  	v56 =	vld [tilespmem:$0xD9D0]  }
0x509: {  	v18 =	vadd.f32 v55, v18  }
0x50a: {  	v57 =	vld [tilespmem:$0xDAD0]  }
0x50b: {  	v18 =	vadd.f32 v19, v18  }
0x50c: {  	v19 =	vld [tilespmem:$0xDBD0]  }
0x50d: {  	v18 =	vadd.f32 v56, v18  }
0x50e: {  	v58 =	vld [tilespmem:$0xDCD0]  }
0x50f: {  	v18 =	vadd.f32 v57, v18  }
0x510: {  	v59 =	vld [tilespmem:$0xDDD0]  }
0x511: {  	v18 =	vadd.f32 v19, v18  }
0x512: {  	v19 =	vld [tilespmem:$0xDED0]  }
0x513: {  	v18 =	vadd.f32 v58, v18  }
0x514: {  	v60 =	vld [tilespmem:$0xDFD0]  }
0x515: {  	v18 =	vadd.f32 v59, v18  }
0x516: {  	v61 =	vld [tilespmem:$0xE0D0]  }
0x517: {  	v18 =	vadd.f32 v19, v18  }
0x518: {  	v19 =	vld [tilespmem:$0xE1D0]  }
0x519: {  	v18 =	vadd.f32 v60, v18  }
0x51a: {  	v62 =	vld [tilespmem:$0xE2D0]  }
0x51b: {  	v18 =	vadd.f32 v61, v18  }
0x51c: {  	v63 =	vld [tilespmem:$0xE3D0]  }
0x51d: {  	v18 =	vadd.f32 v19, v18;
	_ =	sdelay $0x1  }
0x51e: {  	v18 =	vadd.f32 v62, v18;
	_ =	sdelay $0x1  }
0x51f: {  	v18 =	vadd.f32 v63, v18;
	_ =	sdelay $0x1  }
0x520: {  	[tilespmem:v7+s23+$0x0] =	vst.idx.msk $0xffff, v18  }
0x521: {  	v18 =	vld [tilespmem:$0xD4E0]  }
0x522: {  	v19 =	vld [tilespmem:$0xD5E0];
	_ =	sdelay $0x1  }
0x523: {  	v24 =	vld [tilespmem:$0xD6E0];
	_ =	sdelay $0x1  }
0x524: {  	v25 =	vld [tilespmem:$0xD7E0]  }
0x525: {  	v18 =	vadd.f32 v19, v18  }
0x526: {  	v19 =	vld [tilespmem:$0xD8E0]  }
0x527: {  	v18 =	vadd.f32 v24, v18  }
0x528: {  	v26 =	vld [tilespmem:$0xD9E0]  }
0x529: {  	v18 =	vadd.f32 v25, v18  }
0x52a: {  	v27 =	vld [tilespmem:$0xDAE0]  }
0x52b: {  	v18 =	vadd.f32 v19, v18  }
0x52c: {  	v19 =	vld [tilespmem:$0xDBE0]  }
0x52d: {  	v18 =	vadd.f32 v26, v18  }
0x52e: {  	v28 =	vld [tilespmem:$0xDCE0]  }
0x52f: {  	v18 =	vadd.f32 v27, v18  }
0x530: {  	v29 =	vld [tilespmem:$0xDDE0]  }
0x531: {  	v18 =	vadd.f32 v19, v18  }
0x532: {  	v19 =	vld [tilespmem:$0xDEE0]  }
0x533: {  	v18 =	vadd.f32 v28, v18  }
0x534: {  	v30 =	vld [tilespmem:$0xDFE0]  }
0x535: {  	v18 =	vadd.f32 v29, v18  }
0x536: {  	v31 =	vld [tilespmem:$0xE0E0]  }
0x537: {  	v18 =	vadd.f32 v19, v18  }
0x538: {  	v19 =	vld [tilespmem:$0xE1E0]  }
0x539: {  	v18 =	vadd.f32 v30, v18  }
0x53a: {  	v32 =	vld [tilespmem:$0xE2E0]  }
0x53b: {  	v18 =	vadd.f32 v31, v18  }
0x53c: {  	v33 =	vld [tilespmem:$0xE3E0]  }
0x53d: {  	v18 =	vadd.f32 v19, v18;
	_ =	sdelay $0x1  }
0x53e: {  	v18 =	vadd.f32 v32, v18;
	_ =	sdelay $0x1  }
0x53f: {  	v18 =	vadd.f32 v33, v18;
	_ =	sdelay $0x1  }
0x540: {  	[tilespmem:v8+s23+$0x0] =	vst.idx.msk $0xffff, v18  }
0x541: {  	v18 =	vld [tilespmem:$0xD4F0]  }
0x542: {  	v19 =	vld [tilespmem:$0xD5F0];
	_ =	sdelay $0x1  }
0x543: {  	v34 =	vld [tilespmem:$0xD6F0];
	_ =	sdelay $0x1  }
0x544: {  	v35 =	vld [tilespmem:$0xD7F0]  }
0x545: {  	v18 =	vadd.f32 v19, v18  }
0x546: {  	v19 =	vld [tilespmem:$0xD8F0]  }
0x547: {  	v18 =	vadd.f32 v34, v18  }
0x548: {  	v36 =	vld [tilespmem:$0xD9F0]  }
0x549: {  	v18 =	vadd.f32 v35, v18  }
0x54a: {  	v37 =	vld [tilespmem:$0xDAF0]  }
0x54b: {  	v18 =	vadd.f32 v19, v18  }
0x54c: {  	v19 =	vld [tilespmem:$0xDBF0]  }
0x54d: {  	v18 =	vadd.f32 v36, v18  }
0x54e: {  	v38 =	vld [tilespmem:$0xDCF0]  }
0x54f: {  	v18 =	vadd.f32 v37, v18  }
0x550: {  	v39 =	vld [tilespmem:$0xDDF0]  }
0x551: {  	v18 =	vadd.f32 v19, v18  }
0x552: {  	v19 =	vld [tilespmem:$0xDEF0]  }
0x553: {  	v18 =	vadd.f32 v38, v18  }
0x554: {  	v40 =	vld [tilespmem:$0xDFF0]  }
0x555: {  	v18 =	vadd.f32 v39, v18  }
0x556: {  	v41 =	vld [tilespmem:$0xE0F0]  }
0x557: {  	v18 =	vadd.f32 v19, v18  }
0x558: {  	v19 =	vld [tilespmem:$0xE1F0]  }
0x559: {  	v18 =	vadd.f32 v40, v18  }
0x55a: {  	v42 =	vld [tilespmem:$0xE2F0]  }
0x55b: {  	v18 =	vadd.f32 v41, v18  }
0x55c: {  	v43 =	vld [tilespmem:$0xE3F0]  }
0x55d: {  	v18 =	vadd.f32 v19, v18;
	_ =	sdelay $0x1  }
0x55e: {  	v18 =	vadd.f32 v42, v18;
	_ =	sdelay $0x1  }
0x55f: {  	v18 =	vadd.f32 v43, v18;
	_ =	sdelay $0x1  }
0x560: {  	[tilespmem:v9+s23+$0x0] =	vst.idx.msk $0xffff, v18  }
0x561: {  	v18 =	vld [tilespmem:$0xD500]  }
0x562: {  	v19 =	vld [tilespmem:$0xD600];
	_ =	sdelay $0x1  }
0x563: {  	v44 =	vld [tilespmem:$0xD700];
	_ =	sdelay $0x1  }
0x564: {  	v45 =	vld [tilespmem:$0xD800]  }
0x565: {  	v18 =	vadd.f32 v19, v18  }
0x566: {  	v19 =	vld [tilespmem:$0xD900]  }
0x567: {  	v18 =	vadd.f32 v44, v18  }
0x568: {  	v46 =	vld [tilespmem:$0xDA00]  }
0x569: {  	v18 =	vadd.f32 v45, v18  }
0x56a: {  	v47 =	vld [tilespmem:$0xDB00]  }
0x56b: {  	v18 =	vadd.f32 v19, v18  }
0x56c: {  	v19 =	vld [tilespmem:$0xDC00]  }
0x56d: {  	v18 =	vadd.f32 v46, v18  }
0x56e: {  	v48 =	vld [tilespmem:$0xDD00]  }
0x56f: {  	v18 =	vadd.f32 v47, v18  }
0x570: {  	v49 =	vld [tilespmem:$0xDE00]  }
0x571: {  	v18 =	vadd.f32 v19, v18  }
0x572: {  	v19 =	vld [tilespmem:$0xDF00]  }
0x573: {  	v18 =	vadd.f32 v48, v18  }
0x574: {  	v50 =	vld [tilespmem:$0xE000]  }
0x575: {  	v18 =	vadd.f32 v49, v18  }
0x576: {  	v51 =	vld [tilespmem:$0xE100]  }
0x577: {  	v18 =	vadd.f32 v19, v18  }
0x578: {  	v19 =	vld [tilespmem:$0xE200]  }
0x579: {  	v18 =	vadd.f32 v50, v18  }
0x57a: {  	v52 =	vld [tilespmem:$0xE300]  }
0x57b: {  	v18 =	vadd.f32 v51, v18  }
0x57c: {  	v53 =	vld [tilespmem:$0xE400]  }
0x57d: {  	v18 =	vadd.f32 v19, v18;
	_ =	sdelay $0x1  }
0x57e: {  	v18 =	vadd.f32 v52, v18;
	_ =	sdelay $0x1  }
0x57f: {  	v18 =	vadd.f32 v53, v18;
	_ =	sdelay $0x1  }
0x580: {  	[tilespmem:v10+s23+$0x0] =	vst.idx.msk $0xffff, v18  }
0x581: {  	v18 =	vld [tilespmem:$0xD510]  }
0x582: {  	v19 =	vld [tilespmem:$0xD610];
	_ =	sdelay $0x1  }
0x583: {  	v54 =	vld [tilespmem:$0xD710];
	_ =	sdelay $0x1  }
0x584: {  	v55 =	vld [tilespmem:$0xD810]  }
0x585: {  	v18 =	vadd.f32 v19, v18  }
0x586: {  	v19 =	vld [tilespmem:$0xD910]  }
0x587: {  	v18 =	vadd.f32 v54, v18  }
0x588: {  	v56 =	vld [tilespmem:$0xDA10]  }
0x589: {  	v18 =	vadd.f32 v55, v18  }
0x58a: {  	v57 =	vld [tilespmem:$0xDB10]  }
0x58b: {  	v18 =	vadd.f32 v19, v18  }
0x58c: {  	v19 =	vld [tilespmem:$0xDC10]  }
0x58d: {  	v18 =	vadd.f32 v56, v18  }
0x58e: {  	v58 =	vld [tilespmem:$0xDD10]  }
0x58f: {  	v18 =	vadd.f32 v57, v18  }
0x590: {  	v59 =	vld [tilespmem:$0xDE10]  }
0x591: {  	v18 =	vadd.f32 v19, v18  }
0x592: {  	v19 =	vld [tilespmem:$0xDF10]  }
0x593: {  	v18 =	vadd.f32 v58, v18  }
0x594: {  	v60 =	vld [tilespmem:$0xE010]  }
0x595: {  	v18 =	vadd.f32 v59, v18  }
0x596: {  	v61 =	vld [tilespmem:$0xE110]  }
0x597: {  	v18 =	vadd.f32 v19, v18  }
0x598: {  	v19 =	vld [tilespmem:$0xE210]  }
0x599: {  	v18 =	vadd.f32 v60, v18  }
0x59a: {  	v62 =	vld [tilespmem:$0xE310]  }
0x59b: {  	v18 =	vadd.f32 v61, v18  }
0x59c: {  	v63 =	vld [tilespmem:$0xE410]  }
0x59d: {  	v18 =	vadd.f32 v19, v18;
	_ =	sdelay $0x1  }
0x59e: {  	v18 =	vadd.f32 v62, v18;
	_ =	sdelay $0x1  }
0x59f: {  	v18 =	vadd.f32 v63, v18;
	_ =	sdelay $0x1  }
.Ltmp22:
0x5a0: {  	s29 =	simm.s32 $0x0;
	s22 =	rddreg [dreg:$0xf];
	[tilespmem:v11+s23+$0x0] =	vst.idx.msk $0xffff, v18;
	(pc) =	sbr.rel .LBB3_29-.Ltmp22, $4  }
0x5a1: {  	[hbm4b:s22+s29] =	stream.linear.scatter [tilespmem:s23], [sflag:$0xA], $0x5000, $0x38;
	[tilespmem:$0x1F180] =	vst v63  }
0x5a2: {  	_ =	swait.ge [sflag:s12], $0x5000  }
0x5a3: {  	[sflag:s12] =	ssyncset.done $0x0  }
0x5a4: {  	[sflag:s12] =	ssyncadd.s32 $0xFFFFB000  }
.LBB3_30:
0x5a5: {  	_ =	sfence.sel $0x180000  }
0x5a6: {  	[bflag:$0x0] =	sbarrier.arrive $0xFFFF  }
0x5a7: {  	_ =	strace $0x90000047  }
0x5a8: {  	s0 =	stileid.u32;
	[bflag:$0x2] =	sbarrier.arrive $0xFFFF  }
0x5a9: {  	p0 =	sne.s32 s0, $0x0;
	s0 =	rddreg [dreg:$0x18]  }
0x5aa: {  	s0 =	sadd.s32 @!p0 $0x100000, s0  }
0x5ab: {  	[sflag:s0] =	ssyncadd.tile.s32 @!p0 $0x1;
	_ =	shalt  }
.Lfunc_end3:
_tile_overlayer_lowered:
.L_overlay_start_3:
0x5ac: {  	(tag) =	ssettag $0x3  }
0x5ad: {  	s0 =	rddreg [dreg:$0x0];
	s2 =	stileid.u32  }
0x5ae: {  	s1 =	rddreg [dreg:$0x1];
	p0 =	sne.s32 s2, $0x0  }
0x5af: {  	s3 =	rddreg [dreg:$0x2];
	[bflag:$0x3] =	sbarrier.arrive $0xFFFF;
	s2 =	simm.s32 @!p0 $0x1C0A  }
0x5b0: {  	[timem:s3], [sflag:s2] =	dma.local @!p0 [hbm:s0], s1  }
0x5b1: {  	s0 =	simm.s32 @!p0 $0xA  }
0x5b2: {  	_ =	swait.ge @!p0 [sflag:s0], s1  }
0x5b3: {  	s1 =	ssub.s32 @!p0 $0x0, s1;
	[sflag:s0] =	ssyncset.done @!p0 $0x0  }
0x5b4: {  	[sflag:s0] =	ssyncadd.s32 @!p0 s1  }
0x5b5: {  	[bflag:$0x3] =	sbarrier.arrive $0xFFFF  }
0x5b6: {  	_ =	shalt  }

</sc_bundles>
